<compile_context>
chip_gen: v7x
topology: tpu7x:2x2x1
jax: 0.10.2.dev20260603
libtpu: 0.0.44.dev20260713+nightly
codegen_flags: <defaults>
</compile_context>

<pallas_src>
import functools

import jax
import jax.numpy as jnp
import numpy as np
from jax import lax
from jax.experimental import pallas as pl
from jax.experimental.pallas import tpu as pltpu
from jax.experimental.pallas import tpu_sc as plsc

K = 1.0
R0 = 1.0

NC = 2
NS = 16
NW = NC * NS
L = 16

_MAGIC = np.int32(0x5F3759DF)
_TINY = np.float32(1e-35)


def _pick_block(per_tile: int, cap: int = 2048) -> int:
    for b in range(cap, 15, -16):
        if per_tile % b == 0 and (per_tile // b) % 4 == 0 and per_tile // b >= 8:
            return b
    raise ValueError(f"no pipelined block size divides {per_tile}")


@functools.lru_cache(maxsize=None)
def _build_sc_kernel(n_pad: int, n_edges: int):
    per_tile = n_edges // NW
    B = _pick_block(per_tile)
    n_blocks = per_tile // B
    chunk = n_pad // NS

    mesh = plsc.VectorSubcoreMesh(core_axis_name="c", subcore_axis_name="s")

    def body(px, py, pz, eflat, fout, eout, *refs):
        (sx, sy, sz, sfx, sfy, sfz) = refs[0:6]
        idxs = refs[6:10]
        gsets = (refs[10:13], refs[13:16])
        fsets = (refs[16:19], refs[19:22])
        stage, acc_vm = refs[22], refs[23]
        semi, semg, sems = refs[24], refs[25], refs[26]

        c = lax.axis_index("c")
        s = lax.axis_index("s")
        wid = c * NS + s

        zeros = jnp.zeros((L,), jnp.float32)

        def zbody(t, carry):
            stage[pl.ds(t * L, L)] = zeros
            return carry

        lax.fori_loop(0, chunk // L, zbody, 0)

        off = s * chunk
        nsl = pl.ds(off, chunk)
        pltpu.sync_copy(stage, sfx.at[nsl])
        pltpu.sync_copy(stage, sfy.at[nsl])
        pltpu.sync_copy(stage, sfz.at[nsl])
        pltpu.sync_copy(px.at[nsl], stage)
        pltpu.sync_copy(stage, sx.at[nsl])
        pltpu.sync_copy(py.at[nsl], stage)
        pltpu.sync_copy(stage, sy.at[nsl])
        pltpu.sync_copy(pz.at[nsl], stage)
        pltpu.sync_copy(stage, sz.at[nsl])
        plsc.subcore_barrier()

        ebase = wid * per_tile

        def issue_idx(b, p4):
            base = ebase + b * B
            pltpu.async_copy(eflat.at[pl.ds(base, B)],
                             idxs[p4].at[pl.ds(0, B)], semi)
            pltpu.async_copy(eflat.at[pl.ds(n_edges + base, B)],
                             idxs[p4].at[pl.ds(B, B)], semi)

        def drain_idx(p4):
            pltpu.make_async_copy(eflat.at[pl.ds(0, B)],
                                  idxs[p4].at[pl.ds(0, B)], semi).wait()
            pltpu.make_async_copy(eflat.at[pl.ds(0, B)],
                                  idxs[p4].at[pl.ds(B, B)], semi).wait()

        def issue_gathers(p4, p2):
            gx, gy, gz = gsets[p2]
            pltpu.async_copy(sx.at[idxs[p4]], gx, semg)
            pltpu.async_copy(sy.at[idxs[p4]], gy, semg)
            pltpu.async_copy(sz.at[idxs[p4]], gz, semg)

        def drain_gathers(p2):
            for buf in gsets[p2]:
                pltpu.make_async_copy(px.at[pl.ds(0, 2 * B)], buf,
                                      semg).wait()

        def issue_scatters(p4, p2):
            fx, fy, fz = fsets[p2]
            pltpu.async_copy(fx, sfx.at[idxs[p4]], sems, add=True)
            pltpu.async_copy(fy, sfy.at[idxs[p4]], sems, add=True)
            pltpu.async_copy(fz, sfz.at[idxs[p4]], sems, add=True)

        def drain_scatters(p2):
            for buf in fsets[p2]:
                pltpu.make_async_copy(px.at[pl.ds(0, 2 * B)], buf,
                                      sems).wait()

        def compute(p2, acc):
            gx, gy, gz = gsets[p2]
            fbx, fby, fbz = fsets[p2]

            def step(t, acc):
                sl = pl.ds(t * L, L)
                sj = pl.ds(B + t * L, L)
                dx = gx[sl] - gx[sj]
                dy = gy[sl] - gy[sj]
                dz = gz[sl] - gz[sj]
                x2 = dx * dx + dy * dy + dz * dz
                x2c = jnp.maximum(x2, _TINY)
                h = jnp.float32(0.5) * x2c
                y = lax.bitcast_convert_type(
                    _MAGIC - (lax.bitcast_convert_type(x2c, jnp.int32) >> 1),
                    jnp.float32)
                y = y * (jnp.float32(1.5) - h * y * y)
                y = y * (jnp.float32(1.5) - h * y * y)
                d = x2 * y
                delta = d - jnp.float32(R0)
                acc = acc + delta * delta
                sf = jnp.float32(K) * delta * y
                fx = sf * dx
                fy = sf * dy
                fz = sf * dz
                fbx[sj] = fx
                fby[sj] = fy
                fbz[sj] = fz
                fbx[sl] = -fx
                fby[sl] = -fy
                fbz[sl] = -fz
                return acc

            return lax.fori_loop(0, B // L, step, acc)

        def do_block(b, p4, p2, first, has_next, has_next2, acc):
            drain_gathers(p2)
            if has_next:
                drain_idx((p4 + 1) % 4)
                issue_gathers((p4 + 1) % 4, (p2 + 1) % 2)
            if has_next2:
                issue_idx(b + 2, (p4 + 2) % 4)
            acc = compute(p2, acc)
            if not first:
                drain_scatters((p2 + 1) % 2)
            issue_scatters(p4, p2)
            return acc

        pltpu.sync_copy(eflat.at[pl.ds(ebase, B)], idxs[0].at[pl.ds(0, B)])
        pltpu.sync_copy(eflat.at[pl.ds(n_edges + ebase, B)],
                        idxs[0].at[pl.ds(B, B)])
        issue_gathers(0, 0)
        issue_idx(1, 1)

        acc = jnp.zeros((L,), jnp.float32)
        acc = do_block(0, 0, 0, True, True, True, acc)
        acc = do_block(1, 1, 1, False, True, True, acc)

        def loop_body(m, acc):
            b0 = 2 + m * 4
            for k in range(4):
                acc = do_block(b0 + k, (2 + k) % 4, k % 2,
                               False, True, True, acc)
            return acc

        acc = lax.fori_loop(0, (n_blocks - 4) // 4, loop_body, acc)
        acc = do_block(n_blocks - 2, (n_blocks - 2) % 4, (n_blocks - 2) % 2,
                       False, True, False, acc)
        acc = do_block(n_blocks - 1, (n_blocks - 1) % 4, (n_blocks - 1) % 2,
                       False, False, False, acc)
        drain_scatters((n_blocks - 1) % 2)

        acc_vm[...] = acc
        pltpu.sync_copy(acc_vm, eout.at[pl.ds(wid * L, L)])

        plsc.subcore_barrier()
        fbase = c * 3 * n_pad + off
        pltpu.sync_copy(sfx.at[nsl], stage)
        pltpu.sync_copy(stage, fout.at[pl.ds(fbase, chunk)])
        pltpu.sync_copy(sfy.at[nsl], stage)
        pltpu.sync_copy(stage, fout.at[pl.ds(fbase + n_pad, chunk)])
        pltpu.sync_copy(sfz.at[nsl], stage)
        pltpu.sync_copy(stage, fout.at[pl.ds(fbase + 2 * n_pad, chunk)])

    f32 = jnp.float32
    i32 = jnp.int32
    scratch = (
        [pltpu.VMEM_SHARED((n_pad,), f32)] * 6
        + [pltpu.VMEM((2 * B,), i32)] * 4
        + [pltpu.VMEM((2 * B,), f32)] * 6
        + [pltpu.VMEM((2 * B,), f32)] * 6
        + [pltpu.VMEM((chunk,), f32)]
        + [pltpu.VMEM((L,), f32)]
        + [pltpu.SemaphoreType.DMA] * 3
    )
    return pl.kernel(
        body,
        out_type=[
            jax.ShapeDtypeStruct((NC * 3 * n_pad,), f32),
            jax.ShapeDtypeStruct((NW * L,), f32),
        ],
        mesh=mesh,
        scratch_types=scratch,
    )


def kernel(pos, edge_index):
    n, _ = pos.shape
    e = edge_index.shape[1]
    align = NS * L
    n_pad = ((n + align - 1) // align) * align
    posp = jnp.pad(pos, ((0, n_pad - n), (0, 0)))
    px = posp[:, 0]
    py = posp[:, 1]
    pz = posp[:, 2]
    eflat = edge_index.reshape(2 * e)
    sck = _build_sc_kernel(n_pad, e)
    fout, eout = sck(px, py, pz, eflat)
    fout = fout.reshape(NC, 3, n_pad)
    forces = (fout[0] + fout[1])[:, :n].T
    energy = (0.5 * K) * jnp.sum(eout).reshape(1)
    return energy, forces

# --- scband reference (transcript-rebuilt; emitter-appended) ---
"""Pipeline reference for scband-harmonic-lattice-potential-6313601925565 (READ-ONLY COPY).

The authoritative reference and input builder live on the scoring server;
editing this copy changes nothing except your own understanding.
"""

import jax, jax.numpy as jnp
import numpy as np

K = 1.0
R0 = 1.0
EPS = 1e-20
N_NODES = 100000
N_EDGES = 6400000


def setup_inputs(seed: int = 0) -> dict:
    key = jax.random.key(seed)
    k1, k2 = jax.random.split(key)
    pos = jax.random.normal(k1, (N_NODES, 3), dtype=jnp.float32) * 10.0
    edge_index = jax.random.randint(k2, (2, N_EDGES), 0, N_NODES, dtype=jnp.int32)
    return {"pos": pos, "edge_index": edge_index}


def reference(pos, edge_index):
    i = edge_index[0]
    j = edge_index[1]
    dr = pos[i] - pos[j]
    d = jnp.linalg.norm(dr, axis=1)
    delta = d - R0
    edge_energy = 0.5 * K * delta ** 2
    energy = jnp.sum(edge_energy).reshape(-1)
    force_mag = K * delta
    direction = dr / (d + EPS)[:, None]
    force_contrib = force_mag[:, None] * direction
    forces = jnp.zeros_like(pos)
    forces = forces.at[i].add(-force_contrib)
    forces = forces.at[j].add(force_contrib)
    return (energy, forces)

if __name__ == "__main__":
    import jax
    _d = setup_inputs()
    print(jax.jit(kernel)(*tuple(_d.values())))

</pallas_src>

<mosaic_0001>
#map = affine_map<(d0, d1) -> (0)>
module attributes {stable_mosaic.version = 14 : i64} {
  func.func @body(%arg0: i32, %arg1: i32, %arg2: memref<100096xf32, #tpu.memory_space<hbm>>, %arg3: memref<100096xf32, #tpu.memory_space<hbm>>, %arg4: memref<100096xf32, #tpu.memory_space<hbm>>, %arg5: memref<12800000xi32, #tpu.memory_space<hbm>>, %arg6: memref<600576xf32, #tpu.memory_space<hbm>>, %arg7: memref<512xf32, #tpu.memory_space<hbm>>, %arg8: memref<100096xf32, #tpu.memory_space<vmem_shared>>, %arg9: memref<100096xf32, #tpu.memory_space<vmem_shared>>, %arg10: memref<100096xf32, #tpu.memory_space<vmem_shared>>, %arg11: memref<100096xf32, #tpu.memory_space<vmem_shared>>, %arg12: memref<100096xf32, #tpu.memory_space<vmem_shared>>, %arg13: memref<100096xf32, #tpu.memory_space<vmem_shared>>, %arg14: memref<4000xi32, #tpu.memory_space<vmem>>, %arg15: memref<4000xi32, #tpu.memory_space<vmem>>, %arg16: memref<4000xi32, #tpu.memory_space<vmem>>, %arg17: memref<4000xi32, #tpu.memory_space<vmem>>, %arg18: memref<4000xf32, #tpu.memory_space<vmem>>, %arg19: memref<4000xf32, #tpu.memory_space<vmem>>, %arg20: memref<4000xf32, #tpu.memory_space<vmem>>, %arg21: memref<4000xf32, #tpu.memory_space<vmem>>, %arg22: memref<4000xf32, #tpu.memory_space<vmem>>, %arg23: memref<4000xf32, #tpu.memory_space<vmem>>, %arg24: memref<4000xf32, #tpu.memory_space<vmem>>, %arg25: memref<4000xf32, #tpu.memory_space<vmem>>, %arg26: memref<4000xf32, #tpu.memory_space<vmem>>, %arg27: memref<4000xf32, #tpu.memory_space<vmem>>, %arg28: memref<4000xf32, #tpu.memory_space<vmem>>, %arg29: memref<4000xf32, #tpu.memory_space<vmem>>, %arg30: memref<6256xf32, #tpu.memory_space<vmem>>, %arg31: memref<16xf32, #tpu.memory_space<vmem>>, %arg32: memref<!tpu.dma_semaphore, #tpu.memory_space<semaphore_mem>>, %arg33: memref<!tpu.dma_semaphore, #tpu.memory_space<semaphore_mem>>, %arg34: memref<!tpu.dma_semaphore, #tpu.memory_space<semaphore_mem>>) attributes {dimension_semantics = [#tpu.dimension_semantics<core_parallel>, #tpu.dimension_semantics<subcore_parallel>], iteration_bounds = array<i64: 2, 16>, scalar_prefetch = 0 : i64, scratch_operands = 27 : i64, tpu.core_type = #tpu.core_type<sc_vector_subcore>, window_params = [{transform_indices = #map}, {transform_indices = #map}, {transform_indices = #map}, {transform_indices = #map}, {transform_indices = #map}, {transform_indices = #map}]} {
    %mul3A = arith.constant 16 : i32
    %mul3A_0 = arith.muli %arg0, %mul3A : i32
    %add3A = arith.addi %mul3A_0, %arg1 : i32
    %broadcast_in_dim3A = arith.constant 0.000000e+00 : f32
    %broadcast_in_dim3A_1 = vector.broadcast %broadcast_in_dim3A : f32 to vector<16xf32>
    %scan3A = arith.constant 0 : i32
    %scan3A_2 = arith.constant 0 : i32
    %scan3A_3 = arith.constant 391 : i32
    %scan3A_4 = arith.addi %scan3A_2, %scan3A_3 : i32
    %scan3A_5 = arith.constant 1 : i32
    scf.for %scan3A_298 = %scan3A_2 to %scan3A_4 step %scan3A_5  : i32 {
      %mul3A_299 = arith.constant 16 : i32
      %mul3A_300 = arith.muli %scan3A_298, %mul3A_299 : i32
      %swap3A_301 = arith.index_cast %mul3A_300 : i32 to index
      %swap3A_302 = tpu.vector_load %arg30[%swap3A_301] {strides = array<i32>} : memref<6256xf32, #tpu.memory_space<vmem>>, vector<16xf32>,
      %swap3A_303 = vector.shape_cast %swap3A_302 : vector<16xf32> to vector<16xf32>
      %swap3A_304 = vector.shape_cast %broadcast_in_dim3A_1 : vector<16xf32> to vector<16xf32>
      tpu.vector_store %arg30[%swap3A_301], %swap3A_304 {strides = array<i32>} : memref<6256xf32, #tpu.memory_space<vmem>>, vector<16xf32>,
    }
    %scan3A_6 = arith.constant 391 : i32
    %mul3A_7 = arith.constant 6256 : i32
    %mul3A_8 = arith.muli %arg1, %mul3A_7 : i32
    "tpu.region"() ({
      %run_scoped3A = tpu.sem_alloc : memref<!tpu.dma_semaphore, #tpu.memory_space<semaphore_mem>>
      %dma_start3A_298 = tpu.memref_slice %arg11[%mul3A_8] : memref<100096xf32, #tpu.memory_space<vmem_shared>> -> memref<6256xf32, #tpu.memory_space<vmem_shared>>
      %dma_start3A_299 = tpu.memref_slice %arg11[%mul3A_8] : memref<100096xf32, #tpu.memory_space<vmem_shared>> -> memref<6256xf32, #tpu.memory_space<vmem_shared>>
      tpu.enqueue_dma source(%arg30 : memref<6256xf32, #tpu.memory_space<vmem>>) target(%dma_start3A_299 : memref<6256xf32, #tpu.memory_space<vmem_shared>>) target_semaphore(%run_scoped3A : memref<!tpu.dma_semaphore, #tpu.memory_space<semaphore_mem>>)
      %dma_wait3A_300 = tpu.memref_slice %arg11[%mul3A_8] : memref<100096xf32, #tpu.memory_space<vmem_shared>> -> memref<6256xf32, #tpu.memory_space<vmem_shared>>
      %dma_wait3A_301 = tpu.memref_slice %arg11[%mul3A_8] : memref<100096xf32, #tpu.memory_space<vmem_shared>> -> memref<6256xf32, #tpu.memory_space<vmem_shared>>
      tpu.wait_dma2 semaphore(%run_scoped3A : memref<!tpu.dma_semaphore, #tpu.memory_space<semaphore_mem>>) src(%arg30 : memref<6256xf32, #tpu.memory_space<vmem>>) dst(%dma_wait3A_301 : memref<6256xf32, #tpu.memory_space<vmem_shared>>)
      tpu.yield
    }) : () -> ()
    "tpu.region"() ({
      %run_scoped3A = tpu.sem_alloc : memref<!tpu.dma_semaphore, #tpu.memory_space<semaphore_mem>>
      %dma_start3A_298 = tpu.memref_slice %arg12[%mul3A_8] : memref<100096xf32, #tpu.memory_space<vmem_shared>> -> memref<6256xf32, #tpu.memory_space<vmem_shared>>
      %dma_start3A_299 = tpu.memref_slice %arg12[%mul3A_8] : memref<100096xf32, #tpu.memory_space<vmem_shared>> -> memref<6256xf32, #tpu.memory_space<vmem_shared>>
      tpu.enqueue_dma source(%arg30 : memref<6256xf32, #tpu.memory_space<vmem>>) target(%dma_start3A_299 : memref<6256xf32, #tpu.memory_space<vmem_shared>>) target_semaphore(%run_scoped3A : memref<!tpu.dma_semaphore, #tpu.memory_space<semaphore_mem>>)
      %dma_wait3A_300 = tpu.memref_slice %arg12[%mul3A_8] : memref<100096xf32, #tpu.memory_space<vmem_shared>> -> memref<6256xf32, #tpu.memory_space<vmem_shared>>
      %dma_wait3A_301 = tpu.memref_slice %arg12[%mul3A_8] : memref<100096xf32, #tpu.memory_space<vmem_shared>> -> memref<6256xf32, #tpu.memory_space<vmem_shared>>
      tpu.wait_dma2 semaphore(%run_scoped3A : memref<!tpu.dma_semaphore, #tpu.memory_space<semaphore_mem>>) src(%arg30 : memref<6256xf32, #tpu.memory_space<vmem>>) dst(%dma_wait3A_301 : memref<6256xf32, #tpu.memory_space<vmem_shared>>)
      tpu.yield
    }) : () -> ()
    "tpu.region"() ({
      %run_scoped3A = tpu.sem_alloc : memref<!tpu.dma_semaphore, #tpu.memory_space<semaphore_mem>>
      %dma_start3A_298 = tpu.memref_slice %arg13[%mul3A_8] : memref<100096xf32, #tpu.memory_space<vmem_shared>> -> memref<6256xf32, #tpu.memory_space<vmem_shared>>
      %dma_start3A_299 = tpu.memref_slice %arg13[%mul3A_8] : memref<100096xf32, #tpu.memory_space<vmem_shared>> -> memref<6256xf32, #tpu.memory_space<vmem_shared>>
      tpu.enqueue_dma source(%arg30 : memref<6256xf32, #tpu.memory_space<vmem>>) target(%dma_start3A_299 : memref<6256xf32, #tpu.memory_space<vmem_shared>>) target_semaphore(%run_scoped3A : memref<!tpu.dma_semaphore, #tpu.memory_space<semaphore_mem>>)
      %dma_wait3A_300 = tpu.memref_slice %arg13[%mul3A_8] : memref<100096xf32, #tpu.memory_space<vmem_shared>> -> memref<6256xf32, #tpu.memory_space<vmem_shared>>
      %dma_wait3A_301 = tpu.memref_slice %arg13[%mul3A_8] : memref<100096xf32, #tpu.memory_space<vmem_shared>> -> memref<6256xf32, #tpu.memory_space<vmem_shared>>
      tpu.wait_dma2 semaphore(%run_scoped3A : memref<!tpu.dma_semaphore, #tpu.memory_space<semaphore_mem>>) src(%arg30 : memref<6256xf32, #tpu.memory_space<vmem>>) dst(%dma_wait3A_301 : memref<6256xf32, #tpu.memory_space<vmem_shared>>)
      tpu.yield
    }) : () -> ()
    "tpu.region"() ({
      %run_scoped3A = tpu.sem_alloc : memref<!tpu.dma_semaphore, #tpu.memory_space<semaphore_mem>>
      %dma_start3A_298 = tpu.memref_slice %arg2[%mul3A_8] : memref<100096xf32, #tpu.memory_space<hbm>> -> memref<6256xf32, #tpu.memory_space<hbm>>
      %dma_start3A_299 = tpu.memref_slice %arg2[%mul3A_8] : memref<100096xf32, #tpu.memory_space<hbm>> -> memref<6256xf32, #tpu.memory_space<hbm>>
      tpu.enqueue_dma source(%dma_start3A_299 : memref<6256xf32, #tpu.memory_space<hbm>>) target(%arg30 : memref<6256xf32, #tpu.memory_space<vmem>>) target_semaphore(%run_scoped3A : memref<!tpu.dma_semaphore, #tpu.memory_space<semaphore_mem>>)
      %dma_wait3A_300 = tpu.memref_slice %arg2[%mul3A_8] : memref<100096xf32, #tpu.memory_space<hbm>> -> memref<6256xf32, #tpu.memory_space<hbm>>
      %dma_wait3A_301 = tpu.memref_slice %arg2[%mul3A_8] : memref<100096xf32, #tpu.memory_space<hbm>> -> memref<6256xf32, #tpu.memory_space<hbm>>
      tpu.wait_dma2 semaphore(%run_scoped3A : memref<!tpu.dma_semaphore, #tpu.memory_space<semaphore_mem>>) src(%dma_wait3A_301 : memref<6256xf32, #tpu.memory_space<hbm>>) dst(%arg30 : memref<6256xf32, #tpu.memory_space<vmem>>)
      tpu.yield
    }) : () -> ()
    "tpu.region"() ({
      %run_scoped3A = tpu.sem_alloc : memref<!tpu.dma_semaphore, #tpu.memory_space<semaphore_mem>>
      %dma_start3A_298 = tpu.memref_slice %arg8[%mul3A_8] : memref<100096xf32, #tpu.memory_space<vmem_shared>> -> memref<6256xf32, #tpu.memory_space<vmem_shared>>
      %dma_start3A_299 = tpu.memref_slice %arg8[%mul3A_8] : memref<100096xf32, #tpu.memory_space<vmem_shared>> -> memref<6256xf32, #tpu.memory_space<vmem_shared>>
      tpu.enqueue_dma source(%arg30 : memref<6256xf32, #tpu.memory_space<vmem>>) target(%dma_start3A_299 : memref<6256xf32, #tpu.memory_space<vmem_shared>>) target_semaphore(%run_scoped3A : memref<!tpu.dma_semaphore, #tpu.memory_space<semaphore_mem>>)
      %dma_wait3A_300 = tpu.memref_slice %arg8[%mul3A_8] : memref<100096xf32, #tpu.memory_space<vmem_shared>> -> memref<6256xf32, #tpu.memory_space<vmem_shared>>
      %dma_wait3A_301 = tpu.memref_slice %arg8[%mul3A_8] : memref<100096xf32, #tpu.memory_space<vmem_shared>> -> memref<6256xf32, #tpu.memory_space<vmem_shared>>
      tpu.wait_dma2 semaphore(%run_scoped3A : memref<!tpu.dma_semaphore, #tpu.memory_space<semaphore_mem>>) src(%arg30 : memref<6256xf32, #tpu.memory_space<vmem>>) dst(%dma_wait3A_301 : memref<6256xf32, #tpu.memory_space<vmem_shared>>)
      tpu.yield
    }) : () -> ()
    "tpu.region"() ({
      %run_scoped3A = tpu.sem_alloc : memref<!tpu.dma_semaphore, #tpu.memory_space<semaphore_mem>>
      %dma_start3A_298 = tpu.memref_slice %arg3[%mul3A_8] : memref<100096xf32, #tpu.memory_space<hbm>> -> memref<6256xf32, #tpu.memory_space<hbm>>
      %dma_start3A_299 = tpu.memref_slice %arg3[%mul3A_8] : memref<100096xf32, #tpu.memory_space<hbm>> -> memref<6256xf32, #tpu.memory_space<hbm>>
      tpu.enqueue_dma source(%dma_start3A_299 : memref<6256xf32, #tpu.memory_space<hbm>>) target(%arg30 : memref<6256xf32, #tpu.memory_space<vmem>>) target_semaphore(%run_scoped3A : memref<!tpu.dma_semaphore, #tpu.memory_space<semaphore_mem>>)
      %dma_wait3A_300 = tpu.memref_slice %arg3[%mul3A_8] : memref<100096xf32, #tpu.memory_space<hbm>> -> memref<6256xf32, #tpu.memory_space<hbm>>
      %dma_wait3A_301 = tpu.memref_slice %arg3[%mul3A_8] : memref<100096xf32, #tpu.memory_space<hbm>> -> memref<6256xf32, #tpu.memory_space<hbm>>
      tpu.wait_dma2 semaphore(%run_scoped3A : memref<!tpu.dma_semaphore, #tpu.memory_space<semaphore_mem>>) src(%dma_wait3A_301 : memref<6256xf32, #tpu.memory_space<hbm>>) dst(%arg30 : memref<6256xf32, #tpu.memory_space<vmem>>)
      tpu.yield
    }) : () -> ()
    "tpu.region"() ({
      %run_scoped3A = tpu.sem_alloc : memref<!tpu.dma_semaphore, #tpu.memory_space<semaphore_mem>>
      %dma_start3A_298 = tpu.memref_slice %arg9[%mul3A_8] : memref<100096xf32, #tpu.memory_space<vmem_shared>> -> memref<6256xf32, #tpu.memory_space<vmem_shared>>
      %dma_start3A_299 = tpu.memref_slice %arg9[%mul3A_8] : memref<100096xf32, #tpu.memory_space<vmem_shared>> -> memref<6256xf32, #tpu.memory_space<vmem_shared>>
      tpu.enqueue_dma source(%arg30 : memref<6256xf32, #tpu.memory_space<vmem>>) target(%dma_start3A_299 : memref<6256xf32, #tpu.memory_space<vmem_shared>>) target_semaphore(%run_scoped3A : memref<!tpu.dma_semaphore, #tpu.memory_space<semaphore_mem>>)
      %dma_wait3A_300 = tpu.memref_slice %arg9[%mul3A_8] : memref<100096xf32, #tpu.memory_space<vmem_shared>> -> memref<6256xf32, #tpu.memory_space<vmem_shared>>
      %dma_wait3A_301 = tpu.memref_slice %arg9[%mul3A_8] : memref<100096xf32, #tpu.memory_space<vmem_shared>> -> memref<6256xf32, #tpu.memory_space<vmem_shared>>
      tpu.wait_dma2 semaphore(%run_scoped3A : memref<!tpu.dma_semaphore, #tpu.memory_space<semaphore_mem>>) src(%arg30 : memref<6256xf32, #tpu.memory_space<vmem>>) dst(%dma_wait3A_301 : memref<6256xf32, #tpu.memory_space<vmem_shared>>)
      tpu.yield
    }) : () -> ()
    "tpu.region"() ({
      %run_scoped3A = tpu.sem_alloc : memref<!tpu.dma_semaphore, #tpu.memory_space<semaphore_mem>>
      %dma_start3A_298 = tpu.memref_slice %arg4[%mul3A_8] : memref<100096xf32, #tpu.memory_space<hbm>> -> memref<6256xf32, #tpu.memory_space<hbm>>
      %dma_start3A_299 = tpu.memref_slice %arg4[%mul3A_8] : memref<100096xf32, #tpu.memory_space<hbm>> -> memref<6256xf32, #tpu.memory_space<hbm>>
      tpu.enqueue_dma source(%dma_start3A_299 : memref<6256xf32, #tpu.memory_space<hbm>>) target(%arg30 : memref<6256xf32, #tpu.memory_space<vmem>>) target_semaphore(%run_scoped3A : memref<!tpu.dma_semaphore, #tpu.memory_space<semaphore_mem>>)
      %dma_wait3A_300 = tpu.memref_slice %arg4[%mul3A_8] : memref<100096xf32, #tpu.memory_space<hbm>> -> memref<6256xf32, #tpu.memory_space<hbm>>
      %dma_wait3A_301 = tpu.memref_slice %arg4[%mul3A_8] : memref<100096xf32, #tpu.memory_space<hbm>> -> memref<6256xf32, #tpu.memory_space<hbm>>
      tpu.wait_dma2 semaphore(%run_scoped3A : memref<!tpu.dma_semaphore, #tpu.memory_space<semaphore_mem>>) src(%dma_wait3A_301 : memref<6256xf32, #tpu.memory_space<hbm>>) dst(%arg30 : memref<6256xf32, #tpu.memory_space<vmem>>)
      tpu.yield
    }) : () -> ()
    "tpu.region"() ({
      %run_scoped3A = tpu.sem_alloc : memref<!tpu.dma_semaphore, #tpu.memory_space<semaphore_mem>>
      %dma_start3A_298 = tpu.memref_slice %arg10[%mul3A_8] : memref<100096xf32, #tpu.memory_space<vmem_shared>> -> memref<6256xf32, #tpu.memory_space<vmem_shared>>
      %dma_start3A_299 = tpu.memref_slice %arg10[%mul3A_8] : memref<100096xf32, #tpu.memory_space<vmem_shared>> -> memref<6256xf32, #tpu.memory_space<vmem_shared>>
      tpu.enqueue_dma source(%arg30 : memref<6256xf32, #tpu.memory_space<vmem>>) target(%dma_start3A_299 : memref<6256xf32, #tpu.memory_space<vmem_shared>>) target_semaphore(%run_scoped3A : memref<!tpu.dma_semaphore, #tpu.memory_space<semaphore_mem>>)
      %dma_wait3A_300 = tpu.memref_slice %arg10[%mul3A_8] : memref<100096xf32, #tpu.memory_space<vmem_shared>> -> memref<6256xf32, #tpu.memory_space<vmem_shared>>
      %dma_wait3A_301 = tpu.memref_slice %arg10[%mul3A_8] : memref<100096xf32, #tpu.memory_space<vmem_shared>> -> memref<6256xf32, #tpu.memory_space<vmem_shared>>
      tpu.wait_dma2 semaphore(%run_scoped3A : memref<!tpu.dma_semaphore, #tpu.memory_space<semaphore_mem>>) src(%arg30 : memref<6256xf32, #tpu.memory_space<vmem>>) dst(%dma_wait3A_301 : memref<6256xf32, #tpu.memory_space<vmem_shared>>)
      tpu.yield
    }) : () -> ()
    %barrier3A = arith.constant 0 : index
    tpu.barrier barrier_id(%barrier3A)
    %mul3A_9 = arith.constant 200000 : i32
    %mul3A_10 = arith.muli %add3A, %mul3A_9 : i32
    "tpu.region"() ({
      %run_scoped3A = tpu.sem_alloc : memref<!tpu.dma_semaphore, #tpu.memory_space<semaphore_mem>>
      %dma_start3A_298 = arith.constant 0 : i32
      %dma_start3A_299 = tpu.memref_slice %arg14[%dma_start3A_298] : memref<4000xi32, #tpu.memory_space<vmem>> -> memref<2000xi32, #tpu.memory_space<vmem>>
      %dma_start3A_300 = tpu.memref_slice %arg5[%mul3A_10] : memref<12800000xi32, #tpu.memory_space<hbm>> -> memref<2000xi32, #tpu.memory_space<hbm>>
      %dma_start3A_301 = arith.constant 0 : i32
      %dma_start3A_302 = tpu.memref_slice %arg14[%dma_start3A_301] : memref<4000xi32, #tpu.memory_space<vmem>> -> memref<2000xi32, #tpu.memory_space<vmem>>
      %dma_start3A_303 = tpu.memref_slice %arg5[%mul3A_10] : memref<12800000xi32, #tpu.memory_space<hbm>> -> memref<2000xi32, #tpu.memory_space<hbm>>
      tpu.enqueue_dma source(%dma_start3A_303 : memref<2000xi32, #tpu.memory_space<hbm>>) target(%dma_start3A_302 : memref<2000xi32, #tpu.memory_space<vmem>>) target_semaphore(%run_scoped3A : memref<!tpu.dma_semaphore, #tpu.memory_space<semaphore_mem>>)
      %dma_wait3A_304 = arith.constant 0 : i32
      %dma_wait3A_305 = tpu.memref_slice %arg14[%dma_wait3A_304] : memref<4000xi32, #tpu.memory_space<vmem>> -> memref<2000xi32, #tpu.memory_space<vmem>>
      %dma_wait3A_306 = tpu.memref_slice %arg5[%mul3A_10] : memref<12800000xi32, #tpu.memory_space<hbm>> -> memref<2000xi32, #tpu.memory_space<hbm>>
      %dma_wait3A_307 = arith.constant 0 : i32
      %dma_wait3A_308 = tpu.memref_slice %arg14[%dma_wait3A_307] : memref<4000xi32, #tpu.memory_space<vmem>> -> memref<2000xi32, #tpu.memory_space<vmem>>
      %dma_wait3A_309 = tpu.memref_slice %arg5[%mul3A_10] : memref<12800000xi32, #tpu.memory_space<hbm>> -> memref<2000xi32, #tpu.memory_space<hbm>>
      tpu.wait_dma2 semaphore(%run_scoped3A : memref<!tpu.dma_semaphore, #tpu.memory_space<semaphore_mem>>) src(%dma_wait3A_309 : memref<2000xi32, #tpu.memory_space<hbm>>) dst(%dma_wait3A_308 : memref<2000xi32, #tpu.memory_space<vmem>>)
      tpu.yield
    }) : () -> ()
    %add3A_11 = arith.constant 6400000 : i32
    %add3A_12 = arith.addi %add3A_11, %mul3A_10 : i32
    "tpu.region"() ({
      %run_scoped3A = tpu.sem_alloc : memref<!tpu.dma_semaphore, #tpu.memory_space<semaphore_mem>>
      %dma_start3A_298 = arith.constant 2000 : i32
      %dma_start3A_299 = tpu.memref_slice %arg14[%dma_start3A_298] : memref<4000xi32, #tpu.memory_space<vmem>> -> memref<2000xi32, #tpu.memory_space<vmem>>
      %dma_start3A_300 = tpu.memref_slice %arg5[%add3A_12] : memref<12800000xi32, #tpu.memory_space<hbm>> -> memref<2000xi32, #tpu.memory_space<hbm>>
      %dma_start3A_301 = arith.constant 2000 : i32
      %dma_start3A_302 = tpu.memref_slice %arg14[%dma_start3A_301] : memref<4000xi32, #tpu.memory_space<vmem>> -> memref<2000xi32, #tpu.memory_space<vmem>>
      %dma_start3A_303 = tpu.memref_slice %arg5[%add3A_12] : memref<12800000xi32, #tpu.memory_space<hbm>> -> memref<2000xi32, #tpu.memory_space<hbm>>
      tpu.enqueue_dma source(%dma_start3A_303 : memref<2000xi32, #tpu.memory_space<hbm>>) target(%dma_start3A_302 : memref<2000xi32, #tpu.memory_space<vmem>>) target_semaphore(%run_scoped3A : memref<!tpu.dma_semaphore, #tpu.memory_space<semaphore_mem>>)
      %dma_wait3A_304 = arith.constant 2000 : i32
      %dma_wait3A_305 = tpu.memref_slice %arg14[%dma_wait3A_304] : memref<4000xi32, #tpu.memory_space<vmem>> -> memref<2000xi32, #tpu.memory_space<vmem>>
      %dma_wait3A_306 = tpu.memref_slice %arg5[%add3A_12] : memref<12800000xi32, #tpu.memory_space<hbm>> -> memref<2000xi32, #tpu.memory_space<hbm>>
      %dma_wait3A_307 = arith.constant 2000 : i32
      %dma_wait3A_308 = tpu.memref_slice %arg14[%dma_wait3A_307] : memref<4000xi32, #tpu.memory_space<vmem>> -> memref<2000xi32, #tpu.memory_space<vmem>>
      %dma_wait3A_309 = tpu.memref_slice %arg5[%add3A_12] : memref<12800000xi32, #tpu.memory_space<hbm>> -> memref<2000xi32, #tpu.memory_space<hbm>>
      tpu.wait_dma2 semaphore(%run_scoped3A : memref<!tpu.dma_semaphore, #tpu.memory_space<semaphore_mem>>) src(%dma_wait3A_309 : memref<2000xi32, #tpu.memory_space<hbm>>) dst(%dma_wait3A_308 : memref<2000xi32, #tpu.memory_space<vmem>>)
      tpu.yield
    }) : () -> ()
    %dma_start3A = arith.constant 0 : i32
    %dma_start3A_13 = tpu.memref_slice %arg8[%dma_start3A] : memref<100096xf32, #tpu.memory_space<vmem_shared>> -> memref<100096xf32, #tpu.memory_space<vmem_shared>>
    tpu.enqueue_indirect_dma source(%dma_start3A_13 : memref<100096xf32, #tpu.memory_space<vmem_shared>>) target(%arg18 : memref<4000xf32, #tpu.memory_space<vmem>>) offsets(%arg14 : memref<4000xi32, #tpu.memory_space<vmem>>) semaphore(%arg33 : memref<!tpu.dma_semaphore, #tpu.memory_space<semaphore_mem>>)
    %dma_start3A_14 = arith.constant 0 : i32
    %dma_start3A_15 = tpu.memref_slice %arg9[%dma_start3A_14] : memref<100096xf32, #tpu.memory_space<vmem_shared>> -> memref<100096xf32, #tpu.memory_space<vmem_shared>>
    tpu.enqueue_indirect_dma source(%dma_start3A_15 : memref<100096xf32, #tpu.memory_space<vmem_shared>>) target(%arg19 : memref<4000xf32, #tpu.memory_space<vmem>>) offsets(%arg14 : memref<4000xi32, #tpu.memory_space<vmem>>) semaphore(%arg33 : memref<!tpu.dma_semaphore, #tpu.memory_space<semaphore_mem>>)
    %dma_start3A_16 = arith.constant 0 : i32
    %dma_start3A_17 = tpu.memref_slice %arg10[%dma_start3A_16] : memref<100096xf32, #tpu.memory_space<vmem_shared>> -> memref<100096xf32, #tpu.memory_space<vmem_shared>>
    tpu.enqueue_indirect_dma source(%dma_start3A_17 : memref<100096xf32, #tpu.memory_space<vmem_shared>>) target(%arg20 : memref<4000xf32, #tpu.memory_space<vmem>>) offsets(%arg14 : memref<4000xi32, #tpu.memory_space<vmem>>) semaphore(%arg33 : memref<!tpu.dma_semaphore, #tpu.memory_space<semaphore_mem>>)
    %add3A_18 = arith.constant 2000 : i32
    %add3A_19 = arith.addi %mul3A_10, %add3A_18 : i32
    %dma_start3A_20 = arith.constant 0 : i32
    %dma_start3A_21 = tpu.memref_slice %arg15[%dma_start3A_20] : memref<4000xi32, #tpu.memory_space<vmem>> -> memref<2000xi32, #tpu.memory_space<vmem>>
    %dma_start3A_22 = tpu.memref_slice %arg5[%add3A_19] : memref<12800000xi32, #tpu.memory_space<hbm>> -> memref<2000xi32, #tpu.memory_space<hbm>>
    %dma_start3A_23 = arith.constant 0 : i32
    %dma_start3A_24 = tpu.memref_slice %arg15[%dma_start3A_23] : memref<4000xi32, #tpu.memory_space<vmem>> -> memref<2000xi32, #tpu.memory_space<vmem>>
    %dma_start3A_25 = tpu.memref_slice %arg5[%add3A_19] : memref<12800000xi32, #tpu.memory_space<hbm>> -> memref<2000xi32, #tpu.memory_space<hbm>>
    tpu.enqueue_dma source(%dma_start3A_25 : memref<2000xi32, #tpu.memory_space<hbm>>) target(%dma_start3A_24 : memref<2000xi32, #tpu.memory_space<vmem>>) target_semaphore(%arg32 : memref<!tpu.dma_semaphore, #tpu.memory_space<semaphore_mem>>)
    %add3A_26 = arith.constant 6400000 : i32
    %add3A_27 = arith.addi %add3A_26, %add3A_19 : i32
    %dma_start3A_28 = arith.constant 2000 : i32
    %dma_start3A_29 = tpu.memref_slice %arg15[%dma_start3A_28] : memref<4000xi32, #tpu.memory_space<vmem>> -> memref<2000xi32, #tpu.memory_space<vmem>>
    %dma_start3A_30 = tpu.memref_slice %arg5[%add3A_27] : memref<12800000xi32, #tpu.memory_space<hbm>> -> memref<2000xi32, #tpu.memory_space<hbm>>
    %dma_start3A_31 = arith.constant 2000 : i32
    %dma_start3A_32 = tpu.memref_slice %arg15[%dma_start3A_31] : memref<4000xi32, #tpu.memory_space<vmem>> -> memref<2000xi32, #tpu.memory_space<vmem>>
    %dma_start3A_33 = tpu.memref_slice %arg5[%add3A_27] : memref<12800000xi32, #tpu.memory_space<hbm>> -> memref<2000xi32, #tpu.memory_space<hbm>>
    tpu.enqueue_dma source(%dma_start3A_33 : memref<2000xi32, #tpu.memory_space<hbm>>) target(%dma_start3A_32 : memref<2000xi32, #tpu.memory_space<vmem>>) target_semaphore(%arg32 : memref<!tpu.dma_semaphore, #tpu.memory_space<semaphore_mem>>)
    %broadcast_in_dim3A_34 = arith.constant 0.000000e+00 : f32
    %broadcast_in_dim3A_35 = vector.broadcast %broadcast_in_dim3A_34 : f32 to vector<16xf32>
    %dma_wait3A = arith.constant 0 : i32
    %dma_wait3A_36 = tpu.memref_slice %arg2[%dma_wait3A] : memref<100096xf32, #tpu.memory_space<hbm>> -> memref<4000xf32, #tpu.memory_space<hbm>>
    %dma_wait3A_37 = arith.constant 0 : i32
    %dma_wait3A_38 = tpu.memref_slice %arg2[%dma_wait3A_37] : memref<100096xf32, #tpu.memory_space<hbm>> -> memref<4000xf32, #tpu.memory_space<hbm>>
    tpu.wait_dma2 semaphore(%arg33 : memref<!tpu.dma_semaphore, #tpu.memory_space<semaphore_mem>>) src(%dma_wait3A_38 : memref<4000xf32, #tpu.memory_space<hbm>>) dst(%arg18 : memref<4000xf32, #tpu.memory_space<vmem>>)
    %dma_wait3A_39 = arith.constant 0 : i32
    %dma_wait3A_40 = tpu.memref_slice %arg2[%dma_wait3A_39] : memref<100096xf32, #tpu.memory_space<hbm>> -> memref<4000xf32, #tpu.memory_space<hbm>>
    %dma_wait3A_41 = arith.constant 0 : i32
    %dma_wait3A_42 = tpu.memref_slice %arg2[%dma_wait3A_41] : memref<100096xf32, #tpu.memory_space<hbm>> -> memref<4000xf32, #tpu.memory_space<hbm>>
    tpu.wait_dma2 semaphore(%arg33 : memref<!tpu.dma_semaphore, #tpu.memory_space<semaphore_mem>>) src(%dma_wait3A_42 : memref<4000xf32, #tpu.memory_space<hbm>>) dst(%arg19 : memref<4000xf32, #tpu.memory_space<vmem>>)
    %dma_wait3A_43 = arith.constant 0 : i32
    %dma_wait3A_44 = tpu.memref_slice %arg2[%dma_wait3A_43] : memref<100096xf32, #tpu.memory_space<hbm>> -> memref<4000xf32, #tpu.memory_space<hbm>>
    %dma_wait3A_45 = arith.constant 0 : i32
    %dma_wait3A_46 = tpu.memref_slice %arg2[%dma_wait3A_45] : memref<100096xf32, #tpu.memory_space<hbm>> -> memref<4000xf32, #tpu.memory_space<hbm>>
    tpu.wait_dma2 semaphore(%arg33 : memref<!tpu.dma_semaphore, #tpu.memory_space<semaphore_mem>>) src(%dma_wait3A_46 : memref<4000xf32, #tpu.memory_space<hbm>>) dst(%arg20 : memref<4000xf32, #tpu.memory_space<vmem>>)
    %dma_wait3A_47 = arith.constant 0 : i32
    %dma_wait3A_48 = tpu.memref_slice %arg15[%dma_wait3A_47] : memref<4000xi32, #tpu.memory_space<vmem>> -> memref<2000xi32, #tpu.memory_space<vmem>>
    %dma_wait3A_49 = arith.constant 0 : i32
    %dma_wait3A_50 = tpu.memref_slice %arg5[%dma_wait3A_49] : memref<12800000xi32, #tpu.memory_space<hbm>> -> memref<2000xi32, #tpu.memory_space<hbm>>
    %dma_wait3A_51 = arith.constant 0 : i32
    %dma_wait3A_52 = tpu.memref_slice %arg15[%dma_wait3A_51] : memref<4000xi32, #tpu.memory_space<vmem>> -> memref<2000xi32, #tpu.memory_space<vmem>>
    %dma_wait3A_53 = arith.constant 0 : i32
    %dma_wait3A_54 = tpu.memref_slice %arg5[%dma_wait3A_53] : memref<12800000xi32, #tpu.memory_space<hbm>> -> memref<2000xi32, #tpu.memory_space<hbm>>
    tpu.wait_dma2 semaphore(%arg32 : memref<!tpu.dma_semaphore, #tpu.memory_space<semaphore_mem>>) src(%dma_wait3A_54 : memref<2000xi32, #tpu.memory_space<hbm>>) dst(%dma_wait3A_52 : memref<2000xi32, #tpu.memory_space<vmem>>)
    %dma_wait3A_55 = arith.constant 2000 : i32
    %dma_wait3A_56 = tpu.memref_slice %arg15[%dma_wait3A_55] : memref<4000xi32, #tpu.memory_space<vmem>> -> memref<2000xi32, #tpu.memory_space<vmem>>
    %dma_wait3A_57 = arith.constant 0 : i32
    %dma_wait3A_58 = tpu.memref_slice %arg5[%dma_wait3A_57] : memref<12800000xi32, #tpu.memory_space<hbm>> -> memref<2000xi32, #tpu.memory_space<hbm>>
    %dma_wait3A_59 = arith.constant 2000 : i32
    %dma_wait3A_60 = tpu.memref_slice %arg15[%dma_wait3A_59] : memref<4000xi32, #tpu.memory_space<vmem>> -> memref<2000xi32, #tpu.memory_space<vmem>>
    %dma_wait3A_61 = arith.constant 0 : i32
    %dma_wait3A_62 = tpu.memref_slice %arg5[%dma_wait3A_61] : memref<12800000xi32, #tpu.memory_space<hbm>> -> memref<2000xi32, #tpu.memory_space<hbm>>
    tpu.wait_dma2 semaphore(%arg32 : memref<!tpu.dma_semaphore, #tpu.memory_space<semaphore_mem>>) src(%dma_wait3A_62 : memref<2000xi32, #tpu.memory_space<hbm>>) dst(%dma_wait3A_60 : memref<2000xi32, #tpu.memory_space<vmem>>)
    %dma_start3A_63 = arith.constant 0 : i32
    %dma_start3A_64 = tpu.memref_slice %arg8[%dma_start3A_63] : memref<100096xf32, #tpu.memory_space<vmem_shared>> -> memref<100096xf32, #tpu.memory_space<vmem_shared>>
    tpu.enqueue_indirect_dma source(%dma_start3A_64 : memref<100096xf32, #tpu.memory_space<vmem_shared>>) target(%arg21 : memref<4000xf32, #tpu.memory_space<vmem>>) offsets(%arg15 : memref<4000xi32, #tpu.memory_space<vmem>>) semaphore(%arg33 : memref<!tpu.dma_semaphore, #tpu.memory_space<semaphore_mem>>)
    %dma_start3A_65 = arith.constant 0 : i32
    %dma_start3A_66 = tpu.memref_slice %arg9[%dma_start3A_65] : memref<100096xf32, #tpu.memory_space<vmem_shared>> -> memref<100096xf32, #tpu.memory_space<vmem_shared>>
    tpu.enqueue_indirect_dma source(%dma_start3A_66 : memref<100096xf32, #tpu.memory_space<vmem_shared>>) target(%arg22 : memref<4000xf32, #tpu.memory_space<vmem>>) offsets(%arg15 : memref<4000xi32, #tpu.memory_space<vmem>>) semaphore(%arg33 : memref<!tpu.dma_semaphore, #tpu.memory_space<semaphore_mem>>)
    %dma_start3A_67 = arith.constant 0 : i32
    %dma_start3A_68 = tpu.memref_slice %arg10[%dma_start3A_67] : memref<100096xf32, #tpu.memory_space<vmem_shared>> -> memref<100096xf32, #tpu.memory_space<vmem_shared>>
    tpu.enqueue_indirect_dma source(%dma_start3A_68 : memref<100096xf32, #tpu.memory_space<vmem_shared>>) target(%arg23 : memref<4000xf32, #tpu.memory_space<vmem>>) offsets(%arg15 : memref<4000xi32, #tpu.memory_space<vmem>>) semaphore(%arg33 : memref<!tpu.dma_semaphore, #tpu.memory_space<semaphore_mem>>)
    %add3A_69 = arith.constant 4000 : i32
    %add3A_70 = arith.addi %mul3A_10, %add3A_69 : i32
    %dma_start3A_71 = arith.constant 0 : i32
    %dma_start3A_72 = tpu.memref_slice %arg16[%dma_start3A_71] : memref<4000xi32, #tpu.memory_space<vmem>> -> memref<2000xi32, #tpu.memory_space<vmem>>
    %dma_start3A_73 = tpu.memref_slice %arg5[%add3A_70] : memref<12800000xi32, #tpu.memory_space<hbm>> -> memref<2000xi32, #tpu.memory_space<hbm>>
    %dma_start3A_74 = arith.constant 0 : i32
    %dma_start3A_75 = tpu.memref_slice %arg16[%dma_start3A_74] : memref<4000xi32, #tpu.memory_space<vmem>> -> memref<2000xi32, #tpu.memory_space<vmem>>
    %dma_start3A_76 = tpu.memref_slice %arg5[%add3A_70] : memref<12800000xi32, #tpu.memory_space<hbm>> -> memref<2000xi32, #tpu.memory_space<hbm>>
    tpu.enqueue_dma source(%dma_start3A_76 : memref<2000xi32, #tpu.memory_space<hbm>>) target(%dma_start3A_75 : memref<2000xi32, #tpu.memory_space<vmem>>) target_semaphore(%arg32 : memref<!tpu.dma_semaphore, #tpu.memory_space<semaphore_mem>>)
    %add3A_77 = arith.constant 6400000 : i32
    %add3A_78 = arith.addi %add3A_77, %add3A_70 : i32
    %dma_start3A_79 = arith.constant 2000 : i32
    %dma_start3A_80 = tpu.memref_slice %arg16[%dma_start3A_79] : memref<4000xi32, #tpu.memory_space<vmem>> -> memref<2000xi32, #tpu.memory_space<vmem>>
    %dma_start3A_81 = tpu.memref_slice %arg5[%add3A_78] : memref<12800000xi32, #tpu.memory_space<hbm>> -> memref<2000xi32, #tpu.memory_space<hbm>>
    %dma_start3A_82 = arith.constant 2000 : i32
    %dma_start3A_83 = tpu.memref_slice %arg16[%dma_start3A_82] : memref<4000xi32, #tpu.memory_space<vmem>> -> memref<2000xi32, #tpu.memory_space<vmem>>
    %dma_start3A_84 = tpu.memref_slice %arg5[%add3A_78] : memref<12800000xi32, #tpu.memory_space<hbm>> -> memref<2000xi32, #tpu.memory_space<hbm>>
    tpu.enqueue_dma source(%dma_start3A_84 : memref<2000xi32, #tpu.memory_space<hbm>>) target(%dma_start3A_83 : memref<2000xi32, #tpu.memory_space<vmem>>) target_semaphore(%arg32 : memref<!tpu.dma_semaphore, #tpu.memory_space<semaphore_mem>>)
    %scan3A_85 = arith.constant 0 : i32
    %scan3A_86 = arith.constant 125 : i32
    %scan3A_87 = arith.addi %scan3A_85, %scan3A_86 : i32
    %scan3A_88 = arith.constant 1 : i32
    %scan3A_89 = scf.for %scan3A_298 = %scan3A_85 to %scan3A_87 step %scan3A_88 iter_args(%scan3A_299 = %broadcast_in_dim3A_35) -> (vector<16xf32>)  : i32 {
      %mul3A_300 = arith.constant 16 : i32
      %mul3A_301 = arith.muli %scan3A_298, %mul3A_300 : i32
      %mul3A_302 = arith.constant 16 : i32
      %mul3A_303 = arith.muli %scan3A_298, %mul3A_302 : i32
      %add3A_304 = arith.constant 2000 : i32
      %add3A_305 = arith.addi %add3A_304, %mul3A_303 : i32
      %get3A = arith.index_cast %mul3A_301 : i32 to index
      %get3A_306 = tpu.vector_load %arg18[%get3A] {strides = array<i32>} : memref<4000xf32, #tpu.memory_space<vmem>>, vector<16xf32>,
      %get3A_307 = vector.shape_cast %get3A_306 : vector<16xf32> to vector<16xf32>
      %get3A_308 = arith.index_cast %add3A_305 : i32 to index
      %get3A_309 = tpu.vector_load %arg18[%get3A_308] {strides = array<i32>} : memref<4000xf32, #tpu.memory_space<vmem>>, vector<16xf32>,
      %get3A_310 = vector.shape_cast %get3A_309 : vector<16xf32> to vector<16xf32>
      %sub3A = arith.subf %get3A_307, %get3A_310 : vector<16xf32>
      %get3A_311 = arith.index_cast %mul3A_301 : i32 to index
      %get3A_312 = tpu.vector_load %arg19[%get3A_311] {strides = array<i32>} : memref<4000xf32, #tpu.memory_space<vmem>>, vector<16xf32>,
      %get3A_313 = vector.shape_cast %get3A_312 : vector<16xf32> to vector<16xf32>
      %get3A_314 = arith.index_cast %add3A_305 : i32 to index
      %get3A_315 = tpu.vector_load %arg19[%get3A_314] {strides = array<i32>} : memref<4000xf32, #tpu.memory_space<vmem>>, vector<16xf32>,
      %get3A_316 = vector.shape_cast %get3A_315 : vector<16xf32> to vector<16xf32>
      %sub3A_317 = arith.subf %get3A_313, %get3A_316 : vector<16xf32>
      %get3A_318 = arith.index_cast %mul3A_301 : i32 to index
      %get3A_319 = tpu.vector_load %arg20[%get3A_318] {strides = array<i32>} : memref<4000xf32, #tpu.memory_space<vmem>>, vector<16xf32>,
      %get3A_320 = vector.shape_cast %get3A_319 : vector<16xf32> to vector<16xf32>
      %get3A_321 = arith.index_cast %add3A_305 : i32 to index
      %get3A_322 = tpu.vector_load %arg20[%get3A_321] {strides = array<i32>} : memref<4000xf32, #tpu.memory_space<vmem>>, vector<16xf32>,
      %get3A_323 = vector.shape_cast %get3A_322 : vector<16xf32> to vector<16xf32>
      %sub3A_324 = arith.subf %get3A_320, %get3A_323 : vector<16xf32>
      %mul3A_325 = arith.mulf %sub3A, %sub3A : vector<16xf32>
      %mul3A_326 = arith.mulf %sub3A_317, %sub3A_317 : vector<16xf32>
      %add3A_327 = arith.addf %mul3A_325, %mul3A_326 : vector<16xf32>
      %mul3A_328 = arith.mulf %sub3A_324, %sub3A_324 : vector<16xf32>
      %add3A_329 = arith.addf %add3A_327, %mul3A_328 : vector<16xf32>
      %max3A = arith.constant 1.000000e-35 : f32
      %max3A_330 = vector.broadcast %max3A : f32 to vector<16xf32>
      %max3A_331 = arith.maximumf %add3A_329, %max3A_330 : vector<16xf32>
      %mul3A_332 = arith.constant 5.000000e-01 : f32
      %mul3A_333 = vector.broadcast %mul3A_332 : f32 to vector<16xf32>
      %mul3A_334 = arith.mulf %mul3A_333, %max3A_331 : vector<16xf32>
      %bitcast_convert_type3A = tpu.bitcast %max3A_331 : vector<16xf32> -> vector<16xi32>
      %shift_right_arithmetic3A = arith.constant 1 : i32
      %shift_right_arithmetic3A_335 = vector.broadcast %shift_right_arithmetic3A : i32 to vector<16xi32>
      %shift_right_arithmetic3A_336 = arith.shrsi %bitcast_convert_type3A, %shift_right_arithmetic3A_335 : vector<16xi32>
      %sub3A_337 = arith.constant 1597463007 : i32
      %sub3A_338 = vector.broadcast %sub3A_337 : i32 to vector<16xi32>
      %sub3A_339 = arith.subi %sub3A_338, %shift_right_arithmetic3A_336 : vector<16xi32>
      %bitcast_convert_type3A_340 = tpu.bitcast %sub3A_339 : vector<16xi32> -> vector<16xf32>
      %mul3A_341 = arith.mulf %mul3A_334, %bitcast_convert_type3A_340 : vector<16xf32>
      %mul3A_342 = arith.mulf %mul3A_341, %bitcast_convert_type3A_340 : vector<16xf32>
      %sub3A_343 = arith.constant 1.500000e+00 : f32
      %sub3A_344 = vector.broadcast %sub3A_343 : f32 to vector<16xf32>
      %sub3A_345 = arith.subf %sub3A_344, %mul3A_342 : vector<16xf32>
      %mul3A_346 = arith.mulf %bitcast_convert_type3A_340, %sub3A_345 : vector<16xf32>
      %mul3A_347 = arith.mulf %mul3A_334, %mul3A_346 : vector<16xf32>
      %mul3A_348 = arith.mulf %mul3A_347, %mul3A_346 : vector<16xf32>
      %sub3A_349 = arith.constant 1.500000e+00 : f32
      %sub3A_350 = vector.broadcast %sub3A_349 : f32 to vector<16xf32>
      %sub3A_351 = arith.subf %sub3A_350, %mul3A_348 : vector<16xf32>
      %mul3A_352 = arith.mulf %mul3A_346, %sub3A_351 : vector<16xf32>
      %mul3A_353 = arith.mulf %add3A_329, %mul3A_352 : vector<16xf32>
      %sub3A_354 = arith.constant 1.000000e+00 : f32
      %sub3A_355 = vector.broadcast %sub3A_354 : f32 to vector<16xf32>
      %sub3A_356 = arith.subf %mul3A_353, %sub3A_355 : vector<16xf32>
      %mul3A_357 = arith.mulf %sub3A_356, %sub3A_356 : vector<16xf32>
      %add3A_358 = arith.addf %scan3A_299, %mul3A_357 : vector<16xf32>
      %mul3A_359 = arith.constant 1.000000e+00 : f32
      %mul3A_360 = vector.broadcast %mul3A_359 : f32 to vector<16xf32>
      %mul3A_361 = arith.mulf %mul3A_360, %sub3A_356 : vector<16xf32>
      %mul3A_362 = arith.mulf %mul3A_361, %mul3A_352 : vector<16xf32>
      %mul3A_363 = arith.mulf %mul3A_362, %sub3A : vector<16xf32>
      %mul3A_364 = arith.mulf %mul3A_362, %sub3A_317 : vector<16xf32>
      %mul3A_365 = arith.mulf %mul3A_362, %sub3A_324 : vector<16xf32>
      %swap3A_366 = arith.index_cast %add3A_305 : i32 to index
      %swap3A_367 = tpu.vector_load %arg24[%swap3A_366] {strides = array<i32>} : memref<4000xf32, #tpu.memory_space<vmem>>, vector<16xf32>,
      %swap3A_368 = vector.shape_cast %swap3A_367 : vector<16xf32> to vector<16xf32>
      %swap3A_369 = vector.shape_cast %mul3A_363 : vector<16xf32> to vector<16xf32>
      tpu.vector_store %arg24[%swap3A_366], %swap3A_369 {strides = array<i32>} : memref<4000xf32, #tpu.memory_space<vmem>>, vector<16xf32>,
      %swap3A_370 = arith.index_cast %add3A_305 : i32 to index
      %swap3A_371 = tpu.vector_load %arg25[%swap3A_370] {strides = array<i32>} : memref<4000xf32, #tpu.memory_space<vmem>>, vector<16xf32>,
      %swap3A_372 = vector.shape_cast %swap3A_371 : vector<16xf32> to vector<16xf32>
      %swap3A_373 = vector.shape_cast %mul3A_364 : vector<16xf32> to vector<16xf32>
      tpu.vector_store %arg25[%swap3A_370], %swap3A_373 {strides = array<i32>} : memref<4000xf32, #tpu.memory_space<vmem>>, vector<16xf32>,
      %swap3A_374 = arith.index_cast %add3A_305 : i32 to index
      %swap3A_375 = tpu.vector_load %arg26[%swap3A_374] {strides = array<i32>} : memref<4000xf32, #tpu.memory_space<vmem>>, vector<16xf32>,
      %swap3A_376 = vector.shape_cast %swap3A_375 : vector<16xf32> to vector<16xf32>
      %swap3A_377 = vector.shape_cast %mul3A_365 : vector<16xf32> to vector<16xf32>
      tpu.vector_store %arg26[%swap3A_374], %swap3A_377 {strides = array<i32>} : memref<4000xf32, #tpu.memory_space<vmem>>, vector<16xf32>,
      %neg3A = arith.constant 0.000000e+00 : f32
      %neg3A_378 = vector.broadcast %neg3A : f32 to vector<16xf32>
      %neg3A_379 = arith.subf %neg3A_378, %mul3A_363 : vector<16xf32>
      %swap3A_380 = arith.index_cast %mul3A_301 : i32 to index
      %swap3A_381 = tpu.vector_load %arg24[%swap3A_380] {strides = array<i32>} : memref<4000xf32, #tpu.memory_space<vmem>>, vector<16xf32>,
      %swap3A_382 = vector.shape_cast %swap3A_381 : vector<16xf32> to vector<16xf32>
      %swap3A_383 = vector.shape_cast %neg3A_379 : vector<16xf32> to vector<16xf32>
      tpu.vector_store %arg24[%swap3A_380], %swap3A_383 {strides = array<i32>} : memref<4000xf32, #tpu.memory_space<vmem>>, vector<16xf32>,
      %neg3A_384 = arith.constant 0.000000e+00 : f32
      %neg3A_385 = vector.broadcast %neg3A_384 : f32 to vector<16xf32>
      %neg3A_386 = arith.subf %neg3A_385, %mul3A_364 : vector<16xf32>
      %swap3A_387 = arith.index_cast %mul3A_301 : i32 to index
      %swap3A_388 = tpu.vector_load %arg25[%swap3A_387] {strides = array<i32>} : memref<4000xf32, #tpu.memory_space<vmem>>, vector<16xf32>,
      %swap3A_389 = vector.shape_cast %swap3A_388 : vector<16xf32> to vector<16xf32>
      %swap3A_390 = vector.shape_cast %neg3A_386 : vector<16xf32> to vector<16xf32>
      tpu.vector_store %arg25[%swap3A_387], %swap3A_390 {strides = array<i32>} : memref<4000xf32, #tpu.memory_space<vmem>>, vector<16xf32>,
      %neg3A_391 = arith.constant 0.000000e+00 : f32
      %neg3A_392 = vector.broadcast %neg3A_391 : f32 to vector<16xf32>
      %neg3A_393 = arith.subf %neg3A_392, %mul3A_365 : vector<16xf32>
      %swap3A_394 = arith.index_cast %mul3A_301 : i32 to index
      %swap3A_395 = tpu.vector_load %arg26[%swap3A_394] {strides = array<i32>} : memref<4000xf32, #tpu.memory_space<vmem>>, vector<16xf32>,
      %swap3A_396 = vector.shape_cast %swap3A_395 : vector<16xf32> to vector<16xf32>
      %swap3A_397 = vector.shape_cast %neg3A_393 : vector<16xf32> to vector<16xf32>
      tpu.vector_store %arg26[%swap3A_394], %swap3A_397 {strides = array<i32>} : memref<4000xf32, #tpu.memory_space<vmem>>, vector<16xf32>,
      scf.yield %add3A_358 : vector<16xf32>
    }
    %scan3A_90 = arith.constant 125 : i32
    %dma_start3A_91 = arith.constant 0 : i32
    %dma_start3A_92 = tpu.memref_slice %arg11[%dma_start3A_91] : memref<100096xf32, #tpu.memory_space<vmem_shared>> -> memref<100096xf32, #tpu.memory_space<vmem_shared>>
    tpu.enqueue_indirect_dma source(%arg24 : memref<4000xf32, #tpu.memory_space<vmem>>) target(%dma_start3A_92 : memref<100096xf32, #tpu.memory_space<vmem_shared>>) offsets(%arg14 : memref<4000xi32, #tpu.memory_space<vmem>>) semaphore(%arg34 : memref<!tpu.dma_semaphore, #tpu.memory_space<semaphore_mem>>) {add = true}
    %dma_start3A_93 = arith.constant 0 : i32
    %dma_start3A_94 = tpu.memref_slice %arg12[%dma_start3A_93] : memref<100096xf32, #tpu.memory_space<vmem_shared>> -> memref<100096xf32, #tpu.memory_space<vmem_shared>>
    tpu.enqueue_indirect_dma source(%arg25 : memref<4000xf32, #tpu.memory_space<vmem>>) target(%dma_start3A_94 : memref<100096xf32, #tpu.memory_space<vmem_shared>>) offsets(%arg14 : memref<4000xi32, #tpu.memory_space<vmem>>) semaphore(%arg34 : memref<!tpu.dma_semaphore, #tpu.memory_space<semaphore_mem>>) {add = true}
    %dma_start3A_95 = arith.constant 0 : i32
    %dma_start3A_96 = tpu.memref_slice %arg13[%dma_start3A_95] : memref<100096xf32, #tpu.memory_space<vmem_shared>> -> memref<100096xf32, #tpu.memory_space<vmem_shared>>
    tpu.enqueue_indirect_dma source(%arg26 : memref<4000xf32, #tpu.memory_space<vmem>>) target(%dma_start3A_96 : memref<100096xf32, #tpu.memory_space<vmem_shared>>) offsets(%arg14 : memref<4000xi32, #tpu.memory_space<vmem>>) semaphore(%arg34 : memref<!tpu.dma_semaphore, #tpu.memory_space<semaphore_mem>>) {add = true}
    %dma_wait3A_97 = arith.constant 0 : i32
    %dma_wait3A_98 = tpu.memref_slice %arg2[%dma_wait3A_97] : memref<100096xf32, #tpu.memory_space<hbm>> -> memref<4000xf32, #tpu.memory_space<hbm>>
    %dma_wait3A_99 = arith.constant 0 : i32
    %dma_wait3A_100 = tpu.memref_slice %arg2[%dma_wait3A_99] : memref<100096xf32, #tpu.memory_space<hbm>> -> memref<4000xf32, #tpu.memory_space<hbm>>
    tpu.wait_dma2 semaphore(%arg33 : memref<!tpu.dma_semaphore, #tpu.memory_space<semaphore_mem>>) src(%dma_wait3A_100 : memref<4000xf32, #tpu.memory_space<hbm>>) dst(%arg21 : memref<4000xf32, #tpu.memory_space<vmem>>)
    %dma_wait3A_101 = arith.constant 0 : i32
    %dma_wait3A_102 = tpu.memref_slice %arg2[%dma_wait3A_101] : memref<100096xf32, #tpu.memory_space<hbm>> -> memref<4000xf32, #tpu.memory_space<hbm>>
    %dma_wait3A_103 = arith.constant 0 : i32
    %dma_wait3A_104 = tpu.memref_slice %arg2[%dma_wait3A_103] : memref<100096xf32, #tpu.memory_space<hbm>> -> memref<4000xf32, #tpu.memory_space<hbm>>
    tpu.wait_dma2 semaphore(%arg33 : memref<!tpu.dma_semaphore, #tpu.memory_space<semaphore_mem>>) src(%dma_wait3A_104 : memref<4000xf32, #tpu.memory_space<hbm>>) dst(%arg22 : memref<4000xf32, #tpu.memory_space<vmem>>)
    %dma_wait3A_105 = arith.constant 0 : i32
    %dma_wait3A_106 = tpu.memref_slice %arg2[%dma_wait3A_105] : memref<100096xf32, #tpu.memory_space<hbm>> -> memref<4000xf32, #tpu.memory_space<hbm>>
    %dma_wait3A_107 = arith.constant 0 : i32
    %dma_wait3A_108 = tpu.memref_slice %arg2[%dma_wait3A_107] : memref<100096xf32, #tpu.memory_space<hbm>> -> memref<4000xf32, #tpu.memory_space<hbm>>
    tpu.wait_dma2 semaphore(%arg33 : memref<!tpu.dma_semaphore, #tpu.memory_space<semaphore_mem>>) src(%dma_wait3A_108 : memref<4000xf32, #tpu.memory_space<hbm>>) dst(%arg23 : memref<4000xf32, #tpu.memory_space<vmem>>)
    %dma_wait3A_109 = arith.constant 0 : i32
    %dma_wait3A_110 = tpu.memref_slice %arg16[%dma_wait3A_109] : memref<4000xi32, #tpu.memory_space<vmem>> -> memref<2000xi32, #tpu.memory_space<vmem>>
    %dma_wait3A_111 = arith.constant 0 : i32
    %dma_wait3A_112 = tpu.memref_slice %arg5[%dma_wait3A_111] : memref<12800000xi32, #tpu.memory_space<hbm>> -> memref<2000xi32, #tpu.memory_space<hbm>>
    %dma_wait3A_113 = arith.constant 0 : i32
    %dma_wait3A_114 = tpu.memref_slice %arg16[%dma_wait3A_113] : memref<4000xi32, #tpu.memory_space<vmem>> -> memref<2000xi32, #tpu.memory_space<vmem>>
    %dma_wait3A_115 = arith.constant 0 : i32
    %dma_wait3A_116 = tpu.memref_slice %arg5[%dma_wait3A_115] : memref<12800000xi32, #tpu.memory_space<hbm>> -> memref<2000xi32, #tpu.memory_space<hbm>>
    tpu.wait_dma2 semaphore(%arg32 : memref<!tpu.dma_semaphore, #tpu.memory_space<semaphore_mem>>) src(%dma_wait3A_116 : memref<2000xi32, #tpu.memory_space<hbm>>) dst(%dma_wait3A_114 : memref<2000xi32, #tpu.memory_space<vmem>>)
    %dma_wait3A_117 = arith.constant 2000 : i32
    %dma_wait3A_118 = tpu.memref_slice %arg16[%dma_wait3A_117] : memref<4000xi32, #tpu.memory_space<vmem>> -> memref<2000xi32, #tpu.memory_space<vmem>>
    %dma_wait3A_119 = arith.constant 0 : i32
    %dma_wait3A_120 = tpu.memref_slice %arg5[%dma_wait3A_119] : memref<12800000xi32, #tpu.memory_space<hbm>> -> memref<2000xi32, #tpu.memory_space<hbm>>
    %dma_wait3A_121 = arith.constant 2000 : i32
    %dma_wait3A_122 = tpu.memref_slice %arg16[%dma_wait3A_121] : memref<4000xi32, #tpu.memory_space<vmem>> -> memref<2000xi32, #tpu.memory_space<vmem>>
    %dma_wait3A_123 = arith.constant 0 : i32
    %dma_wait3A_124 = tpu.memref_slice %arg5[%dma_wait3A_123] : memref<12800000xi32, #tpu.memory_space<hbm>> -> memref<2000xi32, #tpu.memory_space<hbm>>
    tpu.wait_dma2 semaphore(%arg32 : memref<!tpu.dma_semaphore, #tpu.memory_space<semaphore_mem>>) src(%dma_wait3A_124 : memref<2000xi32, #tpu.memory_space<hbm>>) dst(%dma_wait3A_122 : memref<2000xi32, #tpu.memory_space<vmem>>)
    %dma_start3A_125 = arith.constant 0 : i32
    %dma_start3A_126 = tpu.memref_slice %arg8[%dma_start3A_125] : memref<100096xf32, #tpu.memory_space<vmem_shared>> -> memref<100096xf32, #tpu.memory_space<vmem_shared>>
    tpu.enqueue_indirect_dma source(%dma_start3A_126 : memref<100096xf32, #tpu.memory_space<vmem_shared>>) target(%arg18 : memref<4000xf32, #tpu.memory_space<vmem>>) offsets(%arg16 : memref<4000xi32, #tpu.memory_space<vmem>>) semaphore(%arg33 : memref<!tpu.dma_semaphore, #tpu.memory_space<semaphore_mem>>)
    %dma_start3A_127 = arith.constant 0 : i32
    %dma_start3A_128 = tpu.memref_slice %arg9[%dma_start3A_127] : memref<100096xf32, #tpu.memory_space<vmem_shared>> -> memref<100096xf32, #tpu.memory_space<vmem_shared>>
    tpu.enqueue_indirect_dma source(%dma_start3A_128 : memref<100096xf32, #tpu.memory_space<vmem_shared>>) target(%arg19 : memref<4000xf32, #tpu.memory_space<vmem>>) offsets(%arg16 : memref<4000xi32, #tpu.memory_space<vmem>>) semaphore(%arg33 : memref<!tpu.dma_semaphore, #tpu.memory_space<semaphore_mem>>)
    %dma_start3A_129 = arith.constant 0 : i32
    %dma_start3A_130 = tpu.memref_slice %arg10[%dma_start3A_129] : memref<100096xf32, #tpu.memory_space<vmem_shared>> -> memref<100096xf32, #tpu.memory_space<vmem_shared>>
    tpu.enqueue_indirect_dma source(%dma_start3A_130 : memref<100096xf32, #tpu.memory_space<vmem_shared>>) target(%arg20 : memref<4000xf32, #tpu.memory_space<vmem>>) offsets(%arg16 : memref<4000xi32, #tpu.memory_space<vmem>>) semaphore(%arg33 : memref<!tpu.dma_semaphore, #tpu.memory_space<semaphore_mem>>)
    %add3A_131 = arith.constant 6000 : i32
    %add3A_132 = arith.addi %mul3A_10, %add3A_131 : i32
    %dma_start3A_133 = arith.constant 0 : i32
    %dma_start3A_134 = tpu.memref_slice %arg17[%dma_start3A_133] : memref<4000xi32, #tpu.memory_space<vmem>> -> memref<2000xi32, #tpu.memory_space<vmem>>
    %dma_start3A_135 = tpu.memref_slice %arg5[%add3A_132] : memref<12800000xi32, #tpu.memory_space<hbm>> -> memref<2000xi32, #tpu.memory_space<hbm>>
    %dma_start3A_136 = arith.constant 0 : i32
    %dma_start3A_137 = tpu.memref_slice %arg17[%dma_start3A_136] : memref<4000xi32, #tpu.memory_space<vmem>> -> memref<2000xi32, #tpu.memory_space<vmem>>
    %dma_start3A_138 = tpu.memref_slice %arg5[%add3A_132] : memref<12800000xi32, #tpu.memory_space<hbm>> -> memref<2000xi32, #tpu.memory_space<hbm>>
    tpu.enqueue_dma source(%dma_start3A_138 : memref<2000xi32, #tpu.memory_space<hbm>>) target(%dma_start3A_137 : memref<2000xi32, #tpu.memory_space<vmem>>) target_semaphore(%arg32 : memref<!tpu.dma_semaphore, #tpu.memory_space<semaphore_mem>>)
    %add3A_139 = arith.constant 6400000 : i32
    %add3A_140 = arith.addi %add3A_139, %add3A_132 : i32
    %dma_start3A_141 = arith.constant 2000 : i32
    %dma_start3A_142 = tpu.memref_slice %arg17[%dma_start3A_141] : memref<4000xi32, #tpu.memory_space<vmem>> -> memref<2000xi32, #tpu.memory_space<vmem>>
    %dma_start3A_143 = tpu.memref_slice %arg5[%add3A_140] : memref<12800000xi32, #tpu.memory_space<hbm>> -> memref<2000xi32, #tpu.memory_space<hbm>>
    %dma_start3A_144 = arith.constant 2000 : i32
    %dma_start3A_145 = tpu.memref_slice %arg17[%dma_start3A_144] : memref<4000xi32, #tpu.memory_space<vmem>> -> memref<2000xi32, #tpu.memory_space<vmem>>
    %dma_start3A_146 = tpu.memref_slice %arg5[%add3A_140] : memref<12800000xi32, #tpu.memory_space<hbm>> -> memref<2000xi32, #tpu.memory_space<hbm>>
    tpu.enqueue_dma source(%dma_start3A_146 : memref<2000xi32, #tpu.memory_space<hbm>>) target(%dma_start3A_145 : memref<2000xi32, #tpu.memory_space<vmem>>) target_semaphore(%arg32 : memref<!tpu.dma_semaphore, #tpu.memory_space<semaphore_mem>>)
    %scan3A_147 = arith.constant 0 : i32
    %scan3A_148 = arith.constant 125 : i32
    %scan3A_149 = arith.addi %scan3A_147, %scan3A_148 : i32
    %scan3A_150 = arith.constant 1 : i32
    %scan3A_151 = scf.for %scan3A_298 = %scan3A_147 to %scan3A_149 step %scan3A_150 iter_args(%scan3A_299 = %scan3A_89) -> (vector<16xf32>)  : i32 {
      %mul3A_300 = arith.constant 16 : i32
      %mul3A_301 = arith.muli %scan3A_298, %mul3A_300 : i32
      %mul3A_302 = arith.constant 16 : i32
      %mul3A_303 = arith.muli %scan3A_298, %mul3A_302 : i32
      %add3A_304 = arith.constant 2000 : i32
      %add3A_305 = arith.addi %add3A_304, %mul3A_303 : i32
      %get3A = arith.index_cast %mul3A_301 : i32 to index
      %get3A_306 = tpu.vector_load %arg21[%get3A] {strides = array<i32>} : memref<4000xf32, #tpu.memory_space<vmem>>, vector<16xf32>,
      %get3A_307 = vector.shape_cast %get3A_306 : vector<16xf32> to vector<16xf32>
      %get3A_308 = arith.index_cast %add3A_305 : i32 to index
      %get3A_309 = tpu.vector_load %arg21[%get3A_308] {strides = array<i32>} : memref<4000xf32, #tpu.memory_space<vmem>>, vector<16xf32>,
      %get3A_310 = vector.shape_cast %get3A_309 : vector<16xf32> to vector<16xf32>
      %sub3A = arith.subf %get3A_307, %get3A_310 : vector<16xf32>
      %get3A_311 = arith.index_cast %mul3A_301 : i32 to index
      %get3A_312 = tpu.vector_load %arg22[%get3A_311] {strides = array<i32>} : memref<4000xf32, #tpu.memory_space<vmem>>, vector<16xf32>,
      %get3A_313 = vector.shape_cast %get3A_312 : vector<16xf32> to vector<16xf32>
      %get3A_314 = arith.index_cast %add3A_305 : i32 to index
      %get3A_315 = tpu.vector_load %arg22[%get3A_314] {strides = array<i32>} : memref<4000xf32, #tpu.memory_space<vmem>>, vector<16xf32>,
      %get3A_316 = vector.shape_cast %get3A_315 : vector<16xf32> to vector<16xf32>
      %sub3A_317 = arith.subf %get3A_313, %get3A_316 : vector<16xf32>
      %get3A_318 = arith.index_cast %mul3A_301 : i32 to index
      %get3A_319 = tpu.vector_load %arg23[%get3A_318] {strides = array<i32>} : memref<4000xf32, #tpu.memory_space<vmem>>, vector<16xf32>,
      %get3A_320 = vector.shape_cast %get3A_319 : vector<16xf32> to vector<16xf32>
      %get3A_321 = arith.index_cast %add3A_305 : i32 to index
      %get3A_322 = tpu.vector_load %arg23[%get3A_321] {strides = array<i32>} : memref<4000xf32, #tpu.memory_space<vmem>>, vector<16xf32>,
      %get3A_323 = vector.shape_cast %get3A_322 : vector<16xf32> to vector<16xf32>
      %sub3A_324 = arith.subf %get3A_320, %get3A_323 : vector<16xf32>
      %mul3A_325 = arith.mulf %sub3A, %sub3A : vector<16xf32>
      %mul3A_326 = arith.mulf %sub3A_317, %sub3A_317 : vector<16xf32>
      %add3A_327 = arith.addf %mul3A_325, %mul3A_326 : vector<16xf32>
      %mul3A_328 = arith.mulf %sub3A_324, %sub3A_324 : vector<16xf32>
      %add3A_329 = arith.addf %add3A_327, %mul3A_328 : vector<16xf32>
      %max3A = arith.constant 1.000000e-35 : f32
      %max3A_330 = vector.broadcast %max3A : f32 to vector<16xf32>
      %max3A_331 = arith.maximumf %add3A_329, %max3A_330 : vector<16xf32>
      %mul3A_332 = arith.constant 5.000000e-01 : f32
      %mul3A_333 = vector.broadcast %mul3A_332 : f32 to vector<16xf32>
      %mul3A_334 = arith.mulf %mul3A_333, %max3A_331 : vector<16xf32>
      %bitcast_convert_type3A = tpu.bitcast %max3A_331 : vector<16xf32> -> vector<16xi32>
      %shift_right_arithmetic3A = arith.constant 1 : i32
      %shift_right_arithmetic3A_335 = vector.broadcast %shift_right_arithmetic3A : i32 to vector<16xi32>
      %shift_right_arithmetic3A_336 = arith.shrsi %bitcast_convert_type3A, %shift_right_arithmetic3A_335 : vector<16xi32>
      %sub3A_337 = arith.constant 1597463007 : i32
      %sub3A_338 = vector.broadcast %sub3A_337 : i32 to vector<16xi32>
      %sub3A_339 = arith.subi %sub3A_338, %shift_right_arithmetic3A_336 : vector<16xi32>
      %bitcast_convert_type3A_340 = tpu.bitcast %sub3A_339 : vector<16xi32> -> vector<16xf32>
      %mul3A_341 = arith.mulf %mul3A_334, %bitcast_convert_type3A_340 : vector<16xf32>
      %mul3A_342 = arith.mulf %mul3A_341, %bitcast_convert_type3A_340 : vector<16xf32>
      %sub3A_343 = arith.constant 1.500000e+00 : f32
      %sub3A_344 = vector.broadcast %sub3A_343 : f32 to vector<16xf32>
      %sub3A_345 = arith.subf %sub3A_344, %mul3A_342 : vector<16xf32>
      %mul3A_346 = arith.mulf %bitcast_convert_type3A_340, %sub3A_345 : vector<16xf32>
      %mul3A_347 = arith.mulf %mul3A_334, %mul3A_346 : vector<16xf32>
      %mul3A_348 = arith.mulf %mul3A_347, %mul3A_346 : vector<16xf32>
      %sub3A_349 = arith.constant 1.500000e+00 : f32
      %sub3A_350 = vector.broadcast %sub3A_349 : f32 to vector<16xf32>
      %sub3A_351 = arith.subf %sub3A_350, %mul3A_348 : vector<16xf32>
      %mul3A_352 = arith.mulf %mul3A_346, %sub3A_351 : vector<16xf32>
      %mul3A_353 = arith.mulf %add3A_329, %mul3A_352 : vector<16xf32>
      %sub3A_354 = arith.constant 1.000000e+00 : f32
      %sub3A_355 = vector.broadcast %sub3A_354 : f32 to vector<16xf32>
      %sub3A_356 = arith.subf %mul3A_353, %sub3A_355 : vector<16xf32>
      %mul3A_357 = arith.mulf %sub3A_356, %sub3A_356 : vector<16xf32>
      %add3A_358 = arith.addf %scan3A_299, %mul3A_357 : vector<16xf32>
      %mul3A_359 = arith.constant 1.000000e+00 : f32
      %mul3A_360 = vector.broadcast %mul3A_359 : f32 to vector<16xf32>
      %mul3A_361 = arith.mulf %mul3A_360, %sub3A_356 : vector<16xf32>
      %mul3A_362 = arith.mulf %mul3A_361, %mul3A_352 : vector<16xf32>
      %mul3A_363 = arith.mulf %mul3A_362, %sub3A : vector<16xf32>
      %mul3A_364 = arith.mulf %mul3A_362, %sub3A_317 : vector<16xf32>
      %mul3A_365 = arith.mulf %mul3A_362, %sub3A_324 : vector<16xf32>
      %swap3A_366 = arith.index_cast %add3A_305 : i32 to index
      %swap3A_367 = tpu.vector_load %arg27[%swap3A_366] {strides = array<i32>} : memref<4000xf32, #tpu.memory_space<vmem>>, vector<16xf32>,
      %swap3A_368 = vector.shape_cast %swap3A_367 : vector<16xf32> to vector<16xf32>
      %swap3A_369 = vector.shape_cast %mul3A_363 : vector<16xf32> to vector<16xf32>
      tpu.vector_store %arg27[%swap3A_366], %swap3A_369 {strides = array<i32>} : memref<4000xf32, #tpu.memory_space<vmem>>, vector<16xf32>,
      %swap3A_370 = arith.index_cast %add3A_305 : i32 to index
      %swap3A_371 = tpu.vector_load %arg28[%swap3A_370] {strides = array<i32>} : memref<4000xf32, #tpu.memory_space<vmem>>, vector<16xf32>,
      %swap3A_372 = vector.shape_cast %swap3A_371 : vector<16xf32> to vector<16xf32>
      %swap3A_373 = vector.shape_cast %mul3A_364 : vector<16xf32> to vector<16xf32>
      tpu.vector_store %arg28[%swap3A_370], %swap3A_373 {strides = array<i32>} : memref<4000xf32, #tpu.memory_space<vmem>>, vector<16xf32>,
      %swap3A_374 = arith.index_cast %add3A_305 : i32 to index
      %swap3A_375 = tpu.vector_load %arg29[%swap3A_374] {strides = array<i32>} : memref<4000xf32, #tpu.memory_space<vmem>>, vector<16xf32>,
      %swap3A_376 = vector.shape_cast %swap3A_375 : vector<16xf32> to vector<16xf32>
      %swap3A_377 = vector.shape_cast %mul3A_365 : vector<16xf32> to vector<16xf32>
      tpu.vector_store %arg29[%swap3A_374], %swap3A_377 {strides = array<i32>} : memref<4000xf32, #tpu.memory_space<vmem>>, vector<16xf32>,
      %neg3A = arith.constant 0.000000e+00 : f32
      %neg3A_378 = vector.broadcast %neg3A : f32 to vector<16xf32>
      %neg3A_379 = arith.subf %neg3A_378, %mul3A_363 : vector<16xf32>
      %swap3A_380 = arith.index_cast %mul3A_301 : i32 to index
      %swap3A_381 = tpu.vector_load %arg27[%swap3A_380] {strides = array<i32>} : memref<4000xf32, #tpu.memory_space<vmem>>, vector<16xf32>,
      %swap3A_382 = vector.shape_cast %swap3A_381 : vector<16xf32> to vector<16xf32>
      %swap3A_383 = vector.shape_cast %neg3A_379 : vector<16xf32> to vector<16xf32>
      tpu.vector_store %arg27[%swap3A_380], %swap3A_383 {strides = array<i32>} : memref<4000xf32, #tpu.memory_space<vmem>>, vector<16xf32>,
      %neg3A_384 = arith.constant 0.000000e+00 : f32
      %neg3A_385 = vector.broadcast %neg3A_384 : f32 to vector<16xf32>
      %neg3A_386 = arith.subf %neg3A_385, %mul3A_364 : vector<16xf32>
      %swap3A_387 = arith.index_cast %mul3A_301 : i32 to index
      %swap3A_388 = tpu.vector_load %arg28[%swap3A_387] {strides = array<i32>} : memref<4000xf32, #tpu.memory_space<vmem>>, vector<16xf32>,
      %swap3A_389 = vector.shape_cast %swap3A_388 : vector<16xf32> to vector<16xf32>
      %swap3A_390 = vector.shape_cast %neg3A_386 : vector<16xf32> to vector<16xf32>
      tpu.vector_store %arg28[%swap3A_387], %swap3A_390 {strides = array<i32>} : memref<4000xf32, #tpu.memory_space<vmem>>, vector<16xf32>,
      %neg3A_391 = arith.constant 0.000000e+00 : f32
      %neg3A_392 = vector.broadcast %neg3A_391 : f32 to vector<16xf32>
      %neg3A_393 = arith.subf %neg3A_392, %mul3A_365 : vector<16xf32>
      %swap3A_394 = arith.index_cast %mul3A_301 : i32 to index
      %swap3A_395 = tpu.vector_load %arg29[%swap3A_394] {strides = array<i32>} : memref<4000xf32, #tpu.memory_space<vmem>>, vector<16xf32>,
      %swap3A_396 = vector.shape_cast %swap3A_395 : vector<16xf32> to vector<16xf32>
      %swap3A_397 = vector.shape_cast %neg3A_393 : vector<16xf32> to vector<16xf32>
      tpu.vector_store %arg29[%swap3A_394], %swap3A_397 {strides = array<i32>} : memref<4000xf32, #tpu.memory_space<vmem>>, vector<16xf32>,
      scf.yield %add3A_358 : vector<16xf32>
    }
    %scan3A_152 = arith.constant 125 : i32
    %dma_wait3A_153 = arith.constant 0 : i32
    %dma_wait3A_154 = tpu.memref_slice %arg2[%dma_wait3A_153] : memref<100096xf32, #tpu.memory_space<hbm>> -> memref<4000xf32, #tpu.memory_space<hbm>>
    %dma_wait3A_155 = arith.constant 0 : i32
    %dma_wait3A_156 = tpu.memref_slice %arg2[%dma_wait3A_155] : memref<100096xf32, #tpu.memory_space<hbm>> -> memref<4000xf32, #tpu.memory_space<hbm>>
    tpu.wait_dma2 semaphore(%arg34 : memref<!tpu.dma_semaphore, #tpu.memory_space<semaphore_mem>>) src(%dma_wait3A_156 : memref<4000xf32, #tpu.memory_space<hbm>>) dst(%arg24 : memref<4000xf32, #tpu.memory_space<vmem>>)
    %dma_wait3A_157 = arith.constant 0 : i32
    %dma_wait3A_158 = tpu.memref_slice %arg2[%dma_wait3A_157] : memref<100096xf32, #tpu.memory_space<hbm>> -> memref<4000xf32, #tpu.memory_space<hbm>>
    %dma_wait3A_159 = arith.constant 0 : i32
    %dma_wait3A_160 = tpu.memref_slice %arg2[%dma_wait3A_159] : memref<100096xf32, #tpu.memory_space<hbm>> -> memref<4000xf32, #tpu.memory_space<hbm>>
    tpu.wait_dma2 semaphore(%arg34 : memref<!tpu.dma_semaphore, #tpu.memory_space<semaphore_mem>>) src(%dma_wait3A_160 : memref<4000xf32, #tpu.memory_space<hbm>>) dst(%arg25 : memref<4000xf32, #tpu.memory_space<vmem>>)
    %dma_wait3A_161 = arith.constant 0 : i32
    %dma_wait3A_162 = tpu.memref_slice %arg2[%dma_wait3A_161] : memref<100096xf32, #tpu.memory_space<hbm>> -> memref<4000xf32, #tpu.memory_space<hbm>>
    %dma_wait3A_163 = arith.constant 0 : i32
    %dma_wait3A_164 = tpu.memref_slice %arg2[%dma_wait3A_163] : memref<100096xf32, #tpu.memory_space<hbm>> -> memref<4000xf32, #tpu.memory_space<hbm>>
    tpu.wait_dma2 semaphore(%arg34 : memref<!tpu.dma_semaphore, #tpu.memory_space<semaphore_mem>>) src(%dma_wait3A_164 : memref<4000xf32, #tpu.memory_space<hbm>>) dst(%arg26 : memref<4000xf32, #tpu.memory_space<vmem>>)
    %dma_start3A_165 = arith.constant 0 : i32
    %dma_start3A_166 = tpu.memref_slice %arg11[%dma_start3A_165] : memref<100096xf32, #tpu.memory_space<vmem_shared>> -> memref<100096xf32, #tpu.memory_space<vmem_shared>>
    tpu.enqueue_indirect_dma source(%arg27 : memref<4000xf32, #tpu.memory_space<vmem>>) target(%dma_start3A_166 : memref<100096xf32, #tpu.memory_space<vmem_shared>>) offsets(%arg15 : memref<4000xi32, #tpu.memory_space<vmem>>) semaphore(%arg34 : memref<!tpu.dma_semaphore, #tpu.memory_space<semaphore_mem>>) {add = true}
    %dma_start3A_167 = arith.constant 0 : i32
    %dma_start3A_168 = tpu.memref_slice %arg12[%dma_start3A_167] : memref<100096xf32, #tpu.memory_space<vmem_shared>> -> memref<100096xf32, #tpu.memory_space<vmem_shared>>
    tpu.enqueue_indirect_dma source(%arg28 : memref<4000xf32, #tpu.memory_space<vmem>>) target(%dma_start3A_168 : memref<100096xf32, #tpu.memory_space<vmem_shared>>) offsets(%arg15 : memref<4000xi32, #tpu.memory_space<vmem>>) semaphore(%arg34 : memref<!tpu.dma_semaphore, #tpu.memory_space<semaphore_mem>>) {add = true}
    %dma_start3A_169 = arith.constant 0 : i32
    %dma_start3A_170 = tpu.memref_slice %arg13[%dma_start3A_169] : memref<100096xf32, #tpu.memory_space<vmem_shared>> -> memref<100096xf32, #tpu.memory_space<vmem_shared>>
    tpu.enqueue_indirect_dma source(%arg29 : memref<4000xf32, #tpu.memory_space<vmem>>) target(%dma_start3A_170 : memref<100096xf32, #tpu.memory_space<vmem_shared>>) offsets(%arg15 : memref<4000xi32, #tpu.memory_space<vmem>>) semaphore(%arg34 : memref<!tpu.dma_semaphore, #tpu.memory_space<semaphore_mem>>) {add = true}
    %scan3A_171 = arith.constant 0 : i32
    %scan3A_172 = arith.constant 24 : i32
    %scan3A_173 = arith.addi %scan3A_171, %scan3A_172 : i32
    %scan3A_174 = arith.constant 1 : i32
    %scan3A_175 = scf.for %scan3A_298 = %scan3A_171 to %scan3A_173 step %scan3A_174 iter_args(%scan3A_299 = %scan3A_151) -> (vector<16xf32>)  : i32 {
      %mul3A_300 = arith.constant 4 : i32
      %mul3A_301 = arith.muli %scan3A_298, %mul3A_300 : i32
      %add3A_302 = arith.constant 2 : i32
      %add3A_303 = arith.addi %add3A_302, %mul3A_301 : i32
      %add3A_304 = arith.constant 0 : i32
      %add3A_305 = arith.addi %add3A_303, %add3A_304 : i32
      %dma_wait3A_306 = arith.constant 0 : i32
      %dma_wait3A_307 = tpu.memref_slice %arg2[%dma_wait3A_306] : memref<100096xf32, #tpu.memory_space<hbm>> -> memref<4000xf32, #tpu.memory_space<hbm>>
      %dma_wait3A_308 = arith.constant 0 : i32
      %dma_wait3A_309 = tpu.memref_slice %arg2[%dma_wait3A_308] : memref<100096xf32, #tpu.memory_space<hbm>> -> memref<4000xf32, #tpu.memory_space<hbm>>
      tpu.wait_dma2 semaphore(%arg33 : memref<!tpu.dma_semaphore, #tpu.memory_space<semaphore_mem>>) src(%dma_wait3A_309 : memref<4000xf32, #tpu.memory_space<hbm>>) dst(%arg18 : memref<4000xf32, #tpu.memory_space<vmem>>)
      %dma_wait3A_310 = arith.constant 0 : i32
      %dma_wait3A_311 = tpu.memref_slice %arg2[%dma_wait3A_310] : memref<100096xf32, #tpu.memory_space<hbm>> -> memref<4000xf32, #tpu.memory_space<hbm>>
      %dma_wait3A_312 = arith.constant 0 : i32
      %dma_wait3A_313 = tpu.memref_slice %arg2[%dma_wait3A_312] : memref<100096xf32, #tpu.memory_space<hbm>> -> memref<4000xf32, #tpu.memory_space<hbm>>
      tpu.wait_dma2 semaphore(%arg33 : memref<!tpu.dma_semaphore, #tpu.memory_space<semaphore_mem>>) src(%dma_wait3A_313 : memref<4000xf32, #tpu.memory_space<hbm>>) dst(%arg19 : memref<4000xf32, #tpu.memory_space<vmem>>)
      %dma_wait3A_314 = arith.constant 0 : i32
      %dma_wait3A_315 = tpu.memref_slice %arg2[%dma_wait3A_314] : memref<100096xf32, #tpu.memory_space<hbm>> -> memref<4000xf32, #tpu.memory_space<hbm>>
      %dma_wait3A_316 = arith.constant 0 : i32
      %dma_wait3A_317 = tpu.memref_slice %arg2[%dma_wait3A_316] : memref<100096xf32, #tpu.memory_space<hbm>> -> memref<4000xf32, #tpu.memory_space<hbm>>
      tpu.wait_dma2 semaphore(%arg33 : memref<!tpu.dma_semaphore, #tpu.memory_space<semaphore_mem>>) src(%dma_wait3A_317 : memref<4000xf32, #tpu.memory_space<hbm>>) dst(%arg20 : memref<4000xf32, #tpu.memory_space<vmem>>)
      %dma_wait3A_318 = arith.constant 0 : i32
      %dma_wait3A_319 = tpu.memref_slice %arg17[%dma_wait3A_318] : memref<4000xi32, #tpu.memory_space<vmem>> -> memref<2000xi32, #tpu.memory_space<vmem>>
      %dma_wait3A_320 = arith.constant 0 : i32
      %dma_wait3A_321 = tpu.memref_slice %arg5[%dma_wait3A_320] : memref<12800000xi32, #tpu.memory_space<hbm>> -> memref<2000xi32, #tpu.memory_space<hbm>>
      %dma_wait3A_322 = arith.constant 0 : i32
      %dma_wait3A_323 = tpu.memref_slice %arg17[%dma_wait3A_322] : memref<4000xi32, #tpu.memory_space<vmem>> -> memref<2000xi32, #tpu.memory_space<vmem>>
      %dma_wait3A_324 = arith.constant 0 : i32
      %dma_wait3A_325 = tpu.memref_slice %arg5[%dma_wait3A_324] : memref<12800000xi32, #tpu.memory_space<hbm>> -> memref<2000xi32, #tpu.memory_space<hbm>>
      tpu.wait_dma2 semaphore(%arg32 : memref<!tpu.dma_semaphore, #tpu.memory_space<semaphore_mem>>) src(%dma_wait3A_325 : memref<2000xi32, #tpu.memory_space<hbm>>) dst(%dma_wait3A_323 : memref<2000xi32, #tpu.memory_space<vmem>>)
      %dma_wait3A_326 = arith.constant 2000 : i32
      %dma_wait3A_327 = tpu.memref_slice %arg17[%dma_wait3A_326] : memref<4000xi32, #tpu.memory_space<vmem>> -> memref<2000xi32, #tpu.memory_space<vmem>>
      %dma_wait3A_328 = arith.constant 0 : i32
      %dma_wait3A_329 = tpu.memref_slice %arg5[%dma_wait3A_328] : memref<12800000xi32, #tpu.memory_space<hbm>> -> memref<2000xi32, #tpu.memory_space<hbm>>
      %dma_wait3A_330 = arith.constant 2000 : i32
      %dma_wait3A_331 = tpu.memref_slice %arg17[%dma_wait3A_330] : memref<4000xi32, #tpu.memory_space<vmem>> -> memref<2000xi32, #tpu.memory_space<vmem>>
      %dma_wait3A_332 = arith.constant 0 : i32
      %dma_wait3A_333 = tpu.memref_slice %arg5[%dma_wait3A_332] : memref<12800000xi32, #tpu.memory_space<hbm>> -> memref<2000xi32, #tpu.memory_space<hbm>>
      tpu.wait_dma2 semaphore(%arg32 : memref<!tpu.dma_semaphore, #tpu.memory_space<semaphore_mem>>) src(%dma_wait3A_333 : memref<2000xi32, #tpu.memory_space<hbm>>) dst(%dma_wait3A_331 : memref<2000xi32, #tpu.memory_space<vmem>>)
      %dma_start3A_334 = arith.constant 0 : i32
      %dma_start3A_335 = tpu.memref_slice %arg8[%dma_start3A_334] : memref<100096xf32, #tpu.memory_space<vmem_shared>> -> memref<100096xf32, #tpu.memory_space<vmem_shared>>
      tpu.enqueue_indirect_dma source(%dma_start3A_335 : memref<100096xf32, #tpu.memory_space<vmem_shared>>) target(%arg21 : memref<4000xf32, #tpu.memory_space<vmem>>) offsets(%arg17 : memref<4000xi32, #tpu.memory_space<vmem>>) semaphore(%arg33 : memref<!tpu.dma_semaphore, #tpu.memory_space<semaphore_mem>>)
      %dma_start3A_336 = arith.constant 0 : i32
      %dma_start3A_337 = tpu.memref_slice %arg9[%dma_start3A_336] : memref<100096xf32, #tpu.memory_space<vmem_shared>> -> memref<100096xf32, #tpu.memory_space<vmem_shared>>
      tpu.enqueue_indirect_dma source(%dma_start3A_337 : memref<100096xf32, #tpu.memory_space<vmem_shared>>) target(%arg22 : memref<4000xf32, #tpu.memory_space<vmem>>) offsets(%arg17 : memref<4000xi32, #tpu.memory_space<vmem>>) semaphore(%arg33 : memref<!tpu.dma_semaphore, #tpu.memory_space<semaphore_mem>>)
      %dma_start3A_338 = arith.constant 0 : i32
      %dma_start3A_339 = tpu.memref_slice %arg10[%dma_start3A_338] : memref<100096xf32, #tpu.memory_space<vmem_shared>> -> memref<100096xf32, #tpu.memory_space<vmem_shared>>
      tpu.enqueue_indirect_dma source(%dma_start3A_339 : memref<100096xf32, #tpu.memory_space<vmem_shared>>) target(%arg23 : memref<4000xf32, #tpu.memory_space<vmem>>) offsets(%arg17 : memref<4000xi32, #tpu.memory_space<vmem>>) semaphore(%arg33 : memref<!tpu.dma_semaphore, #tpu.memory_space<semaphore_mem>>)
      %add3A_340 = arith.constant 2 : i32
      %add3A_341 = arith.addi %add3A_305, %add3A_340 : i32
      %mul3A_342 = arith.constant 2000 : i32
      %mul3A_343 = arith.muli %add3A_341, %mul3A_342 : i32
      %add3A_344 = arith.addi %mul3A_10, %mul3A_343 : i32
      %dma_start3A_345 = arith.constant 0 : i32
      %dma_start3A_346 = tpu.memref_slice %arg14[%dma_start3A_345] : memref<4000xi32, #tpu.memory_space<vmem>> -> memref<2000xi32, #tpu.memory_space<vmem>>
      %dma_start3A_347 = tpu.memref_slice %arg5[%add3A_344] : memref<12800000xi32, #tpu.memory_space<hbm>> -> memref<2000xi32, #tpu.memory_space<hbm>>
      %dma_start3A_348 = arith.constant 0 : i32
      %dma_start3A_349 = tpu.memref_slice %arg14[%dma_start3A_348] : memref<4000xi32, #tpu.memory_space<vmem>> -> memref<2000xi32, #tpu.memory_space<vmem>>
      %dma_start3A_350 = tpu.memref_slice %arg5[%add3A_344] : memref<12800000xi32, #tpu.memory_space<hbm>> -> memref<2000xi32, #tpu.memory_space<hbm>>
      tpu.enqueue_dma source(%dma_start3A_350 : memref<2000xi32, #tpu.memory_space<hbm>>) target(%dma_start3A_349 : memref<2000xi32, #tpu.memory_space<vmem>>) target_semaphore(%arg32 : memref<!tpu.dma_semaphore, #tpu.memory_space<semaphore_mem>>)
      %add3A_351 = arith.constant 6400000 : i32
      %add3A_352 = arith.addi %add3A_351, %add3A_344 : i32
      %dma_start3A_353 = arith.constant 2000 : i32
      %dma_start3A_354 = tpu.memref_slice %arg14[%dma_start3A_353] : memref<4000xi32, #tpu.memory_space<vmem>> -> memref<2000xi32, #tpu.memory_space<vmem>>
      %dma_start3A_355 = tpu.memref_slice %arg5[%add3A_352] : memref<12800000xi32, #tpu.memory_space<hbm>> -> memref<2000xi32, #tpu.memory_space<hbm>>
      %dma_start3A_356 = arith.constant 2000 : i32
      %dma_start3A_357 = tpu.memref_slice %arg14[%dma_start3A_356] : memref<4000xi32, #tpu.memory_space<vmem>> -> memref<2000xi32, #tpu.memory_space<vmem>>
      %dma_start3A_358 = tpu.memref_slice %arg5[%add3A_352] : memref<12800000xi32, #tpu.memory_space<hbm>> -> memref<2000xi32, #tpu.memory_space<hbm>>
      tpu.enqueue_dma source(%dma_start3A_358 : memref<2000xi32, #tpu.memory_space<hbm>>) target(%dma_start3A_357 : memref<2000xi32, #tpu.memory_space<vmem>>) target_semaphore(%arg32 : memref<!tpu.dma_semaphore, #tpu.memory_space<semaphore_mem>>)
      %scan3A_359 = arith.constant 0 : i32
      %scan3A_360 = arith.constant 125 : i32
      %scan3A_361 = arith.addi %scan3A_359, %scan3A_360 : i32
      %scan3A_362 = arith.constant 1 : i32
      %scan3A_363 = scf.for %scan3A_620 = %scan3A_359 to %scan3A_361 step %scan3A_362 iter_args(%scan3A_621 = %scan3A_299) -> (vector<16xf32>)  : i32 {
        %mul3A_622 = arith.constant 16 : i32
        %mul3A_623 = arith.muli %scan3A_620, %mul3A_622 : i32
        %mul3A_624 = arith.constant 16 : i32
        %mul3A_625 = arith.muli %scan3A_620, %mul3A_624 : i32
        %add3A_626 = arith.constant 2000 : i32
        %add3A_627 = arith.addi %add3A_626, %mul3A_625 : i32
        %get3A = arith.index_cast %mul3A_623 : i32 to index
        %get3A_628 = tpu.vector_load %arg18[%get3A] {strides = array<i32>} : memref<4000xf32, #tpu.memory_space<vmem>>, vector<16xf32>,
        %get3A_629 = vector.shape_cast %get3A_628 : vector<16xf32> to vector<16xf32>
        %get3A_630 = arith.index_cast %add3A_627 : i32 to index
        %get3A_631 = tpu.vector_load %arg18[%get3A_630] {strides = array<i32>} : memref<4000xf32, #tpu.memory_space<vmem>>, vector<16xf32>,
        %get3A_632 = vector.shape_cast %get3A_631 : vector<16xf32> to vector<16xf32>
        %sub3A = arith.subf %get3A_629, %get3A_632 : vector<16xf32>
        %get3A_633 = arith.index_cast %mul3A_623 : i32 to index
        %get3A_634 = tpu.vector_load %arg19[%get3A_633] {strides = array<i32>} : memref<4000xf32, #tpu.memory_space<vmem>>, vector<16xf32>,
        %get3A_635 = vector.shape_cast %get3A_634 : vector<16xf32> to vector<16xf32>
        %get3A_636 = arith.index_cast %add3A_627 : i32 to index
        %get3A_637 = tpu.vector_load %arg19[%get3A_636] {strides = array<i32>} : memref<4000xf32, #tpu.memory_space<vmem>>, vector<16xf32>,
        %get3A_638 = vector.shape_cast %get3A_637 : vector<16xf32> to vector<16xf32>
        %sub3A_639 = arith.subf %get3A_635, %get3A_638 : vector<16xf32>
        %get3A_640 = arith.index_cast %mul3A_623 : i32 to index
        %get3A_641 = tpu.vector_load %arg20[%get3A_640] {strides = array<i32>} : memref<4000xf32, #tpu.memory_space<vmem>>, vector<16xf32>,
        %get3A_642 = vector.shape_cast %get3A_641 : vector<16xf32> to vector<16xf32>
        %get3A_643 = arith.index_cast %add3A_627 : i32 to index
        %get3A_644 = tpu.vector_load %arg20[%get3A_643] {strides = array<i32>} : memref<4000xf32, #tpu.memory_space<vmem>>, vector<16xf32>,
        %get3A_645 = vector.shape_cast %get3A_644 : vector<16xf32> to vector<16xf32>
        %sub3A_646 = arith.subf %get3A_642, %get3A_645 : vector<16xf32>
        %mul3A_647 = arith.mulf %sub3A, %sub3A : vector<16xf32>
        %mul3A_648 = arith.mulf %sub3A_639, %sub3A_639 : vector<16xf32>
        %add3A_649 = arith.addf %mul3A_647, %mul3A_648 : vector<16xf32>
        %mul3A_650 = arith.mulf %sub3A_646, %sub3A_646 : vector<16xf32>
        %add3A_651 = arith.addf %add3A_649, %mul3A_650 : vector<16xf32>
        %max3A = arith.constant 1.000000e-35 : f32
        %max3A_652 = vector.broadcast %max3A : f32 to vector<16xf32>
        %max3A_653 = arith.maximumf %add3A_651, %max3A_652 : vector<16xf32>
        %mul3A_654 = arith.constant 5.000000e-01 : f32
        %mul3A_655 = vector.broadcast %mul3A_654 : f32 to vector<16xf32>
        %mul3A_656 = arith.mulf %mul3A_655, %max3A_653 : vector<16xf32>
        %bitcast_convert_type3A = tpu.bitcast %max3A_653 : vector<16xf32> -> vector<16xi32>
        %shift_right_arithmetic3A = arith.constant 1 : i32
        %shift_right_arithmetic3A_657 = vector.broadcast %shift_right_arithmetic3A : i32 to vector<16xi32>
        %shift_right_arithmetic3A_658 = arith.shrsi %bitcast_convert_type3A, %shift_right_arithmetic3A_657 : vector<16xi32>
        %sub3A_659 = arith.constant 1597463007 : i32
        %sub3A_660 = vector.broadcast %sub3A_659 : i32 to vector<16xi32>
        %sub3A_661 = arith.subi %sub3A_660, %shift_right_arithmetic3A_658 : vector<16xi32>
        %bitcast_convert_type3A_662 = tpu.bitcast %sub3A_661 : vector<16xi32> -> vector<16xf32>
        %mul3A_663 = arith.mulf %mul3A_656, %bitcast_convert_type3A_662 : vector<16xf32>
        %mul3A_664 = arith.mulf %mul3A_663, %bitcast_convert_type3A_662 : vector<16xf32>
        %sub3A_665 = arith.constant 1.500000e+00 : f32
        %sub3A_666 = vector.broadcast %sub3A_665 : f32 to vector<16xf32>
        %sub3A_667 = arith.subf %sub3A_666, %mul3A_664 : vector<16xf32>
        %mul3A_668 = arith.mulf %bitcast_convert_type3A_662, %sub3A_667 : vector<16xf32>
        %mul3A_669 = arith.mulf %mul3A_656, %mul3A_668 : vector<16xf32>
        %mul3A_670 = arith.mulf %mul3A_669, %mul3A_668 : vector<16xf32>
        %sub3A_671 = arith.constant 1.500000e+00 : f32
        %sub3A_672 = vector.broadcast %sub3A_671 : f32 to vector<16xf32>
        %sub3A_673 = arith.subf %sub3A_672, %mul3A_670 : vector<16xf32>
        %mul3A_674 = arith.mulf %mul3A_668, %sub3A_673 : vector<16xf32>
        %mul3A_675 = arith.mulf %add3A_651, %mul3A_674 : vector<16xf32>
        %sub3A_676 = arith.constant 1.000000e+00 : f32
        %sub3A_677 = vector.broadcast %sub3A_676 : f32 to vector<16xf32>
        %sub3A_678 = arith.subf %mul3A_675, %sub3A_677 : vector<16xf32>
        %mul3A_679 = arith.mulf %sub3A_678, %sub3A_678 : vector<16xf32>
        %add3A_680 = arith.addf %scan3A_621, %mul3A_679 : vector<16xf32>
        %mul3A_681 = arith.constant 1.000000e+00 : f32
        %mul3A_682 = vector.broadcast %mul3A_681 : f32 to vector<16xf32>
        %mul3A_683 = arith.mulf %mul3A_682, %sub3A_678 : vector<16xf32>
        %mul3A_684 = arith.mulf %mul3A_683, %mul3A_674 : vector<16xf32>
        %mul3A_685 = arith.mulf %mul3A_684, %sub3A : vector<16xf32>
        %mul3A_686 = arith.mulf %mul3A_684, %sub3A_639 : vector<16xf32>
        %mul3A_687 = arith.mulf %mul3A_684, %sub3A_646 : vector<16xf32>
        %swap3A_688 = arith.index_cast %add3A_627 : i32 to index
        %swap3A_689 = tpu.vector_load %arg24[%swap3A_688] {strides = array<i32>} : memref<4000xf32, #tpu.memory_space<vmem>>, vector<16xf32>,
        %swap3A_690 = vector.shape_cast %swap3A_689 : vector<16xf32> to vector<16xf32>
        %swap3A_691 = vector.shape_cast %mul3A_685 : vector<16xf32> to vector<16xf32>
        tpu.vector_store %arg24[%swap3A_688], %swap3A_691 {strides = array<i32>} : memref<4000xf32, #tpu.memory_space<vmem>>, vector<16xf32>,
        %swap3A_692 = arith.index_cast %add3A_627 : i32 to index
        %swap3A_693 = tpu.vector_load %arg25[%swap3A_692] {strides = array<i32>} : memref<4000xf32, #tpu.memory_space<vmem>>, vector<16xf32>,
        %swap3A_694 = vector.shape_cast %swap3A_693 : vector<16xf32> to vector<16xf32>
        %swap3A_695 = vector.shape_cast %mul3A_686 : vector<16xf32> to vector<16xf32>
        tpu.vector_store %arg25[%swap3A_692], %swap3A_695 {strides = array<i32>} : memref<4000xf32, #tpu.memory_space<vmem>>, vector<16xf32>,
        %swap3A_696 = arith.index_cast %add3A_627 : i32 to index
        %swap3A_697 = tpu.vector_load %arg26[%swap3A_696] {strides = array<i32>} : memref<4000xf32, #tpu.memory_space<vmem>>, vector<16xf32>,
        %swap3A_698 = vector.shape_cast %swap3A_697 : vector<16xf32> to vector<16xf32>
        %swap3A_699 = vector.shape_cast %mul3A_687 : vector<16xf32> to vector<16xf32>
        tpu.vector_store %arg26[%swap3A_696], %swap3A_699 {strides = array<i32>} : memref<4000xf32, #tpu.memory_space<vmem>>, vector<16xf32>,
        %neg3A = arith.constant 0.000000e+00 : f32
        %neg3A_700 = vector.broadcast %neg3A : f32 to vector<16xf32>
        %neg3A_701 = arith.subf %neg3A_700, %mul3A_685 : vector<16xf32>
        %swap3A_702 = arith.index_cast %mul3A_623 : i32 to index
        %swap3A_703 = tpu.vector_load %arg24[%swap3A_702] {strides = array<i32>} : memref<4000xf32, #tpu.memory_space<vmem>>, vector<16xf32>,
        %swap3A_704 = vector.shape_cast %swap3A_703 : vector<16xf32> to vector<16xf32>
        %swap3A_705 = vector.shape_cast %neg3A_701 : vector<16xf32> to vector<16xf32>
        tpu.vector_store %arg24[%swap3A_702], %swap3A_705 {strides = array<i32>} : memref<4000xf32, #tpu.memory_space<vmem>>, vector<16xf32>,
        %neg3A_706 = arith.constant 0.000000e+00 : f32
        %neg3A_707 = vector.broadcast %neg3A_706 : f32 to vector<16xf32>
        %neg3A_708 = arith.subf %neg3A_707, %mul3A_686 : vector<16xf32>
        %swap3A_709 = arith.index_cast %mul3A_623 : i32 to index
        %swap3A_710 = tpu.vector_load %arg25[%swap3A_709] {strides = array<i32>} : memref<4000xf32, #tpu.memory_space<vmem>>, vector<16xf32>,
        %swap3A_711 = vector.shape_cast %swap3A_710 : vector<16xf32> to vector<16xf32>
        %swap3A_712 = vector.shape_cast %neg3A_708 : vector<16xf32> to vector<16xf32>
        tpu.vector_store %arg25[%swap3A_709], %swap3A_712 {strides = array<i32>} : memref<4000xf32, #tpu.memory_space<vmem>>, vector<16xf32>,
        %neg3A_713 = arith.constant 0.000000e+00 : f32
        %neg3A_714 = vector.broadcast %neg3A_713 : f32 to vector<16xf32>
        %neg3A_715 = arith.subf %neg3A_714, %mul3A_687 : vector<16xf32>
        %swap3A_716 = arith.index_cast %mul3A_623 : i32 to index
        %swap3A_717 = tpu.vector_load %arg26[%swap3A_716] {strides = array<i32>} : memref<4000xf32, #tpu.memory_space<vmem>>, vector<16xf32>,
        %swap3A_718 = vector.shape_cast %swap3A_717 : vector<16xf32> to vector<16xf32>
        %swap3A_719 = vector.shape_cast %neg3A_715 : vector<16xf32> to vector<16xf32>
        tpu.vector_store %arg26[%swap3A_716], %swap3A_719 {strides = array<i32>} : memref<4000xf32, #tpu.memory_space<vmem>>, vector<16xf32>,
        scf.yield %add3A_680 : vector<16xf32>
      }
      %scan3A_364 = arith.constant 125 : i32
      %dma_wait3A_365 = arith.constant 0 : i32
      %dma_wait3A_366 = tpu.memref_slice %arg2[%dma_wait3A_365] : memref<100096xf32, #tpu.memory_space<hbm>> -> memref<4000xf32, #tpu.memory_space<hbm>>
      %dma_wait3A_367 = arith.constant 0 : i32
      %dma_wait3A_368 = tpu.memref_slice %arg2[%dma_wait3A_367] : memref<100096xf32, #tpu.memory_space<hbm>> -> memref<4000xf32, #tpu.memory_space<hbm>>
      tpu.wait_dma2 semaphore(%arg34 : memref<!tpu.dma_semaphore, #tpu.memory_space<semaphore_mem>>) src(%dma_wait3A_368 : memref<4000xf32, #tpu.memory_space<hbm>>) dst(%arg27 : memref<4000xf32, #tpu.memory_space<vmem>>)
      %dma_wait3A_369 = arith.constant 0 : i32
      %dma_wait3A_370 = tpu.memref_slice %arg2[%dma_wait3A_369] : memref<100096xf32, #tpu.memory_space<hbm>> -> memref<4000xf32, #tpu.memory_space<hbm>>
      %dma_wait3A_371 = arith.constant 0 : i32
      %dma_wait3A_372 = tpu.memref_slice %arg2[%dma_wait3A_371] : memref<100096xf32, #tpu.memory_space<hbm>> -> memref<4000xf32, #tpu.memory_space<hbm>>
      tpu.wait_dma2 semaphore(%arg34 : memref<!tpu.dma_semaphore, #tpu.memory_space<semaphore_mem>>) src(%dma_wait3A_372 : memref<4000xf32, #tpu.memory_space<hbm>>) dst(%arg28 : memref<4000xf32, #tpu.memory_space<vmem>>)
      %dma_wait3A_373 = arith.constant 0 : i32
      %dma_wait3A_374 = tpu.memref_slice %arg2[%dma_wait3A_373] : memref<100096xf32, #tpu.memory_space<hbm>> -> memref<4000xf32, #tpu.memory_space<hbm>>
      %dma_wait3A_375 = arith.constant 0 : i32
      %dma_wait3A_376 = tpu.memref_slice %arg2[%dma_wait3A_375] : memref<100096xf32, #tpu.memory_space<hbm>> -> memref<4000xf32, #tpu.memory_space<hbm>>
      tpu.wait_dma2 semaphore(%arg34 : memref<!tpu.dma_semaphore, #tpu.memory_space<semaphore_mem>>) src(%dma_wait3A_376 : memref<4000xf32, #tpu.memory_space<hbm>>) dst(%arg29 : memref<4000xf32, #tpu.memory_space<vmem>>)
      %dma_start3A_377 = arith.constant 0 : i32
      %dma_start3A_378 = tpu.memref_slice %arg11[%dma_start3A_377] : memref<100096xf32, #tpu.memory_space<vmem_shared>> -> memref<100096xf32, #tpu.memory_space<vmem_shared>>
      tpu.enqueue_indirect_dma source(%arg24 : memref<4000xf32, #tpu.memory_space<vmem>>) target(%dma_start3A_378 : memref<100096xf32, #tpu.memory_space<vmem_shared>>) offsets(%arg16 : memref<4000xi32, #tpu.memory_space<vmem>>) semaphore(%arg34 : memref<!tpu.dma_semaphore, #tpu.memory_space<semaphore_mem>>) {add = true}
      %dma_start3A_379 = arith.constant 0 : i32
      %dma_start3A_380 = tpu.memref_slice %arg12[%dma_start3A_379] : memref<100096xf32, #tpu.memory_space<vmem_shared>> -> memref<100096xf32, #tpu.memory_space<vmem_shared>>
      tpu.enqueue_indirect_dma source(%arg25 : memref<4000xf32, #tpu.memory_space<vmem>>) target(%dma_start3A_380 : memref<100096xf32, #tpu.memory_space<vmem_shared>>) offsets(%arg16 : memref<4000xi32, #tpu.memory_space<vmem>>) semaphore(%arg34 : memref<!tpu.dma_semaphore, #tpu.memory_space<semaphore_mem>>) {add = true}
      %dma_start3A_381 = arith.constant 0 : i32
      %dma_start3A_382 = tpu.memref_slice %arg13[%dma_start3A_381] : memref<100096xf32, #tpu.memory_space<vmem_shared>> -> memref<100096xf32, #tpu.memory_space<vmem_shared>>
      tpu.enqueue_indirect_dma source(%arg26 : memref<4000xf32, #tpu.memory_space<vmem>>) target(%dma_start3A_382 : memref<100096xf32, #tpu.memory_space<vmem_shared>>) offsets(%arg16 : memref<4000xi32, #tpu.memory_space<vmem>>) semaphore(%arg34 : memref<!tpu.dma_semaphore, #tpu.memory_space<semaphore_mem>>) {add = true}
      %add3A_383 = arith.constant 1 : i32
      %add3A_384 = arith.addi %add3A_303, %add3A_383 : i32
      %dma_wait3A_385 = arith.constant 0 : i32
      %dma_wait3A_386 = tpu.memref_slice %arg2[%dma_wait3A_385] : memref<100096xf32, #tpu.memory_space<hbm>> -> memref<4000xf32, #tpu.memory_space<hbm>>
      %dma_wait3A_387 = arith.constant 0 : i32
      %dma_wait3A_388 = tpu.memref_slice %arg2[%dma_wait3A_387] : memref<100096xf32, #tpu.memory_space<hbm>> -> memref<4000xf32, #tpu.memory_space<hbm>>
      tpu.wait_dma2 semaphore(%arg33 : memref<!tpu.dma_semaphore, #tpu.memory_space<semaphore_mem>>) src(%dma_wait3A_388 : memref<4000xf32, #tpu.memory_space<hbm>>) dst(%arg21 : memref<4000xf32, #tpu.memory_space<vmem>>)
      %dma_wait3A_389 = arith.constant 0 : i32
      %dma_wait3A_390 = tpu.memref_slice %arg2[%dma_wait3A_389] : memref<100096xf32, #tpu.memory_space<hbm>> -> memref<4000xf32, #tpu.memory_space<hbm>>
      %dma_wait3A_391 = arith.constant 0 : i32
      %dma_wait3A_392 = tpu.memref_slice %arg2[%dma_wait3A_391] : memref<100096xf32, #tpu.memory_space<hbm>> -> memref<4000xf32, #tpu.memory_space<hbm>>
      tpu.wait_dma2 semaphore(%arg33 : memref<!tpu.dma_semaphore, #tpu.memory_space<semaphore_mem>>) src(%dma_wait3A_392 : memref<4000xf32, #tpu.memory_space<hbm>>) dst(%arg22 : memref<4000xf32, #tpu.memory_space<vmem>>)
      %dma_wait3A_393 = arith.constant 0 : i32
      %dma_wait3A_394 = tpu.memref_slice %arg2[%dma_wait3A_393] : memref<100096xf32, #tpu.memory_space<hbm>> -> memref<4000xf32, #tpu.memory_space<hbm>>
      %dma_wait3A_395 = arith.constant 0 : i32
      %dma_wait3A_396 = tpu.memref_slice %arg2[%dma_wait3A_395] : memref<100096xf32, #tpu.memory_space<hbm>> -> memref<4000xf32, #tpu.memory_space<hbm>>
      tpu.wait_dma2 semaphore(%arg33 : memref<!tpu.dma_semaphore, #tpu.memory_space<semaphore_mem>>) src(%dma_wait3A_396 : memref<4000xf32, #tpu.memory_space<hbm>>) dst(%arg23 : memref<4000xf32, #tpu.memory_space<vmem>>)
      %dma_wait3A_397 = arith.constant 0 : i32
      %dma_wait3A_398 = tpu.memref_slice %arg14[%dma_wait3A_397] : memref<4000xi32, #tpu.memory_space<vmem>> -> memref<2000xi32, #tpu.memory_space<vmem>>
      %dma_wait3A_399 = arith.constant 0 : i32
      %dma_wait3A_400 = tpu.memref_slice %arg5[%dma_wait3A_399] : memref<12800000xi32, #tpu.memory_space<hbm>> -> memref<2000xi32, #tpu.memory_space<hbm>>
      %dma_wait3A_401 = arith.constant 0 : i32
      %dma_wait3A_402 = tpu.memref_slice %arg14[%dma_wait3A_401] : memref<4000xi32, #tpu.memory_space<vmem>> -> memref<2000xi32, #tpu.memory_space<vmem>>
      %dma_wait3A_403 = arith.constant 0 : i32
      %dma_wait3A_404 = tpu.memref_slice %arg5[%dma_wait3A_403] : memref<12800000xi32, #tpu.memory_space<hbm>> -> memref<2000xi32, #tpu.memory_space<hbm>>
      tpu.wait_dma2 semaphore(%arg32 : memref<!tpu.dma_semaphore, #tpu.memory_space<semaphore_mem>>) src(%dma_wait3A_404 : memref<2000xi32, #tpu.memory_space<hbm>>) dst(%dma_wait3A_402 : memref<2000xi32, #tpu.memory_space<vmem>>)
      %dma_wait3A_405 = arith.constant 2000 : i32
      %dma_wait3A_406 = tpu.memref_slice %arg14[%dma_wait3A_405] : memref<4000xi32, #tpu.memory_space<vmem>> -> memref<2000xi32, #tpu.memory_space<vmem>>
      %dma_wait3A_407 = arith.constant 0 : i32
      %dma_wait3A_408 = tpu.memref_slice %arg5[%dma_wait3A_407] : memref<12800000xi32, #tpu.memory_space<hbm>> -> memref<2000xi32, #tpu.memory_space<hbm>>
      %dma_wait3A_409 = arith.constant 2000 : i32
      %dma_wait3A_410 = tpu.memref_slice %arg14[%dma_wait3A_409] : memref<4000xi32, #tpu.memory_space<vmem>> -> memref<2000xi32, #tpu.memory_space<vmem>>
      %dma_wait3A_411 = arith.constant 0 : i32
      %dma_wait3A_412 = tpu.memref_slice %arg5[%dma_wait3A_411] : memref<12800000xi32, #tpu.memory_space<hbm>> -> memref<2000xi32, #tpu.memory_space<hbm>>
      tpu.wait_dma2 semaphore(%arg32 : memref<!tpu.dma_semaphore, #tpu.memory_space<semaphore_mem>>) src(%dma_wait3A_412 : memref<2000xi32, #tpu.memory_space<hbm>>) dst(%dma_wait3A_410 : memref<2000xi32, #tpu.memory_space<vmem>>)
      %dma_start3A_413 = arith.constant 0 : i32
      %dma_start3A_414 = tpu.memref_slice %arg8[%dma_start3A_413] : memref<100096xf32, #tpu.memory_space<vmem_shared>> -> memref<100096xf32, #tpu.memory_space<vmem_shared>>
      tpu.enqueue_indirect_dma source(%dma_start3A_414 : memref<100096xf32, #tpu.memory_space<vmem_shared>>) target(%arg18 : memref<4000xf32, #tpu.memory_space<vmem>>) offsets(%arg14 : memref<4000xi32, #tpu.memory_space<vmem>>) semaphore(%arg33 : memref<!tpu.dma_semaphore, #tpu.memory_space<semaphore_mem>>)
      %dma_start3A_415 = arith.constant 0 : i32
      %dma_start3A_416 = tpu.memref_slice %arg9[%dma_start3A_415] : memref<100096xf32, #tpu.memory_space<vmem_shared>> -> memref<100096xf32, #tpu.memory_space<vmem_shared>>
      tpu.enqueue_indirect_dma source(%dma_start3A_416 : memref<100096xf32, #tpu.memory_space<vmem_shared>>) target(%arg19 : memref<4000xf32, #tpu.memory_space<vmem>>) offsets(%arg14 : memref<4000xi32, #tpu.memory_space<vmem>>) semaphore(%arg33 : memref<!tpu.dma_semaphore, #tpu.memory_space<semaphore_mem>>)
      %dma_start3A_417 = arith.constant 0 : i32
      %dma_start3A_418 = tpu.memref_slice %arg10[%dma_start3A_417] : memref<100096xf32, #tpu.memory_space<vmem_shared>> -> memref<100096xf32, #tpu.memory_space<vmem_shared>>
      tpu.enqueue_indirect_dma source(%dma_start3A_418 : memref<100096xf32, #tpu.memory_space<vmem_shared>>) target(%arg20 : memref<4000xf32, #tpu.memory_space<vmem>>) offsets(%arg14 : memref<4000xi32, #tpu.memory_space<vmem>>) semaphore(%arg33 : memref<!tpu.dma_semaphore, #tpu.memory_space<semaphore_mem>>)
      %add3A_419 = arith.constant 2 : i32
      %add3A_420 = arith.addi %add3A_384, %add3A_419 : i32
      %mul3A_421 = arith.constant 2000 : i32
      %mul3A_422 = arith.muli %add3A_420, %mul3A_421 : i32
      %add3A_423 = arith.addi %mul3A_10, %mul3A_422 : i32
      %dma_start3A_424 = arith.constant 0 : i32
      %dma_start3A_425 = tpu.memref_slice %arg15[%dma_start3A_424] : memref<4000xi32, #tpu.memory_space<vmem>> -> memref<2000xi32, #tpu.memory_space<vmem>>
      %dma_start3A_426 = tpu.memref_slice %arg5[%add3A_423] : memref<12800000xi32, #tpu.memory_space<hbm>> -> memref<2000xi32, #tpu.memory_space<hbm>>
      %dma_start3A_427 = arith.constant 0 : i32
      %dma_start3A_428 = tpu.memref_slice %arg15[%dma_start3A_427] : memref<4000xi32, #tpu.memory_space<vmem>> -> memref<2000xi32, #tpu.memory_space<vmem>>
      %dma_start3A_429 = tpu.memref_slice %arg5[%add3A_423] : memref<12800000xi32, #tpu.memory_space<hbm>> -> memref<2000xi32, #tpu.memory_space<hbm>>
      tpu.enqueue_dma source(%dma_start3A_429 : memref<2000xi32, #tpu.memory_space<hbm>>) target(%dma_start3A_428 : memref<2000xi32, #tpu.memory_space<vmem>>) target_semaphore(%arg32 : memref<!tpu.dma_semaphore, #tpu.memory_space<semaphore_mem>>)
      %add3A_430 = arith.constant 6400000 : i32
      %add3A_431 = arith.addi %add3A_430, %add3A_423 : i32
      %dma_start3A_432 = arith.constant 2000 : i32
      %dma_start3A_433 = tpu.memref_slice %arg15[%dma_start3A_432] : memref<4000xi32, #tpu.memory_space<vmem>> -> memref<2000xi32, #tpu.memory_space<vmem>>
      %dma_start3A_434 = tpu.memref_slice %arg5[%add3A_431] : memref<12800000xi32, #tpu.memory_space<hbm>> -> memref<2000xi32, #tpu.memory_space<hbm>>
      %dma_start3A_435 = arith.constant 2000 : i32
      %dma_start3A_436 = tpu.memref_slice %arg15[%dma_start3A_435] : memref<4000xi32, #tpu.memory_space<vmem>> -> memref<2000xi32, #tpu.memory_space<vmem>>
      %dma_start3A_437 = tpu.memref_slice %arg5[%add3A_431] : memref<12800000xi32, #tpu.memory_space<hbm>> -> memref<2000xi32, #tpu.memory_space<hbm>>
      tpu.enqueue_dma source(%dma_start3A_437 : memref<2000xi32, #tpu.memory_space<hbm>>) target(%dma_start3A_436 : memref<2000xi32, #tpu.memory_space<vmem>>) target_semaphore(%arg32 : memref<!tpu.dma_semaphore, #tpu.memory_space<semaphore_mem>>)
      %scan3A_438 = arith.constant 0 : i32
      %scan3A_439 = arith.constant 125 : i32
      %scan3A_440 = arith.addi %scan3A_438, %scan3A_439 : i32
      %scan3A_441 = arith.constant 1 : i32
      %scan3A_442 = scf.for %scan3A_620 = %scan3A_438 to %scan3A_440 step %scan3A_441 iter_args(%scan3A_621 = %scan3A_363) -> (vector<16xf32>)  : i32 {
        %mul3A_622 = arith.constant 16 : i32
        %mul3A_623 = arith.muli %scan3A_620, %mul3A_622 : i32
        %mul3A_624 = arith.constant 16 : i32
        %mul3A_625 = arith.muli %scan3A_620, %mul3A_624 : i32
        %add3A_626 = arith.constant 2000 : i32
        %add3A_627 = arith.addi %add3A_626, %mul3A_625 : i32
        %get3A = arith.index_cast %mul3A_623 : i32 to index
        %get3A_628 = tpu.vector_load %arg21[%get3A] {strides = array<i32>} : memref<4000xf32, #tpu.memory_space<vmem>>, vector<16xf32>,
        %get3A_629 = vector.shape_cast %get3A_628 : vector<16xf32> to vector<16xf32>
        %get3A_630 = arith.index_cast %add3A_627 : i32 to index
        %get3A_631 = tpu.vector_load %arg21[%get3A_630] {strides = array<i32>} : memref<4000xf32, #tpu.memory_space<vmem>>, vector<16xf32>,
        %get3A_632 = vector.shape_cast %get3A_631 : vector<16xf32> to vector<16xf32>
        %sub3A = arith.subf %get3A_629, %get3A_632 : vector<16xf32>
        %get3A_633 = arith.index_cast %mul3A_623 : i32 to index
        %get3A_634 = tpu.vector_load %arg22[%get3A_633] {strides = array<i32>} : memref<4000xf32, #tpu.memory_space<vmem>>, vector<16xf32>,
        %get3A_635 = vector.shape_cast %get3A_634 : vector<16xf32> to vector<16xf32>
        %get3A_636 = arith.index_cast %add3A_627 : i32 to index
        %get3A_637 = tpu.vector_load %arg22[%get3A_636] {strides = array<i32>} : memref<4000xf32, #tpu.memory_space<vmem>>, vector<16xf32>,
        %get3A_638 = vector.shape_cast %get3A_637 : vector<16xf32> to vector<16xf32>
        %sub3A_639 = arith.subf %get3A_635, %get3A_638 : vector<16xf32>
        %get3A_640 = arith.index_cast %mul3A_623 : i32 to index
        %get3A_641 = tpu.vector_load %arg23[%get3A_640] {strides = array<i32>} : memref<4000xf32, #tpu.memory_space<vmem>>, vector<16xf32>,
        %get3A_642 = vector.shape_cast %get3A_641 : vector<16xf32> to vector<16xf32>
        %get3A_643 = arith.index_cast %add3A_627 : i32 to index
        %get3A_644 = tpu.vector_load %arg23[%get3A_643] {strides = array<i32>} : memref<4000xf32, #tpu.memory_space<vmem>>, vector<16xf32>,
        %get3A_645 = vector.shape_cast %get3A_644 : vector<16xf32> to vector<16xf32>
        %sub3A_646 = arith.subf %get3A_642, %get3A_645 : vector<16xf32>
        %mul3A_647 = arith.mulf %sub3A, %sub3A : vector<16xf32>
        %mul3A_648 = arith.mulf %sub3A_639, %sub3A_639 : vector<16xf32>
        %add3A_649 = arith.addf %mul3A_647, %mul3A_648 : vector<16xf32>
        %mul3A_650 = arith.mulf %sub3A_646, %sub3A_646 : vector<16xf32>
        %add3A_651 = arith.addf %add3A_649, %mul3A_650 : vector<16xf32>
        %max3A = arith.constant 1.000000e-35 : f32
        %max3A_652 = vector.broadcast %max3A : f32 to vector<16xf32>
        %max3A_653 = arith.maximumf %add3A_651, %max3A_652 : vector<16xf32>
        %mul3A_654 = arith.constant 5.000000e-01 : f32
        %mul3A_655 = vector.broadcast %mul3A_654 : f32 to vector<16xf32>
        %mul3A_656 = arith.mulf %mul3A_655, %max3A_653 : vector<16xf32>
        %bitcast_convert_type3A = tpu.bitcast %max3A_653 : vector<16xf32> -> vector<16xi32>
        %shift_right_arithmetic3A = arith.constant 1 : i32
        %shift_right_arithmetic3A_657 = vector.broadcast %shift_right_arithmetic3A : i32 to vector<16xi32>
        %shift_right_arithmetic3A_658 = arith.shrsi %bitcast_convert_type3A, %shift_right_arithmetic3A_657 : vector<16xi32>
        %sub3A_659 = arith.constant 1597463007 : i32
        %sub3A_660 = vector.broadcast %sub3A_659 : i32 to vector<16xi32>
        %sub3A_661 = arith.subi %sub3A_660, %shift_right_arithmetic3A_658 : vector<16xi32>
        %bitcast_convert_type3A_662 = tpu.bitcast %sub3A_661 : vector<16xi32> -> vector<16xf32>
        %mul3A_663 = arith.mulf %mul3A_656, %bitcast_convert_type3A_662 : vector<16xf32>
        %mul3A_664 = arith.mulf %mul3A_663, %bitcast_convert_type3A_662 : vector<16xf32>
        %sub3A_665 = arith.constant 1.500000e+00 : f32
        %sub3A_666 = vector.broadcast %sub3A_665 : f32 to vector<16xf32>
        %sub3A_667 = arith.subf %sub3A_666, %mul3A_664 : vector<16xf32>
        %mul3A_668 = arith.mulf %bitcast_convert_type3A_662, %sub3A_667 : vector<16xf32>
        %mul3A_669 = arith.mulf %mul3A_656, %mul3A_668 : vector<16xf32>
        %mul3A_670 = arith.mulf %mul3A_669, %mul3A_668 : vector<16xf32>
        %sub3A_671 = arith.constant 1.500000e+00 : f32
        %sub3A_672 = vector.broadcast %sub3A_671 : f32 to vector<16xf32>
        %sub3A_673 = arith.subf %sub3A_672, %mul3A_670 : vector<16xf32>
        %mul3A_674 = arith.mulf %mul3A_668, %sub3A_673 : vector<16xf32>
        %mul3A_675 = arith.mulf %add3A_651, %mul3A_674 : vector<16xf32>
        %sub3A_676 = arith.constant 1.000000e+00 : f32
        %sub3A_677 = vector.broadcast %sub3A_676 : f32 to vector<16xf32>
        %sub3A_678 = arith.subf %mul3A_675, %sub3A_677 : vector<16xf32>
        %mul3A_679 = arith.mulf %sub3A_678, %sub3A_678 : vector<16xf32>
        %add3A_680 = arith.addf %scan3A_621, %mul3A_679 : vector<16xf32>
        %mul3A_681 = arith.constant 1.000000e+00 : f32
        %mul3A_682 = vector.broadcast %mul3A_681 : f32 to vector<16xf32>
        %mul3A_683 = arith.mulf %mul3A_682, %sub3A_678 : vector<16xf32>
        %mul3A_684 = arith.mulf %mul3A_683, %mul3A_674 : vector<16xf32>
        %mul3A_685 = arith.mulf %mul3A_684, %sub3A : vector<16xf32>
        %mul3A_686 = arith.mulf %mul3A_684, %sub3A_639 : vector<16xf32>
        %mul3A_687 = arith.mulf %mul3A_684, %sub3A_646 : vector<16xf32>
        %swap3A_688 = arith.index_cast %add3A_627 : i32 to index
        %swap3A_689 = tpu.vector_load %arg27[%swap3A_688] {strides = array<i32>} : memref<4000xf32, #tpu.memory_space<vmem>>, vector<16xf32>,
        %swap3A_690 = vector.shape_cast %swap3A_689 : vector<16xf32> to vector<16xf32>
        %swap3A_691 = vector.shape_cast %mul3A_685 : vector<16xf32> to vector<16xf32>
        tpu.vector_store %arg27[%swap3A_688], %swap3A_691 {strides = array<i32>} : memref<4000xf32, #tpu.memory_space<vmem>>, vector<16xf32>,
        %swap3A_692 = arith.index_cast %add3A_627 : i32 to index
        %swap3A_693 = tpu.vector_load %arg28[%swap3A_692] {strides = array<i32>} : memref<4000xf32, #tpu.memory_space<vmem>>, vector<16xf32>,
        %swap3A_694 = vector.shape_cast %swap3A_693 : vector<16xf32> to vector<16xf32>
        %swap3A_695 = vector.shape_cast %mul3A_686 : vector<16xf32> to vector<16xf32>
        tpu.vector_store %arg28[%swap3A_692], %swap3A_695 {strides = array<i32>} : memref<4000xf32, #tpu.memory_space<vmem>>, vector<16xf32>,
        %swap3A_696 = arith.index_cast %add3A_627 : i32 to index
        %swap3A_697 = tpu.vector_load %arg29[%swap3A_696] {strides = array<i32>} : memref<4000xf32, #tpu.memory_space<vmem>>, vector<16xf32>,
        %swap3A_698 = vector.shape_cast %swap3A_697 : vector<16xf32> to vector<16xf32>
        %swap3A_699 = vector.shape_cast %mul3A_687 : vector<16xf32> to vector<16xf32>
        tpu.vector_store %arg29[%swap3A_696], %swap3A_699 {strides = array<i32>} : memref<4000xf32, #tpu.memory_space<vmem>>, vector<16xf32>,
        %neg3A = arith.constant 0.000000e+00 : f32
        %neg3A_700 = vector.broadcast %neg3A : f32 to vector<16xf32>
        %neg3A_701 = arith.subf %neg3A_700, %mul3A_685 : vector<16xf32>
        %swap3A_702 = arith.index_cast %mul3A_623 : i32 to index
        %swap3A_703 = tpu.vector_load %arg27[%swap3A_702] {strides = array<i32>} : memref<4000xf32, #tpu.memory_space<vmem>>, vector<16xf32>,
        %swap3A_704 = vector.shape_cast %swap3A_703 : vector<16xf32> to vector<16xf32>
        %swap3A_705 = vector.shape_cast %neg3A_701 : vector<16xf32> to vector<16xf32>
        tpu.vector_store %arg27[%swap3A_702], %swap3A_705 {strides = array<i32>} : memref<4000xf32, #tpu.memory_space<vmem>>, vector<16xf32>,
        %neg3A_706 = arith.constant 0.000000e+00 : f32
        %neg3A_707 = vector.broadcast %neg3A_706 : f32 to vector<16xf32>
        %neg3A_708 = arith.subf %neg3A_707, %mul3A_686 : vector<16xf32>
        %swap3A_709 = arith.index_cast %mul3A_623 : i32 to index
        %swap3A_710 = tpu.vector_load %arg28[%swap3A_709] {strides = array<i32>} : memref<4000xf32, #tpu.memory_space<vmem>>, vector<16xf32>,
        %swap3A_711 = vector.shape_cast %swap3A_710 : vector<16xf32> to vector<16xf32>
        %swap3A_712 = vector.shape_cast %neg3A_708 : vector<16xf32> to vector<16xf32>
        tpu.vector_store %arg28[%swap3A_709], %swap3A_712 {strides = array<i32>} : memref<4000xf32, #tpu.memory_space<vmem>>, vector<16xf32>,
        %neg3A_713 = arith.constant 0.000000e+00 : f32
        %neg3A_714 = vector.broadcast %neg3A_713 : f32 to vector<16xf32>
        %neg3A_715 = arith.subf %neg3A_714, %mul3A_687 : vector<16xf32>
        %swap3A_716 = arith.index_cast %mul3A_623 : i32 to index
        %swap3A_717 = tpu.vector_load %arg29[%swap3A_716] {strides = array<i32>} : memref<4000xf32, #tpu.memory_space<vmem>>, vector<16xf32>,
        %swap3A_718 = vector.shape_cast %swap3A_717 : vector<16xf32> to vector<16xf32>
        %swap3A_719 = vector.shape_cast %neg3A_715 : vector<16xf32> to vector<16xf32>
        tpu.vector_store %arg29[%swap3A_716], %swap3A_719 {strides = array<i32>} : memref<4000xf32, #tpu.memory_space<vmem>>, vector<16xf32>,
        scf.yield %add3A_680 : vector<16xf32>
      }
      %scan3A_443 = arith.constant 125 : i32
      %dma_wait3A_444 = arith.constant 0 : i32
      %dma_wait3A_445 = tpu.memref_slice %arg2[%dma_wait3A_444] : memref<100096xf32, #tpu.memory_space<hbm>> -> memref<4000xf32, #tpu.memory_space<hbm>>
      %dma_wait3A_446 = arith.constant 0 : i32
      %dma_wait3A_447 = tpu.memref_slice %arg2[%dma_wait3A_446] : memref<100096xf32, #tpu.memory_space<hbm>> -> memref<4000xf32, #tpu.memory_space<hbm>>
      tpu.wait_dma2 semaphore(%arg34 : memref<!tpu.dma_semaphore, #tpu.memory_space<semaphore_mem>>) src(%dma_wait3A_447 : memref<4000xf32, #tpu.memory_space<hbm>>) dst(%arg24 : memref<4000xf32, #tpu.memory_space<vmem>>)
      %dma_wait3A_448 = arith.constant 0 : i32
      %dma_wait3A_449 = tpu.memref_slice %arg2[%dma_wait3A_448] : memref<100096xf32, #tpu.memory_space<hbm>> -> memref<4000xf32, #tpu.memory_space<hbm>>
      %dma_wait3A_450 = arith.constant 0 : i32
      %dma_wait3A_451 = tpu.memref_slice %arg2[%dma_wait3A_450] : memref<100096xf32, #tpu.memory_space<hbm>> -> memref<4000xf32, #tpu.memory_space<hbm>>
      tpu.wait_dma2 semaphore(%arg34 : memref<!tpu.dma_semaphore, #tpu.memory_space<semaphore_mem>>) src(%dma_wait3A_451 : memref<4000xf32, #tpu.memory_space<hbm>>) dst(%arg25 : memref<4000xf32, #tpu.memory_space<vmem>>)
      %dma_wait3A_452 = arith.constant 0 : i32
      %dma_wait3A_453 = tpu.memref_slice %arg2[%dma_wait3A_452] : memref<100096xf32, #tpu.memory_space<hbm>> -> memref<4000xf32, #tpu.memory_space<hbm>>
      %dma_wait3A_454 = arith.constant 0 : i32
      %dma_wait3A_455 = tpu.memref_slice %arg2[%dma_wait3A_454] : memref<100096xf32, #tpu.memory_space<hbm>> -> memref<4000xf32, #tpu.memory_space<hbm>>
      tpu.wait_dma2 semaphore(%arg34 : memref<!tpu.dma_semaphore, #tpu.memory_space<semaphore_mem>>) src(%dma_wait3A_455 : memref<4000xf32, #tpu.memory_space<hbm>>) dst(%arg26 : memref<4000xf32, #tpu.memory_space<vmem>>)
      %dma_start3A_456 = arith.constant 0 : i32
      %dma_start3A_457 = tpu.memref_slice %arg11[%dma_start3A_456] : memref<100096xf32, #tpu.memory_space<vmem_shared>> -> memref<100096xf32, #tpu.memory_space<vmem_shared>>
      tpu.enqueue_indirect_dma source(%arg27 : memref<4000xf32, #tpu.memory_space<vmem>>) target(%dma_start3A_457 : memref<100096xf32, #tpu.memory_space<vmem_shared>>) offsets(%arg17 : memref<4000xi32, #tpu.memory_space<vmem>>) semaphore(%arg34 : memref<!tpu.dma_semaphore, #tpu.memory_space<semaphore_mem>>) {add = true}
      %dma_start3A_458 = arith.constant 0 : i32
      %dma_start3A_459 = tpu.memref_slice %arg12[%dma_start3A_458] : memref<100096xf32, #tpu.memory_space<vmem_shared>> -> memref<100096xf32, #tpu.memory_space<vmem_shared>>
      tpu.enqueue_indirect_dma source(%arg28 : memref<4000xf32, #tpu.memory_space<vmem>>) target(%dma_start3A_459 : memref<100096xf32, #tpu.memory_space<vmem_shared>>) offsets(%arg17 : memref<4000xi32, #tpu.memory_space<vmem>>) semaphore(%arg34 : memref<!tpu.dma_semaphore, #tpu.memory_space<semaphore_mem>>) {add = true}
      %dma_start3A_460 = arith.constant 0 : i32
      %dma_start3A_461 = tpu.memref_slice %arg13[%dma_start3A_460] : memref<100096xf32, #tpu.memory_space<vmem_shared>> -> memref<100096xf32, #tpu.memory_space<vmem_shared>>
      tpu.enqueue_indirect_dma source(%arg29 : memref<4000xf32, #tpu.memory_space<vmem>>) target(%dma_start3A_461 : memref<100096xf32, #tpu.memory_space<vmem_shared>>) offsets(%arg17 : memref<4000xi32, #tpu.memory_space<vmem>>) semaphore(%arg34 : memref<!tpu.dma_semaphore, #tpu.memory_space<semaphore_mem>>) {add = true}
      %add3A_462 = arith.constant 2 : i32
      %add3A_463 = arith.addi %add3A_303, %add3A_462 : i32
      %dma_wait3A_464 = arith.constant 0 : i32
      %dma_wait3A_465 = tpu.memref_slice %arg2[%dma_wait3A_464] : memref<100096xf32, #tpu.memory_space<hbm>> -> memref<4000xf32, #tpu.memory_space<hbm>>
      %dma_wait3A_466 = arith.constant 0 : i32
      %dma_wait3A_467 = tpu.memref_slice %arg2[%dma_wait3A_466] : memref<100096xf32, #tpu.memory_space<hbm>> -> memref<4000xf32, #tpu.memory_space<hbm>>
      tpu.wait_dma2 semaphore(%arg33 : memref<!tpu.dma_semaphore, #tpu.memory_space<semaphore_mem>>) src(%dma_wait3A_467 : memref<4000xf32, #tpu.memory_space<hbm>>) dst(%arg18 : memref<4000xf32, #tpu.memory_space<vmem>>)
      %dma_wait3A_468 = arith.constant 0 : i32
      %dma_wait3A_469 = tpu.memref_slice %arg2[%dma_wait3A_468] : memref<100096xf32, #tpu.memory_space<hbm>> -> memref<4000xf32, #tpu.memory_space<hbm>>
      %dma_wait3A_470 = arith.constant 0 : i32
      %dma_wait3A_471 = tpu.memref_slice %arg2[%dma_wait3A_470] : memref<100096xf32, #tpu.memory_space<hbm>> -> memref<4000xf32, #tpu.memory_space<hbm>>
      tpu.wait_dma2 semaphore(%arg33 : memref<!tpu.dma_semaphore, #tpu.memory_space<semaphore_mem>>) src(%dma_wait3A_471 : memref<4000xf32, #tpu.memory_space<hbm>>) dst(%arg19 : memref<4000xf32, #tpu.memory_space<vmem>>)
      %dma_wait3A_472 = arith.constant 0 : i32
      %dma_wait3A_473 = tpu.memref_slice %arg2[%dma_wait3A_472] : memref<100096xf32, #tpu.memory_space<hbm>> -> memref<4000xf32, #tpu.memory_space<hbm>>
      %dma_wait3A_474 = arith.constant 0 : i32
      %dma_wait3A_475 = tpu.memref_slice %arg2[%dma_wait3A_474] : memref<100096xf32, #tpu.memory_space<hbm>> -> memref<4000xf32, #tpu.memory_space<hbm>>
      tpu.wait_dma2 semaphore(%arg33 : memref<!tpu.dma_semaphore, #tpu.memory_space<semaphore_mem>>) src(%dma_wait3A_475 : memref<4000xf32, #tpu.memory_space<hbm>>) dst(%arg20 : memref<4000xf32, #tpu.memory_space<vmem>>)
      %dma_wait3A_476 = arith.constant 0 : i32
      %dma_wait3A_477 = tpu.memref_slice %arg15[%dma_wait3A_476] : memref<4000xi32, #tpu.memory_space<vmem>> -> memref<2000xi32, #tpu.memory_space<vmem>>
      %dma_wait3A_478 = arith.constant 0 : i32
      %dma_wait3A_479 = tpu.memref_slice %arg5[%dma_wait3A_478] : memref<12800000xi32, #tpu.memory_space<hbm>> -> memref<2000xi32, #tpu.memory_space<hbm>>
      %dma_wait3A_480 = arith.constant 0 : i32
      %dma_wait3A_481 = tpu.memref_slice %arg15[%dma_wait3A_480] : memref<4000xi32, #tpu.memory_space<vmem>> -> memref<2000xi32, #tpu.memory_space<vmem>>
      %dma_wait3A_482 = arith.constant 0 : i32
      %dma_wait3A_483 = tpu.memref_slice %arg5[%dma_wait3A_482] : memref<12800000xi32, #tpu.memory_space<hbm>> -> memref<2000xi32, #tpu.memory_space<hbm>>
      tpu.wait_dma2 semaphore(%arg32 : memref<!tpu.dma_semaphore, #tpu.memory_space<semaphore_mem>>) src(%dma_wait3A_483 : memref<2000xi32, #tpu.memory_space<hbm>>) dst(%dma_wait3A_481 : memref<2000xi32, #tpu.memory_space<vmem>>)
      %dma_wait3A_484 = arith.constant 2000 : i32
      %dma_wait3A_485 = tpu.memref_slice %arg15[%dma_wait3A_484] : memref<4000xi32, #tpu.memory_space<vmem>> -> memref<2000xi32, #tpu.memory_space<vmem>>
      %dma_wait3A_486 = arith.constant 0 : i32
      %dma_wait3A_487 = tpu.memref_slice %arg5[%dma_wait3A_486] : memref<12800000xi32, #tpu.memory_space<hbm>> -> memref<2000xi32, #tpu.memory_space<hbm>>
      %dma_wait3A_488 = arith.constant 2000 : i32
      %dma_wait3A_489 = tpu.memref_slice %arg15[%dma_wait3A_488] : memref<4000xi32, #tpu.memory_space<vmem>> -> memref<2000xi32, #tpu.memory_space<vmem>>
      %dma_wait3A_490 = arith.constant 0 : i32
      %dma_wait3A_491 = tpu.memref_slice %arg5[%dma_wait3A_490] : memref<12800000xi32, #tpu.memory_space<hbm>> -> memref<2000xi32, #tpu.memory_space<hbm>>
      tpu.wait_dma2 semaphore(%arg32 : memref<!tpu.dma_semaphore, #tpu.memory_space<semaphore_mem>>) src(%dma_wait3A_491 : memref<2000xi32, #tpu.memory_space<hbm>>) dst(%dma_wait3A_489 : memref<2000xi32, #tpu.memory_space<vmem>>)
      %dma_start3A_492 = arith.constant 0 : i32
      %dma_start3A_493 = tpu.memref_slice %arg8[%dma_start3A_492] : memref<100096xf32, #tpu.memory_space<vmem_shared>> -> memref<100096xf32, #tpu.memory_space<vmem_shared>>
      tpu.enqueue_indirect_dma source(%dma_start3A_493 : memref<100096xf32, #tpu.memory_space<vmem_shared>>) target(%arg21 : memref<4000xf32, #tpu.memory_space<vmem>>) offsets(%arg15 : memref<4000xi32, #tpu.memory_space<vmem>>) semaphore(%arg33 : memref<!tpu.dma_semaphore, #tpu.memory_space<semaphore_mem>>)
      %dma_start3A_494 = arith.constant 0 : i32
      %dma_start3A_495 = tpu.memref_slice %arg9[%dma_start3A_494] : memref<100096xf32, #tpu.memory_space<vmem_shared>> -> memref<100096xf32, #tpu.memory_space<vmem_shared>>
      tpu.enqueue_indirect_dma source(%dma_start3A_495 : memref<100096xf32, #tpu.memory_space<vmem_shared>>) target(%arg22 : memref<4000xf32, #tpu.memory_space<vmem>>) offsets(%arg15 : memref<4000xi32, #tpu.memory_space<vmem>>) semaphore(%arg33 : memref<!tpu.dma_semaphore, #tpu.memory_space<semaphore_mem>>)
      %dma_start3A_496 = arith.constant 0 : i32
      %dma_start3A_497 = tpu.memref_slice %arg10[%dma_start3A_496] : memref<100096xf32, #tpu.memory_space<vmem_shared>> -> memref<100096xf32, #tpu.memory_space<vmem_shared>>
      tpu.enqueue_indirect_dma source(%dma_start3A_497 : memref<100096xf32, #tpu.memory_space<vmem_shared>>) target(%arg23 : memref<4000xf32, #tpu.memory_space<vmem>>) offsets(%arg15 : memref<4000xi32, #tpu.memory_space<vmem>>) semaphore(%arg33 : memref<!tpu.dma_semaphore, #tpu.memory_space<semaphore_mem>>)
      %add3A_498 = arith.constant 2 : i32
      %add3A_499 = arith.addi %add3A_463, %add3A_498 : i32
      %mul3A_500 = arith.constant 2000 : i32
      %mul3A_501 = arith.muli %add3A_499, %mul3A_500 : i32
      %add3A_502 = arith.addi %mul3A_10, %mul3A_501 : i32
      %dma_start3A_503 = arith.constant 0 : i32
      %dma_start3A_504 = tpu.memref_slice %arg16[%dma_start3A_503] : memref<4000xi32, #tpu.memory_space<vmem>> -> memref<2000xi32, #tpu.memory_space<vmem>>
      %dma_start3A_505 = tpu.memref_slice %arg5[%add3A_502] : memref<12800000xi32, #tpu.memory_space<hbm>> -> memref<2000xi32, #tpu.memory_space<hbm>>
      %dma_start3A_506 = arith.constant 0 : i32
      %dma_start3A_507 = tpu.memref_slice %arg16[%dma_start3A_506] : memref<4000xi32, #tpu.memory_space<vmem>> -> memref<2000xi32, #tpu.memory_space<vmem>>
      %dma_start3A_508 = tpu.memref_slice %arg5[%add3A_502] : memref<12800000xi32, #tpu.memory_space<hbm>> -> memref<2000xi32, #tpu.memory_space<hbm>>
      tpu.enqueue_dma source(%dma_start3A_508 : memref<2000xi32, #tpu.memory_space<hbm>>) target(%dma_start3A_507 : memref<2000xi32, #tpu.memory_space<vmem>>) target_semaphore(%arg32 : memref<!tpu.dma_semaphore, #tpu.memory_space<semaphore_mem>>)
      %add3A_509 = arith.constant 6400000 : i32
      %add3A_510 = arith.addi %add3A_509, %add3A_502 : i32
      %dma_start3A_511 = arith.constant 2000 : i32
      %dma_start3A_512 = tpu.memref_slice %arg16[%dma_start3A_511] : memref<4000xi32, #tpu.memory_space<vmem>> -> memref<2000xi32, #tpu.memory_space<vmem>>
      %dma_start3A_513 = tpu.memref_slice %arg5[%add3A_510] : memref<12800000xi32, #tpu.memory_space<hbm>> -> memref<2000xi32, #tpu.memory_space<hbm>>
      %dma_start3A_514 = arith.constant 2000 : i32
      %dma_start3A_515 = tpu.memref_slice %arg16[%dma_start3A_514] : memref<4000xi32, #tpu.memory_space<vmem>> -> memref<2000xi32, #tpu.memory_space<vmem>>
      %dma_start3A_516 = tpu.memref_slice %arg5[%add3A_510] : memref<12800000xi32, #tpu.memory_space<hbm>> -> memref<2000xi32, #tpu.memory_space<hbm>>
      tpu.enqueue_dma source(%dma_start3A_516 : memref<2000xi32, #tpu.memory_space<hbm>>) target(%dma_start3A_515 : memref<2000xi32, #tpu.memory_space<vmem>>) target_semaphore(%arg32 : memref<!tpu.dma_semaphore, #tpu.memory_space<semaphore_mem>>)
      %scan3A_517 = arith.constant 0 : i32
      %scan3A_518 = arith.constant 125 : i32
      %scan3A_519 = arith.addi %scan3A_517, %scan3A_518 : i32
      %scan3A_520 = arith.constant 1 : i32
      %scan3A_521 = scf.for %scan3A_620 = %scan3A_517 to %scan3A_519 step %scan3A_520 iter_args(%scan3A_621 = %scan3A_442) -> (vector<16xf32>)  : i32 {
        %mul3A_622 = arith.constant 16 : i32
        %mul3A_623 = arith.muli %scan3A_620, %mul3A_622 : i32
        %mul3A_624 = arith.constant 16 : i32
        %mul3A_625 = arith.muli %scan3A_620, %mul3A_624 : i32
        %add3A_626 = arith.constant 2000 : i32
        %add3A_627 = arith.addi %add3A_626, %mul3A_625 : i32
        %get3A = arith.index_cast %mul3A_623 : i32 to index
        %get3A_628 = tpu.vector_load %arg18[%get3A] {strides = array<i32>} : memref<4000xf32, #tpu.memory_space<vmem>>, vector<16xf32>,
        %get3A_629 = vector.shape_cast %get3A_628 : vector<16xf32> to vector<16xf32>
        %get3A_630 = arith.index_cast %add3A_627 : i32 to index
        %get3A_631 = tpu.vector_load %arg18[%get3A_630] {strides = array<i32>} : memref<4000xf32, #tpu.memory_space<vmem>>, vector<16xf32>,
        %get3A_632 = vector.shape_cast %get3A_631 : vector<16xf32> to vector<16xf32>
        %sub3A = arith.subf %get3A_629, %get3A_632 : vector<16xf32>
        %get3A_633 = arith.index_cast %mul3A_623 : i32 to index
        %get3A_634 = tpu.vector_load %arg19[%get3A_633] {strides = array<i32>} : memref<4000xf32, #tpu.memory_space<vmem>>, vector<16xf32>,
        %get3A_635 = vector.shape_cast %get3A_634 : vector<16xf32> to vector<16xf32>
        %get3A_636 = arith.index_cast %add3A_627 : i32 to index
        %get3A_637 = tpu.vector_load %arg19[%get3A_636] {strides = array<i32>} : memref<4000xf32, #tpu.memory_space<vmem>>, vector<16xf32>,
        %get3A_638 = vector.shape_cast %get3A_637 : vector<16xf32> to vector<16xf32>
        %sub3A_639 = arith.subf %get3A_635, %get3A_638 : vector<16xf32>
        %get3A_640 = arith.index_cast %mul3A_623 : i32 to index
        %get3A_641 = tpu.vector_load %arg20[%get3A_640] {strides = array<i32>} : memref<4000xf32, #tpu.memory_space<vmem>>, vector<16xf32>,
        %get3A_642 = vector.shape_cast %get3A_641 : vector<16xf32> to vector<16xf32>
        %get3A_643 = arith.index_cast %add3A_627 : i32 to index
        %get3A_644 = tpu.vector_load %arg20[%get3A_643] {strides = array<i32>} : memref<4000xf32, #tpu.memory_space<vmem>>, vector<16xf32>,
        %get3A_645 = vector.shape_cast %get3A_644 : vector<16xf32> to vector<16xf32>
        %sub3A_646 = arith.subf %get3A_642, %get3A_645 : vector<16xf32>
        %mul3A_647 = arith.mulf %sub3A, %sub3A : vector<16xf32>
        %mul3A_648 = arith.mulf %sub3A_639, %sub3A_639 : vector<16xf32>
        %add3A_649 = arith.addf %mul3A_647, %mul3A_648 : vector<16xf32>
        %mul3A_650 = arith.mulf %sub3A_646, %sub3A_646 : vector<16xf32>
        %add3A_651 = arith.addf %add3A_649, %mul3A_650 : vector<16xf32>
        %max3A = arith.constant 1.000000e-35 : f32
        %max3A_652 = vector.broadcast %max3A : f32 to vector<16xf32>
        %max3A_653 = arith.maximumf %add3A_651, %max3A_652 : vector<16xf32>
        %mul3A_654 = arith.constant 5.000000e-01 : f32
        %mul3A_655 = vector.broadcast %mul3A_654 : f32 to vector<16xf32>
        %mul3A_656 = arith.mulf %mul3A_655, %max3A_653 : vector<16xf32>
        %bitcast_convert_type3A = tpu.bitcast %max3A_653 : vector<16xf32> -> vector<16xi32>
        %shift_right_arithmetic3A = arith.constant 1 : i32
        %shift_right_arithmetic3A_657 = vector.broadcast %shift_right_arithmetic3A : i32 to vector<16xi32>
        %shift_right_arithmetic3A_658 = arith.shrsi %bitcast_convert_type3A, %shift_right_arithmetic3A_657 : vector<16xi32>
        %sub3A_659 = arith.constant 1597463007 : i32
        %sub3A_660 = vector.broadcast %sub3A_659 : i32 to vector<16xi32>
        %sub3A_661 = arith.subi %sub3A_660, %shift_right_arithmetic3A_658 : vector<16xi32>
        %bitcast_convert_type3A_662 = tpu.bitcast %sub3A_661 : vector<16xi32> -> vector<16xf32>
        %mul3A_663 = arith.mulf %mul3A_656, %bitcast_convert_type3A_662 : vector<16xf32>
        %mul3A_664 = arith.mulf %mul3A_663, %bitcast_convert_type3A_662 : vector<16xf32>
        %sub3A_665 = arith.constant 1.500000e+00 : f32
        %sub3A_666 = vector.broadcast %sub3A_665 : f32 to vector<16xf32>
        %sub3A_667 = arith.subf %sub3A_666, %mul3A_664 : vector<16xf32>
        %mul3A_668 = arith.mulf %bitcast_convert_type3A_662, %sub3A_667 : vector<16xf32>
        %mul3A_669 = arith.mulf %mul3A_656, %mul3A_668 : vector<16xf32>
        %mul3A_670 = arith.mulf %mul3A_669, %mul3A_668 : vector<16xf32>
        %sub3A_671 = arith.constant 1.500000e+00 : f32
        %sub3A_672 = vector.broadcast %sub3A_671 : f32 to vector<16xf32>
        %sub3A_673 = arith.subf %sub3A_672, %mul3A_670 : vector<16xf32>
        %mul3A_674 = arith.mulf %mul3A_668, %sub3A_673 : vector<16xf32>
        %mul3A_675 = arith.mulf %add3A_651, %mul3A_674 : vector<16xf32>
        %sub3A_676 = arith.constant 1.000000e+00 : f32
        %sub3A_677 = vector.broadcast %sub3A_676 : f32 to vector<16xf32>
        %sub3A_678 = arith.subf %mul3A_675, %sub3A_677 : vector<16xf32>
        %mul3A_679 = arith.mulf %sub3A_678, %sub3A_678 : vector<16xf32>
        %add3A_680 = arith.addf %scan3A_621, %mul3A_679 : vector<16xf32>
        %mul3A_681 = arith.constant 1.000000e+00 : f32
        %mul3A_682 = vector.broadcast %mul3A_681 : f32 to vector<16xf32>
        %mul3A_683 = arith.mulf %mul3A_682, %sub3A_678 : vector<16xf32>
        %mul3A_684 = arith.mulf %mul3A_683, %mul3A_674 : vector<16xf32>
        %mul3A_685 = arith.mulf %mul3A_684, %sub3A : vector<16xf32>
        %mul3A_686 = arith.mulf %mul3A_684, %sub3A_639 : vector<16xf32>
        %mul3A_687 = arith.mulf %mul3A_684, %sub3A_646 : vector<16xf32>
        %swap3A_688 = arith.index_cast %add3A_627 : i32 to index
        %swap3A_689 = tpu.vector_load %arg24[%swap3A_688] {strides = array<i32>} : memref<4000xf32, #tpu.memory_space<vmem>>, vector<16xf32>,
        %swap3A_690 = vector.shape_cast %swap3A_689 : vector<16xf32> to vector<16xf32>
        %swap3A_691 = vector.shape_cast %mul3A_685 : vector<16xf32> to vector<16xf32>
        tpu.vector_store %arg24[%swap3A_688], %swap3A_691 {strides = array<i32>} : memref<4000xf32, #tpu.memory_space<vmem>>, vector<16xf32>,
        %swap3A_692 = arith.index_cast %add3A_627 : i32 to index
        %swap3A_693 = tpu.vector_load %arg25[%swap3A_692] {strides = array<i32>} : memref<4000xf32, #tpu.memory_space<vmem>>, vector<16xf32>,
        %swap3A_694 = vector.shape_cast %swap3A_693 : vector<16xf32> to vector<16xf32>
        %swap3A_695 = vector.shape_cast %mul3A_686 : vector<16xf32> to vector<16xf32>
        tpu.vector_store %arg25[%swap3A_692], %swap3A_695 {strides = array<i32>} : memref<4000xf32, #tpu.memory_space<vmem>>, vector<16xf32>,
        %swap3A_696 = arith.index_cast %add3A_627 : i32 to index
        %swap3A_697 = tpu.vector_load %arg26[%swap3A_696] {strides = array<i32>} : memref<4000xf32, #tpu.memory_space<vmem>>, vector<16xf32>,
        %swap3A_698 = vector.shape_cast %swap3A_697 : vector<16xf32> to vector<16xf32>
        %swap3A_699 = vector.shape_cast %mul3A_687 : vector<16xf32> to vector<16xf32>
        tpu.vector_store %arg26[%swap3A_696], %swap3A_699 {strides = array<i32>} : memref<4000xf32, #tpu.memory_space<vmem>>, vector<16xf32>,
        %neg3A = arith.constant 0.000000e+00 : f32
        %neg3A_700 = vector.broadcast %neg3A : f32 to vector<16xf32>
        %neg3A_701 = arith.subf %neg3A_700, %mul3A_685 : vector<16xf32>
        %swap3A_702 = arith.index_cast %mul3A_623 : i32 to index
        %swap3A_703 = tpu.vector_load %arg24[%swap3A_702] {strides = array<i32>} : memref<4000xf32, #tpu.memory_space<vmem>>, vector<16xf32>,
        %swap3A_704 = vector.shape_cast %swap3A_703 : vector<16xf32> to vector<16xf32>
        %swap3A_705 = vector.shape_cast %neg3A_701 : vector<16xf32> to vector<16xf32>
        tpu.vector_store %arg24[%swap3A_702], %swap3A_705 {strides = array<i32>} : memref<4000xf32, #tpu.memory_space<vmem>>, vector<16xf32>,
        %neg3A_706 = arith.constant 0.000000e+00 : f32
        %neg3A_707 = vector.broadcast %neg3A_706 : f32 to vector<16xf32>
        %neg3A_708 = arith.subf %neg3A_707, %mul3A_686 : vector<16xf32>
        %swap3A_709 = arith.index_cast %mul3A_623 : i32 to index
        %swap3A_710 = tpu.vector_load %arg25[%swap3A_709] {strides = array<i32>} : memref<4000xf32, #tpu.memory_space<vmem>>, vector<16xf32>,
        %swap3A_711 = vector.shape_cast %swap3A_710 : vector<16xf32> to vector<16xf32>
        %swap3A_712 = vector.shape_cast %neg3A_708 : vector<16xf32> to vector<16xf32>
        tpu.vector_store %arg25[%swap3A_709], %swap3A_712 {strides = array<i32>} : memref<4000xf32, #tpu.memory_space<vmem>>, vector<16xf32>,
        %neg3A_713 = arith.constant 0.000000e+00 : f32
        %neg3A_714 = vector.broadcast %neg3A_713 : f32 to vector<16xf32>
        %neg3A_715 = arith.subf %neg3A_714, %mul3A_687 : vector<16xf32>
        %swap3A_716 = arith.index_cast %mul3A_623 : i32 to index
        %swap3A_717 = tpu.vector_load %arg26[%swap3A_716] {strides = array<i32>} : memref<4000xf32, #tpu.memory_space<vmem>>, vector<16xf32>,
        %swap3A_718 = vector.shape_cast %swap3A_717 : vector<16xf32> to vector<16xf32>
        %swap3A_719 = vector.shape_cast %neg3A_715 : vector<16xf32> to vector<16xf32>
        tpu.vector_store %arg26[%swap3A_716], %swap3A_719 {strides = array<i32>} : memref<4000xf32, #tpu.memory_space<vmem>>, vector<16xf32>,
        scf.yield %add3A_680 : vector<16xf32>
      }
      %scan3A_522 = arith.constant 125 : i32
      %dma_wait3A_523 = arith.constant 0 : i32
      %dma_wait3A_524 = tpu.memref_slice %arg2[%dma_wait3A_523] : memref<100096xf32, #tpu.memory_space<hbm>> -> memref<4000xf32, #tpu.memory_space<hbm>>
      %dma_wait3A_525 = arith.constant 0 : i32
      %dma_wait3A_526 = tpu.memref_slice %arg2[%dma_wait3A_525] : memref<100096xf32, #tpu.memory_space<hbm>> -> memref<4000xf32, #tpu.memory_space<hbm>>
      tpu.wait_dma2 semaphore(%arg34 : memref<!tpu.dma_semaphore, #tpu.memory_space<semaphore_mem>>) src(%dma_wait3A_526 : memref<4000xf32, #tpu.memory_space<hbm>>) dst(%arg27 : memref<4000xf32, #tpu.memory_space<vmem>>)
      %dma_wait3A_527 = arith.constant 0 : i32
      %dma_wait3A_528 = tpu.memref_slice %arg2[%dma_wait3A_527] : memref<100096xf32, #tpu.memory_space<hbm>> -> memref<4000xf32, #tpu.memory_space<hbm>>
      %dma_wait3A_529 = arith.constant 0 : i32
      %dma_wait3A_530 = tpu.memref_slice %arg2[%dma_wait3A_529] : memref<100096xf32, #tpu.memory_space<hbm>> -> memref<4000xf32, #tpu.memory_space<hbm>>
      tpu.wait_dma2 semaphore(%arg34 : memref<!tpu.dma_semaphore, #tpu.memory_space<semaphore_mem>>) src(%dma_wait3A_530 : memref<4000xf32, #tpu.memory_space<hbm>>) dst(%arg28 : memref<4000xf32, #tpu.memory_space<vmem>>)
      %dma_wait3A_531 = arith.constant 0 : i32
      %dma_wait3A_532 = tpu.memref_slice %arg2[%dma_wait3A_531] : memref<100096xf32, #tpu.memory_space<hbm>> -> memref<4000xf32, #tpu.memory_space<hbm>>
      %dma_wait3A_533 = arith.constant 0 : i32
      %dma_wait3A_534 = tpu.memref_slice %arg2[%dma_wait3A_533] : memref<100096xf32, #tpu.memory_space<hbm>> -> memref<4000xf32, #tpu.memory_space<hbm>>
      tpu.wait_dma2 semaphore(%arg34 : memref<!tpu.dma_semaphore, #tpu.memory_space<semaphore_mem>>) src(%dma_wait3A_534 : memref<4000xf32, #tpu.memory_space<hbm>>) dst(%arg29 : memref<4000xf32, #tpu.memory_space<vmem>>)
      %dma_start3A_535 = arith.constant 0 : i32
      %dma_start3A_536 = tpu.memref_slice %arg11[%dma_start3A_535] : memref<100096xf32, #tpu.memory_space<vmem_shared>> -> memref<100096xf32, #tpu.memory_space<vmem_shared>>
      tpu.enqueue_indirect_dma source(%arg24 : memref<4000xf32, #tpu.memory_space<vmem>>) target(%dma_start3A_536 : memref<100096xf32, #tpu.memory_space<vmem_shared>>) offsets(%arg14 : memref<4000xi32, #tpu.memory_space<vmem>>) semaphore(%arg34 : memref<!tpu.dma_semaphore, #tpu.memory_space<semaphore_mem>>) {add = true}
      %dma_start3A_537 = arith.constant 0 : i32
      %dma_start3A_538 = tpu.memref_slice %arg12[%dma_start3A_537] : memref<100096xf32, #tpu.memory_space<vmem_shared>> -> memref<100096xf32, #tpu.memory_space<vmem_shared>>
      tpu.enqueue_indirect_dma source(%arg25 : memref<4000xf32, #tpu.memory_space<vmem>>) target(%dma_start3A_538 : memref<100096xf32, #tpu.memory_space<vmem_shared>>) offsets(%arg14 : memref<4000xi32, #tpu.memory_space<vmem>>) semaphore(%arg34 : memref<!tpu.dma_semaphore, #tpu.memory_space<semaphore_mem>>) {add = true}
      %dma_start3A_539 = arith.constant 0 : i32
      %dma_start3A_540 = tpu.memref_slice %arg13[%dma_start3A_539] : memref<100096xf32, #tpu.memory_space<vmem_shared>> -> memref<100096xf32, #tpu.memory_space<vmem_shared>>
      tpu.enqueue_indirect_dma source(%arg26 : memref<4000xf32, #tpu.memory_space<vmem>>) target(%dma_start3A_540 : memref<100096xf32, #tpu.memory_space<vmem_shared>>) offsets(%arg14 : memref<4000xi32, #tpu.memory_space<vmem>>) semaphore(%arg34 : memref<!tpu.dma_semaphore, #tpu.memory_space<semaphore_mem>>) {add = true}
      %add3A_541 = arith.constant 3 : i32
      %add3A_542 = arith.addi %add3A_303, %add3A_541 : i32
      %dma_wait3A_543 = arith.constant 0 : i32
      %dma_wait3A_544 = tpu.memref_slice %arg2[%dma_wait3A_543] : memref<100096xf32, #tpu.memory_space<hbm>> -> memref<4000xf32, #tpu.memory_space<hbm>>
      %dma_wait3A_545 = arith.constant 0 : i32
      %dma_wait3A_546 = tpu.memref_slice %arg2[%dma_wait3A_545] : memref<100096xf32, #tpu.memory_space<hbm>> -> memref<4000xf32, #tpu.memory_space<hbm>>
      tpu.wait_dma2 semaphore(%arg33 : memref<!tpu.dma_semaphore, #tpu.memory_space<semaphore_mem>>) src(%dma_wait3A_546 : memref<4000xf32, #tpu.memory_space<hbm>>) dst(%arg21 : memref<4000xf32, #tpu.memory_space<vmem>>)
      %dma_wait3A_547 = arith.constant 0 : i32
      %dma_wait3A_548 = tpu.memref_slice %arg2[%dma_wait3A_547] : memref<100096xf32, #tpu.memory_space<hbm>> -> memref<4000xf32, #tpu.memory_space<hbm>>
      %dma_wait3A_549 = arith.constant 0 : i32
      %dma_wait3A_550 = tpu.memref_slice %arg2[%dma_wait3A_549] : memref<100096xf32, #tpu.memory_space<hbm>> -> memref<4000xf32, #tpu.memory_space<hbm>>
      tpu.wait_dma2 semaphore(%arg33 : memref<!tpu.dma_semaphore, #tpu.memory_space<semaphore_mem>>) src(%dma_wait3A_550 : memref<4000xf32, #tpu.memory_space<hbm>>) dst(%arg22 : memref<4000xf32, #tpu.memory_space<vmem>>)
      %dma_wait3A_551 = arith.constant 0 : i32
      %dma_wait3A_552 = tpu.memref_slice %arg2[%dma_wait3A_551] : memref<100096xf32, #tpu.memory_space<hbm>> -> memref<4000xf32, #tpu.memory_space<hbm>>
      %dma_wait3A_553 = arith.constant 0 : i32
      %dma_wait3A_554 = tpu.memref_slice %arg2[%dma_wait3A_553] : memref<100096xf32, #tpu.memory_space<hbm>> -> memref<4000xf32, #tpu.memory_space<hbm>>
      tpu.wait_dma2 semaphore(%arg33 : memref<!tpu.dma_semaphore, #tpu.memory_space<semaphore_mem>>) src(%dma_wait3A_554 : memref<4000xf32, #tpu.memory_space<hbm>>) dst(%arg23 : memref<4000xf32, #tpu.memory_space<vmem>>)
      %dma_wait3A_555 = arith.constant 0 : i32
      %dma_wait3A_556 = tpu.memref_slice %arg16[%dma_wait3A_555] : memref<4000xi32, #tpu.memory_space<vmem>> -> memref<2000xi32, #tpu.memory_space<vmem>>
      %dma_wait3A_557 = arith.constant 0 : i32
      %dma_wait3A_558 = tpu.memref_slice %arg5[%dma_wait3A_557] : memref<12800000xi32, #tpu.memory_space<hbm>> -> memref<2000xi32, #tpu.memory_space<hbm>>
      %dma_wait3A_559 = arith.constant 0 : i32
      %dma_wait3A_560 = tpu.memref_slice %arg16[%dma_wait3A_559] : memref<4000xi32, #tpu.memory_space<vmem>> -> memref<2000xi32, #tpu.memory_space<vmem>>
      %dma_wait3A_561 = arith.constant 0 : i32
      %dma_wait3A_562 = tpu.memref_slice %arg5[%dma_wait3A_561] : memref<12800000xi32, #tpu.memory_space<hbm>> -> memref<2000xi32, #tpu.memory_space<hbm>>
      tpu.wait_dma2 semaphore(%arg32 : memref<!tpu.dma_semaphore, #tpu.memory_space<semaphore_mem>>) src(%dma_wait3A_562 : memref<2000xi32, #tpu.memory_space<hbm>>) dst(%dma_wait3A_560 : memref<2000xi32, #tpu.memory_space<vmem>>)
      %dma_wait3A_563 = arith.constant 2000 : i32
      %dma_wait3A_564 = tpu.memref_slice %arg16[%dma_wait3A_563] : memref<4000xi32, #tpu.memory_space<vmem>> -> memref<2000xi32, #tpu.memory_space<vmem>>
      %dma_wait3A_565 = arith.constant 0 : i32
      %dma_wait3A_566 = tpu.memref_slice %arg5[%dma_wait3A_565] : memref<12800000xi32, #tpu.memory_space<hbm>> -> memref<2000xi32, #tpu.memory_space<hbm>>
      %dma_wait3A_567 = arith.constant 2000 : i32
      %dma_wait3A_568 = tpu.memref_slice %arg16[%dma_wait3A_567] : memref<4000xi32, #tpu.memory_space<vmem>> -> memref<2000xi32, #tpu.memory_space<vmem>>
      %dma_wait3A_569 = arith.constant 0 : i32
      %dma_wait3A_570 = tpu.memref_slice %arg5[%dma_wait3A_569] : memref<12800000xi32, #tpu.memory_space<hbm>> -> memref<2000xi32, #tpu.memory_space<hbm>>
      tpu.wait_dma2 semaphore(%arg32 : memref<!tpu.dma_semaphore, #tpu.memory_space<semaphore_mem>>) src(%dma_wait3A_570 : memref<2000xi32, #tpu.memory_space<hbm>>) dst(%dma_wait3A_568 : memref<2000xi32, #tpu.memory_space<vmem>>)
      %dma_start3A_571 = arith.constant 0 : i32
      %dma_start3A_572 = tpu.memref_slice %arg8[%dma_start3A_571] : memref<100096xf32, #tpu.memory_space<vmem_shared>> -> memref<100096xf32, #tpu.memory_space<vmem_shared>>
      tpu.enqueue_indirect_dma source(%dma_start3A_572 : memref<100096xf32, #tpu.memory_space<vmem_shared>>) target(%arg18 : memref<4000xf32, #tpu.memory_space<vmem>>) offsets(%arg16 : memref<4000xi32, #tpu.memory_space<vmem>>) semaphore(%arg33 : memref<!tpu.dma_semaphore, #tpu.memory_space<semaphore_mem>>)
      %dma_start3A_573 = arith.constant 0 : i32
      %dma_start3A_574 = tpu.memref_slice %arg9[%dma_start3A_573] : memref<100096xf32, #tpu.memory_space<vmem_shared>> -> memref<100096xf32, #tpu.memory_space<vmem_shared>>
      tpu.enqueue_indirect_dma source(%dma_start3A_574 : memref<100096xf32, #tpu.memory_space<vmem_shared>>) target(%arg19 : memref<4000xf32, #tpu.memory_space<vmem>>) offsets(%arg16 : memref<4000xi32, #tpu.memory_space<vmem>>) semaphore(%arg33 : memref<!tpu.dma_semaphore, #tpu.memory_space<semaphore_mem>>)
      %dma_start3A_575 = arith.constant 0 : i32
      %dma_start3A_576 = tpu.memref_slice %arg10[%dma_start3A_575] : memref<100096xf32, #tpu.memory_space<vmem_shared>> -> memref<100096xf32, #tpu.memory_space<vmem_shared>>
      tpu.enqueue_indirect_dma source(%dma_start3A_576 : memref<100096xf32, #tpu.memory_space<vmem_shared>>) target(%arg20 : memref<4000xf32, #tpu.memory_space<vmem>>) offsets(%arg16 : memref<4000xi32, #tpu.memory_space<vmem>>) semaphore(%arg33 : memref<!tpu.dma_semaphore, #tpu.memory_space<semaphore_mem>>)
      %add3A_577 = arith.constant 2 : i32
      %add3A_578 = arith.addi %add3A_542, %add3A_577 : i32
      %mul3A_579 = arith.constant 2000 : i32
      %mul3A_580 = arith.muli %add3A_578, %mul3A_579 : i32
      %add3A_581 = arith.addi %mul3A_10, %mul3A_580 : i32
      %dma_start3A_582 = arith.constant 0 : i32
      %dma_start3A_583 = tpu.memref_slice %arg17[%dma_start3A_582] : memref<4000xi32, #tpu.memory_space<vmem>> -> memref<2000xi32, #tpu.memory_space<vmem>>
      %dma_start3A_584 = tpu.memref_slice %arg5[%add3A_581] : memref<12800000xi32, #tpu.memory_space<hbm>> -> memref<2000xi32, #tpu.memory_space<hbm>>
      %dma_start3A_585 = arith.constant 0 : i32
      %dma_start3A_586 = tpu.memref_slice %arg17[%dma_start3A_585] : memref<4000xi32, #tpu.memory_space<vmem>> -> memref<2000xi32, #tpu.memory_space<vmem>>
      %dma_start3A_587 = tpu.memref_slice %arg5[%add3A_581] : memref<12800000xi32, #tpu.memory_space<hbm>> -> memref<2000xi32, #tpu.memory_space<hbm>>
      tpu.enqueue_dma source(%dma_start3A_587 : memref<2000xi32, #tpu.memory_space<hbm>>) target(%dma_start3A_586 : memref<2000xi32, #tpu.memory_space<vmem>>) target_semaphore(%arg32 : memref<!tpu.dma_semaphore, #tpu.memory_space<semaphore_mem>>)
      %add3A_588 = arith.constant 6400000 : i32
      %add3A_589 = arith.addi %add3A_588, %add3A_581 : i32
      %dma_start3A_590 = arith.constant 2000 : i32
      %dma_start3A_591 = tpu.memref_slice %arg17[%dma_start3A_590] : memref<4000xi32, #tpu.memory_space<vmem>> -> memref<2000xi32, #tpu.memory_space<vmem>>
      %dma_start3A_592 = tpu.memref_slice %arg5[%add3A_589] : memref<12800000xi32, #tpu.memory_space<hbm>> -> memref<2000xi32, #tpu.memory_space<hbm>>
      %dma_start3A_593 = arith.constant 2000 : i32
      %dma_start3A_594 = tpu.memref_slice %arg17[%dma_start3A_593] : memref<4000xi32, #tpu.memory_space<vmem>> -> memref<2000xi32, #tpu.memory_space<vmem>>
      %dma_start3A_595 = tpu.memref_slice %arg5[%add3A_589] : memref<12800000xi32, #tpu.memory_space<hbm>> -> memref<2000xi32, #tpu.memory_space<hbm>>
      tpu.enqueue_dma source(%dma_start3A_595 : memref<2000xi32, #tpu.memory_space<hbm>>) target(%dma_start3A_594 : memref<2000xi32, #tpu.memory_space<vmem>>) target_semaphore(%arg32 : memref<!tpu.dma_semaphore, #tpu.memory_space<semaphore_mem>>)
      %scan3A_596 = arith.constant 0 : i32
      %scan3A_597 = arith.constant 125 : i32
      %scan3A_598 = arith.addi %scan3A_596, %scan3A_597 : i32
      %scan3A_599 = arith.constant 1 : i32
      %scan3A_600 = scf.for %scan3A_620 = %scan3A_596 to %scan3A_598 step %scan3A_599 iter_args(%scan3A_621 = %scan3A_521) -> (vector<16xf32>)  : i32 {
        %mul3A_622 = arith.constant 16 : i32
        %mul3A_623 = arith.muli %scan3A_620, %mul3A_622 : i32
        %mul3A_624 = arith.constant 16 : i32
        %mul3A_625 = arith.muli %scan3A_620, %mul3A_624 : i32
        %add3A_626 = arith.constant 2000 : i32
        %add3A_627 = arith.addi %add3A_626, %mul3A_625 : i32
        %get3A = arith.index_cast %mul3A_623 : i32 to index
        %get3A_628 = tpu.vector_load %arg21[%get3A] {strides = array<i32>} : memref<4000xf32, #tpu.memory_space<vmem>>, vector<16xf32>,
        %get3A_629 = vector.shape_cast %get3A_628 : vector<16xf32> to vector<16xf32>
        %get3A_630 = arith.index_cast %add3A_627 : i32 to index
        %get3A_631 = tpu.vector_load %arg21[%get3A_630] {strides = array<i32>} : memref<4000xf32, #tpu.memory_space<vmem>>, vector<16xf32>,
        %get3A_632 = vector.shape_cast %get3A_631 : vector<16xf32> to vector<16xf32>
        %sub3A = arith.subf %get3A_629, %get3A_632 : vector<16xf32>
        %get3A_633 = arith.index_cast %mul3A_623 : i32 to index
        %get3A_634 = tpu.vector_load %arg22[%get3A_633] {strides = array<i32>} : memref<4000xf32, #tpu.memory_space<vmem>>, vector<16xf32>,
        %get3A_635 = vector.shape_cast %get3A_634 : vector<16xf32> to vector<16xf32>
        %get3A_636 = arith.index_cast %add3A_627 : i32 to index
        %get3A_637 = tpu.vector_load %arg22[%get3A_636] {strides = array<i32>} : memref<4000xf32, #tpu.memory_space<vmem>>, vector<16xf32>,
        %get3A_638 = vector.shape_cast %get3A_637 : vector<16xf32> to vector<16xf32>
        %sub3A_639 = arith.subf %get3A_635, %get3A_638 : vector<16xf32>
        %get3A_640 = arith.index_cast %mul3A_623 : i32 to index
        %get3A_641 = tpu.vector_load %arg23[%get3A_640] {strides = array<i32>} : memref<4000xf32, #tpu.memory_space<vmem>>, vector<16xf32>,
        %get3A_642 = vector.shape_cast %get3A_641 : vector<16xf32> to vector<16xf32>
        %get3A_643 = arith.index_cast %add3A_627 : i32 to index
        %get3A_644 = tpu.vector_load %arg23[%get3A_643] {strides = array<i32>} : memref<4000xf32, #tpu.memory_space<vmem>>, vector<16xf32>,
        %get3A_645 = vector.shape_cast %get3A_644 : vector<16xf32> to vector<16xf32>
        %sub3A_646 = arith.subf %get3A_642, %get3A_645 : vector<16xf32>
        %mul3A_647 = arith.mulf %sub3A, %sub3A : vector<16xf32>
        %mul3A_648 = arith.mulf %sub3A_639, %sub3A_639 : vector<16xf32>
        %add3A_649 = arith.addf %mul3A_647, %mul3A_648 : vector<16xf32>
        %mul3A_650 = arith.mulf %sub3A_646, %sub3A_646 : vector<16xf32>
        %add3A_651 = arith.addf %add3A_649, %mul3A_650 : vector<16xf32>
        %max3A = arith.constant 1.000000e-35 : f32
        %max3A_652 = vector.broadcast %max3A : f32 to vector<16xf32>
        %max3A_653 = arith.maximumf %add3A_651, %max3A_652 : vector<16xf32>
        %mul3A_654 = arith.constant 5.000000e-01 : f32
        %mul3A_655 = vector.broadcast %mul3A_654 : f32 to vector<16xf32>
        %mul3A_656 = arith.mulf %mul3A_655, %max3A_653 : vector<16xf32>
        %bitcast_convert_type3A = tpu.bitcast %max3A_653 : vector<16xf32> -> vector<16xi32>
        %shift_right_arithmetic3A = arith.constant 1 : i32
        %shift_right_arithmetic3A_657 = vector.broadcast %shift_right_arithmetic3A : i32 to vector<16xi32>
        %shift_right_arithmetic3A_658 = arith.shrsi %bitcast_convert_type3A, %shift_right_arithmetic3A_657 : vector<16xi32>
        %sub3A_659 = arith.constant 1597463007 : i32
        %sub3A_660 = vector.broadcast %sub3A_659 : i32 to vector<16xi32>
        %sub3A_661 = arith.subi %sub3A_660, %shift_right_arithmetic3A_658 : vector<16xi32>
        %bitcast_convert_type3A_662 = tpu.bitcast %sub3A_661 : vector<16xi32> -> vector<16xf32>
        %mul3A_663 = arith.mulf %mul3A_656, %bitcast_convert_type3A_662 : vector<16xf32>
        %mul3A_664 = arith.mulf %mul3A_663, %bitcast_convert_type3A_662 : vector<16xf32>
        %sub3A_665 = arith.constant 1.500000e+00 : f32
        %sub3A_666 = vector.broadcast %sub3A_665 : f32 to vector<16xf32>
        %sub3A_667 = arith.subf %sub3A_666, %mul3A_664 : vector<16xf32>
        %mul3A_668 = arith.mulf %bitcast_convert_type3A_662, %sub3A_667 : vector<16xf32>
        %mul3A_669 = arith.mulf %mul3A_656, %mul3A_668 : vector<16xf32>
        %mul3A_670 = arith.mulf %mul3A_669, %mul3A_668 : vector<16xf32>
        %sub3A_671 = arith.constant 1.500000e+00 : f32
        %sub3A_672 = vector.broadcast %sub3A_671 : f32 to vector<16xf32>
        %sub3A_673 = arith.subf %sub3A_672, %mul3A_670 : vector<16xf32>
        %mul3A_674 = arith.mulf %mul3A_668, %sub3A_673 : vector<16xf32>
        %mul3A_675 = arith.mulf %add3A_651, %mul3A_674 : vector<16xf32>
        %sub3A_676 = arith.constant 1.000000e+00 : f32
        %sub3A_677 = vector.broadcast %sub3A_676 : f32 to vector<16xf32>
        %sub3A_678 = arith.subf %mul3A_675, %sub3A_677 : vector<16xf32>
        %mul3A_679 = arith.mulf %sub3A_678, %sub3A_678 : vector<16xf32>
        %add3A_680 = arith.addf %scan3A_621, %mul3A_679 : vector<16xf32>
        %mul3A_681 = arith.constant 1.000000e+00 : f32
        %mul3A_682 = vector.broadcast %mul3A_681 : f32 to vector<16xf32>
        %mul3A_683 = arith.mulf %mul3A_682, %sub3A_678 : vector<16xf32>
        %mul3A_684 = arith.mulf %mul3A_683, %mul3A_674 : vector<16xf32>
        %mul3A_685 = arith.mulf %mul3A_684, %sub3A : vector<16xf32>
        %mul3A_686 = arith.mulf %mul3A_684, %sub3A_639 : vector<16xf32>
        %mul3A_687 = arith.mulf %mul3A_684, %sub3A_646 : vector<16xf32>
        %swap3A_688 = arith.index_cast %add3A_627 : i32 to index
        %swap3A_689 = tpu.vector_load %arg27[%swap3A_688] {strides = array<i32>} : memref<4000xf32, #tpu.memory_space<vmem>>, vector<16xf32>,
        %swap3A_690 = vector.shape_cast %swap3A_689 : vector<16xf32> to vector<16xf32>
        %swap3A_691 = vector.shape_cast %mul3A_685 : vector<16xf32> to vector<16xf32>
        tpu.vector_store %arg27[%swap3A_688], %swap3A_691 {strides = array<i32>} : memref<4000xf32, #tpu.memory_space<vmem>>, vector<16xf32>,
        %swap3A_692 = arith.index_cast %add3A_627 : i32 to index
        %swap3A_693 = tpu.vector_load %arg28[%swap3A_692] {strides = array<i32>} : memref<4000xf32, #tpu.memory_space<vmem>>, vector<16xf32>,
        %swap3A_694 = vector.shape_cast %swap3A_693 : vector<16xf32> to vector<16xf32>
        %swap3A_695 = vector.shape_cast %mul3A_686 : vector<16xf32> to vector<16xf32>
        tpu.vector_store %arg28[%swap3A_692], %swap3A_695 {strides = array<i32>} : memref<4000xf32, #tpu.memory_space<vmem>>, vector<16xf32>,
        %swap3A_696 = arith.index_cast %add3A_627 : i32 to index
        %swap3A_697 = tpu.vector_load %arg29[%swap3A_696] {strides = array<i32>} : memref<4000xf32, #tpu.memory_space<vmem>>, vector<16xf32>,
        %swap3A_698 = vector.shape_cast %swap3A_697 : vector<16xf32> to vector<16xf32>
        %swap3A_699 = vector.shape_cast %mul3A_687 : vector<16xf32> to vector<16xf32>
        tpu.vector_store %arg29[%swap3A_696], %swap3A_699 {strides = array<i32>} : memref<4000xf32, #tpu.memory_space<vmem>>, vector<16xf32>,
        %neg3A = arith.constant 0.000000e+00 : f32
        %neg3A_700 = vector.broadcast %neg3A : f32 to vector<16xf32>
        %neg3A_701 = arith.subf %neg3A_700, %mul3A_685 : vector<16xf32>
        %swap3A_702 = arith.index_cast %mul3A_623 : i32 to index
        %swap3A_703 = tpu.vector_load %arg27[%swap3A_702] {strides = array<i32>} : memref<4000xf32, #tpu.memory_space<vmem>>, vector<16xf32>,
        %swap3A_704 = vector.shape_cast %swap3A_703 : vector<16xf32> to vector<16xf32>
        %swap3A_705 = vector.shape_cast %neg3A_701 : vector<16xf32> to vector<16xf32>
        tpu.vector_store %arg27[%swap3A_702], %swap3A_705 {strides = array<i32>} : memref<4000xf32, #tpu.memory_space<vmem>>, vector<16xf32>,
        %neg3A_706 = arith.constant 0.000000e+00 : f32
        %neg3A_707 = vector.broadcast %neg3A_706 : f32 to vector<16xf32>
        %neg3A_708 = arith.subf %neg3A_707, %mul3A_686 : vector<16xf32>
        %swap3A_709 = arith.index_cast %mul3A_623 : i32 to index
        %swap3A_710 = tpu.vector_load %arg28[%swap3A_709] {strides = array<i32>} : memref<4000xf32, #tpu.memory_space<vmem>>, vector<16xf32>,
        %swap3A_711 = vector.shape_cast %swap3A_710 : vector<16xf32> to vector<16xf32>
        %swap3A_712 = vector.shape_cast %neg3A_708 : vector<16xf32> to vector<16xf32>
        tpu.vector_store %arg28[%swap3A_709], %swap3A_712 {strides = array<i32>} : memref<4000xf32, #tpu.memory_space<vmem>>, vector<16xf32>,
        %neg3A_713 = arith.constant 0.000000e+00 : f32
        %neg3A_714 = vector.broadcast %neg3A_713 : f32 to vector<16xf32>
        %neg3A_715 = arith.subf %neg3A_714, %mul3A_687 : vector<16xf32>
        %swap3A_716 = arith.index_cast %mul3A_623 : i32 to index
        %swap3A_717 = tpu.vector_load %arg29[%swap3A_716] {strides = array<i32>} : memref<4000xf32, #tpu.memory_space<vmem>>, vector<16xf32>,
        %swap3A_718 = vector.shape_cast %swap3A_717 : vector<16xf32> to vector<16xf32>
        %swap3A_719 = vector.shape_cast %neg3A_715 : vector<16xf32> to vector<16xf32>
        tpu.vector_store %arg29[%swap3A_716], %swap3A_719 {strides = array<i32>} : memref<4000xf32, #tpu.memory_space<vmem>>, vector<16xf32>,
        scf.yield %add3A_680 : vector<16xf32>
      }
      %scan3A_601 = arith.constant 125 : i32
      %dma_wait3A_602 = arith.constant 0 : i32
      %dma_wait3A_603 = tpu.memref_slice %arg2[%dma_wait3A_602] : memref<100096xf32, #tpu.memory_space<hbm>> -> memref<4000xf32, #tpu.memory_space<hbm>>
      %dma_wait3A_604 = arith.constant 0 : i32
      %dma_wait3A_605 = tpu.memref_slice %arg2[%dma_wait3A_604] : memref<100096xf32, #tpu.memory_space<hbm>> -> memref<4000xf32, #tpu.memory_space<hbm>>
      tpu.wait_dma2 semaphore(%arg34 : memref<!tpu.dma_semaphore, #tpu.memory_space<semaphore_mem>>) src(%dma_wait3A_605 : memref<4000xf32, #tpu.memory_space<hbm>>) dst(%arg24 : memref<4000xf32, #tpu.memory_space<vmem>>)
      %dma_wait3A_606 = arith.constant 0 : i32
      %dma_wait3A_607 = tpu.memref_slice %arg2[%dma_wait3A_606] : memref<100096xf32, #tpu.memory_space<hbm>> -> memref<4000xf32, #tpu.memory_space<hbm>>
      %dma_wait3A_608 = arith.constant 0 : i32
      %dma_wait3A_609 = tpu.memref_slice %arg2[%dma_wait3A_608] : memref<100096xf32, #tpu.memory_space<hbm>> -> memref<4000xf32, #tpu.memory_space<hbm>>
      tpu.wait_dma2 semaphore(%arg34 : memref<!tpu.dma_semaphore, #tpu.memory_space<semaphore_mem>>) src(%dma_wait3A_609 : memref<4000xf32, #tpu.memory_space<hbm>>) dst(%arg25 : memref<4000xf32, #tpu.memory_space<vmem>>)
      %dma_wait3A_610 = arith.constant 0 : i32
      %dma_wait3A_611 = tpu.memref_slice %arg2[%dma_wait3A_610] : memref<100096xf32, #tpu.memory_space<hbm>> -> memref<4000xf32, #tpu.memory_space<hbm>>
      %dma_wait3A_612 = arith.constant 0 : i32
      %dma_wait3A_613 = tpu.memref_slice %arg2[%dma_wait3A_612] : memref<100096xf32, #tpu.memory_space<hbm>> -> memref<4000xf32, #tpu.memory_space<hbm>>
      tpu.wait_dma2 semaphore(%arg34 : memref<!tpu.dma_semaphore, #tpu.memory_space<semaphore_mem>>) src(%dma_wait3A_613 : memref<4000xf32, #tpu.memory_space<hbm>>) dst(%arg26 : memref<4000xf32, #tpu.memory_space<vmem>>)
      %dma_start3A_614 = arith.constant 0 : i32
      %dma_start3A_615 = tpu.memref_slice %arg11[%dma_start3A_614] : memref<100096xf32, #tpu.memory_space<vmem_shared>> -> memref<100096xf32, #tpu.memory_space<vmem_shared>>
      tpu.enqueue_indirect_dma source(%arg27 : memref<4000xf32, #tpu.memory_space<vmem>>) target(%dma_start3A_615 : memref<100096xf32, #tpu.memory_space<vmem_shared>>) offsets(%arg15 : memref<4000xi32, #tpu.memory_space<vmem>>) semaphore(%arg34 : memref<!tpu.dma_semaphore, #tpu.memory_space<semaphore_mem>>) {add = true}
      %dma_start3A_616 = arith.constant 0 : i32
      %dma_start3A_617 = tpu.memref_slice %arg12[%dma_start3A_616] : memref<100096xf32, #tpu.memory_space<vmem_shared>> -> memref<100096xf32, #tpu.memory_space<vmem_shared>>
      tpu.enqueue_indirect_dma source(%arg28 : memref<4000xf32, #tpu.memory_space<vmem>>) target(%dma_start3A_617 : memref<100096xf32, #tpu.memory_space<vmem_shared>>) offsets(%arg15 : memref<4000xi32, #tpu.memory_space<vmem>>) semaphore(%arg34 : memref<!tpu.dma_semaphore, #tpu.memory_space<semaphore_mem>>) {add = true}
      %dma_start3A_618 = arith.constant 0 : i32
      %dma_start3A_619 = tpu.memref_slice %arg13[%dma_start3A_618] : memref<100096xf32, #tpu.memory_space<vmem_shared>> -> memref<100096xf32, #tpu.memory_space<vmem_shared>>
      tpu.enqueue_indirect_dma source(%arg29 : memref<4000xf32, #tpu.memory_space<vmem>>) target(%dma_start3A_619 : memref<100096xf32, #tpu.memory_space<vmem_shared>>) offsets(%arg15 : memref<4000xi32, #tpu.memory_space<vmem>>) semaphore(%arg34 : memref<!tpu.dma_semaphore, #tpu.memory_space<semaphore_mem>>) {add = true}
      scf.yield %scan3A_600 : vector<16xf32>
    }
    %scan3A_176 = arith.constant 24 : i32
    %dma_wait3A_177 = arith.constant 0 : i32
    %dma_wait3A_178 = tpu.memref_slice %arg2[%dma_wait3A_177] : memref<100096xf32, #tpu.memory_space<hbm>> -> memref<4000xf32, #tpu.memory_space<hbm>>
    %dma_wait3A_179 = arith.constant 0 : i32
    %dma_wait3A_180 = tpu.memref_slice %arg2[%dma_wait3A_179] : memref<100096xf32, #tpu.memory_space<hbm>> -> memref<4000xf32, #tpu.memory_space<hbm>>
    tpu.wait_dma2 semaphore(%arg33 : memref<!tpu.dma_semaphore, #tpu.memory_space<semaphore_mem>>) src(%dma_wait3A_180 : memref<4000xf32, #tpu.memory_space<hbm>>) dst(%arg18 : memref<4000xf32, #tpu.memory_space<vmem>>)
    %dma_wait3A_181 = arith.constant 0 : i32
    %dma_wait3A_182 = tpu.memref_slice %arg2[%dma_wait3A_181] : memref<100096xf32, #tpu.memory_space<hbm>> -> memref<4000xf32, #tpu.memory_space<hbm>>
    %dma_wait3A_183 = arith.constant 0 : i32
    %dma_wait3A_184 = tpu.memref_slice %arg2[%dma_wait3A_183] : memref<100096xf32, #tpu.memory_space<hbm>> -> memref<4000xf32, #tpu.memory_space<hbm>>
    tpu.wait_dma2 semaphore(%arg33 : memref<!tpu.dma_semaphore, #tpu.memory_space<semaphore_mem>>) src(%dma_wait3A_184 : memref<4000xf32, #tpu.memory_space<hbm>>) dst(%arg19 : memref<4000xf32, #tpu.memory_space<vmem>>)
    %dma_wait3A_185 = arith.constant 0 : i32
    %dma_wait3A_186 = tpu.memref_slice %arg2[%dma_wait3A_185] : memref<100096xf32, #tpu.memory_space<hbm>> -> memref<4000xf32, #tpu.memory_space<hbm>>
    %dma_wait3A_187 = arith.constant 0 : i32
    %dma_wait3A_188 = tpu.memref_slice %arg2[%dma_wait3A_187] : memref<100096xf32, #tpu.memory_space<hbm>> -> memref<4000xf32, #tpu.memory_space<hbm>>
    tpu.wait_dma2 semaphore(%arg33 : memref<!tpu.dma_semaphore, #tpu.memory_space<semaphore_mem>>) src(%dma_wait3A_188 : memref<4000xf32, #tpu.memory_space<hbm>>) dst(%arg20 : memref<4000xf32, #tpu.memory_space<vmem>>)
    %dma_wait3A_189 = arith.constant 0 : i32
    %dma_wait3A_190 = tpu.memref_slice %arg17[%dma_wait3A_189] : memref<4000xi32, #tpu.memory_space<vmem>> -> memref<2000xi32, #tpu.memory_space<vmem>>
    %dma_wait3A_191 = arith.constant 0 : i32
    %dma_wait3A_192 = tpu.memref_slice %arg5[%dma_wait3A_191] : memref<12800000xi32, #tpu.memory_space<hbm>> -> memref<2000xi32, #tpu.memory_space<hbm>>
    %dma_wait3A_193 = arith.constant 0 : i32
    %dma_wait3A_194 = tpu.memref_slice %arg17[%dma_wait3A_193] : memref<4000xi32, #tpu.memory_space<vmem>> -> memref<2000xi32, #tpu.memory_space<vmem>>
    %dma_wait3A_195 = arith.constant 0 : i32
    %dma_wait3A_196 = tpu.memref_slice %arg5[%dma_wait3A_195] : memref<12800000xi32, #tpu.memory_space<hbm>> -> memref<2000xi32, #tpu.memory_space<hbm>>
    tpu.wait_dma2 semaphore(%arg32 : memref<!tpu.dma_semaphore, #tpu.memory_space<semaphore_mem>>) src(%dma_wait3A_196 : memref<2000xi32, #tpu.memory_space<hbm>>) dst(%dma_wait3A_194 : memref<2000xi32, #tpu.memory_space<vmem>>)
    %dma_wait3A_197 = arith.constant 2000 : i32
    %dma_wait3A_198 = tpu.memref_slice %arg17[%dma_wait3A_197] : memref<4000xi32, #tpu.memory_space<vmem>> -> memref<2000xi32, #tpu.memory_space<vmem>>
    %dma_wait3A_199 = arith.constant 0 : i32
    %dma_wait3A_200 = tpu.memref_slice %arg5[%dma_wait3A_199] : memref<12800000xi32, #tpu.memory_space<hbm>> -> memref<2000xi32, #tpu.memory_space<hbm>>
    %dma_wait3A_201 = arith.constant 2000 : i32
    %dma_wait3A_202 = tpu.memref_slice %arg17[%dma_wait3A_201] : memref<4000xi32, #tpu.memory_space<vmem>> -> memref<2000xi32, #tpu.memory_space<vmem>>
    %dma_wait3A_203 = arith.constant 0 : i32
    %dma_wait3A_204 = tpu.memref_slice %arg5[%dma_wait3A_203] : memref<12800000xi32, #tpu.memory_space<hbm>> -> memref<2000xi32, #tpu.memory_space<hbm>>
    tpu.wait_dma2 semaphore(%arg32 : memref<!tpu.dma_semaphore, #tpu.memory_space<semaphore_mem>>) src(%dma_wait3A_204 : memref<2000xi32, #tpu.memory_space<hbm>>) dst(%dma_wait3A_202 : memref<2000xi32, #tpu.memory_space<vmem>>)
    %dma_start3A_205 = arith.constant 0 : i32
    %dma_start3A_206 = tpu.memref_slice %arg8[%dma_start3A_205] : memref<100096xf32, #tpu.memory_space<vmem_shared>> -> memref<100096xf32, #tpu.memory_space<vmem_shared>>
    tpu.enqueue_indirect_dma source(%dma_start3A_206 : memref<100096xf32, #tpu.memory_space<vmem_shared>>) target(%arg21 : memref<4000xf32, #tpu.memory_space<vmem>>) offsets(%arg17 : memref<4000xi32, #tpu.memory_space<vmem>>) semaphore(%arg33 : memref<!tpu.dma_semaphore, #tpu.memory_space<semaphore_mem>>)
    %dma_start3A_207 = arith.constant 0 : i32
    %dma_start3A_208 = tpu.memref_slice %arg9[%dma_start3A_207] : memref<100096xf32, #tpu.memory_space<vmem_shared>> -> memref<100096xf32, #tpu.memory_space<vmem_shared>>
    tpu.enqueue_indirect_dma source(%dma_start3A_208 : memref<100096xf32, #tpu.memory_space<vmem_shared>>) target(%arg22 : memref<4000xf32, #tpu.memory_space<vmem>>) offsets(%arg17 : memref<4000xi32, #tpu.memory_space<vmem>>) semaphore(%arg33 : memref<!tpu.dma_semaphore, #tpu.memory_space<semaphore_mem>>)
    %dma_start3A_209 = arith.constant 0 : i32
    %dma_start3A_210 = tpu.memref_slice %arg10[%dma_start3A_209] : memref<100096xf32, #tpu.memory_space<vmem_shared>> -> memref<100096xf32, #tpu.memory_space<vmem_shared>>
    tpu.enqueue_indirect_dma source(%dma_start3A_210 : memref<100096xf32, #tpu.memory_space<vmem_shared>>) target(%arg23 : memref<4000xf32, #tpu.memory_space<vmem>>) offsets(%arg17 : memref<4000xi32, #tpu.memory_space<vmem>>) semaphore(%arg33 : memref<!tpu.dma_semaphore, #tpu.memory_space<semaphore_mem>>)
    %scan3A_211 = arith.constant 0 : i32
    %scan3A_212 = arith.constant 125 : i32
    %scan3A_213 = arith.addi %scan3A_211, %scan3A_212 : i32
    %scan3A_214 = arith.constant 1 : i32
    %scan3A_215 = scf.for %scan3A_298 = %scan3A_211 to %scan3A_213 step %scan3A_214 iter_args(%scan3A_299 = %scan3A_175) -> (vector<16xf32>)  : i32 {
      %mul3A_300 = arith.constant 16 : i32
      %mul3A_301 = arith.muli %scan3A_298, %mul3A_300 : i32
      %mul3A_302 = arith.constant 16 : i32
      %mul3A_303 = arith.muli %scan3A_298, %mul3A_302 : i32
      %add3A_304 = arith.constant 2000 : i32
      %add3A_305 = arith.addi %add3A_304, %mul3A_303 : i32
      %get3A = arith.index_cast %mul3A_301 : i32 to index
      %get3A_306 = tpu.vector_load %arg18[%get3A] {strides = array<i32>} : memref<4000xf32, #tpu.memory_space<vmem>>, vector<16xf32>,
      %get3A_307 = vector.shape_cast %get3A_306 : vector<16xf32> to vector<16xf32>
      %get3A_308 = arith.index_cast %add3A_305 : i32 to index
      %get3A_309 = tpu.vector_load %arg18[%get3A_308] {strides = array<i32>} : memref<4000xf32, #tpu.memory_space<vmem>>, vector<16xf32>,
      %get3A_310 = vector.shape_cast %get3A_309 : vector<16xf32> to vector<16xf32>
      %sub3A = arith.subf %get3A_307, %get3A_310 : vector<16xf32>
      %get3A_311 = arith.index_cast %mul3A_301 : i32 to index
      %get3A_312 = tpu.vector_load %arg19[%get3A_311] {strides = array<i32>} : memref<4000xf32, #tpu.memory_space<vmem>>, vector<16xf32>,
      %get3A_313 = vector.shape_cast %get3A_312 : vector<16xf32> to vector<16xf32>
      %get3A_314 = arith.index_cast %add3A_305 : i32 to index
      %get3A_315 = tpu.vector_load %arg19[%get3A_314] {strides = array<i32>} : memref<4000xf32, #tpu.memory_space<vmem>>, vector<16xf32>,
      %get3A_316 = vector.shape_cast %get3A_315 : vector<16xf32> to vector<16xf32>
      %sub3A_317 = arith.subf %get3A_313, %get3A_316 : vector<16xf32>
      %get3A_318 = arith.index_cast %mul3A_301 : i32 to index
      %get3A_319 = tpu.vector_load %arg20[%get3A_318] {strides = array<i32>} : memref<4000xf32, #tpu.memory_space<vmem>>, vector<16xf32>,
      %get3A_320 = vector.shape_cast %get3A_319 : vector<16xf32> to vector<16xf32>
      %get3A_321 = arith.index_cast %add3A_305 : i32 to index
      %get3A_322 = tpu.vector_load %arg20[%get3A_321] {strides = array<i32>} : memref<4000xf32, #tpu.memory_space<vmem>>, vector<16xf32>,
      %get3A_323 = vector.shape_cast %get3A_322 : vector<16xf32> to vector<16xf32>
      %sub3A_324 = arith.subf %get3A_320, %get3A_323 : vector<16xf32>
      %mul3A_325 = arith.mulf %sub3A, %sub3A : vector<16xf32>
      %mul3A_326 = arith.mulf %sub3A_317, %sub3A_317 : vector<16xf32>
      %add3A_327 = arith.addf %mul3A_325, %mul3A_326 : vector<16xf32>
      %mul3A_328 = arith.mulf %sub3A_324, %sub3A_324 : vector<16xf32>
      %add3A_329 = arith.addf %add3A_327, %mul3A_328 : vector<16xf32>
      %max3A = arith.constant 1.000000e-35 : f32
      %max3A_330 = vector.broadcast %max3A : f32 to vector<16xf32>
      %max3A_331 = arith.maximumf %add3A_329, %max3A_330 : vector<16xf32>
      %mul3A_332 = arith.constant 5.000000e-01 : f32
      %mul3A_333 = vector.broadcast %mul3A_332 : f32 to vector<16xf32>
      %mul3A_334 = arith.mulf %mul3A_333, %max3A_331 : vector<16xf32>
      %bitcast_convert_type3A = tpu.bitcast %max3A_331 : vector<16xf32> -> vector<16xi32>
      %shift_right_arithmetic3A = arith.constant 1 : i32
      %shift_right_arithmetic3A_335 = vector.broadcast %shift_right_arithmetic3A : i32 to vector<16xi32>
      %shift_right_arithmetic3A_336 = arith.shrsi %bitcast_convert_type3A, %shift_right_arithmetic3A_335 : vector<16xi32>
      %sub3A_337 = arith.constant 1597463007 : i32
      %sub3A_338 = vector.broadcast %sub3A_337 : i32 to vector<16xi32>
      %sub3A_339 = arith.subi %sub3A_338, %shift_right_arithmetic3A_336 : vector<16xi32>
      %bitcast_convert_type3A_340 = tpu.bitcast %sub3A_339 : vector<16xi32> -> vector<16xf32>
      %mul3A_341 = arith.mulf %mul3A_334, %bitcast_convert_type3A_340 : vector<16xf32>
      %mul3A_342 = arith.mulf %mul3A_341, %bitcast_convert_type3A_340 : vector<16xf32>
      %sub3A_343 = arith.constant 1.500000e+00 : f32
      %sub3A_344 = vector.broadcast %sub3A_343 : f32 to vector<16xf32>
      %sub3A_345 = arith.subf %sub3A_344, %mul3A_342 : vector<16xf32>
      %mul3A_346 = arith.mulf %bitcast_convert_type3A_340, %sub3A_345 : vector<16xf32>
      %mul3A_347 = arith.mulf %mul3A_334, %mul3A_346 : vector<16xf32>
      %mul3A_348 = arith.mulf %mul3A_347, %mul3A_346 : vector<16xf32>
      %sub3A_349 = arith.constant 1.500000e+00 : f32
      %sub3A_350 = vector.broadcast %sub3A_349 : f32 to vector<16xf32>
      %sub3A_351 = arith.subf %sub3A_350, %mul3A_348 : vector<16xf32>
      %mul3A_352 = arith.mulf %mul3A_346, %sub3A_351 : vector<16xf32>
      %mul3A_353 = arith.mulf %add3A_329, %mul3A_352 : vector<16xf32>
      %sub3A_354 = arith.constant 1.000000e+00 : f32
      %sub3A_355 = vector.broadcast %sub3A_354 : f32 to vector<16xf32>
      %sub3A_356 = arith.subf %mul3A_353, %sub3A_355 : vector<16xf32>
      %mul3A_357 = arith.mulf %sub3A_356, %sub3A_356 : vector<16xf32>
      %add3A_358 = arith.addf %scan3A_299, %mul3A_357 : vector<16xf32>
      %mul3A_359 = arith.constant 1.000000e+00 : f32
      %mul3A_360 = vector.broadcast %mul3A_359 : f32 to vector<16xf32>
      %mul3A_361 = arith.mulf %mul3A_360, %sub3A_356 : vector<16xf32>
      %mul3A_362 = arith.mulf %mul3A_361, %mul3A_352 : vector<16xf32>
      %mul3A_363 = arith.mulf %mul3A_362, %sub3A : vector<16xf32>
      %mul3A_364 = arith.mulf %mul3A_362, %sub3A_317 : vector<16xf32>
      %mul3A_365 = arith.mulf %mul3A_362, %sub3A_324 : vector<16xf32>
      %swap3A_366 = arith.index_cast %add3A_305 : i32 to index
      %swap3A_367 = tpu.vector_load %arg24[%swap3A_366] {strides = array<i32>} : memref<4000xf32, #tpu.memory_space<vmem>>, vector<16xf32>,
      %swap3A_368 = vector.shape_cast %swap3A_367 : vector<16xf32> to vector<16xf32>
      %swap3A_369 = vector.shape_cast %mul3A_363 : vector<16xf32> to vector<16xf32>
      tpu.vector_store %arg24[%swap3A_366], %swap3A_369 {strides = array<i32>} : memref<4000xf32, #tpu.memory_space<vmem>>, vector<16xf32>,
      %swap3A_370 = arith.index_cast %add3A_305 : i32 to index
      %swap3A_371 = tpu.vector_load %arg25[%swap3A_370] {strides = array<i32>} : memref<4000xf32, #tpu.memory_space<vmem>>, vector<16xf32>,
      %swap3A_372 = vector.shape_cast %swap3A_371 : vector<16xf32> to vector<16xf32>
      %swap3A_373 = vector.shape_cast %mul3A_364 : vector<16xf32> to vector<16xf32>
      tpu.vector_store %arg25[%swap3A_370], %swap3A_373 {strides = array<i32>} : memref<4000xf32, #tpu.memory_space<vmem>>, vector<16xf32>,
      %swap3A_374 = arith.index_cast %add3A_305 : i32 to index
      %swap3A_375 = tpu.vector_load %arg26[%swap3A_374] {strides = array<i32>} : memref<4000xf32, #tpu.memory_space<vmem>>, vector<16xf32>,
      %swap3A_376 = vector.shape_cast %swap3A_375 : vector<16xf32> to vector<16xf32>
      %swap3A_377 = vector.shape_cast %mul3A_365 : vector<16xf32> to vector<16xf32>
      tpu.vector_store %arg26[%swap3A_374], %swap3A_377 {strides = array<i32>} : memref<4000xf32, #tpu.memory_space<vmem>>, vector<16xf32>,
      %neg3A = arith.constant 0.000000e+00 : f32
      %neg3A_378 = vector.broadcast %neg3A : f32 to vector<16xf32>
      %neg3A_379 = arith.subf %neg3A_378, %mul3A_363 : vector<16xf32>
      %swap3A_380 = arith.index_cast %mul3A_301 : i32 to index
      %swap3A_381 = tpu.vector_load %arg24[%swap3A_380] {strides = array<i32>} : memref<4000xf32, #tpu.memory_space<vmem>>, vector<16xf32>,
      %swap3A_382 = vector.shape_cast %swap3A_381 : vector<16xf32> to vector<16xf32>
      %swap3A_383 = vector.shape_cast %neg3A_379 : vector<16xf32> to vector<16xf32>
      tpu.vector_store %arg24[%swap3A_380], %swap3A_383 {strides = array<i32>} : memref<4000xf32, #tpu.memory_space<vmem>>, vector<16xf32>,
      %neg3A_384 = arith.constant 0.000000e+00 : f32
      %neg3A_385 = vector.broadcast %neg3A_384 : f32 to vector<16xf32>
      %neg3A_386 = arith.subf %neg3A_385, %mul3A_364 : vector<16xf32>
      %swap3A_387 = arith.index_cast %mul3A_301 : i32 to index
      %swap3A_388 = tpu.vector_load %arg25[%swap3A_387] {strides = array<i32>} : memref<4000xf32, #tpu.memory_space<vmem>>, vector<16xf32>,
      %swap3A_389 = vector.shape_cast %swap3A_388 : vector<16xf32> to vector<16xf32>
      %swap3A_390 = vector.shape_cast %neg3A_386 : vector<16xf32> to vector<16xf32>
      tpu.vector_store %arg25[%swap3A_387], %swap3A_390 {strides = array<i32>} : memref<4000xf32, #tpu.memory_space<vmem>>, vector<16xf32>,
      %neg3A_391 = arith.constant 0.000000e+00 : f32
      %neg3A_392 = vector.broadcast %neg3A_391 : f32 to vector<16xf32>
      %neg3A_393 = arith.subf %neg3A_392, %mul3A_365 : vector<16xf32>
      %swap3A_394 = arith.index_cast %mul3A_301 : i32 to index
      %swap3A_395 = tpu.vector_load %arg26[%swap3A_394] {strides = array<i32>} : memref<4000xf32, #tpu.memory_space<vmem>>, vector<16xf32>,
      %swap3A_396 = vector.shape_cast %swap3A_395 : vector<16xf32> to vector<16xf32>
      %swap3A_397 = vector.shape_cast %neg3A_393 : vector<16xf32> to vector<16xf32>
      tpu.vector_store %arg26[%swap3A_394], %swap3A_397 {strides = array<i32>} : memref<4000xf32, #tpu.memory_space<vmem>>, vector<16xf32>,
      scf.yield %add3A_358 : vector<16xf32>
    }
    %scan3A_216 = arith.constant 125 : i32
    %dma_wait3A_217 = arith.constant 0 : i32
    %dma_wait3A_218 = tpu.memref_slice %arg2[%dma_wait3A_217] : memref<100096xf32, #tpu.memory_space<hbm>> -> memref<4000xf32, #tpu.memory_space<hbm>>
    %dma_wait3A_219 = arith.constant 0 : i32
    %dma_wait3A_220 = tpu.memref_slice %arg2[%dma_wait3A_219] : memref<100096xf32, #tpu.memory_space<hbm>> -> memref<4000xf32, #tpu.memory_space<hbm>>
    tpu.wait_dma2 semaphore(%arg34 : memref<!tpu.dma_semaphore, #tpu.memory_space<semaphore_mem>>) src(%dma_wait3A_220 : memref<4000xf32, #tpu.memory_space<hbm>>) dst(%arg27 : memref<4000xf32, #tpu.memory_space<vmem>>)
    %dma_wait3A_221 = arith.constant 0 : i32
    %dma_wait3A_222 = tpu.memref_slice %arg2[%dma_wait3A_221] : memref<100096xf32, #tpu.memory_space<hbm>> -> memref<4000xf32, #tpu.memory_space<hbm>>
    %dma_wait3A_223 = arith.constant 0 : i32
    %dma_wait3A_224 = tpu.memref_slice %arg2[%dma_wait3A_223] : memref<100096xf32, #tpu.memory_space<hbm>> -> memref<4000xf32, #tpu.memory_space<hbm>>
    tpu.wait_dma2 semaphore(%arg34 : memref<!tpu.dma_semaphore, #tpu.memory_space<semaphore_mem>>) src(%dma_wait3A_224 : memref<4000xf32, #tpu.memory_space<hbm>>) dst(%arg28 : memref<4000xf32, #tpu.memory_space<vmem>>)
    %dma_wait3A_225 = arith.constant 0 : i32
    %dma_wait3A_226 = tpu.memref_slice %arg2[%dma_wait3A_225] : memref<100096xf32, #tpu.memory_space<hbm>> -> memref<4000xf32, #tpu.memory_space<hbm>>
    %dma_wait3A_227 = arith.constant 0 : i32
    %dma_wait3A_228 = tpu.memref_slice %arg2[%dma_wait3A_227] : memref<100096xf32, #tpu.memory_space<hbm>> -> memref<4000xf32, #tpu.memory_space<hbm>>
    tpu.wait_dma2 semaphore(%arg34 : memref<!tpu.dma_semaphore, #tpu.memory_space<semaphore_mem>>) src(%dma_wait3A_228 : memref<4000xf32, #tpu.memory_space<hbm>>) dst(%arg29 : memref<4000xf32, #tpu.memory_space<vmem>>)
    %dma_start3A_229 = arith.constant 0 : i32
    %dma_start3A_230 = tpu.memref_slice %arg11[%dma_start3A_229] : memref<100096xf32, #tpu.memory_space<vmem_shared>> -> memref<100096xf32, #tpu.memory_space<vmem_shared>>
    tpu.enqueue_indirect_dma source(%arg24 : memref<4000xf32, #tpu.memory_space<vmem>>) target(%dma_start3A_230 : memref<100096xf32, #tpu.memory_space<vmem_shared>>) offsets(%arg16 : memref<4000xi32, #tpu.memory_space<vmem>>) semaphore(%arg34 : memref<!tpu.dma_semaphore, #tpu.memory_space<semaphore_mem>>) {add = true}
    %dma_start3A_231 = arith.constant 0 : i32
    %dma_start3A_232 = tpu.memref_slice %arg12[%dma_start3A_231] : memref<100096xf32, #tpu.memory_space<vmem_shared>> -> memref<100096xf32, #tpu.memory_space<vmem_shared>>
    tpu.enqueue_indirect_dma source(%arg25 : memref<4000xf32, #tpu.memory_space<vmem>>) target(%dma_start3A_232 : memref<100096xf32, #tpu.memory_space<vmem_shared>>) offsets(%arg16 : memref<4000xi32, #tpu.memory_space<vmem>>) semaphore(%arg34 : memref<!tpu.dma_semaphore, #tpu.memory_space<semaphore_mem>>) {add = true}
    %dma_start3A_233 = arith.constant 0 : i32
    %dma_start3A_234 = tpu.memref_slice %arg13[%dma_start3A_233] : memref<100096xf32, #tpu.memory_space<vmem_shared>> -> memref<100096xf32, #tpu.memory_space<vmem_shared>>
    tpu.enqueue_indirect_dma source(%arg26 : memref<4000xf32, #tpu.memory_space<vmem>>) target(%dma_start3A_234 : memref<100096xf32, #tpu.memory_space<vmem_shared>>) offsets(%arg16 : memref<4000xi32, #tpu.memory_space<vmem>>) semaphore(%arg34 : memref<!tpu.dma_semaphore, #tpu.memory_space<semaphore_mem>>) {add = true}
    %dma_wait3A_235 = arith.constant 0 : i32
    %dma_wait3A_236 = tpu.memref_slice %arg2[%dma_wait3A_235] : memref<100096xf32, #tpu.memory_space<hbm>> -> memref<4000xf32, #tpu.memory_space<hbm>>
    %dma_wait3A_237 = arith.constant 0 : i32
    %dma_wait3A_238 = tpu.memref_slice %arg2[%dma_wait3A_237] : memref<100096xf32, #tpu.memory_space<hbm>> -> memref<4000xf32, #tpu.memory_space<hbm>>
    tpu.wait_dma2 semaphore(%arg33 : memref<!tpu.dma_semaphore, #tpu.memory_space<semaphore_mem>>) src(%dma_wait3A_238 : memref<4000xf32, #tpu.memory_space<hbm>>) dst(%arg21 : memref<4000xf32, #tpu.memory_space<vmem>>)
    %dma_wait3A_239 = arith.constant 0 : i32
    %dma_wait3A_240 = tpu.memref_slice %arg2[%dma_wait3A_239] : memref<100096xf32, #tpu.memory_space<hbm>> -> memref<4000xf32, #tpu.memory_space<hbm>>
    %dma_wait3A_241 = arith.constant 0 : i32
    %dma_wait3A_242 = tpu.memref_slice %arg2[%dma_wait3A_241] : memref<100096xf32, #tpu.memory_space<hbm>> -> memref<4000xf32, #tpu.memory_space<hbm>>
    tpu.wait_dma2 semaphore(%arg33 : memref<!tpu.dma_semaphore, #tpu.memory_space<semaphore_mem>>) src(%dma_wait3A_242 : memref<4000xf32, #tpu.memory_space<hbm>>) dst(%arg22 : memref<4000xf32, #tpu.memory_space<vmem>>)
    %dma_wait3A_243 = arith.constant 0 : i32
    %dma_wait3A_244 = tpu.memref_slice %arg2[%dma_wait3A_243] : memref<100096xf32, #tpu.memory_space<hbm>> -> memref<4000xf32, #tpu.memory_space<hbm>>
    %dma_wait3A_245 = arith.constant 0 : i32
    %dma_wait3A_246 = tpu.memref_slice %arg2[%dma_wait3A_245] : memref<100096xf32, #tpu.memory_space<hbm>> -> memref<4000xf32, #tpu.memory_space<hbm>>
    tpu.wait_dma2 semaphore(%arg33 : memref<!tpu.dma_semaphore, #tpu.memory_space<semaphore_mem>>) src(%dma_wait3A_246 : memref<4000xf32, #tpu.memory_space<hbm>>) dst(%arg23 : memref<4000xf32, #tpu.memory_space<vmem>>)
    %scan3A_247 = arith.constant 0 : i32
    %scan3A_248 = arith.constant 125 : i32
    %scan3A_249 = arith.addi %scan3A_247, %scan3A_248 : i32
    %scan3A_250 = arith.constant 1 : i32
    %scan3A_251 = scf.for %scan3A_298 = %scan3A_247 to %scan3A_249 step %scan3A_250 iter_args(%scan3A_299 = %scan3A_215) -> (vector<16xf32>)  : i32 {
      %mul3A_300 = arith.constant 16 : i32
      %mul3A_301 = arith.muli %scan3A_298, %mul3A_300 : i32
      %mul3A_302 = arith.constant 16 : i32
      %mul3A_303 = arith.muli %scan3A_298, %mul3A_302 : i32
      %add3A_304 = arith.constant 2000 : i32
      %add3A_305 = arith.addi %add3A_304, %mul3A_303 : i32
      %get3A = arith.index_cast %mul3A_301 : i32 to index
      %get3A_306 = tpu.vector_load %arg21[%get3A] {strides = array<i32>} : memref<4000xf32, #tpu.memory_space<vmem>>, vector<16xf32>,
      %get3A_307 = vector.shape_cast %get3A_306 : vector<16xf32> to vector<16xf32>
      %get3A_308 = arith.index_cast %add3A_305 : i32 to index
      %get3A_309 = tpu.vector_load %arg21[%get3A_308] {strides = array<i32>} : memref<4000xf32, #tpu.memory_space<vmem>>, vector<16xf32>,
      %get3A_310 = vector.shape_cast %get3A_309 : vector<16xf32> to vector<16xf32>
      %sub3A = arith.subf %get3A_307, %get3A_310 : vector<16xf32>
      %get3A_311 = arith.index_cast %mul3A_301 : i32 to index
      %get3A_312 = tpu.vector_load %arg22[%get3A_311] {strides = array<i32>} : memref<4000xf32, #tpu.memory_space<vmem>>, vector<16xf32>,
      %get3A_313 = vector.shape_cast %get3A_312 : vector<16xf32> to vector<16xf32>
      %get3A_314 = arith.index_cast %add3A_305 : i32 to index
      %get3A_315 = tpu.vector_load %arg22[%get3A_314] {strides = array<i32>} : memref<4000xf32, #tpu.memory_space<vmem>>, vector<16xf32>,
      %get3A_316 = vector.shape_cast %get3A_315 : vector<16xf32> to vector<16xf32>
      %sub3A_317 = arith.subf %get3A_313, %get3A_316 : vector<16xf32>
      %get3A_318 = arith.index_cast %mul3A_301 : i32 to index
      %get3A_319 = tpu.vector_load %arg23[%get3A_318] {strides = array<i32>} : memref<4000xf32, #tpu.memory_space<vmem>>, vector<16xf32>,
      %get3A_320 = vector.shape_cast %get3A_319 : vector<16xf32> to vector<16xf32>
      %get3A_321 = arith.index_cast %add3A_305 : i32 to index
      %get3A_322 = tpu.vector_load %arg23[%get3A_321] {strides = array<i32>} : memref<4000xf32, #tpu.memory_space<vmem>>, vector<16xf32>,
      %get3A_323 = vector.shape_cast %get3A_322 : vector<16xf32> to vector<16xf32>
      %sub3A_324 = arith.subf %get3A_320, %get3A_323 : vector<16xf32>
      %mul3A_325 = arith.mulf %sub3A, %sub3A : vector<16xf32>
      %mul3A_326 = arith.mulf %sub3A_317, %sub3A_317 : vector<16xf32>
      %add3A_327 = arith.addf %mul3A_325, %mul3A_326 : vector<16xf32>
      %mul3A_328 = arith.mulf %sub3A_324, %sub3A_324 : vector<16xf32>
      %add3A_329 = arith.addf %add3A_327, %mul3A_328 : vector<16xf32>
      %max3A = arith.constant 1.000000e-35 : f32
      %max3A_330 = vector.broadcast %max3A : f32 to vector<16xf32>
      %max3A_331 = arith.maximumf %add3A_329, %max3A_330 : vector<16xf32>
      %mul3A_332 = arith.constant 5.000000e-01 : f32
      %mul3A_333 = vector.broadcast %mul3A_332 : f32 to vector<16xf32>
      %mul3A_334 = arith.mulf %mul3A_333, %max3A_331 : vector<16xf32>
      %bitcast_convert_type3A = tpu.bitcast %max3A_331 : vector<16xf32> -> vector<16xi32>
      %shift_right_arithmetic3A = arith.constant 1 : i32
      %shift_right_arithmetic3A_335 = vector.broadcast %shift_right_arithmetic3A : i32 to vector<16xi32>
      %shift_right_arithmetic3A_336 = arith.shrsi %bitcast_convert_type3A, %shift_right_arithmetic3A_335 : vector<16xi32>
      %sub3A_337 = arith.constant 1597463007 : i32
      %sub3A_338 = vector.broadcast %sub3A_337 : i32 to vector<16xi32>
      %sub3A_339 = arith.subi %sub3A_338, %shift_right_arithmetic3A_336 : vector<16xi32>
      %bitcast_convert_type3A_340 = tpu.bitcast %sub3A_339 : vector<16xi32> -> vector<16xf32>
      %mul3A_341 = arith.mulf %mul3A_334, %bitcast_convert_type3A_340 : vector<16xf32>
      %mul3A_342 = arith.mulf %mul3A_341, %bitcast_convert_type3A_340 : vector<16xf32>
      %sub3A_343 = arith.constant 1.500000e+00 : f32
      %sub3A_344 = vector.broadcast %sub3A_343 : f32 to vector<16xf32>
      %sub3A_345 = arith.subf %sub3A_344, %mul3A_342 : vector<16xf32>
      %mul3A_346 = arith.mulf %bitcast_convert_type3A_340, %sub3A_345 : vector<16xf32>
      %mul3A_347 = arith.mulf %mul3A_334, %mul3A_346 : vector<16xf32>
      %mul3A_348 = arith.mulf %mul3A_347, %mul3A_346 : vector<16xf32>
      %sub3A_349 = arith.constant 1.500000e+00 : f32
      %sub3A_350 = vector.broadcast %sub3A_349 : f32 to vector<16xf32>
      %sub3A_351 = arith.subf %sub3A_350, %mul3A_348 : vector<16xf32>
      %mul3A_352 = arith.mulf %mul3A_346, %sub3A_351 : vector<16xf32>
      %mul3A_353 = arith.mulf %add3A_329, %mul3A_352 : vector<16xf32>
      %sub3A_354 = arith.constant 1.000000e+00 : f32
      %sub3A_355 = vector.broadcast %sub3A_354 : f32 to vector<16xf32>
      %sub3A_356 = arith.subf %mul3A_353, %sub3A_355 : vector<16xf32>
      %mul3A_357 = arith.mulf %sub3A_356, %sub3A_356 : vector<16xf32>
      %add3A_358 = arith.addf %scan3A_299, %mul3A_357 : vector<16xf32>
      %mul3A_359 = arith.constant 1.000000e+00 : f32
      %mul3A_360 = vector.broadcast %mul3A_359 : f32 to vector<16xf32>
      %mul3A_361 = arith.mulf %mul3A_360, %sub3A_356 : vector<16xf32>
      %mul3A_362 = arith.mulf %mul3A_361, %mul3A_352 : vector<16xf32>
      %mul3A_363 = arith.mulf %mul3A_362, %sub3A : vector<16xf32>
      %mul3A_364 = arith.mulf %mul3A_362, %sub3A_317 : vector<16xf32>
      %mul3A_365 = arith.mulf %mul3A_362, %sub3A_324 : vector<16xf32>
      %swap3A_366 = arith.index_cast %add3A_305 : i32 to index
      %swap3A_367 = tpu.vector_load %arg27[%swap3A_366] {strides = array<i32>} : memref<4000xf32, #tpu.memory_space<vmem>>, vector<16xf32>,
      %swap3A_368 = vector.shape_cast %swap3A_367 : vector<16xf32> to vector<16xf32>
      %swap3A_369 = vector.shape_cast %mul3A_363 : vector<16xf32> to vector<16xf32>
      tpu.vector_store %arg27[%swap3A_366], %swap3A_369 {strides = array<i32>} : memref<4000xf32, #tpu.memory_space<vmem>>, vector<16xf32>,
      %swap3A_370 = arith.index_cast %add3A_305 : i32 to index
      %swap3A_371 = tpu.vector_load %arg28[%swap3A_370] {strides = array<i32>} : memref<4000xf32, #tpu.memory_space<vmem>>, vector<16xf32>,
      %swap3A_372 = vector.shape_cast %swap3A_371 : vector<16xf32> to vector<16xf32>
      %swap3A_373 = vector.shape_cast %mul3A_364 : vector<16xf32> to vector<16xf32>
      tpu.vector_store %arg28[%swap3A_370], %swap3A_373 {strides = array<i32>} : memref<4000xf32, #tpu.memory_space<vmem>>, vector<16xf32>,
      %swap3A_374 = arith.index_cast %add3A_305 : i32 to index
      %swap3A_375 = tpu.vector_load %arg29[%swap3A_374] {strides = array<i32>} : memref<4000xf32, #tpu.memory_space<vmem>>, vector<16xf32>,
      %swap3A_376 = vector.shape_cast %swap3A_375 : vector<16xf32> to vector<16xf32>
      %swap3A_377 = vector.shape_cast %mul3A_365 : vector<16xf32> to vector<16xf32>
      tpu.vector_store %arg29[%swap3A_374], %swap3A_377 {strides = array<i32>} : memref<4000xf32, #tpu.memory_space<vmem>>, vector<16xf32>,
      %neg3A = arith.constant 0.000000e+00 : f32
      %neg3A_378 = vector.broadcast %neg3A : f32 to vector<16xf32>
      %neg3A_379 = arith.subf %neg3A_378, %mul3A_363 : vector<16xf32>
      %swap3A_380 = arith.index_cast %mul3A_301 : i32 to index
      %swap3A_381 = tpu.vector_load %arg27[%swap3A_380] {strides = array<i32>} : memref<4000xf32, #tpu.memory_space<vmem>>, vector<16xf32>,
      %swap3A_382 = vector.shape_cast %swap3A_381 : vector<16xf32> to vector<16xf32>
      %swap3A_383 = vector.shape_cast %neg3A_379 : vector<16xf32> to vector<16xf32>
      tpu.vector_store %arg27[%swap3A_380], %swap3A_383 {strides = array<i32>} : memref<4000xf32, #tpu.memory_space<vmem>>, vector<16xf32>,
      %neg3A_384 = arith.constant 0.000000e+00 : f32
      %neg3A_385 = vector.broadcast %neg3A_384 : f32 to vector<16xf32>
      %neg3A_386 = arith.subf %neg3A_385, %mul3A_364 : vector<16xf32>
      %swap3A_387 = arith.index_cast %mul3A_301 : i32 to index
      %swap3A_388 = tpu.vector_load %arg28[%swap3A_387] {strides = array<i32>} : memref<4000xf32, #tpu.memory_space<vmem>>, vector<16xf32>,
      %swap3A_389 = vector.shape_cast %swap3A_388 : vector<16xf32> to vector<16xf32>
      %swap3A_390 = vector.shape_cast %neg3A_386 : vector<16xf32> to vector<16xf32>
      tpu.vector_store %arg28[%swap3A_387], %swap3A_390 {strides = array<i32>} : memref<4000xf32, #tpu.memory_space<vmem>>, vector<16xf32>,
      %neg3A_391 = arith.constant 0.000000e+00 : f32
      %neg3A_392 = vector.broadcast %neg3A_391 : f32 to vector<16xf32>
      %neg3A_393 = arith.subf %neg3A_392, %mul3A_365 : vector<16xf32>
      %swap3A_394 = arith.index_cast %mul3A_301 : i32 to index
      %swap3A_395 = tpu.vector_load %arg29[%swap3A_394] {strides = array<i32>} : memref<4000xf32, #tpu.memory_space<vmem>>, vector<16xf32>,
      %swap3A_396 = vector.shape_cast %swap3A_395 : vector<16xf32> to vector<16xf32>
      %swap3A_397 = vector.shape_cast %neg3A_393 : vector<16xf32> to vector<16xf32>
      tpu.vector_store %arg29[%swap3A_394], %swap3A_397 {strides = array<i32>} : memref<4000xf32, #tpu.memory_space<vmem>>, vector<16xf32>,
      scf.yield %add3A_358 : vector<16xf32>
    }
    %scan3A_252 = arith.constant 125 : i32
    %dma_wait3A_253 = arith.constant 0 : i32
    %dma_wait3A_254 = tpu.memref_slice %arg2[%dma_wait3A_253] : memref<100096xf32, #tpu.memory_space<hbm>> -> memref<4000xf32, #tpu.memory_space<hbm>>
    %dma_wait3A_255 = arith.constant 0 : i32
    %dma_wait3A_256 = tpu.memref_slice %arg2[%dma_wait3A_255] : memref<100096xf32, #tpu.memory_space<hbm>> -> memref<4000xf32, #tpu.memory_space<hbm>>
    tpu.wait_dma2 semaphore(%arg34 : memref<!tpu.dma_semaphore, #tpu.memory_space<semaphore_mem>>) src(%dma_wait3A_256 : memref<4000xf32, #tpu.memory_space<hbm>>) dst(%arg24 : memref<4000xf32, #tpu.memory_space<vmem>>)
    %dma_wait3A_257 = arith.constant 0 : i32
    %dma_wait3A_258 = tpu.memref_slice %arg2[%dma_wait3A_257] : memref<100096xf32, #tpu.memory_space<hbm>> -> memref<4000xf32, #tpu.memory_space<hbm>>
    %dma_wait3A_259 = arith.constant 0 : i32
    %dma_wait3A_260 = tpu.memref_slice %arg2[%dma_wait3A_259] : memref<100096xf32, #tpu.memory_space<hbm>> -> memref<4000xf32, #tpu.memory_space<hbm>>
    tpu.wait_dma2 semaphore(%arg34 : memref<!tpu.dma_semaphore, #tpu.memory_space<semaphore_mem>>) src(%dma_wait3A_260 : memref<4000xf32, #tpu.memory_space<hbm>>) dst(%arg25 : memref<4000xf32, #tpu.memory_space<vmem>>)
    %dma_wait3A_261 = arith.constant 0 : i32
    %dma_wait3A_262 = tpu.memref_slice %arg2[%dma_wait3A_261] : memref<100096xf32, #tpu.memory_space<hbm>> -> memref<4000xf32, #tpu.memory_space<hbm>>
    %dma_wait3A_263 = arith.constant 0 : i32
    %dma_wait3A_264 = tpu.memref_slice %arg2[%dma_wait3A_263] : memref<100096xf32, #tpu.memory_space<hbm>> -> memref<4000xf32, #tpu.memory_space<hbm>>
    tpu.wait_dma2 semaphore(%arg34 : memref<!tpu.dma_semaphore, #tpu.memory_space<semaphore_mem>>) src(%dma_wait3A_264 : memref<4000xf32, #tpu.memory_space<hbm>>) dst(%arg26 : memref<4000xf32, #tpu.memory_space<vmem>>)
    %dma_start3A_265 = arith.constant 0 : i32
    %dma_start3A_266 = tpu.memref_slice %arg11[%dma_start3A_265] : memref<100096xf32, #tpu.memory_space<vmem_shared>> -> memref<100096xf32, #tpu.memory_space<vmem_shared>>
    tpu.enqueue_indirect_dma source(%arg27 : memref<4000xf32, #tpu.memory_space<vmem>>) target(%dma_start3A_266 : memref<100096xf32, #tpu.memory_space<vmem_shared>>) offsets(%arg17 : memref<4000xi32, #tpu.memory_space<vmem>>) semaphore(%arg34 : memref<!tpu.dma_semaphore, #tpu.memory_space<semaphore_mem>>) {add = true}
    %dma_start3A_267 = arith.constant 0 : i32
    %dma_start3A_268 = tpu.memref_slice %arg12[%dma_start3A_267] : memref<100096xf32, #tpu.memory_space<vmem_shared>> -> memref<100096xf32, #tpu.memory_space<vmem_shared>>
    tpu.enqueue_indirect_dma source(%arg28 : memref<4000xf32, #tpu.memory_space<vmem>>) target(%dma_start3A_268 : memref<100096xf32, #tpu.memory_space<vmem_shared>>) offsets(%arg17 : memref<4000xi32, #tpu.memory_space<vmem>>) semaphore(%arg34 : memref<!tpu.dma_semaphore, #tpu.memory_space<semaphore_mem>>) {add = true}
    %dma_start3A_269 = arith.constant 0 : i32
    %dma_start3A_270 = tpu.memref_slice %arg13[%dma_start3A_269] : memref<100096xf32, #tpu.memory_space<vmem_shared>> -> memref<100096xf32, #tpu.memory_space<vmem_shared>>
    tpu.enqueue_indirect_dma source(%arg29 : memref<4000xf32, #tpu.memory_space<vmem>>) target(%dma_start3A_270 : memref<100096xf32, #tpu.memory_space<vmem_shared>>) offsets(%arg17 : memref<4000xi32, #tpu.memory_space<vmem>>) semaphore(%arg34 : memref<!tpu.dma_semaphore, #tpu.memory_space<semaphore_mem>>) {add = true}
    %dma_wait3A_271 = arith.constant 0 : i32
    %dma_wait3A_272 = tpu.memref_slice %arg2[%dma_wait3A_271] : memref<100096xf32, #tpu.memory_space<hbm>> -> memref<4000xf32, #tpu.memory_space<hbm>>
    %dma_wait3A_273 = arith.constant 0 : i32
    %dma_wait3A_274 = tpu.memref_slice %arg2[%dma_wait3A_273] : memref<100096xf32, #tpu.memory_space<hbm>> -> memref<4000xf32, #tpu.memory_space<hbm>>
    tpu.wait_dma2 semaphore(%arg34 : memref<!tpu.dma_semaphore, #tpu.memory_space<semaphore_mem>>) src(%dma_wait3A_274 : memref<4000xf32, #tpu.memory_space<hbm>>) dst(%arg27 : memref<4000xf32, #tpu.memory_space<vmem>>)
    %dma_wait3A_275 = arith.constant 0 : i32
    %dma_wait3A_276 = tpu.memref_slice %arg2[%dma_wait3A_275] : memref<100096xf32, #tpu.memory_space<hbm>> -> memref<4000xf32, #tpu.memory_space<hbm>>
    %dma_wait3A_277 = arith.constant 0 : i32
    %dma_wait3A_278 = tpu.memref_slice %arg2[%dma_wait3A_277] : memref<100096xf32, #tpu.memory_space<hbm>> -> memref<4000xf32, #tpu.memory_space<hbm>>
    tpu.wait_dma2 semaphore(%arg34 : memref<!tpu.dma_semaphore, #tpu.memory_space<semaphore_mem>>) src(%dma_wait3A_278 : memref<4000xf32, #tpu.memory_space<hbm>>) dst(%arg28 : memref<4000xf32, #tpu.memory_space<vmem>>)
    %dma_wait3A_279 = arith.constant 0 : i32
    %dma_wait3A_280 = tpu.memref_slice %arg2[%dma_wait3A_279] : memref<100096xf32, #tpu.memory_space<hbm>> -> memref<4000xf32, #tpu.memory_space<hbm>>
    %dma_wait3A_281 = arith.constant 0 : i32
    %dma_wait3A_282 = tpu.memref_slice %arg2[%dma_wait3A_281] : memref<100096xf32, #tpu.memory_space<hbm>> -> memref<4000xf32, #tpu.memory_space<hbm>>
    tpu.wait_dma2 semaphore(%arg34 : memref<!tpu.dma_semaphore, #tpu.memory_space<semaphore_mem>>) src(%dma_wait3A_282 : memref<4000xf32, #tpu.memory_space<hbm>>) dst(%arg29 : memref<4000xf32, #tpu.memory_space<vmem>>)
    %swap3A = arith.constant 0 : index
    %swap3A_283 = tpu.vector_load %arg31[%swap3A] {strides = array<i32>} : memref<16xf32, #tpu.memory_space<vmem>>, vector<16xf32>,
    %swap3A_284 = vector.shape_cast %swap3A_283 : vector<16xf32> to vector<16xf32>
    %swap3A_285 = vector.shape_cast %scan3A_251 : vector<16xf32> to vector<16xf32>
    tpu.vector_store %arg31[%swap3A], %swap3A_285 {strides = array<i32>} : memref<16xf32, #tpu.memory_space<vmem>>, vector<16xf32>,
    %mul3A_286 = arith.constant 16 : i32
    %mul3A_287 = arith.muli %add3A, %mul3A_286 : i32
    "tpu.region"() ({
      %run_scoped3A = tpu.sem_alloc : memref<!tpu.dma_semaphore, #tpu.memory_space<semaphore_mem>>
      %dma_start3A_298 = tpu.memref_slice %arg7[%mul3A_287] : memref<512xf32, #tpu.memory_space<hbm>> -> memref<16xf32, #tpu.memory_space<hbm>>
      %dma_start3A_299 = tpu.memref_slice %arg7[%mul3A_287] : memref<512xf32, #tpu.memory_space<hbm>> -> memref<16xf32, #tpu.memory_space<hbm>>
      tpu.enqueue_dma source(%arg31 : memref<16xf32, #tpu.memory_space<vmem>>) target(%dma_start3A_299 : memref<16xf32, #tpu.memory_space<hbm>>) target_semaphore(%run_scoped3A : memref<!tpu.dma_semaphore, #tpu.memory_space<semaphore_mem>>)
      %dma_wait3A_300 = tpu.memref_slice %arg7[%mul3A_287] : memref<512xf32, #tpu.memory_space<hbm>> -> memref<16xf32, #tpu.memory_space<hbm>>
      %dma_wait3A_301 = tpu.memref_slice %arg7[%mul3A_287] : memref<512xf32, #tpu.memory_space<hbm>> -> memref<16xf32, #tpu.memory_space<hbm>>
      tpu.wait_dma2 semaphore(%run_scoped3A : memref<!tpu.dma_semaphore, #tpu.memory_space<semaphore_mem>>) src(%arg31 : memref<16xf32, #tpu.memory_space<vmem>>) dst(%dma_wait3A_301 : memref<16xf32, #tpu.memory_space<hbm>>)
      tpu.yield
    }) : () -> ()
    %barrier3A_288 = arith.constant 0 : index
    tpu.barrier barrier_id(%barrier3A_288)
    %mul3A_289 = arith.constant 3 : i32
    %mul3A_290 = arith.muli %arg0, %mul3A_289 : i32
    %mul3A_291 = arith.constant 100096 : i32
    %mul3A_292 = arith.muli %mul3A_290, %mul3A_291 : i32
    %add3A_293 = arith.addi %mul3A_292, %mul3A_8 : i32
    "tpu.region"() ({
      %run_scoped3A = tpu.sem_alloc : memref<!tpu.dma_semaphore, #tpu.memory_space<semaphore_mem>>
      %dma_start3A_298 = tpu.memref_slice %arg11[%mul3A_8] : memref<100096xf32, #tpu.memory_space<vmem_shared>> -> memref<6256xf32, #tpu.memory_space<vmem_shared>>
      %dma_start3A_299 = tpu.memref_slice %arg11[%mul3A_8] : memref<100096xf32, #tpu.memory_space<vmem_shared>> -> memref<6256xf32, #tpu.memory_space<vmem_shared>>
      tpu.enqueue_dma source(%dma_start3A_299 : memref<6256xf32, #tpu.memory_space<vmem_shared>>) target(%arg30 : memref<6256xf32, #tpu.memory_space<vmem>>) target_semaphore(%run_scoped3A : memref<!tpu.dma_semaphore, #tpu.memory_space<semaphore_mem>>)
      %dma_wait3A_300 = tpu.memref_slice %arg11[%mul3A_8] : memref<100096xf32, #tpu.memory_space<vmem_shared>> -> memref<6256xf32, #tpu.memory_space<vmem_shared>>
      %dma_wait3A_301 = tpu.memref_slice %arg11[%mul3A_8] : memref<100096xf32, #tpu.memory_space<vmem_shared>> -> memref<6256xf32, #tpu.memory_space<vmem_shared>>
      tpu.wait_dma2 semaphore(%run_scoped3A : memref<!tpu.dma_semaphore, #tpu.memory_space<semaphore_mem>>) src(%dma_wait3A_301 : memref<6256xf32, #tpu.memory_space<vmem_shared>>) dst(%arg30 : memref<6256xf32, #tpu.memory_space<vmem>>)
      tpu.yield
    }) : () -> ()
    "tpu.region"() ({
      %run_scoped3A = tpu.sem_alloc : memref<!tpu.dma_semaphore, #tpu.memory_space<semaphore_mem>>
      %dma_start3A_298 = tpu.memref_slice %arg6[%add3A_293] : memref<600576xf32, #tpu.memory_space<hbm>> -> memref<6256xf32, #tpu.memory_space<hbm>>
      %dma_start3A_299 = tpu.memref_slice %arg6[%add3A_293] : memref<600576xf32, #tpu.memory_space<hbm>> -> memref<6256xf32, #tpu.memory_space<hbm>>
      tpu.enqueue_dma source(%arg30 : memref<6256xf32, #tpu.memory_space<vmem>>) target(%dma_start3A_299 : memref<6256xf32, #tpu.memory_space<hbm>>) target_semaphore(%run_scoped3A : memref<!tpu.dma_semaphore, #tpu.memory_space<semaphore_mem>>)
      %dma_wait3A_300 = tpu.memref_slice %arg6[%add3A_293] : memref<600576xf32, #tpu.memory_space<hbm>> -> memref<6256xf32, #tpu.memory_space<hbm>>
      %dma_wait3A_301 = tpu.memref_slice %arg6[%add3A_293] : memref<600576xf32, #tpu.memory_space<hbm>> -> memref<6256xf32, #tpu.memory_space<hbm>>
      tpu.wait_dma2 semaphore(%run_scoped3A : memref<!tpu.dma_semaphore, #tpu.memory_space<semaphore_mem>>) src(%arg30 : memref<6256xf32, #tpu.memory_space<vmem>>) dst(%dma_wait3A_301 : memref<6256xf32, #tpu.memory_space<hbm>>)
      tpu.yield
    }) : () -> ()
    "tpu.region"() ({
      %run_scoped3A = tpu.sem_alloc : memref<!tpu.dma_semaphore, #tpu.memory_space<semaphore_mem>>
      %dma_start3A_298 = tpu.memref_slice %arg12[%mul3A_8] : memref<100096xf32, #tpu.memory_space<vmem_shared>> -> memref<6256xf32, #tpu.memory_space<vmem_shared>>
      %dma_start3A_299 = tpu.memref_slice %arg12[%mul3A_8] : memref<100096xf32, #tpu.memory_space<vmem_shared>> -> memref<6256xf32, #tpu.memory_space<vmem_shared>>
      tpu.enqueue_dma source(%dma_start3A_299 : memref<6256xf32, #tpu.memory_space<vmem_shared>>) target(%arg30 : memref<6256xf32, #tpu.memory_space<vmem>>) target_semaphore(%run_scoped3A : memref<!tpu.dma_semaphore, #tpu.memory_space<semaphore_mem>>)
      %dma_wait3A_300 = tpu.memref_slice %arg12[%mul3A_8] : memref<100096xf32, #tpu.memory_space<vmem_shared>> -> memref<6256xf32, #tpu.memory_space<vmem_shared>>
      %dma_wait3A_301 = tpu.memref_slice %arg12[%mul3A_8] : memref<100096xf32, #tpu.memory_space<vmem_shared>> -> memref<6256xf32, #tpu.memory_space<vmem_shared>>
      tpu.wait_dma2 semaphore(%run_scoped3A : memref<!tpu.dma_semaphore, #tpu.memory_space<semaphore_mem>>) src(%dma_wait3A_301 : memref<6256xf32, #tpu.memory_space<vmem_shared>>) dst(%arg30 : memref<6256xf32, #tpu.memory_space<vmem>>)
      tpu.yield
    }) : () -> ()
    %add3A_294 = arith.constant 100096 : i32
    %add3A_295 = arith.addi %add3A_293, %add3A_294 : i32
    "tpu.region"() ({
      %run_scoped3A = tpu.sem_alloc : memref<!tpu.dma_semaphore, #tpu.memory_space<semaphore_mem>>
      %dma_start3A_298 = tpu.memref_slice %arg6[%add3A_295] : memref<600576xf32, #tpu.memory_space<hbm>> -> memref<6256xf32, #tpu.memory_space<hbm>>
      %dma_start3A_299 = tpu.memref_slice %arg6[%add3A_295] : memref<600576xf32, #tpu.memory_space<hbm>> -> memref<6256xf32, #tpu.memory_space<hbm>>
      tpu.enqueue_dma source(%arg30 : memref<6256xf32, #tpu.memory_space<vmem>>) target(%dma_start3A_299 : memref<6256xf32, #tpu.memory_space<hbm>>) target_semaphore(%run_scoped3A : memref<!tpu.dma_semaphore, #tpu.memory_space<semaphore_mem>>)
      %dma_wait3A_300 = tpu.memref_slice %arg6[%add3A_295] : memref<600576xf32, #tpu.memory_space<hbm>> -> memref<6256xf32, #tpu.memory_space<hbm>>
      %dma_wait3A_301 = tpu.memref_slice %arg6[%add3A_295] : memref<600576xf32, #tpu.memory_space<hbm>> -> memref<6256xf32, #tpu.memory_space<hbm>>
      tpu.wait_dma2 semaphore(%run_scoped3A : memref<!tpu.dma_semaphore, #tpu.memory_space<semaphore_mem>>) src(%arg30 : memref<6256xf32, #tpu.memory_space<vmem>>) dst(%dma_wait3A_301 : memref<6256xf32, #tpu.memory_space<hbm>>)
      tpu.yield
    }) : () -> ()
    "tpu.region"() ({
      %run_scoped3A = tpu.sem_alloc : memref<!tpu.dma_semaphore, #tpu.memory_space<semaphore_mem>>
      %dma_start3A_298 = tpu.memref_slice %arg13[%mul3A_8] : memref<100096xf32, #tpu.memory_space<vmem_shared>> -> memref<6256xf32, #tpu.memory_space<vmem_shared>>
      %dma_start3A_299 = tpu.memref_slice %arg13[%mul3A_8] : memref<100096xf32, #tpu.memory_space<vmem_shared>> -> memref<6256xf32, #tpu.memory_space<vmem_shared>>
      tpu.enqueue_dma source(%dma_start3A_299 : memref<6256xf32, #tpu.memory_space<vmem_shared>>) target(%arg30 : memref<6256xf32, #tpu.memory_space<vmem>>) target_semaphore(%run_scoped3A : memref<!tpu.dma_semaphore, #tpu.memory_space<semaphore_mem>>)
      %dma_wait3A_300 = tpu.memref_slice %arg13[%mul3A_8] : memref<100096xf32, #tpu.memory_space<vmem_shared>> -> memref<6256xf32, #tpu.memory_space<vmem_shared>>
      %dma_wait3A_301 = tpu.memref_slice %arg13[%mul3A_8] : memref<100096xf32, #tpu.memory_space<vmem_shared>> -> memref<6256xf32, #tpu.memory_space<vmem_shared>>
      tpu.wait_dma2 semaphore(%run_scoped3A : memref<!tpu.dma_semaphore, #tpu.memory_space<semaphore_mem>>) src(%dma_wait3A_301 : memref<6256xf32, #tpu.memory_space<vmem_shared>>) dst(%arg30 : memref<6256xf32, #tpu.memory_space<vmem>>)
      tpu.yield
    }) : () -> ()
    %add3A_296 = arith.constant 200192 : i32
    %add3A_297 = arith.addi %add3A_293, %add3A_296 : i32
    "tpu.region"() ({
      %run_scoped3A = tpu.sem_alloc : memref<!tpu.dma_semaphore, #tpu.memory_space<semaphore_mem>>
      %dma_start3A_298 = tpu.memref_slice %arg6[%add3A_297] : memref<600576xf32, #tpu.memory_space<hbm>> -> memref<6256xf32, #tpu.memory_space<hbm>>
      %dma_start3A_299 = tpu.memref_slice %arg6[%add3A_297] : memref<600576xf32, #tpu.memory_space<hbm>> -> memref<6256xf32, #tpu.memory_space<hbm>>
      tpu.enqueue_dma source(%arg30 : memref<6256xf32, #tpu.memory_space<vmem>>) target(%dma_start3A_299 : memref<6256xf32, #tpu.memory_space<hbm>>) target_semaphore(%run_scoped3A : memref<!tpu.dma_semaphore, #tpu.memory_space<semaphore_mem>>)
      %dma_wait3A_300 = tpu.memref_slice %arg6[%add3A_297] : memref<600576xf32, #tpu.memory_space<hbm>> -> memref<6256xf32, #tpu.memory_space<hbm>>
      %dma_wait3A_301 = tpu.memref_slice %arg6[%add3A_297] : memref<600576xf32, #tpu.memory_space<hbm>> -> memref<6256xf32, #tpu.memory_space<hbm>>
      tpu.wait_dma2 semaphore(%run_scoped3A : memref<!tpu.dma_semaphore, #tpu.memory_space<semaphore_mem>>) src(%arg30 : memref<6256xf32, #tpu.memory_space<vmem>>) dst(%dma_wait3A_301 : memref<6256xf32, #tpu.memory_space<hbm>>)
      tpu.yield
    }) : () -> ()
    return
  }
}

</mosaic_0001>

<sc_bundles>
// kernel: kernel.3.cloned.1.call-start
scs
__scs_entry_jumppad:
0x0: {  	(pc) =	sbr.rel $0x88, $3  }
0x1: {  	(tag) =	ssettag $0x0;
	lr =	simm.s32 $0x1  }
0x2: {  	[smem:$0x3F9F] =	sst lr;
	_ =	strace $0xD0000000  }
0x3: {  	_ = 	snop  }
0x4: {  	_ = 	snop  }
0x5: {  	_ = 	snop  }
0x6: {  	_ = 	snop  }
0x7: {  	_ = 	snop  }
__scs_overlays_trampoline_lowered:
0x8: {  	[smem:$0x3FAE] =	sst s0  }
0x9: {  	[smem:$0x3FAF] =	sst s1  }
0xa: {  	[smem:$0x3FB0] =	sst s2  }
0xb: {  	[smem:$0x3FB1] =	sst s3  }
0xc: {  	[smem:$0x3FB2] =	sst s4  }
0xd: {  	[smem:$0x3FB3] =	sst s5  }
0xe: {  	[smem:$0x3FB4] =	sst s6  }
0xf: {  	[smem:$0x3FB5] =	sst s7  }
0x10: {  	[smem:$0x3FB6] =	sst s8  }
0x11: {  	[smem:$0x3FB7] =	sst s9;
	s0 =	simm.s32 @!p0 $0x0  }
0x12: {  	s1 =	sld [smem:$0x3F9D];
	s0 =	simm.s32 @p0 $0x1  }
0x13: {  	[smem:$0x3FB8] =	sst s0;
	s0 =	simm.s32 @!p1 $0x0  }
0x14: {  	s2 =	sld [smem:$0x3F9C];
	s0 =	simm.s32 @p1 $0x1  }
0x15: {  	[smem:$0x3FB9] =	sst s0;
	s0 =	simm.s32 @!p2 $0x0  }
0x16: {  	s3 =	sld [smem:$0x3FDB];
	s0 =	simm.s32 @p2 $0x1  }
0x17: {  	s4 =	simm.s32 $0x1BF5;
	[smem:$0x3FBB] =	sst s0  }
0x18: {  	s0 =	sld [smem:$0x3F9E];
	_ =	swait.ge [sflag:s4], $0x0  }
0x19: {  	s7 =	sld [smem:$0x3F9F]  }
0x1a: {  	s8 =	sadd.s32 $0xFFFFE003, lr  }
0x1b: {  	s9 =	sadd.s32 $0xFFFFFEF7, lr;
	s5 =	simm.s32 $0xFFFFFFFF;
	p2 =	slt.u32 s8, $0xFFFFF086  }
0x1c: {  	p1 =	slt.u32 s9, $0xF7A;
	s5 =	simm.s32 @!p2 $0x0  }
0x1d: {  	s5 =	simm.s32 @p1 $0x1;
	p0 =	seq.s32 s7, s2  }
0x1e: {  	s7 =	smul.u32 @!p0 $0xF7A, s2;
	p2 =	seq.s32 @!p0 s5, $0x0  }
0x1f: {  	s9 =	smul.u32 $0xF7A, s1;
	s8 =	simm.s32 @!p0 $0x1BF5;
	p2 =	por !p2, p0  }
0x20: {  	[sflag:s8] =	ssyncset.s32 @!p0 $0xFFFFF086;
	s6 =	sadd.s32 @!p0 s3, s7;
	s7 =	simm.s32 @!p0 $0x108  }
0x21: {  	s3 =	sadd.s32 s3, s9;
	s6 =	sadd.s32 @!p0 $0x88, s6;
	s7 =	simm.s32 @p2 $0x1082  }
0x22: {  	[simem:s7], [sflag:s8] =	dma.local @!p0 [hbm:s6], $0xF7A  }
0x23: {  	s9 =	sor.u32 $0xD0000000, s2;
	s6 =	simm.s32 $0x108;
	_ =	swait.ge @!p0 [sflag:s8], $0x0  }
0x24: {  	s3 =	sadd.s32 $0x88, s3;
	s6 =	simm.s32 @!p1 $0x1082;
	[sflag:s4] =	ssyncset.s32 $0xFFFFF086  }
0x25: {  	[simem:s6], [sflag:s4] =	dma.local [hbm:s3], $0xF7A  }
0x26: {  	[smem:$0x3F9F] =	sst s1;
	(tag) =	ssettag s2;
	_ =	strace s9  }
0x27: {  	s1 =	sld [smem:$0x3FAF]  }
0x28: {  	s2 =	sld [smem:$0x3FB0]  }
0x29: {  	s4 =	sld [smem:$0x3FB2]  }
0x2a: {  	p0 =	seq.s32 s5, $0x0;
	s5 =	sld [smem:$0x3FB3]  }
0x2b: {  	s6 =	sld [smem:$0x3FB4]  }
0x2c: {  	s7 =	sld [smem:$0x3FB5]  }
0x2d: {  	s3 =	simm.s32 $0x108;
	s8 =	sld [smem:$0x3FB6]  }
0x2e: {  	s3 =	simm.s32 @!p0 $0x1082;
	s9 =	sld [smem:$0x3FB7]  }
0x2f: {  	lr =	sadd.s32 s0, s3;
	s0 =	sld [smem:$0x3FAE]  }
0x30: {  	s3 =	sld [smem:$0x3FB1]  }
0x31: {  	[smem:$0x3FBA] =	sst s10  }
0x32: {  	s10 =	sld [smem:$0x3FB8];
	_ =	sdelay $0x3  }
0x33: {  	p0 =	seq.s32 s10, $0x1;
	s10 =	sld [smem:$0x3FBA];
	_ =	sdelay $0x3  }
0x34: {  	[smem:$0x3FBA] =	sst s10  }
0x35: {  	s10 =	sld [smem:$0x3FB9];
	_ =	sdelay $0x3  }
0x36: {  	p1 =	seq.s32 s10, $0x1;
	s10 =	sld [smem:$0x3FBA];
	_ =	sdelay $0x3  }
0x37: {  	[smem:$0x3FBA] =	sst s10  }
0x38: {  	s10 =	sld [smem:$0x3FBB]  }
0x39: {  	_ = 	snop;
	(pc) =	sbr.ind lr, $3  }
0x3a: {  	_ = 	snop  }
0x3b: {  	_ = 	snop  }
0x3c: {  	p2 =	seq.s32 s10, $0x1;
	s10 =	sld [smem:$0x3FBA]  }
0x3d: {  	_ =	shalt  }
0x3e: {  	_ =	shalt  }
0x3f: {  	_ =	shalt  }
0x40: {  	_ =	shalt  }
0x41: {  	_ =	shalt  }
0x42: {  	_ =	shalt  }
0x43: {  	_ =	shalt  }
0x44: {  	_ =	shalt  }
0x45: {  	_ =	shalt  }
0x46: {  	_ =	shalt  }
0x47: {  	_ =	shalt  }
0x48: {  	_ =	shalt  }
0x49: {  	_ =	shalt  }
0x4a: {  	_ =	shalt  }
0x4b: {  	_ =	shalt  }
0x4c: {  	_ =	shalt  }
0x4d: {  	_ =	shalt  }
0x4e: {  	_ =	shalt  }
0x4f: {  	_ =	shalt  }
0x50: {  	_ =	shalt  }
0x51: {  	_ =	shalt  }
0x52: {  	_ =	shalt  }
0x53: {  	_ =	shalt  }
0x54: {  	_ =	shalt  }
0x55: {  	_ =	shalt  }
0x56: {  	_ =	shalt  }
0x57: {  	_ =	shalt  }
0x58: {  	_ =	shalt  }
0x59: {  	_ =	shalt  }
0x5a: {  	_ =	shalt  }
0x5b: {  	_ =	shalt  }
0x5c: {  	_ =	shalt  }
0x5d: {  	_ =	shalt  }
0x5e: {  	_ =	shalt  }
0x5f: {  	_ =	shalt  }
0x60: {  	_ =	shalt  }
0x61: {  	_ =	shalt  }
0x62: {  	_ =	shalt  }
0x63: {  	_ =	shalt  }
0x64: {  	_ =	shalt  }
0x65: {  	_ =	shalt  }
0x66: {  	_ =	shalt  }
0x67: {  	_ =	shalt  }
0x68: {  	_ =	shalt  }
0x69: {  	_ =	shalt  }
0x6a: {  	_ =	shalt  }
0x6b: {  	_ =	shalt  }
0x6c: {  	_ =	shalt  }
0x6d: {  	_ =	shalt  }
0x6e: {  	_ =	shalt  }
0x6f: {  	_ =	shalt  }
0x70: {  	_ =	shalt  }
0x71: {  	_ =	shalt  }
0x72: {  	_ =	shalt  }
0x73: {  	_ =	shalt  }
0x74: {  	_ =	shalt  }
0x75: {  	_ =	shalt  }
0x76: {  	_ =	shalt  }
0x77: {  	_ =	shalt  }
0x78: {  	_ =	shalt  }
0x79: {  	_ =	shalt  }
0x7a: {  	_ =	shalt  }
0x7b: {  	_ =	shalt  }
0x7c: {  	_ =	shalt  }
0x7d: {  	_ =	shalt  }
0x7e: {  	_ =	shalt  }
0x7f: {  	_ =	shalt  }
0x80: {  	_ =	shalt  }
0x81: {  	_ =	shalt  }
0x82: {  	_ =	shalt  }
0x83: {  	_ =	shalt  }
0x84: {  	_ =	shalt  }
0x85: {  	_ =	shalt  }
0x86: {  	_ =	shalt  }
0x87: {  	_ =	shalt  }
.Lfunc_end0:
.L_simem_size_0:
called_computation.1_lowered:
.L_overlay_start_0:
0x88: {  	s2 =	sld [smem:$0x3FD9]  }
0x89: {  	s3 =	sld [smem:$0x3FFE];
	_ =	sdelay $0x1  }
0x8a: {  	s1 =	srdreg.scid  }
0x8b: {  	s0 =	sand.u32 $0x1, s1  }
0x8c: {  	s14 =	sshll.u32 s0, $0xA;
	s2 =	sadd.s32 s3, s2  }
0x8d: {  	s2 =	sadd.s32 s2, s14  }
0x8e: {  	[smem:$0x3FC6] =	sst s2  }
0x8f: {  	_ = 	snop  }
0x90: {  	s2 =	sld [smem:$0x3FD0];
	_ =	sdelay $0x2  }
0x91: {  	s15 =	simm.s32 $0xA;
	s4 =	simm.s32 $0x10  }
0x92: {  	[smem:s4], [sflag:s15] =	dma.local [hbm:s2], $0x1  }
0x93: {  	_ =	swait.eq [sflag:s15], $0x1  }
0x94: {  	[sflag:s15] =	ssyncset.done $0x0  }
0x95: {  	[sflag:s15] =	ssyncadd.s32 $0xFFFFFFFF  }
0x96: {  	s16 =	sld [smem:$0x11];
	(tm) =	ssettm $0x1  }
0x97: {  	s17 =	sld [smem:$0x3FFB];
	_ =	sdelay $0x3  }
0x98: {  	_ =	strace s17  }
0x99: {  	s3 =	sld [smem:$0x3FFC];
	_ =	sdelay $0x3  }
0x9a: {  	_ =	strace s3  }
0x9b: {  	s3 =	sld [smem:$0x3FFD];
	_ =	sdelay $0x3  }
0x9c: {  	_ =	strace s3  }
0x9d: {  	_ =	strace $0x8FFFFFFF  }
0x9e: {  	s18 =	sld [smem:$0x3FDB];
	_ =	sdelay $0x1  }
0x9f: {  	s19 =	simm.s32 $_scs_section_size  }
0xa0: {  	s5 =	simm.s32 $_size__tile_overlayer_lowered;
	s6 =	simm.s32 $_tile_overlayer_lowered  }
0xa1: {  	s22 =	simm.s32 $0x1BFF;
	s21 =	sshll.u32 s6, $0x1;
	s3 =	sadd.s32 s19, s18  }
0xa2: {  	s7 =	simm.s32 $0x0;
	s20 =	sshll.u32 s5, $0x1;
	s5 =	sadd.s32 s21, s3  }
0xa3: {  	[timem:s7], [sflag:s22] =	dma.local [hbm:s5], s20  }
0xa4: {  	_ =	swait.ge [sflag:s22], s20  }
0xa5: {  	s4 =	ssub.s32 $0x0, s20;
	[sflag:s22] =	ssyncset.done $0x0  }
0xa6: {  	[sflag:s22] =	ssyncadd.s32 s4;
	_ =	sdelay $0x1  }
0xa7: {  	s23 =	simm.s32 $0x1B8B  }
0xa8: {  	_ =	swait.ge [sflag:s23], $0x1  }
0xa9: {  	[sflag:s23] =	ssyncset.done $0x0  }
0xaa: {  	s25 =	simm.s32 $0x1B8E;
	s24 =	sld [smem:$0x3FFE];
	[sflag:s23] =	ssyncadd.s32 $0xFFFFFFFF  }
0xab: {  	s26 =	simm.s32 $execute0_lowered;
	[smem:$0x3FD2] =	sst s25  }
0xac: {  	s5 =	sshll.u32 s26, $0x1;
	_ =	strace $0x80000049;
	[dreg:$0x1] =	wrdreg $0xFFFFFFFF  }
0xad: {  	s28 =	simm.s32 $_size_execute0_lowered;
	s3 =	sadd.s32 s3, s5;
	[dreg:$0x0] =	wrdreg $0x0  }
0xae: {  	s5 =	sshll.u32 s28, $0x1;
	[dreg:$0x2] =	wrdreg s3  }
0xaf: {  	[dreg:$0x3] =	wrdreg s5  }
0xb0: {  	[dreg:$0x4] =	wrdreg $0xC0  }
0xb1: {  	_ =	task [dreg:s7], $0x5FFFF  }
0xb2: {  	[dreg:$0x1] =	wrdreg $0xFFFFFFFF  }
0xb3: {  	[dreg:$0x0] =	wrdreg $0x60  }
0xb4: {  	[dreg:$0x2] =	wrdreg s24  }
0xb5: {  	[dreg:$0x3] =	wrdreg s16  }
0xb6: {  	[dreg:$0x4] =	wrdreg $0x49500  }
0xb7: {  	[dreg:$0x5] =	wrdreg $0x61C00  }
0xb8: {  	[dreg:$0x6] =	wrdreg $0x7A300  }
0xb9: {  	[dreg:$0x7] =	wrdreg $0x0  }
0xba: {  	[dreg:$0x8] =	wrdreg $0x18700  }
0xbb: {  	[dreg:$0x9] =	wrdreg $0x30E00  }
0xbc: {  	[dreg:$0xa] =	wrdreg $0x9  }
0xbd: {  	_ =	task.clear_ibuf [dreg:s7], $0xBFFFF;
	_ =	strace $0x90000049  }
0xbe: {  	s29 =	simm.s32 $0x9;
	_ =	strace $0x8000004B  }
0xbf: {  	_ =	swait.ge [sflag:s29], $0x1  }
0xc0: {  	[sflag:s29] =	ssyncadd.s32 $0xFFFFFFFF  }
0xc1: {  	_ =	strace $0x9000004B  }
0xc2: {  	_ =	sfence  }
0xc3: {  	s30 =	sld [smem:$0x0];
	_ =	sdelay $0x2  }
0xc4: {  	s31 =	sshll.u32 s1, $0xD;
	s1 =	sshrl.u32 s1, $0x2  }
0xc5: {  	s3 =	sand.u32 $0x4000, s31;
	s1 =	sadd.s32 s1, s30  }
0xc6: {  	s0 =	sor.u32 s3, s0;
	s1 =	sshll.u32 s1, $0x11  }
0xc7: {  	s0 =	sor.u32 s1, s0  }
0xc8: {  	s0 =	sadd.s32 $0x8F2B, s0  }
0xc9: {  	[sflag:s0] =	ssyncadd.remote.s32 $0x1  }
0xca: {  	_ =	sfence.sel $0xFFFF  }
0xcb: {  	[dreg:$0x0] =	wrdreg $0xFFFFFFFF;
	(pc) =	sbr.abs _section_cstart, $3  }
0xcc: {  	[dreg:$0x1] =	wrdreg $0xFFFFFFFF  }
0xcd: {  	_ =	task.clear_ibuf [dreg:s7], $0x2FFFF;
	_ =	strace $0x9FFFFFFF  }
0xce: {  	(tm) =	ssettm $0x7FFFFFFF  }
0xcf: {  	_ =	shalt  }
tec
execute0_lowered:
.L_overlay_start_1:
0x0: {  	(tag) =	ssettag $0x1  }
0x1: {  	s0 =	rddreg [dreg:$0x0]  }
0x2: {  	s1 =	rddreg [dreg:$0x1]  }
0x3: {  	s2 =	rddreg [dreg:$0x2]  }
0x4: {  	s3 =	rddreg [dreg:$0x3]  }
0x5: {  	s4 =	rddreg [dreg:$0x4]  }
0x6: {  	s6 =	rddreg [dreg:$0x5]  }
0x7: {  	s7 =	rddreg [dreg:$0x6]  }
0x8: {  	s8 =	rddreg [dreg:$0x7]  }
0x9: {  	s14 =	stileid.u32;
	s5 =	srdreg.scid  }
0xa: {  	s10 =	simm.s32 $0x0;
	s9 =	smul.u32 $0x1870, s14;
	s5 =	sand.u32 $0x1, s5  }
0xb: {  	s30 =	simm.s32 $0xA2A0;
	[smem:$0x7FF] =	sst s10;
	s23 =	smul.u32 $0x49500, s5  }
0xc: {  	_ =	strace $0x8000004A;
	s12 =	sshll.u32 s5, $0x4;
	s25 =	sadd.s32 s9, s6  }
0xd: {  	s5 =	ssub.s32 $0x2, s5;
	s26 =	sadd.s32 s9, s7;
	[dreg:$0xd] =	wrdreg s25  }
0xe: {  	s11 =	sshrl.u32 s9, $0x3;
	s28 =	sadd.s32 s9, s8;
	[dreg:$0xf] =	wrdreg s26  }
0xf: {  	s12 =	sor.u32 s14, s12;
	s19 =	sadd.s32 s9, s2;
	[dreg:$0x11] =	wrdreg s28  }
0x10: {  	s15 =	sshrl.u32 s5, $0x1;
	s20 =	sadd.s32 s9, s3;
	[dreg:$0x9] =	wrdreg s19  }
0x11: {  	s21 =	sadd.s32 s9, s4;
	s13 =	sadd.s32 s11, s0;
	[dreg:$0xa] =	wrdreg s20  }
0x12: {  	s14 =	sshll.u32 s12, $0x1;
	s1 =	sadd.s32 s1, s11;
	[dreg:$0xb] =	wrdreg s21  }
0x13: {  	s5 =	ssub.s32 s5, s15;
	s24 =	sadd.s32 $0x189C00, s13;
	[dreg:$0x10] =	wrdreg s1  }
0x14: {  	s12 =	smul.u32 $0x30D40, s12;
	s13 =	sadd.s32 $0x186A00, s13;
	[dreg:$0xc] =	wrdreg s24  }
0x15: {  	s31 =	simm.s32 $0x3;
	s5 =	smax.u32 s5, $0x1;
	[dreg:$0xe] =	wrdreg s13  }
0x16: {  	s10 =	sadd.s32 s9, s23;
	s29 =	sadd.s32 $0x1F40, s12;
	[dreg:$0x1b] =	wrdreg s5  }
0x17: {  	s10 =	sshrl.u32 s10, $0x3;
	s9 =	sadd.s32 $0x2710, s12;
	[dreg:$0x12] =	wrdreg s29  }
0x18: {  	s14 =	sadd.s32 s14, s0;
	s11 =	sadd.s32 $0x2EE0, s12;
	[dreg:$0x13] =	wrdreg s9  }
0x19: {  	s10 =	sadd.s32 s10, s0;
	s13 =	sadd.s32 $0x36B0, s12;
	[dreg:$0x14] =	wrdreg s11  }
0x1a: {  	s15 =	sshrl.u32 s12, $0x3;
	s16 =	sadd.s32 $0x19F400, s14;
	[dreg:$0x15] =	wrdreg s13  }
0x1b: {  	s5 =	simm.s32 $0x1;
	[dreg:$0x16] =	wrdreg s16;
	s17 =	sadd.s32 $0x18CE00, s10  }
0x1c: {  	s12 =	simm.s32 $0x152A0;
	s18 =	sadd.s32 $0x18FEE0, s10;
	[dreg:$0x17] =	wrdreg s17  }
0x1d: {  	s14 =	simm.s32 $0x0;
	s22 =	sadd.s32 $0x192FC0, s10;
	[dreg:$0x19] =	wrdreg s18  }
0x1e: {  	s1 =	sadd.s32 s0, s15;
	s15 =	simm.s32 $0x122A0;
	[dreg:$0x1a] =	wrdreg s22  }
0x1f: {  	s10 =	simm.s32 $0x132A0;
	s23 =	sadd.s32 $0xC3500, s1;
	[dreg:$0x18] =	wrdreg s1  }
0x20: {  	s11 =	simm.s32 $0x142A0;
	s24 =	sadd.s32 $0xFA, s1;
	[dreg:$0x1c] =	wrdreg s23  }
0x21: {  	s16 =	simm.s32 $0xC2A0;
	s25 =	sadd.s32 $0xC35FA, s1;
	[dreg:$0x1d] =	wrdreg s24  }
0x22: {  	s9 =	simm.s32 $0x162A0;
	s26 =	sadd.s32 $0x1F4, s1;
	[dreg:$0x1e] =	wrdreg s25  }
0x23: {  	s28 =	sadd.s32 $0xC36F4, s1;
	s29 =	sadd.s32 $0x2EE, s1;
	[dreg:$0x1f] =	wrdreg s26  }
0x24: {  	s1 =	sadd.s32 $0xC37EE, s1;
	s22 =	simm.s32 $0x192A0;
	[smem:$0x7FB] =	sst s28  }
0x25: {  	s18 =	simm.s32 $0x92A0;
	s17 =	simm.s32 $0x182A0;
	[smem:$0x7FC] =	sst s29  }
0x26: {  	[smem:$0x7FD] =	sst s1;
	s26 =	simm.s32 $0x4;
	s24 =	simm.s32 $0xFA0  }
0x27: {  	v0 =	vimm.f32 $0.0e+00;
	s1 =	simm.s32 $0x2;
	s25 =	simm.s32 $0xB2A0;
	s23 =	simm.s32 $0x172A0  }
.LBB2_1:
0x28: {  	[smem:$0x7FA] =	sst s14;
	s13 =	simm.s32 $0x40;
	s14 =	simm.s32 $0x0  }
.LBB2_2:
0x29: {  	p0 =	sne.s32 s13, $0x6180;
	[tilespmem:s14+$0x192A0] =	vst v0;
	s14 =	smov.u32 s13;
	s13 =	sadd.s32 $0x40, s13  }
.Ltmp0:
0x2a: {  	(pc) =	sbr.rel @p0 .LBB2_2-.Ltmp0, $2  }
0x2b: {  	_ =	sdelay $0x2  }
0x2c: {  	s14 =	sshra.s32 s14, $0x2  }
0x2d: {  	[tilespmem:s14+$0x192A0] =	vst v0  }
0x2e: {  	[spmem:s19] =	stream.linear.scatter [tilespmem:s22], [sflag:$0x4], $0x1870, $0x38;
	[tilespmem:$0x1ABA0] =	vst v63  }
0x2f: {  	_ =	swait.ge [sflag:s26], $0x1870  }
0x30: {  	[sflag:s26] =	ssyncset.done $0x0  }
0x31: {  	[sflag:s26] =	ssyncadd.s32 $0xFFFFE790  }
0x32: {  	[spmem:s20] =	stream.linear.scatter [tilespmem:s22], [sflag:$0x4], $0x1870, $0x38;
	[tilespmem:$0x1ABA0] =	vst v63  }
0x33: {  	_ =	swait.ge [sflag:s26], $0x1870  }
0x34: {  	[sflag:s26] =	ssyncset.done $0x0  }
0x35: {  	[sflag:s26] =	ssyncadd.s32 $0xFFFFE790  }
0x36: {  	[spmem:s21] =	stream.linear.scatter [tilespmem:s22], [sflag:$0x4], $0x1870, $0x38;
	[tilespmem:$0x1ABA0] =	vst v63  }
0x37: {  	_ =	swait.ge [sflag:s26], $0x1870  }
0x38: {  	[sflag:s26] =	ssyncset.done $0x0  }
0x39: {  	s13 =	simm.s32 $0x0;
	s29 =	rddreg [dreg:$0xc];
	[sflag:s26] =	ssyncadd.s32 $0xFFFFE790  }
0x3a: {  	[tilespmem:s22], [sflag:$0x4] =	stream.linear.gather [hbm4b:s29+s13], $0x1870, $0x38;
	[tilespmem:$0x1ABA0] =	vst v63  }
0x3b: {  	_ =	swait.ge [sflag:s26], $0x1870  }
0x3c: {  	[sflag:s26] =	ssyncset.done $0x0  }
0x3d: {  	s19 =	rddreg [dreg:$0xd];
	[sflag:s26] =	ssyncadd.s32 $0xFFFFE790  }
0x3e: {  	[spmem:s19] =	stream.linear.scatter [tilespmem:s22], [sflag:$0x4], $0x1870, $0x38;
	[tilespmem:$0x1ABA0] =	vst v63  }
0x3f: {  	_ =	swait.ge [sflag:s26], $0x1870  }
0x40: {  	[sflag:s26] =	ssyncset.done $0x0  }
0x41: {  	s20 =	rddreg [dreg:$0xe];
	[sflag:s26] =	ssyncadd.s32 $0xFFFFE790  }
0x42: {  	[tilespmem:s22], [sflag:$0x4] =	stream.linear.gather [hbm4b:s20+s13], $0x1870, $0x38;
	[tilespmem:$0x1ABA0] =	vst v63  }
0x43: {  	_ =	swait.ge [sflag:s26], $0x1870  }
0x44: {  	[sflag:s26] =	ssyncset.done $0x0  }
0x45: {  	s21 =	rddreg [dreg:$0xf];
	[sflag:s26] =	ssyncadd.s32 $0xFFFFE790  }
0x46: {  	[spmem:s21] =	stream.linear.scatter [tilespmem:s22], [sflag:$0x4], $0x1870, $0x38;
	[tilespmem:$0x1ABA0] =	vst v63  }
0x47: {  	_ =	swait.ge [sflag:s26], $0x1870  }
0x48: {  	[sflag:s26] =	ssyncset.done $0x0  }
0x49: {  	s28 =	rddreg [dreg:$0x10];
	[sflag:s26] =	ssyncadd.s32 $0xFFFFE790  }
0x4a: {  	[tilespmem:s22], [sflag:$0x4] =	stream.linear.gather [hbm4b:s28+s13], $0x1870, $0x38;
	[tilespmem:$0x1ABA0] =	vst v63  }
0x4b: {  	_ =	swait.ge [sflag:s26], $0x1870  }
0x4c: {  	[sflag:s26] =	ssyncset.done $0x0  }
0x4d: {  	s29 =	rddreg [dreg:$0x11];
	[sflag:s26] =	ssyncadd.s32 $0xFFFFE790  }
0x4e: {  	[spmem:s29] =	stream.linear.scatter [tilespmem:s22], [sflag:$0x4], $0x1870, $0x38;
	[tilespmem:$0x1ABA0] =	vst v63  }
0x4f: {  	_ =	swait.ge [sflag:s26], $0x1870  }
0x50: {  	[sflag:s26] =	ssyncset.done $0x0  }
0x51: {  	[sflag:s26] =	ssyncadd.s32 $0xFFFFE790  }
0x52: {  	[bflag:$0x0] =	sbarrier.arrive $0xFFFF  }
0x53: {  	s19 =	rddreg [dreg:$0x18]  }
0x54: {  	[tilespmem:s18], [sflag:$0x4] =	stream.linear.gather [hbm4b:s19+s13], $0x7D0, $0x38;
	[tilespmem:$0x1ABA0] =	vst v63  }
0x55: {  	_ =	swait.ge [sflag:s26], $0x7D0  }
0x56: {  	[sflag:s26] =	ssyncset.done $0x0  }
0x57: {  	s21 =	simm.s32 $0x9A70;
	s20 =	rddreg [dreg:$0x1c];
	[sflag:s26] =	ssyncadd.s32 $0xFFFFF830  }
0x58: {  	[tilespmem:s21], [sflag:$0x4] =	stream.linear.gather [hbm4b:s20+s13], $0x7D0, $0x38;
	[tilespmem:$0x1ABA0] =	vst v63  }
0x59: {  	_ =	swait.ge [sflag:s26], $0x7D0  }
0x5a: {  	[sflag:s26] =	ssyncset.done $0x0  }
0x5b: {  	s22 =	simm.s32 $0xD2A0;
	[sflag:s26] =	ssyncadd.s32 $0xFFFFF830  }
0x5c: {  	[tilespmem:s22], [sflag:$0x2] =	stream.indirect.gather [spmem:s6], $0x1, s18, s24, $0xb8;
	[tilespmem:$0x1ABA0] =	vst v63  }
0x5d: {  	s26 =	simm.s32 $0xE2A0  }
0x5e: {  	[tilespmem:s26], [sflag:$0x2] =	stream.indirect.gather [spmem:s7], $0x1, s18, s24, $0xb8;
	[tilespmem:$0x1ABA0] =	vst v63  }
0x5f: {  	s28 =	simm.s32 $0xF2A0  }
0x60: {  	[tilespmem:s28], [sflag:$0x2] =	stream.indirect.gather [spmem:s8], $0x1, s18, s24, $0xb8;
	[tilespmem:$0x1ABA0] =	vst v63  }
0x61: {  	s29 =	rddreg [dreg:$0x1d]  }
0x62: {  	[tilespmem:s30], [sflag:$0x1] =	stream.linear.gather [hbm4b:s29+s13], $0x7D0, $0x38;
	[tilespmem:$0x1ABA0] =	vst v63  }
0x63: {  	s20 =	simm.s32 $0xAA70;
	s19 =	rddreg [dreg:$0x1e]  }
0x64: {  	[tilespmem:s20], [sflag:$0x1] =	stream.linear.gather [hbm4b:s19+s13], $0x7D0, $0x38;
	[tilespmem:$0x1ABA0] =	vst v63  }
0x65: {  	_ =	swait.ge [sflag:s1], $0xFA0  }
0x66: {  	[sflag:s1] =	ssyncset.done $0x0  }
0x67: {  	[sflag:s1] =	ssyncadd.s32 $0xFFFFF060  }
0x68: {  	_ =	swait.ge [sflag:s1], $0xFA0  }
0x69: {  	[sflag:s1] =	ssyncset.done $0x0  }
0x6a: {  	[sflag:s1] =	ssyncadd.s32 $0xFFFFF060  }
0x6b: {  	_ =	swait.ge [sflag:s1], $0xFA0  }
0x6c: {  	[sflag:s1] =	ssyncset.done $0x0  }
0x6d: {  	[sflag:s1] =	ssyncadd.s32 $0xFFFFF060  }
0x6e: {  	_ =	swait.ge [sflag:s5], $0x7D0  }
0x6f: {  	[sflag:s5] =	ssyncset.done $0x0  }
0x70: {  	[sflag:s5] =	ssyncadd.s32 $0xFFFFF830  }
0x71: {  	_ =	swait.ge [sflag:s5], $0x7D0  }
0x72: {  	[sflag:s5] =	ssyncset.done $0x0  }
0x73: {  	s21 =	simm.s32 $0x102A0;
	[sflag:s5] =	ssyncadd.s32 $0xFFFFF830  }
0x74: {  	[tilespmem:s21], [sflag:$0x2] =	stream.indirect.gather [spmem:s6], $0x1, s30, s24, $0xb8;
	[tilespmem:$0x1ABA0] =	vst v63  }
0x75: {  	s22 =	simm.s32 $0x112A0  }
0x76: {  	[tilespmem:s22], [sflag:$0x2] =	stream.indirect.gather [spmem:s7], $0x1, s30, s24, $0xb8;
	[tilespmem:$0x1ABA0] =	vst v63  }
0x77: {  	s26 =	rddreg [dreg:$0x1f]  }
0x78: {  	[tilespmem:s15], [sflag:$0x2] =	stream.indirect.gather [spmem:s8], $0x1, s30, s24, $0xb8;
	[tilespmem:$0x1ABA0] =	vst v63  }
0x79: {  	s28 =	sld [smem:$0x7FB]  }
0x7a: {  	[tilespmem:s25], [sflag:$0x1] =	stream.linear.gather [hbm4b:s26+s13], $0x7D0, $0x38;
	[tilespmem:$0x1ABA0] =	vst v63  }
0x7b: {  	s29 =	simm.s32 $0xBA70;
	s21 =	simm.s32 $0x0  }
0x7c: {  	[tilespmem:s29], [sflag:$0x1] =	stream.linear.gather [hbm4b:s28+s13], $0x7D0, $0x38;
	[tilespmem:$0x1ABA0] =	vst v63  }
0x7d: {  	v1 =	vld [tilespmem:s21+$0xD2A0]  }
0x7e: {  	v2 =	vld [tilespmem:s21+$0xDA70]  }
0x7f: {  	v3 =	vld [tilespmem:s21+$0xE2A0]  }
0x80: {  	v4 =	vld [tilespmem:s21+$0xEA70]  }
0x81: {  	v5 =	vld [tilespmem:s21+$0xF2A0]  }
0x82: {  	v6 =	vld [tilespmem:s21+$0xFA70];
	_ =	sdelay $0x2  }
0x83: {  	v18 =	vsub.f32 v1, v2;
	v21 =	vsub.f32 v3, v4;
	_ =	sdelay $0x1  }
0x84: {  	v2 =	vsub.f32 v5, v6;
	v1 =	vmul.f32 v18, v18;
	v3 =	vmul.f32 v21, v21  }
0x85: {  	s19 =	simm.s32 $0x10  }
0x86: {  	v7 =	vld [tilespmem:s19+$0xE2A0];
	v1 =	vadd.f32 v3, v1;
	v3 =	vmul.f32 v2, v2  }
0x87: {  	v8 =	vld [tilespmem:s19+$0xEA70]  }
0x88: {  	v9 =	vld [tilespmem:s19+$0xFA70];
	v1 =	vadd.f32 v3, v1  }
0x89: {  	v4 =	vld [tilespmem:s19+$0xD2A0]  }
0x8a: {  	v6 =	vld [tilespmem:s19+$0xDA70];
	v3 =	vmax.f32 v1, $1.000000020e-35  }
0x8b: {  	v5 =	vld [tilespmem:s19+$0xF2A0];
	v10 =	vmul.f32 $5.000000000e-01, v3;
	v3 =	vshra.s32 v3, $0x1  }
0x8c: {  	v11 =	vsub.s32 $0x5F3759DF, v3  }
0x8d: {  	v12 =	vmul.f32 v11, v10;
	_ =	sdelay $0x1  }
0x8e: {  	v3 =	vsub.f32 v4, v6;
	v4 =	vsub.f32 v7, v8;
	v6 =	vmul.f32 v11, v12  }
0x8f: {  	v7 =	vsub.f32 v5, v9  }
0x90: {  	s20 =	simm.s32 $0x20;
	v5 =	vmul.f32 v3, v3;
	v8 =	vmul.f32 v4, v4;
	v6 =	vsub.f32 $1.500000000e+00, v6  }
0x91: {  	v13 =	vld [tilespmem:s20+$0xE2A0]  }
0x92: {  	v9 =	vld [tilespmem:s20+$0xD2A0];
	v5 =	vadd.f32 v8, v5;
	v8 =	vmul.f32 v7, v7;
	v11 =	vmul.f32 v11, v6  }
0x93: {  	v12 =	vld [tilespmem:s20+$0xDA70]  }
0x94: {  	v14 =	vld [tilespmem:s20+$0xEA70];
	v22 =	vadd.f32 v8, v5;
	v5 =	vmul.f32 v11, v10  }
0x95: {  	v8 =	vld [tilespmem:s20+$0xF2A0]  }
0x96: {  	v6 =	vmax.f32 v22, $1.000000020e-35;
	v10 =	vld [tilespmem:s20+$0xFA70];
	v5 =	vmul.f32 v5, v11  }
0x97: {  	v15 =	vmul.f32 $5.000000000e-01, v6;
	v16 =	vshra.s32 v6, $0x1  }
0x98: {  	v6 =	vsub.f32 v9, v12;
	v12 =	vsub.s32 $0x5F3759DF, v16;
	v9 =	vsub.f32 $1.500000000e+00, v5  }
0x99: {  	v5 =	vsub.f32 v13, v14;
	v13 =	vmul.f32 v12, v15  }
0x9a: {  	s22 =	simm.s32 $0x30;
	v14 =	vmul.f32 v6, v6;
	v11 =	vmul.f32 v9, v11  }
0x9b: {  	v17 =	vld [tilespmem:s22+$0xDA70];
	v9 =	vsub.f32 v8, v10;
	v8 =	vmul.f32 v5, v5;
	v10 =	vmul.f32 v12, v13  }
0x9c: {  	v19 =	vld [tilespmem:s22+$0xE2A0];
	v1 =	vmul.f32 v11, v1  }
0x9d: {  	v16 =	vld [tilespmem:s22+$0xD2A0];
	v8 =	vadd.f32 v8, v14;
	v13 =	vmul.f32 v9, v9;
	v10 =	vsub.f32 $1.500000000e+00, v10  }
0x9e: {  	v20 =	vld [tilespmem:s22+$0xEA70]  }
0x9f: {  	v24 =	vld [tilespmem:s22+$0xFA70];
	v1 =	vadd.f32 $-1.000000000e+00, v1;
	v13 =	vadd.f32 v13, v8;
	v23 =	vmul.f32 v12, v10  }
0xa0: {  	v10 =	vld [tilespmem:s22+$0xF2A0]  }
0xa1: {  	v26 =	vmul.f32 v1, v11;
	v8 =	vmax.f32 v13, $1.000000020e-35;
	v11 =	vmul.f32 v23, v15  }
0xa2: {  	v12 =	vmul.f32 $5.000000000e-01, v8;
	v14 =	vshra.s32 v8, $0x1;
	v8 =	vsub.f32 v16, v17  }
0xa3: {  	v2 =	vmul.f32 v26, v2;
	v16 =	vsub.s32 $0x5F3759DF, v14;
	v15 =	vmul.f32 v11, v23  }
0xa4: {  	v11 =	vsub.f32 v19, v20;
	v28 =	vmul.f32 v26, v18;
	v19 =	vmul.f32 v16, v12  }
0xa5: {  	s13 =	simm.s32 $0x40;
	v20 =	vmul.f32 v8, v8;
	v10 =	vsub.f32 v10, v24;
	v15 =	vsub.f32 $1.500000000e+00, v15  }
0xa6: {  	v14 =	vld [tilespmem:s13+$0xF2A0];
	[tilespmem:s21+$0x15A70] =	vst v2;
	v25 =	vsub.f32 $0.0e+00, v2;
	v24 =	vmul.f32 v11, v11;
	v27 =	vmul.f32 v16, v19  }
0xa7: {  	v18 =	vmul.f32 v26, v21;
	v17 =	vld [tilespmem:s13+$0xD2A0];
	v15 =	vmul.f32 v15, v23  }
0xa8: {  	v19 =	vld [tilespmem:s13+$0xDA70];
	[tilespmem:s21+$0x152A0] =	vst v25;
	v24 =	vadd.f32 v24, v20;
	v25 =	vmul.f32 v10, v10;
	v23 =	vsub.f32 $1.500000000e+00, v27  }
0xa9: {  	s26 =	simm.s32 $0x140;
	v2 =	vimm.f32 $0.0e+00;
	v21 =	vsub.f32 $0.0e+00, v28;
	v20 =	vld [tilespmem:s13+$0xE2A0];
	[tilespmem:s21+$0x13A70] =	vst v28;
	v22 =	vmul.f32 v15, v22  }
.LBB2_4:
0xaa: {  	p0 =	sne.s32 s26, $0x1F00;
	v26 =	vld [tilespmem:s13+$0xEA70];
	v27 =	vadd.f32 v25, v24;
	v23 =	vmul.f32 v16, v23;
	v16 =	vmul.f32 v1, v1;
	v28 =	vmovc v4  }
0xab: {  	v4 =	vmovc v5;
	v5 =	vmov v11;
	v24 =	vld [tilespmem:s13+$0xFA70];
	v1 =	vadd.f32 $-1.000000000e+00, v22;
	[tilespmem:s21+$0x132A0] =	vst v21;
	v21 =	vsub.f32 $0.0e+00, v18  }
0xac: {  	v11 =	vmax.f32 v27, $1.000000020e-35;
	v22 =	vmul.f32 v23, v12;
	v2 =	vadd.f32 v16, v2;
	[tilespmem:s21+$0x14A70] =	vst v18  }
0xad: {  	v12 =	vmul.f32 $5.000000000e-01, v11;
	v11 =	vshra.s32 v11, $0x1;
	v18 =	vmul.f32 v1, v15;
	[tilespmem:s21+$0x142A0] =	vst v21;
	s21 =	smov.u32 s19;
	s19 =	smov.u32 s20;
	s20 =	smov.u32 s22  }
0xae: {  	v19 =	vsub.f32 v17, v19;
	s22 =	smov.u32 s13;
	v16 =	vsub.s32 $0x5F3759DF, v11;
	v15 =	vmul.f32 v22, v23  }
0xaf: {  	v11 =	vsub.f32 v20, v26;
	v17 =	vmul.f32 v16, v12;
	v20 =	vmul.f32 v18, v7;
	v7 =	vmovc v9  }
.Ltmp1:
0xb0: {  	s13 =	sshra.s32 s26, $0x2;
	v21 =	vmul.f32 v19, v19;
	v9 =	vmovc v10;
	v15 =	vsub.f32 $1.500000000e+00, v15;
	v10 =	vsub.f32 v14, v24;
	(pc) =	sbr.rel @p0 .LBB2_4-.Ltmp1, $4  }
0xb1: {  	v14 =	vld [tilespmem:s13+$0xF2A0];
	v22 =	vmul.f32 v11, v11;
	v26 =	vmul.f32 v16, v17;
	[tilespmem:s21+$0x15A70] =	vst v20;
	v20 =	vsub.f32 $0.0e+00, v20  }
0xb2: {  	v29 =	vmul.f32 v18, v3;
	v3 =	vmovc v6;
	v6 =	vmovc v8;
	v8 =	vmov v19;
	v17 =	vld [tilespmem:s13+$0xD2A0];
	v15 =	vmul.f32 v15, v23  }
0xb3: {  	v25 =	vmul.f32 v10, v10;
	v19 =	vld [tilespmem:s13+$0xDA70];
	v24 =	vadd.f32 v22, v21;
	v23 =	vsub.f32 $1.500000000e+00, v26;
	[tilespmem:s21+$0x152A0] =	vst v20  }
0xb4: {  	s26 =	sadd.s32 $0x40, s26;
	v18 =	vmul.f32 v18, v28;
	v21 =	vsub.f32 $0.0e+00, v29;
	v20 =	vld [tilespmem:s13+$0xE2A0];
	v22 =	vmul.f32 v15, v13;
	[tilespmem:s21+$0x13A70] =	vst v29;
	v13 =	vmovc v27  }
0xb5: {  	v26 =	vld [tilespmem:s13+$0xEA70];
	_ =	sdelay $0x1  }
0xb6: {  	v27 =	vld [tilespmem:s13+$0xFA70];
	_ =	sdelay $0x1  }
0xb7: {  	v24 =	vadd.f32 v25, v24  }
0xb8: {  	v17 =	vsub.f32 v17, v19;
	v19 =	vsub.f32 v20, v26  }
0xb9: {  	v20 =	vmax.f32 v24, $1.000000020e-35  }
0xba: {  	v25 =	vsub.f32 v14, v27;
	v14 =	vmul.f32 v17, v17;
	v26 =	vmul.f32 v19, v19  }
0xbb: {  	v16 =	vmul.f32 v16, v23;
	v23 =	vmul.f32 $5.000000000e-01, v20;
	v20 =	vshra.s32 v20, $0x1  }
0xbc: {  	v20 =	vsub.s32 $0x5F3759DF, v20;
	v14 =	vadd.f32 v26, v14;
	v26 =	vmul.f32 v25, v25  }
0xbd: {  	v27 =	vmul.f32 v20, v23  }
0xbe: {  	v12 =	vmul.f32 v16, v12;
	v26 =	vadd.f32 v26, v14  }
0xbf: {  	v14 =	vmul.f32 v20, v27  }
0xc0: {  	v27 =	vmul.f32 v12, v16;
	v12 =	vmax.f32 v26, $1.000000020e-35  }
0xc1: {  	v14 =	vsub.f32 $1.500000000e+00, v14;
	v28 =	vmul.f32 $5.000000000e-01, v12;
	v29 =	vshra.s32 v12, $0x1  }
0xc2: {  	v12 =	vadd.f32 $-1.000000000e+00, v22;
	v22 =	vsub.f32 $1.500000000e+00, v27;
	v27 =	vsub.s32 $0x5F3759DF, v29  }
0xc3: {  	v14 =	vmul.f32 v20, v14;
	v20 =	vmul.f32 v27, v28  }
0xc4: {  	v16 =	vmul.f32 v22, v16  }
0xc5: {  	v22 =	vmul.f32 v14, v23;
	v20 =	vmul.f32 v27, v20  }
0xc6: {  	v15 =	vmul.f32 v12, v15;
	v13 =	vmul.f32 v16, v13  }
0xc7: {  	[tilespmem:s21+$0x132A0] =	vst v21;
	v21 =	vsub.f32 $0.0e+00, v18;
	v22 =	vmul.f32 v22, v14;
	v20 =	vsub.f32 $1.500000000e+00, v20  }
0xc8: {  	[tilespmem:s21+$0x14A70] =	vst v18;
	v7 =	vmul.f32 v15, v7;
	v13 =	vadd.f32 $-1.000000000e+00, v13  }
0xc9: {  	[tilespmem:s21+$0x142A0] =	vst v21;
	v3 =	vmul.f32 v15, v3;
	v21 =	vsub.f32 $1.500000000e+00, v22;
	v20 =	vmul.f32 v27, v20  }
0xca: {  	v4 =	vmul.f32 v15, v4;
	v18 =	vsub.f32 $0.0e+00, v7;
	[tilespmem:s19+$0x15A70] =	vst v7;
	v7 =	vmul.f32 v13, v16  }
0xcb: {  	v15 =	vsub.f32 $0.0e+00, v3;
	[tilespmem:s19+$0x13A70] =	vst v3;
	v16 =	vmul.f32 v21, v14;
	v14 =	vmul.f32 v20, v28  }
0xcc: {  	[tilespmem:s19+$0x152A0] =	vst v18;
	v3 =	vmul.f32 v7, v9  }
0xcd: {  	[tilespmem:s19+$0x132A0] =	vst v15;
	v9 =	vsub.f32 $0.0e+00, v4;
	v15 =	vmul.f32 v16, v24;
	v18 =	vmul.f32 v14, v20  }
0xce: {  	[tilespmem:s19+$0x14A70] =	vst v4;
	v4 =	vsub.f32 $0.0e+00, v3  }
0xcf: {  	v6 =	vmul.f32 v7, v6;
	[tilespmem:s19+$0x142A0] =	vst v9;
	v14 =	vadd.f32 $-1.000000000e+00, v15;
	v9 =	vsub.f32 $1.500000000e+00, v18  }
0xd0: {  	[tilespmem:s20+$0x15A70] =	vst v3;
	v3 =	vmul.f32 v7, v5  }
0xd1: {  	[tilespmem:s20+$0x152A0] =	vst v4;
	v4 =	vsub.f32 $0.0e+00, v6;
	v5 =	vmul.f32 v14, v16;
	v7 =	vmul.f32 v9, v20  }
0xd2: {  	[tilespmem:s20+$0x13A70] =	vst v6  }
0xd3: {  	[tilespmem:s20+$0x132A0] =	vst v4;
	v4 =	vsub.f32 $0.0e+00, v3;
	v6 =	vmul.f32 v5, v10;
	v9 =	vmul.f32 v7, v26  }
0xd4: {  	[tilespmem:s20+$0x14A70] =	vst v3  }
0xd5: {  	[tilespmem:s20+$0x142A0] =	vst v4;
	v4 =	vmul.f32 v5, v8;
	v3 =	vsub.f32 $0.0e+00, v6;
	v10 =	vadd.f32 $-1.000000000e+00, v9  }
0xd6: {  	[tilespmem:s22+$0x15A70] =	vst v6  }
0xd7: {  	[tilespmem:s22+$0x152A0] =	vst v3;
	v3 =	vmul.f32 v5, v11;
	v5 =	vsub.f32 $0.0e+00, v4;
	v6 =	vmul.f32 v10, v7  }
0xd8: {  	[tilespmem:s22+$0x13A70] =	vst v4  }
0xd9: {  	[tilespmem:s22+$0x132A0] =	vst v5;
	v4 =	vsub.f32 $0.0e+00, v3;
	v5 =	vmul.f32 v6, v25  }
0xda: {  	[tilespmem:s22+$0x14A70] =	vst v3  }
0xdb: {  	[tilespmem:s22+$0x142A0] =	vst v4;
	v4 =	vmul.f32 v6, v17;
	v3 =	vsub.f32 $0.0e+00, v5  }
0xdc: {  	[tilespmem:s13+$0x15A70] =	vst v5  }
0xdd: {  	v5 =	vsub.f32 $0.0e+00, v4;
	[tilespmem:s13+$0x152A0] =	vst v3;
	v3 =	vmul.f32 v6, v19  }
0xde: {  	[tilespmem:s13+$0x13A70] =	vst v4  }
0xdf: {  	[tilespmem:s13+$0x132A0] =	vst v5;
	v4 =	vsub.f32 $0.0e+00, v3  }
0xe0: {  	[tilespmem:s13+$0x14A70] =	vst v3  }
0xe1: {  	[tilespmem:s13+$0x142A0] =	vst v4  }
0xe2: {  	[spmem:s2] =	stream.indirect.scatter.add.f32 [tilespmem:s10], [sflag:$0x3], $0x1, s18, s24, $0xb8;
	[tilespmem:$0x1ABA0] =	vst v63  }
0xe3: {  	_ = 	snop  }
0xe4: {  	[spmem:s3] =	stream.indirect.scatter.add.f32 [tilespmem:s11], [sflag:$0x3], $0x1, s18, s24, $0xb8;
	[tilespmem:$0x1ABA0] =	vst v63  }
0xe5: {  	_ = 	snop  }
0xe6: {  	[spmem:s4] =	stream.indirect.scatter.add.f32 [tilespmem:s12], [sflag:$0x3], $0x1, s18, s24, $0xb8;
	[tilespmem:$0x1ABA0] =	vst v63  }
0xe7: {  	_ =	swait.ge [sflag:s1], $0xFA0  }
0xe8: {  	[sflag:s1] =	ssyncset.done $0x0  }
0xe9: {  	[sflag:s1] =	ssyncadd.s32 $0xFFFFF060  }
0xea: {  	_ =	swait.ge [sflag:s1], $0xFA0  }
0xeb: {  	[sflag:s1] =	ssyncset.done $0x0  }
0xec: {  	[sflag:s1] =	ssyncadd.s32 $0xFFFFF060  }
0xed: {  	_ =	swait.ge [sflag:s1], $0xFA0  }
0xee: {  	[sflag:s1] =	ssyncset.done $0x0  }
0xef: {  	[sflag:s1] =	ssyncadd.s32 $0xFFFFF060  }
0xf0: {  	_ =	swait.ge [sflag:s5], $0x7D0  }
0xf1: {  	[sflag:s5] =	ssyncset.done $0x0  }
0xf2: {  	[sflag:s5] =	ssyncadd.s32 $0xFFFFF830  }
0xf3: {  	_ =	swait.ge [sflag:s5], $0x7D0  }
0xf4: {  	[sflag:s5] =	ssyncset.done $0x0  }
0xf5: {  	s20 =	simm.s32 $0xD2A0;
	[sflag:s5] =	ssyncadd.s32 $0xFFFFF830  }
0xf6: {  	[tilespmem:s20], [sflag:$0x2] =	stream.indirect.gather [spmem:s6], $0x1, s25, s24, $0xb8;
	[tilespmem:$0x1ABA0] =	vst v63  }
0xf7: {  	s21 =	simm.s32 $0xE2A0  }
0xf8: {  	[tilespmem:s21], [sflag:$0x2] =	stream.indirect.gather [spmem:s7], $0x1, s25, s24, $0xb8;
	[tilespmem:$0x1ABA0] =	vst v63  }
0xf9: {  	s22 =	simm.s32 $0xF2A0;
	s14 =	sld [smem:$0x7FC]  }
0xfa: {  	[tilespmem:s22], [sflag:$0x2] =	stream.indirect.gather [spmem:s8], $0x1, s25, s24, $0xb8;
	[tilespmem:$0x1ABA0] =	vst v63  }
0xfb: {  	s26 =	simm.s32 $0x0;
	s28 =	sld [smem:$0x7FD]  }
0xfc: {  	[tilespmem:s16], [sflag:$0x1] =	stream.linear.gather [hbm4b:s14+s26], $0x7D0, $0x38;
	[tilespmem:$0x1ABA0] =	vst v63  }
0xfd: {  	s29 =	simm.s32 $0xCA70;
	s21 =	simm.s32 $0x0  }
0xfe: {  	[tilespmem:s29], [sflag:$0x1] =	stream.linear.gather [hbm4b:s28+s26], $0x7D0, $0x38;
	[tilespmem:$0x1ABA0] =	vst v63  }
0xff: {  	v3 =	vld [tilespmem:s21+$0x102A0]  }
0x100: {  	v4 =	vld [tilespmem:s21+$0x10A70]  }
0x101: {  	v5 =	vld [tilespmem:s21+$0x112A0]  }
0x102: {  	v6 =	vld [tilespmem:s21+$0x11A70]  }
0x103: {  	v7 =	vld [tilespmem:s21+$0x122A0]  }
0x104: {  	v8 =	vld [tilespmem:s21+$0x12A70];
	_ =	sdelay $0x2  }
0x105: {  	v18 =	vsub.f32 v3, v4;
	v21 =	vsub.f32 v5, v6;
	_ =	sdelay $0x1  }
0x106: {  	v8 =	vsub.f32 v7, v8;
	v3 =	vmul.f32 v18, v18;
	v4 =	vmul.f32 v21, v21  }
0x107: {  	s19 =	simm.s32 $0x10  }
0x108: {  	v9 =	vld [tilespmem:s19+$0x11A70];
	v3 =	vadd.f32 v4, v3;
	v4 =	vmul.f32 v8, v8  }
0x109: {  	v15 =	vld [tilespmem:s19+$0x12A70]  }
0x10a: {  	v6 =	vld [tilespmem:s19+$0x102A0];
	v11 =	vadd.f32 v4, v3  }
0x10b: {  	v7 =	vld [tilespmem:s19+$0x10A70]  }
0x10c: {  	v4 =	vld [tilespmem:s19+$0x112A0];
	v3 =	vmax.f32 v11, $1.000000020e-35  }
0x10d: {  	v5 =	vld [tilespmem:s19+$0x122A0];
	v16 =	vmul.f32 $5.000000000e-01, v3;
	v3 =	vshra.s32 v3, $0x1  }
0x10e: {  	v17 =	vsub.s32 $0x5F3759DF, v3  }
0x10f: {  	v19 =	vmul.f32 v17, v16;
	_ =	sdelay $0x1  }
0x110: {  	v3 =	vsub.f32 v6, v7;
	v4 =	vsub.f32 v4, v9;
	v6 =	vmul.f32 v17, v19  }
0x111: {  	s20 =	simm.s32 $0x20;
	v7 =	vsub.f32 v5, v15  }
0x112: {  	v20 =	vld [tilespmem:s20+$0x112A0];
	v5 =	vmul.f32 v3, v3;
	v9 =	vmul.f32 v4, v4;
	v6 =	vsub.f32 $1.500000000e+00, v6  }
0x113: {  	v15 =	vld [tilespmem:s20+$0x102A0]  }
0x114: {  	v19 =	vld [tilespmem:s20+$0x10A70];
	v5 =	vadd.f32 v9, v5;
	v9 =	vmul.f32 v7, v7;
	v17 =	vmul.f32 v17, v6  }
0x115: {  	v22 =	vld [tilespmem:s20+$0x11A70]  }
0x116: {  	v26 =	vadd.f32 v9, v5;
	v9 =	vld [tilespmem:s20+$0x122A0];
	v5 =	vmul.f32 v17, v16  }
0x117: {  	v1 =	vmul.f32 v1, v1;
	v16 =	vld [tilespmem:s20+$0x12A70]  }
0x118: {  	v12 =	vmul.f32 v12, v12;
	v6 =	vmax.f32 v26, $1.000000020e-35;
	v5 =	vmul.f32 v5, v17  }
0x119: {  	v23 =	vmul.f32 $5.000000000e-01, v6;
	v24 =	vshra.s32 v6, $0x1;
	v6 =	vsub.f32 v15, v19  }
0x11a: {  	v15 =	vsub.s32 $0x5F3759DF, v24;
	v19 =	vsub.f32 $1.500000000e+00, v5;
	v5 =	vsub.f32 v20, v22  }
0x11b: {  	v1 =	vadd.f32 v1, v2;
	v2 =	vmul.f32 v6, v6;
	v20 =	vmul.f32 v15, v23  }
0x11c: {  	v9 =	vsub.f32 v9, v16;
	v17 =	vmul.f32 v19, v17;
	v16 =	vmul.f32 v5, v5  }
0x11d: {  	v1 =	vadd.f32 v12, v1;
	v12 =	vmul.f32 v13, v13;
	s22 =	simm.s32 $0x30;
	v19 =	vmul.f32 v15, v20  }
0x11e: {  	v22 =	vld [tilespmem:s22+$0x10A70];
	v13 =	vmul.f32 v9, v9;
	v11 =	vmul.f32 v17, v11;
	v2 =	vadd.f32 v16, v2  }
0x11f: {  	v20 =	vld [tilespmem:s22+$0x102A0];
	v16 =	vsub.f32 $1.500000000e+00, v19;
	v19 =	vadd.f32 v12, v1  }
0x120: {  	v25 =	vld [tilespmem:s22+$0x11A70];
	v1 =	vadd.f32 $-1.000000000e+00, v11;
	v11 =	vmul.f32 v14, v14;
	v12 =	vadd.f32 v13, v2  }
0x121: {  	v24 =	vld [tilespmem:s22+$0x112A0];
	v15 =	vmul.f32 v15, v16  }
0x122: {  	v2 =	vld [tilespmem:s22+$0x122A0];
	v27 =	vmul.f32 v1, v17;
	v61 =	vadd.f32 v11, v19;
	v11 =	vmax.f32 v12, $1.000000020e-35  }
0x123: {  	v19 =	vld [tilespmem:s22+$0x12A70];
	v14 =	vmul.f32 v15, v23;
	v13 =	vmul.f32 $5.000000000e-01, v11  }
0x124: {  	v11 =	vshra.s32 v11, $0x1;
	v17 =	vmul.f32 v27, v8;
	v8 =	vsub.f32 v20, v22  }
0x125: {  	v16 =	vsub.s32 $0x5F3759DF, v11;
	v20 =	vmul.f32 v14, v15;
	v22 =	vmul.f32 v10, v10  }
0x126: {  	v11 =	vsub.f32 v24, v25;
	v63 =	vmul.f32 v27, v18;
	v23 =	vmul.f32 v16, v13  }
0x127: {  	s26 =	simm.s32 $0x40;
	v24 =	vmul.f32 v8, v8;
	v20 =	vsub.f32 $1.500000000e+00, v20;
	v25 =	vsub.f32 $0.0e+00, v17  }
0x128: {  	v14 =	vld [tilespmem:s26+$0x122A0];
	[tilespmem:s21+$0x18A70] =	vst v17;
	v62 =	vmul.f32 v11, v11;
	v10 =	vsub.f32 v2, v19;
	v23 =	vmul.f32 v16, v23  }
0x129: {  	v18 =	vmul.f32 v27, v21;
	v17 =	vld [tilespmem:s26+$0x102A0];
	v15 =	vmul.f32 v20, v15  }
0x12a: {  	v19 =	vld [tilespmem:s26+$0x10A70];
	[tilespmem:s21+$0x182A0] =	vst v25;
	v24 =	vadd.f32 v62, v24;
	v25 =	vmul.f32 v10, v10;
	v23 =	vsub.f32 $1.500000000e+00, v23  }
0x12b: {  	s13 =	simm.s32 $0x140;
	v21 =	vsub.f32 $0.0e+00, v63;
	v2 =	vadd.f32 v22, v61;
	v20 =	vld [tilespmem:s26+$0x112A0];
	[tilespmem:s21+$0x16A70] =	vst v63;
	v22 =	vmul.f32 v15, v26  }
.LBB2_6:
0x12c: {  	p0 =	sne.s32 s13, $0x1F00;
	v26 =	vld [tilespmem:s26+$0x11A70];
	v27 =	vadd.f32 v25, v24;
	v23 =	vmul.f32 v16, v23;
	v16 =	vmul.f32 v1, v1;
	v28 =	vmovc v4  }
0x12d: {  	v4 =	vmovc v5;
	v5 =	vmov v11;
	v24 =	vld [tilespmem:s26+$0x12A70];
	v1 =	vadd.f32 $-1.000000000e+00, v22;
	[tilespmem:s21+$0x162A0] =	vst v21;
	v21 =	vsub.f32 $0.0e+00, v18  }
0x12e: {  	v11 =	vmax.f32 v27, $1.000000020e-35;
	v22 =	vmul.f32 v23, v13;
	v2 =	vadd.f32 v16, v2;
	[tilespmem:s21+$0x17A70] =	vst v18  }
0x12f: {  	v13 =	vmul.f32 $5.000000000e-01, v11;
	v11 =	vshra.s32 v11, $0x1;
	v18 =	vmul.f32 v1, v15;
	[tilespmem:s21+$0x172A0] =	vst v21;
	s21 =	smov.u32 s19;
	s19 =	smov.u32 s20;
	s20 =	smov.u32 s22  }
0x130: {  	v19 =	vsub.f32 v17, v19;
	s22 =	smov.u32 s26;
	v16 =	vsub.s32 $0x5F3759DF, v11;
	v15 =	vmul.f32 v22, v23  }
0x131: {  	v11 =	vsub.f32 v20, v26;
	v17 =	vmul.f32 v16, v13;
	v20 =	vmul.f32 v18, v7;
	v7 =	vmovc v9  }
.Ltmp2:
0x132: {  	s26 =	sshra.s32 s13, $0x2;
	v21 =	vmul.f32 v19, v19;
	v9 =	vmovc v10;
	v15 =	vsub.f32 $1.500000000e+00, v15;
	v10 =	vsub.f32 v14, v24;
	(pc) =	sbr.rel @p0 .LBB2_6-.Ltmp2, $4  }
0x133: {  	v14 =	vld [tilespmem:s26+$0x122A0];
	v22 =	vmul.f32 v11, v11;
	v26 =	vmul.f32 v16, v17;
	[tilespmem:s21+$0x18A70] =	vst v20;
	v20 =	vsub.f32 $0.0e+00, v20  }
0x134: {  	v29 =	vmul.f32 v18, v3;
	v3 =	vmovc v6;
	v6 =	vmovc v8;
	v8 =	vmov v19;
	v17 =	vld [tilespmem:s26+$0x102A0];
	v15 =	vmul.f32 v15, v23  }
0x135: {  	v25 =	vmul.f32 v10, v10;
	v19 =	vld [tilespmem:s26+$0x10A70];
	v24 =	vadd.f32 v22, v21;
	v23 =	vsub.f32 $1.500000000e+00, v26;
	[tilespmem:s21+$0x182A0] =	vst v20  }
0x136: {  	s13 =	sadd.s32 $0x40, s13;
	v18 =	vmul.f32 v18, v28;
	v21 =	vsub.f32 $0.0e+00, v29;
	v20 =	vld [tilespmem:s26+$0x112A0];
	v22 =	vmul.f32 v15, v12;
	[tilespmem:s21+$0x16A70] =	vst v29;
	v12 =	vmovc v27  }
0x137: {  	v26 =	vld [tilespmem:s26+$0x11A70];
	_ =	sdelay $0x1  }
0x138: {  	v27 =	vld [tilespmem:s26+$0x12A70];
	_ =	sdelay $0x1  }
0x139: {  	v24 =	vadd.f32 v25, v24  }
0x13a: {  	v17 =	vsub.f32 v17, v19;
	v19 =	vsub.f32 v20, v26  }
0x13b: {  	v61 =	vmax.f32 v24, $1.000000020e-35  }
0x13c: {  	v14 =	vsub.f32 v14, v27;
	v62 =	vmul.f32 v17, v17;
	v26 =	vmul.f32 v19, v19  }
0x13d: {  	v63 =	vmul.f32 $5.000000000e-01, v61;
	v20 =	vshra.s32 v61, $0x1  }
0x13e: {  	v20 =	vsub.s32 $0x5F3759DF, v20;
	v30 =	vmul.f32 v14, v14;
	v25 =	vadd.f32 v26, v62  }
0x13f: {  	v31 =	vmul.f32 v20, v63  }
0x140: {  	v16 =	vmul.f32 v16, v23;
	v25 =	vadd.f32 v30, v25  }
0x141: {  	v32 =	vmul.f32 v20, v31  }
0x142: {  	v13 =	vmul.f32 v16, v13;
	v33 =	vmax.f32 v25, $1.000000020e-35  }
0x143: {  	v26 =	vsub.f32 $1.500000000e+00, v32;
	v28 =	vmul.f32 $5.000000000e-01, v33;
	v27 =	vshra.s32 v33, $0x1  }
0x144: {  	v13 =	vmul.f32 v13, v16;
	v27 =	vsub.s32 $0x5F3759DF, v27  }
0x145: {  	v20 =	vmul.f32 v20, v26;
	v34 =	vmul.f32 v27, v28  }
0x146: {  	v22 =	vadd.f32 $-1.000000000e+00, v22;
	v13 =	vsub.f32 $1.500000000e+00, v13  }
0x147: {  	v35 =	vmul.f32 v20, v63;
	v36 =	vmul.f32 v27, v34  }
0x148: {  	v15 =	vmul.f32 v22, v15;
	v13 =	vmul.f32 v13, v16  }
0x149: {  	[tilespmem:s21+$0x162A0] =	vst v21;
	v37 =	vsub.f32 $0.0e+00, v18;
	v16 =	vmul.f32 v35, v20;
	v23 =	vsub.f32 $1.500000000e+00, v36  }
0x14a: {  	[tilespmem:s21+$0x17A70] =	vst v18;
	v7 =	vmul.f32 v15, v7;
	v12 =	vmul.f32 v13, v12  }
0x14b: {  	[tilespmem:s21+$0x172A0] =	vst v37;
	v3 =	vmul.f32 v15, v3;
	v16 =	vsub.f32 $1.500000000e+00, v16;
	v39 =	vmul.f32 v27, v23  }
0x14c: {  	v4 =	vmul.f32 v15, v4;
	[tilespmem:s19+$0x18A70] =	vst v7;
	v12 =	vadd.f32 $-1.000000000e+00, v12  }
0x14d: {  	v38 =	vsub.f32 $0.0e+00, v7;
	[tilespmem:s19+$0x16A70] =	vst v3;
	v42 =	vmul.f32 v16, v20;
	v43 =	vmul.f32 v39, v28  }
0x14e: {  	v41 =	vsub.f32 $0.0e+00, v3;
	[tilespmem:s19+$0x17A70] =	vst v4;
	v40 =	vmul.f32 v12, v13  }
0x14f: {  	v44 =	vsub.f32 $0.0e+00, v4;
	[tilespmem:s19+$0x182A0] =	vst v38;
	v45 =	vmul.f32 v42, v24;
	v16 =	vmul.f32 v43, v39  }
0x150: {  	[tilespmem:s19+$0x162A0] =	vst v41;
	v3 =	vmul.f32 v40, v9  }
0x151: {  	[tilespmem:s19+$0x172A0] =	vst v44;
	v6 =	vmul.f32 v40, v6;
	v47 =	vadd.f32 $-1.000000000e+00, v45;
	v48 =	vsub.f32 $1.500000000e+00, v16  }
0x152: {  	v46 =	vsub.f32 $0.0e+00, v3;
	[tilespmem:s20+$0x18A70] =	vst v3;
	v3 =	vmul.f32 v40, v5  }
0x153: {  	v49 =	vsub.f32 $0.0e+00, v6;
	[tilespmem:s20+$0x16A70] =	vst v6;
	v50 =	vmul.f32 v47, v42;
	v51 =	vmul.f32 v48, v39  }
0x154: {  	[tilespmem:s20+$0x182A0] =	vst v46  }
0x155: {  	[tilespmem:s20+$0x162A0] =	vst v49;
	v52 =	vsub.f32 $0.0e+00, v3;
	v53 =	vmul.f32 v50, v10;
	v54 =	vmul.f32 v51, v25  }
0x156: {  	[tilespmem:s20+$0x17A70] =	vst v3  }
0x157: {  	[tilespmem:s20+$0x172A0] =	vst v52;
	v55 =	vmul.f32 v50, v8;
	v3 =	vsub.f32 $0.0e+00, v53;
	v56 =	vadd.f32 $-1.000000000e+00, v54  }
0x158: {  	[tilespmem:s22+$0x18A70] =	vst v53  }
0x159: {  	v57 =	vsub.f32 $0.0e+00, v55;
	[tilespmem:s22+$0x182A0] =	vst v3;
	v3 =	vmul.f32 v50, v11;
	v58 =	vmul.f32 v56, v51  }
0x15a: {  	[tilespmem:s22+$0x16A70] =	vst v55  }
0x15b: {  	[tilespmem:s22+$0x162A0] =	vst v57;
	v59 =	vsub.f32 $0.0e+00, v3;
	v60 =	vmul.f32 v58, v14  }
0x15c: {  	[tilespmem:s22+$0x17A70] =	vst v3  }
0x15d: {  	[tilespmem:s22+$0x172A0] =	vst v59;
	v61 =	vmul.f32 v58, v17;
	v3 =	vsub.f32 $0.0e+00, v60  }
0x15e: {  	[tilespmem:s26+$0x18A70] =	vst v60  }
0x15f: {  	v62 =	vsub.f32 $0.0e+00, v61;
	[tilespmem:s26+$0x182A0] =	vst v3;
	v3 =	vmul.f32 v58, v19  }
0x160: {  	[tilespmem:s26+$0x16A70] =	vst v61  }
0x161: {  	[tilespmem:s26+$0x162A0] =	vst v62;
	v63 =	vsub.f32 $0.0e+00, v3  }
0x162: {  	[tilespmem:s26+$0x17A70] =	vst v3  }
0x163: {  	[tilespmem:s26+$0x172A0] =	vst v63  }
0x164: {  	_ =	swait.ge [sflag:s31], $0xFA0  }
0x165: {  	[sflag:s31] =	ssyncset.done $0x0  }
0x166: {  	[sflag:s31] =	ssyncadd.s32 $0xFFFFF060  }
0x167: {  	v1 =	vmul.f32 v1, v1;
	_ =	swait.ge [sflag:s31], $0xFA0  }
0x168: {  	[sflag:s31] =	ssyncset.done $0x0  }
0x169: {  	v1 =	vadd.f32 v1, v2;
	v2 =	vmul.f32 v22, v22;
	[sflag:s31] =	ssyncadd.s32 $0xFFFFF060  }
0x16a: {  	_ =	swait.ge [sflag:s31], $0xFA0  }
0x16b: {  	v1 =	vadd.f32 v2, v1;
	v2 =	vmul.f32 v12, v12;
	[sflag:s31] =	ssyncset.done $0x0  }
0x16c: {  	[sflag:s31] =	ssyncadd.s32 $0xFFFFF060  }
0x16d: {  	v1 =	vadd.f32 v2, v1;
	v2 =	vmul.f32 v47, v47;
	[spmem:s2] =	stream.indirect.scatter.add.f32 [tilespmem:s9], [sflag:$0x3], $0x1, s30, s24, $0xb8;
	[tilespmem:$0x1ABA0] =	vst v63  }
0x16e: {  	_ = 	snop  }
0x16f: {  	v1 =	vadd.f32 v2, v1;
	v2 =	vmul.f32 v56, v56;
	[spmem:s3] =	stream.indirect.scatter.add.f32 [tilespmem:s23], [sflag:$0x3], $0x1, s30, s24, $0xb8;
	[tilespmem:$0x1ABA0] =	vst v63  }
0x170: {  	s19 =	simm.s32 $0x0;
	s20 =	simm.s32 $0x0  }
0x171: {  	v1 =	vadd.f32 v2, v1;
	[spmem:s4] =	stream.indirect.scatter.add.f32 [tilespmem:s17], [sflag:$0x3], $0x1, s30, s24, $0xb8;
	[tilespmem:$0x1ABA0] =	vst v63  }
.LBB2_8:
0x172: {  	_ =	swait.ge [sflag:s1], $0xFA0  }
0x173: {  	[sflag:s1] =	ssyncset.done $0x0  }
0x174: {  	[sflag:s1] =	ssyncadd.s32 $0xFFFFF060  }
0x175: {  	_ =	swait.ge [sflag:s1], $0xFA0  }
0x176: {  	[sflag:s1] =	ssyncset.done $0x0  }
0x177: {  	[sflag:s1] =	ssyncadd.s32 $0xFFFFF060  }
0x178: {  	_ =	swait.ge [sflag:s1], $0xFA0  }
0x179: {  	[sflag:s1] =	ssyncset.done $0x0  }
0x17a: {  	[sflag:s1] =	ssyncadd.s32 $0xFFFFF060  }
0x17b: {  	_ =	swait.ge [sflag:s5], $0x7D0  }
0x17c: {  	[sflag:s5] =	ssyncset.done $0x0  }
0x17d: {  	[sflag:s5] =	ssyncadd.s32 $0xFFFFF830  }
0x17e: {  	_ =	swait.ge [sflag:s5], $0x7D0  }
0x17f: {  	s13 =	simm.s32 $0x102A0;
	[sflag:s5] =	ssyncset.done $0x0  }
0x180: {  	s21 =	smul.u32 $0x1F40, s20;
	s26 =	rddreg [dreg:$0x12];
	[sflag:s5] =	ssyncadd.s32 $0xFFFFF830  }
0x181: {  	[tilespmem:s13], [sflag:$0x2] =	stream.indirect.gather [spmem:s6], $0x1, s16, s24, $0xb8;
	[tilespmem:$0x1ABA0] =	vst v63  }
0x182: {  	s22 =	simm.s32 $0x112A0;
	s13 =	sadd.s32 s21, s26  }
0x183: {  	[tilespmem:s22], [sflag:$0x2] =	stream.indirect.gather [spmem:s7], $0x1, s16, s24, $0xb8;
	[tilespmem:$0x1ABA0] =	vst v63  }
0x184: {  	s13 =	sshrl.u32 s13, $0x3  }
0x185: {  	[tilespmem:s15], [sflag:$0x2] =	stream.indirect.gather [spmem:s8], $0x1, s16, s24, $0xb8;
	[tilespmem:$0x1ABA0] =	vst v63  }
0x186: {  	s13 =	sadd.s32 s0, s13  }
0x187: {  	[tilespmem:s18], [sflag:$0x1] =	stream.linear.gather [hbm4b:s13+s19], $0x7D0, $0x38;
	[tilespmem:$0x1ABA0] =	vst v63  }
0x188: {  	s14 =	simm.s32 $0x9A70;
	s28 =	simm.s32 $0x0;
	s13 =	sadd.s32 $0xC3500, s13  }
0x189: {  	[tilespmem:s14], [sflag:$0x1] =	stream.linear.gather [hbm4b:s13+s19], $0x7D0, $0x38;
	[tilespmem:$0x1ABA0] =	vst v63  }
0x18a: {  	v2 =	vld [tilespmem:s28+$0xD2A0]  }
0x18b: {  	v3 =	vld [tilespmem:s28+$0xDA70]  }
0x18c: {  	v4 =	vld [tilespmem:s28+$0xE2A0]  }
0x18d: {  	v5 =	vld [tilespmem:s28+$0xEA70]  }
0x18e: {  	v6 =	vld [tilespmem:s28+$0xF2A0]  }
0x18f: {  	v7 =	vld [tilespmem:s28+$0xFA70];
	_ =	sdelay $0x2  }
0x190: {  	v18 =	vsub.f32 v2, v3;
	v21 =	vsub.f32 v4, v5;
	_ =	sdelay $0x1  }
0x191: {  	v8 =	vsub.f32 v6, v7;
	v2 =	vmul.f32 v18, v18;
	v3 =	vmul.f32 v21, v21  }
0x192: {  	s22 =	simm.s32 $0x10  }
0x193: {  	v9 =	vld [tilespmem:s22+$0xEA70];
	v2 =	vadd.f32 v3, v2;
	v3 =	vmul.f32 v8, v8  }
0x194: {  	v10 =	vld [tilespmem:s22+$0xFA70]  }
0x195: {  	v4 =	vld [tilespmem:s22+$0xD2A0];
	v2 =	vadd.f32 v3, v2  }
0x196: {  	v6 =	vld [tilespmem:s22+$0xDA70]  }
0x197: {  	v7 =	vld [tilespmem:s22+$0xE2A0];
	v3 =	vmax.f32 v2, $1.000000020e-35  }
0x198: {  	v5 =	vld [tilespmem:s22+$0xF2A0];
	v11 =	vmul.f32 $5.000000000e-01, v3;
	v3 =	vshra.s32 v3, $0x1  }
0x199: {  	v12 =	vsub.s32 $0x5F3759DF, v3  }
0x19a: {  	v13 =	vmul.f32 v12, v11;
	_ =	sdelay $0x1  }
0x19b: {  	v3 =	vsub.f32 v4, v6;
	v4 =	vsub.f32 v7, v9;
	v6 =	vmul.f32 v12, v13  }
0x19c: {  	v7 =	vsub.f32 v5, v10  }
0x19d: {  	s26 =	simm.s32 $0x20;
	v5 =	vmul.f32 v3, v3;
	v9 =	vmul.f32 v4, v4;
	v6 =	vsub.f32 $1.500000000e+00, v6  }
0x19e: {  	v14 =	vld [tilespmem:s26+$0xE2A0]  }
0x19f: {  	v10 =	vld [tilespmem:s26+$0xD2A0];
	v5 =	vadd.f32 v9, v5;
	v9 =	vmul.f32 v7, v7;
	v12 =	vmul.f32 v12, v6  }
0x1a0: {  	v13 =	vld [tilespmem:s26+$0xDA70]  }
0x1a1: {  	v15 =	vld [tilespmem:s26+$0xEA70];
	v22 =	vadd.f32 v9, v5;
	v5 =	vmul.f32 v12, v11  }
0x1a2: {  	v9 =	vld [tilespmem:s26+$0xF2A0]  }
0x1a3: {  	v6 =	vmax.f32 v22, $1.000000020e-35;
	v11 =	vld [tilespmem:s26+$0xFA70];
	v5 =	vmul.f32 v5, v12  }
0x1a4: {  	v16 =	vmul.f32 $5.000000000e-01, v6;
	v17 =	vshra.s32 v6, $0x1  }
0x1a5: {  	v6 =	vsub.f32 v10, v13;
	v10 =	vsub.s32 $0x5F3759DF, v17;
	v13 =	vsub.f32 $1.500000000e+00, v5  }
0x1a6: {  	v5 =	vsub.f32 v14, v15;
	v14 =	vmul.f32 v10, v16  }
0x1a7: {  	v15 =	vmul.f32 v6, v6;
	v12 =	vmul.f32 v13, v12  }
0x1a8: {  	s29 =	simm.s32 $0x30;
	v9 =	vsub.f32 v9, v11;
	v11 =	vmul.f32 v5, v5;
	v13 =	vmul.f32 v10, v14  }
0x1a9: {  	v19 =	vld [tilespmem:s29+$0xE2A0];
	v2 =	vmul.f32 v12, v2  }
0x1aa: {  	v17 =	vld [tilespmem:s29+$0xDA70];
	v11 =	vadd.f32 v11, v15;
	v15 =	vmul.f32 v9, v9;
	v13 =	vsub.f32 $1.500000000e+00, v13  }
0x1ab: {  	v14 =	vld [tilespmem:s29+$0xD2A0];
	v2 =	vadd.f32 $-1.000000000e+00, v2  }
0x1ac: {  	v20 =	vld [tilespmem:s29+$0xEA70];
	v11 =	vadd.f32 v15, v11;
	v15 =	vmul.f32 v10, v13  }
0x1ad: {  	v23 =	vld [tilespmem:s29+$0xF2A0];
	v26 =	vmul.f32 v2, v12  }
0x1ae: {  	v12 =	vld [tilespmem:s29+$0xFA70];
	v13 =	vmax.f32 v11, $1.000000020e-35;
	v24 =	vmul.f32 v15, v16  }
0x1af: {  	v10 =	vmul.f32 $5.000000000e-01, v13;
	v13 =	vshra.s32 v13, $0x1;
	v25 =	vmul.f32 v26, v8  }
0x1b0: {  	v8 =	vsub.f32 v14, v17;
	v16 =	vsub.s32 $0x5F3759DF, v13;
	v17 =	vmul.f32 v24, v15  }
0x1b1: {  	s13 =	simm.s32 $0x40;
	v13 =	vsub.f32 v19, v20;
	v19 =	vmul.f32 v16, v10  }
0x1b2: {  	v14 =	vld [tilespmem:s13+$0xF2A0];
	[tilespmem:s28+$0x15A70] =	vst v25;
	v20 =	vmul.f32 v8, v8;
	v24 =	vsub.f32 $1.500000000e+00, v17;
	v25 =	vsub.f32 $0.0e+00, v25  }
0x1b3: {  	v12 =	vsub.f32 v23, v12;
	v23 =	vmul.f32 v13, v13;
	v27 =	vmul.f32 v16, v19  }
0x1b4: {  	v28 =	vmul.f32 v26, v18;
	v17 =	vld [tilespmem:s13+$0xD2A0];
	v15 =	vmul.f32 v24, v15  }
0x1b5: {  	v19 =	vld [tilespmem:s13+$0xDA70];
	[tilespmem:s28+$0x152A0] =	vst v25;
	v24 =	vadd.f32 v23, v20;
	v25 =	vmul.f32 v12, v12;
	v23 =	vsub.f32 $1.500000000e+00, v27  }
0x1b6: {  	s14 =	simm.s32 $0x140;
	v18 =	vmul.f32 v26, v21;
	v21 =	vsub.f32 $0.0e+00, v28;
	v20 =	vld [tilespmem:s13+$0xE2A0];
	[tilespmem:s28+$0x13A70] =	vst v28;
	v22 =	vmul.f32 v15, v22  }
.LBB2_9:
0x1b7: {  	p0 =	sne.s32 s14, $0x1F00;
	v26 =	vld [tilespmem:s13+$0xEA70];
	v27 =	vadd.f32 v25, v24;
	v23 =	vmul.f32 v16, v23;
	v16 =	vmul.f32 v2, v2;
	v28 =	vmovc v4  }
0x1b8: {  	v4 =	vmovc v5;
	v5 =	vmov v13;
	v24 =	vld [tilespmem:s13+$0xFA70];
	v2 =	vadd.f32 $-1.000000000e+00, v22;
	[tilespmem:s28+$0x132A0] =	vst v21;
	v21 =	vsub.f32 $0.0e+00, v18  }
0x1b9: {  	v13 =	vmax.f32 v27, $1.000000020e-35;
	v22 =	vmul.f32 v23, v10;
	v1 =	vadd.f32 v16, v1;
	[tilespmem:s28+$0x14A70] =	vst v18  }
0x1ba: {  	v10 =	vmul.f32 $5.000000000e-01, v13;
	v13 =	vshra.s32 v13, $0x1;
	v18 =	vmul.f32 v2, v15;
	[tilespmem:s28+$0x142A0] =	vst v21;
	s28 =	smov.u32 s22;
	s22 =	smov.u32 s26;
	s26 =	smov.u32 s29  }
0x1bb: {  	v19 =	vsub.f32 v17, v19;
	s29 =	smov.u32 s13;
	v16 =	vsub.s32 $0x5F3759DF, v13;
	v15 =	vmul.f32 v22, v23  }
0x1bc: {  	v13 =	vsub.f32 v20, v26;
	v17 =	vmul.f32 v16, v10;
	v20 =	vmul.f32 v18, v7;
	v7 =	vmovc v9  }
.Ltmp3:
0x1bd: {  	s13 =	sshra.s32 s14, $0x2;
	v21 =	vmul.f32 v19, v19;
	v9 =	vmovc v12;
	v15 =	vsub.f32 $1.500000000e+00, v15;
	v12 =	vsub.f32 v14, v24;
	(pc) =	sbr.rel @p0 .LBB2_9-.Ltmp3, $4  }
0x1be: {  	v14 =	vld [tilespmem:s13+$0xF2A0];
	v22 =	vmul.f32 v13, v13;
	v26 =	vmul.f32 v16, v17;
	[tilespmem:s28+$0x15A70] =	vst v20;
	v20 =	vsub.f32 $0.0e+00, v20  }
0x1bf: {  	v29 =	vmul.f32 v18, v3;
	v3 =	vmovc v6;
	v6 =	vmovc v8;
	v8 =	vmov v19;
	v17 =	vld [tilespmem:s13+$0xD2A0];
	v15 =	vmul.f32 v15, v23  }
0x1c0: {  	v25 =	vmul.f32 v12, v12;
	v19 =	vld [tilespmem:s13+$0xDA70];
	v24 =	vadd.f32 v22, v21;
	v23 =	vsub.f32 $1.500000000e+00, v26;
	[tilespmem:s28+$0x152A0] =	vst v20  }
0x1c1: {  	s14 =	sadd.s32 $0x40, s14;
	v18 =	vmul.f32 v18, v28;
	v21 =	vsub.f32 $0.0e+00, v29;
	v20 =	vld [tilespmem:s13+$0xE2A0];
	v22 =	vmul.f32 v15, v11;
	[tilespmem:s28+$0x13A70] =	vst v29;
	v11 =	vmovc v27  }
0x1c2: {  	v26 =	vld [tilespmem:s13+$0xEA70];
	_ =	sdelay $0x1  }
0x1c3: {  	v27 =	vld [tilespmem:s13+$0xFA70];
	_ =	sdelay $0x1  }
0x1c4: {  	v24 =	vadd.f32 v25, v24  }
0x1c5: {  	v17 =	vsub.f32 v17, v19;
	v19 =	vsub.f32 v20, v26  }
0x1c6: {  	v20 =	vmax.f32 v24, $1.000000020e-35  }
0x1c7: {  	v25 =	vsub.f32 v14, v27;
	v14 =	vmul.f32 v17, v17;
	v26 =	vmul.f32 v19, v19  }
0x1c8: {  	v16 =	vmul.f32 v16, v23;
	v23 =	vmul.f32 $5.000000000e-01, v20;
	v20 =	vshra.s32 v20, $0x1  }
0x1c9: {  	v20 =	vsub.s32 $0x5F3759DF, v20;
	v14 =	vadd.f32 v26, v14;
	v26 =	vmul.f32 v25, v25  }
0x1ca: {  	v27 =	vmul.f32 v20, v23  }
0x1cb: {  	v10 =	vmul.f32 v16, v10;
	v26 =	vadd.f32 v26, v14  }
0x1cc: {  	v14 =	vmul.f32 v20, v27  }
0x1cd: {  	v27 =	vmul.f32 v10, v16;
	v10 =	vmax.f32 v26, $1.000000020e-35  }
0x1ce: {  	v14 =	vsub.f32 $1.500000000e+00, v14;
	v28 =	vmul.f32 $5.000000000e-01, v10;
	v29 =	vshra.s32 v10, $0x1  }
0x1cf: {  	v10 =	vadd.f32 $-1.000000000e+00, v22;
	v22 =	vsub.f32 $1.500000000e+00, v27;
	v27 =	vsub.s32 $0x5F3759DF, v29  }
0x1d0: {  	v14 =	vmul.f32 v20, v14;
	v20 =	vmul.f32 v27, v28  }
0x1d1: {  	v16 =	vmul.f32 v22, v16  }
0x1d2: {  	v22 =	vmul.f32 v14, v23;
	v20 =	vmul.f32 v27, v20  }
0x1d3: {  	v15 =	vmul.f32 v10, v15;
	v11 =	vmul.f32 v16, v11  }
0x1d4: {  	[tilespmem:s28+$0x132A0] =	vst v21;
	v21 =	vsub.f32 $0.0e+00, v18;
	v22 =	vmul.f32 v22, v14;
	v20 =	vsub.f32 $1.500000000e+00, v20  }
0x1d5: {  	[tilespmem:s28+$0x14A70] =	vst v18;
	v7 =	vmul.f32 v15, v7;
	v11 =	vadd.f32 $-1.000000000e+00, v11  }
0x1d6: {  	[tilespmem:s28+$0x142A0] =	vst v21;
	v3 =	vmul.f32 v15, v3;
	v21 =	vsub.f32 $1.500000000e+00, v22;
	v20 =	vmul.f32 v27, v20  }
0x1d7: {  	v4 =	vmul.f32 v15, v4;
	v18 =	vsub.f32 $0.0e+00, v7;
	[tilespmem:s22+$0x15A70] =	vst v7;
	v7 =	vmul.f32 v11, v16  }
0x1d8: {  	v15 =	vsub.f32 $0.0e+00, v3;
	[tilespmem:s22+$0x13A70] =	vst v3;
	v16 =	vmul.f32 v21, v14;
	v14 =	vmul.f32 v20, v28  }
0x1d9: {  	[tilespmem:s22+$0x152A0] =	vst v18;
	v3 =	vmul.f32 v7, v9  }
0x1da: {  	[tilespmem:s22+$0x132A0] =	vst v15;
	v9 =	vsub.f32 $0.0e+00, v4;
	v15 =	vmul.f32 v16, v24;
	v18 =	vmul.f32 v14, v20  }
0x1db: {  	[tilespmem:s22+$0x14A70] =	vst v4;
	v4 =	vsub.f32 $0.0e+00, v3  }
0x1dc: {  	v6 =	vmul.f32 v7, v6;
	[tilespmem:s22+$0x142A0] =	vst v9;
	v14 =	vadd.f32 $-1.000000000e+00, v15;
	v9 =	vsub.f32 $1.500000000e+00, v18  }
0x1dd: {  	[tilespmem:s26+$0x15A70] =	vst v3;
	v3 =	vmul.f32 v7, v5  }
0x1de: {  	[tilespmem:s26+$0x152A0] =	vst v4;
	v4 =	vsub.f32 $0.0e+00, v6;
	v5 =	vmul.f32 v14, v16;
	v7 =	vmul.f32 v9, v20  }
0x1df: {  	[tilespmem:s26+$0x13A70] =	vst v6  }
0x1e0: {  	[tilespmem:s26+$0x132A0] =	vst v4;
	v4 =	vsub.f32 $0.0e+00, v3;
	v6 =	vmul.f32 v5, v12;
	v9 =	vmul.f32 v7, v26  }
0x1e1: {  	[tilespmem:s26+$0x14A70] =	vst v3  }
0x1e2: {  	[tilespmem:s26+$0x142A0] =	vst v4;
	v4 =	vmul.f32 v5, v8;
	v3 =	vsub.f32 $0.0e+00, v6;
	v12 =	vadd.f32 $-1.000000000e+00, v9  }
0x1e3: {  	[tilespmem:s29+$0x15A70] =	vst v6  }
0x1e4: {  	[tilespmem:s29+$0x152A0] =	vst v3;
	v3 =	vmul.f32 v5, v13;
	v5 =	vsub.f32 $0.0e+00, v4;
	v6 =	vmul.f32 v12, v7  }
0x1e5: {  	[tilespmem:s29+$0x13A70] =	vst v4  }
0x1e6: {  	[tilespmem:s29+$0x132A0] =	vst v5;
	v4 =	vsub.f32 $0.0e+00, v3;
	v5 =	vmul.f32 v6, v25  }
0x1e7: {  	[tilespmem:s29+$0x14A70] =	vst v3  }
0x1e8: {  	[tilespmem:s29+$0x142A0] =	vst v4;
	v4 =	vmul.f32 v6, v17;
	v3 =	vsub.f32 $0.0e+00, v5  }
0x1e9: {  	[tilespmem:s13+$0x15A70] =	vst v5  }
0x1ea: {  	v5 =	vsub.f32 $0.0e+00, v4;
	[tilespmem:s13+$0x152A0] =	vst v3;
	v3 =	vmul.f32 v6, v19  }
0x1eb: {  	[tilespmem:s13+$0x13A70] =	vst v4  }
0x1ec: {  	[tilespmem:s13+$0x132A0] =	vst v5;
	v4 =	vsub.f32 $0.0e+00, v3  }
0x1ed: {  	[tilespmem:s13+$0x14A70] =	vst v3  }
0x1ee: {  	[tilespmem:s13+$0x142A0] =	vst v4  }
0x1ef: {  	_ =	swait.ge [sflag:s31], $0xFA0  }
0x1f0: {  	[sflag:s31] =	ssyncset.done $0x0  }
0x1f1: {  	[sflag:s31] =	ssyncadd.s32 $0xFFFFF060  }
0x1f2: {  	_ =	swait.ge [sflag:s31], $0xFA0  }
0x1f3: {  	[sflag:s31] =	ssyncset.done $0x0  }
0x1f4: {  	[sflag:s31] =	ssyncadd.s32 $0xFFFFF060  }
0x1f5: {  	_ =	swait.ge [sflag:s31], $0xFA0  }
0x1f6: {  	[sflag:s31] =	ssyncset.done $0x0  }
0x1f7: {  	[sflag:s31] =	ssyncadd.s32 $0xFFFFF060  }
0x1f8: {  	[spmem:s2] =	stream.indirect.scatter.add.f32 [tilespmem:s10], [sflag:$0x3], $0x1, s25, s24, $0xb8;
	[tilespmem:$0x1ABA0] =	vst v63  }
0x1f9: {  	_ = 	snop  }
0x1fa: {  	[spmem:s3] =	stream.indirect.scatter.add.f32 [tilespmem:s11], [sflag:$0x3], $0x1, s25, s24, $0xb8;
	[tilespmem:$0x1ABA0] =	vst v63  }
0x1fb: {  	_ = 	snop  }
0x1fc: {  	[spmem:s4] =	stream.indirect.scatter.add.f32 [tilespmem:s12], [sflag:$0x3], $0x1, s25, s24, $0xb8;
	[tilespmem:$0x1ABA0] =	vst v63  }
0x1fd: {  	_ =	swait.ge [sflag:s1], $0xFA0  }
0x1fe: {  	[sflag:s1] =	ssyncset.done $0x0  }
0x1ff: {  	[sflag:s1] =	ssyncadd.s32 $0xFFFFF060  }
0x200: {  	_ =	swait.ge [sflag:s1], $0xFA0  }
0x201: {  	[sflag:s1] =	ssyncset.done $0x0  }
0x202: {  	[sflag:s1] =	ssyncadd.s32 $0xFFFFF060  }
0x203: {  	_ =	swait.ge [sflag:s1], $0xFA0  }
0x204: {  	[sflag:s1] =	ssyncset.done $0x0  }
0x205: {  	[sflag:s1] =	ssyncadd.s32 $0xFFFFF060  }
0x206: {  	_ =	swait.ge [sflag:s5], $0x7D0  }
0x207: {  	[sflag:s5] =	ssyncset.done $0x0  }
0x208: {  	[sflag:s5] =	ssyncadd.s32 $0xFFFFF830  }
0x209: {  	_ =	swait.ge [sflag:s5], $0x7D0  }
0x20a: {  	[sflag:s5] =	ssyncset.done $0x0  }
0x20b: {  	s22 =	simm.s32 $0xD2A0;
	[sflag:s5] =	ssyncadd.s32 $0xFFFFF830  }
0x20c: {  	[tilespmem:s22], [sflag:$0x2] =	stream.indirect.gather [spmem:s6], $0x1, s18, s24, $0xb8;
	[tilespmem:$0x1ABA0] =	vst v63  }
0x20d: {  	s22 =	rddreg [dreg:$0x13]  }
0x20e: {  	s26 =	simm.s32 $0xE2A0;
	s13 =	sadd.s32 s21, s22  }
0x20f: {  	[tilespmem:s26], [sflag:$0x2] =	stream.indirect.gather [spmem:s7], $0x1, s18, s24, $0xb8;
	[tilespmem:$0x1ABA0] =	vst v63  }
0x210: {  	s14 =	simm.s32 $0xF2A0;
	s13 =	sshrl.u32 s13, $0x3  }
0x211: {  	[tilespmem:s14], [sflag:$0x2] =	stream.indirect.gather [spmem:s8], $0x1, s18, s24, $0xb8;
	[tilespmem:$0x1ABA0] =	vst v63  }
0x212: {  	s13 =	sadd.s32 s0, s13;
	s14 =	simm.s32 $0x0  }
0x213: {  	[tilespmem:s30], [sflag:$0x1] =	stream.linear.gather [hbm4b:s13+s14], $0x7D0, $0x38;
	[tilespmem:$0x1ABA0] =	vst v63  }
0x214: {  	s28 =	simm.s32 $0x0;
	s26 =	simm.s32 $0xAA70;
	s13 =	sadd.s32 $0xC3500, s13  }
0x215: {  	[tilespmem:s26], [sflag:$0x1] =	stream.linear.gather [hbm4b:s13+s14], $0x7D0, $0x38;
	[tilespmem:$0x1ABA0] =	vst v63  }
0x216: {  	v3 =	vld [tilespmem:s28+$0x102A0]  }
0x217: {  	v4 =	vld [tilespmem:s28+$0x10A70]  }
0x218: {  	v5 =	vld [tilespmem:s28+$0x112A0]  }
0x219: {  	v6 =	vld [tilespmem:s28+$0x11A70]  }
0x21a: {  	v7 =	vld [tilespmem:s28+$0x122A0]  }
0x21b: {  	v8 =	vld [tilespmem:s28+$0x12A70];
	_ =	sdelay $0x2  }
0x21c: {  	v18 =	vsub.f32 v3, v4;
	v21 =	vsub.f32 v5, v6;
	_ =	sdelay $0x1  }
0x21d: {  	v8 =	vsub.f32 v7, v8;
	v3 =	vmul.f32 v18, v18;
	v4 =	vmul.f32 v21, v21  }
0x21e: {  	s22 =	simm.s32 $0x10  }
0x21f: {  	v9 =	vld [tilespmem:s22+$0x11A70];
	v3 =	vadd.f32 v4, v3;
	v4 =	vmul.f32 v8, v8  }
0x220: {  	v15 =	vld [tilespmem:s22+$0x12A70]  }
0x221: {  	v6 =	vld [tilespmem:s22+$0x102A0];
	v13 =	vadd.f32 v4, v3  }
0x222: {  	v7 =	vld [tilespmem:s22+$0x10A70]  }
0x223: {  	v4 =	vld [tilespmem:s22+$0x112A0];
	v3 =	vmax.f32 v13, $1.000000020e-35  }
0x224: {  	v5 =	vld [tilespmem:s22+$0x122A0];
	v16 =	vmul.f32 $5.000000000e-01, v3;
	v3 =	vshra.s32 v3, $0x1  }
0x225: {  	v17 =	vsub.s32 $0x5F3759DF, v3  }
0x226: {  	v19 =	vmul.f32 v17, v16;
	_ =	sdelay $0x1  }
0x227: {  	v3 =	vsub.f32 v6, v7;
	v4 =	vsub.f32 v4, v9;
	v6 =	vmul.f32 v17, v19  }
0x228: {  	v7 =	vsub.f32 v5, v15  }
0x229: {  	s26 =	simm.s32 $0x20;
	v5 =	vmul.f32 v3, v3;
	v9 =	vmul.f32 v4, v4;
	v6 =	vsub.f32 $1.500000000e+00, v6  }
0x22a: {  	v20 =	vld [tilespmem:s26+$0x112A0]  }
0x22b: {  	v15 =	vld [tilespmem:s26+$0x102A0];
	v5 =	vadd.f32 v9, v5;
	v9 =	vmul.f32 v7, v7;
	v17 =	vmul.f32 v17, v6  }
0x22c: {  	v19 =	vld [tilespmem:s26+$0x10A70]  }
0x22d: {  	v22 =	vld [tilespmem:s26+$0x11A70];
	v26 =	vadd.f32 v9, v5;
	v5 =	vmul.f32 v17, v16  }
0x22e: {  	v9 =	vld [tilespmem:s26+$0x122A0]  }
0x22f: {  	v16 =	vld [tilespmem:s26+$0x12A70];
	v6 =	vmax.f32 v26, $1.000000020e-35;
	v5 =	vmul.f32 v5, v17  }
0x230: {  	v2 =	vmul.f32 v2, v2;
	v23 =	vmul.f32 $5.000000000e-01, v6;
	v24 =	vshra.s32 v6, $0x1  }
0x231: {  	v6 =	vsub.f32 v15, v19;
	v15 =	vsub.s32 $0x5F3759DF, v24;
	v19 =	vsub.f32 $1.500000000e+00, v5  }
0x232: {  	v10 =	vmul.f32 v10, v10;
	v5 =	vsub.f32 v20, v22;
	v20 =	vmul.f32 v15, v23  }
0x233: {  	v1 =	vadd.f32 v2, v1;
	s29 =	simm.s32 $0x30;
	v2 =	vmul.f32 v6, v6;
	v17 =	vmul.f32 v19, v17  }
0x234: {  	v24 =	vld [tilespmem:s29+$0x11A70];
	v9 =	vsub.f32 v9, v16;
	v16 =	vmul.f32 v5, v5;
	v19 =	vmul.f32 v15, v20  }
0x235: {  	v1 =	vadd.f32 v10, v1;
	v10 =	vmul.f32 v11, v11;
	v22 =	vld [tilespmem:s29+$0x112A0];
	v11 =	vmul.f32 v17, v13  }
0x236: {  	v20 =	vld [tilespmem:s29+$0x102A0];
	v2 =	vadd.f32 v16, v2;
	v16 =	vmul.f32 v9, v9;
	v19 =	vsub.f32 $1.500000000e+00, v19  }
0x237: {  	v10 =	vadd.f32 v10, v1;
	v13 =	vld [tilespmem:s29+$0x10A70];
	v1 =	vadd.f32 $-1.000000000e+00, v11  }
0x238: {  	v14 =	vmul.f32 v14, v14;
	v11 =	vadd.f32 v16, v2;
	v16 =	vmul.f32 v15, v19;
	v2 =	vld [tilespmem:s29+$0x122A0]  }
0x239: {  	v19 =	vld [tilespmem:s29+$0x12A70];
	v27 =	vmul.f32 v1, v17  }
0x23a: {  	v25 =	vadd.f32 v14, v10;
	v14 =	vmax.f32 v11, $1.000000020e-35;
	v17 =	vmul.f32 v16, v23  }
0x23b: {  	v10 =	vmul.f32 $5.000000000e-01, v14;
	v14 =	vshra.s32 v14, $0x1;
	v23 =	vmul.f32 v27, v8  }
0x23c: {  	v8 =	vsub.f32 v20, v13;
	v15 =	vsub.s32 $0x5F3759DF, v14;
	v17 =	vmul.f32 v17, v16  }
0x23d: {  	v20 =	vmul.f32 v12, v12;
	v13 =	vsub.f32 v22, v24;
	v22 =	vmul.f32 v15, v10  }
0x23e: {  	s13 =	simm.s32 $0x40;
	v12 =	vsub.f32 v2, v19;
	v24 =	vmul.f32 v8, v8;
	v61 =	vsub.f32 $1.500000000e+00, v17  }
0x23f: {  	v14 =	vld [tilespmem:s13+$0x122A0];
	[tilespmem:s28+$0x18A70] =	vst v23;
	v23 =	vsub.f32 $0.0e+00, v23;
	v62 =	vmul.f32 v13, v13;
	v22 =	vmul.f32 v15, v22  }
0x240: {  	v63 =	vmul.f32 v27, v18;
	v2 =	vadd.f32 v20, v25;
	v17 =	vld [tilespmem:s13+$0x102A0];
	v16 =	vmul.f32 v61, v16  }
0x241: {  	v19 =	vld [tilespmem:s13+$0x10A70];
	v25 =	vmul.f32 v12, v12;
	[tilespmem:s28+$0x182A0] =	vst v23;
	v24 =	vadd.f32 v62, v24;
	v23 =	vsub.f32 $1.500000000e+00, v22  }
0x242: {  	s14 =	simm.s32 $0x140;
	v18 =	vmul.f32 v27, v21;
	v21 =	vsub.f32 $0.0e+00, v63;
	v20 =	vld [tilespmem:s13+$0x112A0];
	[tilespmem:s28+$0x16A70] =	vst v63;
	v22 =	vmul.f32 v16, v26  }
.LBB2_11:
0x243: {  	p0 =	sne.s32 s14, $0x1F00;
	v26 =	vld [tilespmem:s13+$0x11A70];
	v27 =	vadd.f32 v25, v24;
	v23 =	vmul.f32 v15, v23;
	v15 =	vmul.f32 v1, v1;
	v28 =	vmovc v4  }
0x244: {  	v4 =	vmovc v5;
	v5 =	vmov v13;
	v24 =	vld [tilespmem:s13+$0x12A70];
	v1 =	vadd.f32 $-1.000000000e+00, v22;
	[tilespmem:s28+$0x162A0] =	vst v21;
	v21 =	vsub.f32 $0.0e+00, v18  }
0x245: {  	v13 =	vmax.f32 v27, $1.000000020e-35;
	v22 =	vmul.f32 v23, v10;
	v2 =	vadd.f32 v15, v2;
	[tilespmem:s28+$0x17A70] =	vst v18  }
0x246: {  	v10 =	vmul.f32 $5.000000000e-01, v13;
	v13 =	vshra.s32 v13, $0x1;
	v18 =	vmul.f32 v1, v16;
	[tilespmem:s28+$0x172A0] =	vst v21;
	s28 =	smov.u32 s22;
	s22 =	smov.u32 s26;
	s26 =	smov.u32 s29  }
0x247: {  	v19 =	vsub.f32 v17, v19;
	s29 =	smov.u32 s13;
	v15 =	vsub.s32 $0x5F3759DF, v13;
	v16 =	vmul.f32 v22, v23  }
0x248: {  	v13 =	vsub.f32 v20, v26;
	v17 =	vmul.f32 v15, v10;
	v20 =	vmul.f32 v18, v7;
	v7 =	vmovc v9  }
.Ltmp4:
0x249: {  	s13 =	sshra.s32 s14, $0x2;
	v21 =	vmul.f32 v19, v19;
	v9 =	vmovc v12;
	v16 =	vsub.f32 $1.500000000e+00, v16;
	v12 =	vsub.f32 v14, v24;
	(pc) =	sbr.rel @p0 .LBB2_11-.Ltmp4, $4  }
0x24a: {  	v14 =	vld [tilespmem:s13+$0x122A0];
	v22 =	vmul.f32 v13, v13;
	v26 =	vmul.f32 v15, v17;
	[tilespmem:s28+$0x18A70] =	vst v20;
	v20 =	vsub.f32 $0.0e+00, v20  }
0x24b: {  	v29 =	vmul.f32 v18, v3;
	v3 =	vmovc v6;
	v6 =	vmovc v8;
	v8 =	vmov v19;
	v17 =	vld [tilespmem:s13+$0x102A0];
	v16 =	vmul.f32 v16, v23  }
0x24c: {  	v25 =	vmul.f32 v12, v12;
	v19 =	vld [tilespmem:s13+$0x10A70];
	v24 =	vadd.f32 v22, v21;
	v23 =	vsub.f32 $1.500000000e+00, v26;
	[tilespmem:s28+$0x182A0] =	vst v20  }
0x24d: {  	s14 =	sadd.s32 $0x40, s14;
	v18 =	vmul.f32 v18, v28;
	v21 =	vsub.f32 $0.0e+00, v29;
	v20 =	vld [tilespmem:s13+$0x112A0];
	v22 =	vmul.f32 v16, v11;
	[tilespmem:s28+$0x16A70] =	vst v29;
	v11 =	vmovc v27  }
0x24e: {  	v26 =	vld [tilespmem:s13+$0x11A70];
	_ =	sdelay $0x1  }
0x24f: {  	v27 =	vld [tilespmem:s13+$0x12A70];
	_ =	sdelay $0x1  }
0x250: {  	v24 =	vadd.f32 v25, v24  }
0x251: {  	v17 =	vsub.f32 v17, v19;
	v19 =	vsub.f32 v20, v26  }
0x252: {  	v20 =	vmax.f32 v24, $1.000000020e-35  }
0x253: {  	v25 =	vsub.f32 v14, v27;
	v14 =	vmul.f32 v17, v17;
	v26 =	vmul.f32 v19, v19  }
0x254: {  	v15 =	vmul.f32 v15, v23;
	v23 =	vmul.f32 $5.000000000e-01, v20;
	v20 =	vshra.s32 v20, $0x1  }
0x255: {  	v20 =	vsub.s32 $0x5F3759DF, v20;
	v14 =	vadd.f32 v26, v14;
	v26 =	vmul.f32 v25, v25  }
0x256: {  	v27 =	vmul.f32 v20, v23  }
0x257: {  	v10 =	vmul.f32 v15, v10;
	v26 =	vadd.f32 v26, v14  }
0x258: {  	v14 =	vmul.f32 v20, v27  }
0x259: {  	v27 =	vmul.f32 v10, v15;
	v10 =	vmax.f32 v26, $1.000000020e-35  }
0x25a: {  	v14 =	vsub.f32 $1.500000000e+00, v14;
	v28 =	vmul.f32 $5.000000000e-01, v10;
	v29 =	vshra.s32 v10, $0x1  }
0x25b: {  	v10 =	vadd.f32 $-1.000000000e+00, v22;
	v22 =	vsub.f32 $1.500000000e+00, v27;
	v27 =	vsub.s32 $0x5F3759DF, v29  }
0x25c: {  	v14 =	vmul.f32 v20, v14;
	v20 =	vmul.f32 v27, v28  }
0x25d: {  	v15 =	vmul.f32 v22, v15  }
0x25e: {  	v22 =	vmul.f32 v14, v23;
	v20 =	vmul.f32 v27, v20  }
0x25f: {  	v16 =	vmul.f32 v10, v16;
	v11 =	vmul.f32 v15, v11  }
0x260: {  	[tilespmem:s28+$0x162A0] =	vst v21;
	v21 =	vsub.f32 $0.0e+00, v18;
	v22 =	vmul.f32 v22, v14;
	v20 =	vsub.f32 $1.500000000e+00, v20  }
0x261: {  	[tilespmem:s28+$0x17A70] =	vst v18;
	v7 =	vmul.f32 v16, v7;
	v11 =	vadd.f32 $-1.000000000e+00, v11  }
0x262: {  	[tilespmem:s28+$0x172A0] =	vst v21;
	v3 =	vmul.f32 v16, v3;
	v21 =	vsub.f32 $1.500000000e+00, v22;
	v20 =	vmul.f32 v27, v20  }
0x263: {  	v4 =	vmul.f32 v16, v4;
	v18 =	vsub.f32 $0.0e+00, v7;
	[tilespmem:s22+$0x18A70] =	vst v7;
	v7 =	vmul.f32 v11, v15  }
0x264: {  	[tilespmem:s22+$0x16A70] =	vst v3;
	v15 =	vsub.f32 $0.0e+00, v3;
	v16 =	vmul.f32 v21, v14;
	v14 =	vmul.f32 v20, v28  }
0x265: {  	[tilespmem:s22+$0x182A0] =	vst v18;
	v3 =	vmul.f32 v7, v9  }
0x266: {  	[tilespmem:s22+$0x162A0] =	vst v15;
	v9 =	vsub.f32 $0.0e+00, v4;
	v15 =	vmul.f32 v16, v24;
	v18 =	vmul.f32 v14, v20  }
0x267: {  	[tilespmem:s22+$0x17A70] =	vst v4;
	v4 =	vsub.f32 $0.0e+00, v3  }
0x268: {  	v6 =	vmul.f32 v7, v6;
	[tilespmem:s22+$0x172A0] =	vst v9;
	v14 =	vadd.f32 $-1.000000000e+00, v15;
	v9 =	vsub.f32 $1.500000000e+00, v18  }
0x269: {  	[tilespmem:s26+$0x18A70] =	vst v3;
	v3 =	vmul.f32 v7, v5  }
0x26a: {  	[tilespmem:s26+$0x182A0] =	vst v4;
	v4 =	vsub.f32 $0.0e+00, v6;
	v5 =	vmul.f32 v14, v16;
	v7 =	vmul.f32 v9, v20  }
0x26b: {  	[tilespmem:s26+$0x16A70] =	vst v6  }
0x26c: {  	[tilespmem:s26+$0x162A0] =	vst v4;
	v4 =	vsub.f32 $0.0e+00, v3;
	v6 =	vmul.f32 v5, v12;
	v9 =	vmul.f32 v7, v26  }
0x26d: {  	[tilespmem:s26+$0x17A70] =	vst v3  }
0x26e: {  	[tilespmem:s26+$0x172A0] =	vst v4;
	v4 =	vmul.f32 v5, v8;
	v3 =	vsub.f32 $0.0e+00, v6;
	v12 =	vadd.f32 $-1.000000000e+00, v9  }
0x26f: {  	[tilespmem:s29+$0x18A70] =	vst v6  }
0x270: {  	[tilespmem:s29+$0x182A0] =	vst v3;
	v3 =	vmul.f32 v5, v13;
	v5 =	vsub.f32 $0.0e+00, v4;
	v6 =	vmul.f32 v12, v7  }
0x271: {  	[tilespmem:s29+$0x16A70] =	vst v4  }
0x272: {  	[tilespmem:s29+$0x162A0] =	vst v5;
	v4 =	vsub.f32 $0.0e+00, v3;
	v5 =	vmul.f32 v6, v25  }
0x273: {  	[tilespmem:s29+$0x17A70] =	vst v3  }
0x274: {  	[tilespmem:s29+$0x172A0] =	vst v4;
	v4 =	vmul.f32 v6, v17;
	v3 =	vsub.f32 $0.0e+00, v5  }
0x275: {  	[tilespmem:s13+$0x18A70] =	vst v5  }
0x276: {  	v5 =	vsub.f32 $0.0e+00, v4;
	[tilespmem:s13+$0x182A0] =	vst v3;
	v3 =	vmul.f32 v6, v19  }
0x277: {  	[tilespmem:s13+$0x16A70] =	vst v4  }
0x278: {  	[tilespmem:s13+$0x162A0] =	vst v5;
	v4 =	vsub.f32 $0.0e+00, v3  }
0x279: {  	[tilespmem:s13+$0x17A70] =	vst v3  }
0x27a: {  	[tilespmem:s13+$0x172A0] =	vst v4  }
0x27b: {  	_ =	swait.ge [sflag:s31], $0xFA0  }
0x27c: {  	[sflag:s31] =	ssyncset.done $0x0  }
0x27d: {  	[sflag:s31] =	ssyncadd.s32 $0xFFFFF060  }
0x27e: {  	_ =	swait.ge [sflag:s31], $0xFA0  }
0x27f: {  	[sflag:s31] =	ssyncset.done $0x0  }
0x280: {  	[sflag:s31] =	ssyncadd.s32 $0xFFFFF060  }
0x281: {  	_ =	swait.ge [sflag:s31], $0xFA0  }
0x282: {  	[sflag:s31] =	ssyncset.done $0x0  }
0x283: {  	[sflag:s31] =	ssyncadd.s32 $0xFFFFF060  }
0x284: {  	[spmem:s2] =	stream.indirect.scatter.add.f32 [tilespmem:s9], [sflag:$0x3], $0x1, s16, s24, $0xb8;
	[tilespmem:$0x1ABA0] =	vst v63  }
0x285: {  	_ = 	snop  }
0x286: {  	[spmem:s3] =	stream.indirect.scatter.add.f32 [tilespmem:s23], [sflag:$0x3], $0x1, s16, s24, $0xb8;
	[tilespmem:$0x1ABA0] =	vst v63  }
0x287: {  	_ = 	snop  }
0x288: {  	[spmem:s4] =	stream.indirect.scatter.add.f32 [tilespmem:s17], [sflag:$0x3], $0x1, s16, s24, $0xb8;
	[tilespmem:$0x1ABA0] =	vst v63  }
0x289: {  	_ =	swait.ge [sflag:s1], $0xFA0  }
0x28a: {  	[sflag:s1] =	ssyncset.done $0x0  }
0x28b: {  	[sflag:s1] =	ssyncadd.s32 $0xFFFFF060  }
0x28c: {  	_ =	swait.ge [sflag:s1], $0xFA0  }
0x28d: {  	[sflag:s1] =	ssyncset.done $0x0  }
0x28e: {  	[sflag:s1] =	ssyncadd.s32 $0xFFFFF060  }
0x28f: {  	_ =	swait.ge [sflag:s1], $0xFA0  }
0x290: {  	[sflag:s1] =	ssyncset.done $0x0  }
0x291: {  	[sflag:s1] =	ssyncadd.s32 $0xFFFFF060  }
0x292: {  	_ =	swait.ge [sflag:s5], $0x7D0  }
0x293: {  	[sflag:s5] =	ssyncset.done $0x0  }
0x294: {  	[sflag:s5] =	ssyncadd.s32 $0xFFFFF830  }
0x295: {  	_ =	swait.ge [sflag:s5], $0x7D0  }
0x296: {  	[sflag:s5] =	ssyncset.done $0x0  }
0x297: {  	s26 =	simm.s32 $0x102A0;
	s22 =	rddreg [dreg:$0x14];
	[sflag:s5] =	ssyncadd.s32 $0xFFFFF830  }
0x298: {  	[tilespmem:s26], [sflag:$0x2] =	stream.indirect.gather [spmem:s6], $0x1, s30, s24, $0xb8;
	[tilespmem:$0x1ABA0] =	vst v63  }
0x299: {  	s14 =	simm.s32 $0x112A0;
	s13 =	sadd.s32 s21, s22  }
0x29a: {  	[tilespmem:s14], [sflag:$0x2] =	stream.indirect.gather [spmem:s7], $0x1, s30, s24, $0xb8;
	[tilespmem:$0x1ABA0] =	vst v63  }
0x29b: {  	s13 =	sshrl.u32 s13, $0x3  }
0x29c: {  	[tilespmem:s15], [sflag:$0x2] =	stream.indirect.gather [spmem:s8], $0x1, s30, s24, $0xb8;
	[tilespmem:$0x1ABA0] =	vst v63  }
0x29d: {  	s13 =	sadd.s32 s0, s13;
	s14 =	simm.s32 $0x0  }
0x29e: {  	[tilespmem:s25], [sflag:$0x1] =	stream.linear.gather [hbm4b:s13+s14], $0x7D0, $0x38;
	[tilespmem:$0x1ABA0] =	vst v63  }
0x29f: {  	s28 =	simm.s32 $0x0;
	s26 =	simm.s32 $0xBA70;
	s13 =	sadd.s32 $0xC3500, s13  }
0x2a0: {  	[tilespmem:s26], [sflag:$0x1] =	stream.linear.gather [hbm4b:s13+s14], $0x7D0, $0x38;
	[tilespmem:$0x1ABA0] =	vst v63  }
0x2a1: {  	v3 =	vld [tilespmem:s28+$0xD2A0]  }
0x2a2: {  	v4 =	vld [tilespmem:s28+$0xDA70]  }
0x2a3: {  	v5 =	vld [tilespmem:s28+$0xE2A0]  }
0x2a4: {  	v6 =	vld [tilespmem:s28+$0xEA70]  }
0x2a5: {  	v7 =	vld [tilespmem:s28+$0xF2A0]  }
0x2a6: {  	v8 =	vld [tilespmem:s28+$0xFA70];
	_ =	sdelay $0x2  }
0x2a7: {  	v18 =	vsub.f32 v3, v4;
	v21 =	vsub.f32 v5, v6;
	_ =	sdelay $0x1  }
0x2a8: {  	v8 =	vsub.f32 v7, v8;
	v3 =	vmul.f32 v18, v18;
	v4 =	vmul.f32 v21, v21  }
0x2a9: {  	s22 =	simm.s32 $0x10  }
0x2aa: {  	v9 =	vld [tilespmem:s22+$0xEA70];
	v3 =	vadd.f32 v4, v3;
	v4 =	vmul.f32 v8, v8  }
0x2ab: {  	v15 =	vld [tilespmem:s22+$0xFA70]  }
0x2ac: {  	v6 =	vld [tilespmem:s22+$0xD2A0];
	v13 =	vadd.f32 v4, v3  }
0x2ad: {  	v7 =	vld [tilespmem:s22+$0xDA70]  }
0x2ae: {  	v4 =	vld [tilespmem:s22+$0xE2A0];
	v3 =	vmax.f32 v13, $1.000000020e-35  }
0x2af: {  	v5 =	vld [tilespmem:s22+$0xF2A0];
	v16 =	vmul.f32 $5.000000000e-01, v3;
	v3 =	vshra.s32 v3, $0x1  }
0x2b0: {  	v17 =	vsub.s32 $0x5F3759DF, v3  }
0x2b1: {  	v19 =	vmul.f32 v17, v16;
	_ =	sdelay $0x1  }
0x2b2: {  	v3 =	vsub.f32 v6, v7;
	v4 =	vsub.f32 v4, v9;
	v6 =	vmul.f32 v17, v19  }
0x2b3: {  	v7 =	vsub.f32 v5, v15  }
0x2b4: {  	s26 =	simm.s32 $0x20;
	v5 =	vmul.f32 v3, v3;
	v9 =	vmul.f32 v4, v4;
	v6 =	vsub.f32 $1.500000000e+00, v6  }
0x2b5: {  	v20 =	vld [tilespmem:s26+$0xE2A0]  }
0x2b6: {  	v15 =	vld [tilespmem:s26+$0xD2A0];
	v5 =	vadd.f32 v9, v5;
	v9 =	vmul.f32 v7, v7;
	v17 =	vmul.f32 v17, v6  }
0x2b7: {  	v19 =	vld [tilespmem:s26+$0xDA70]  }
0x2b8: {  	v22 =	vld [tilespmem:s26+$0xEA70];
	v26 =	vadd.f32 v9, v5;
	v5 =	vmul.f32 v17, v16  }
0x2b9: {  	v9 =	vld [tilespmem:s26+$0xF2A0]  }
0x2ba: {  	v16 =	vld [tilespmem:s26+$0xFA70];
	v6 =	vmax.f32 v26, $1.000000020e-35;
	v5 =	vmul.f32 v5, v17  }
0x2bb: {  	v1 =	vmul.f32 v1, v1;
	v23 =	vmul.f32 $5.000000000e-01, v6;
	v24 =	vshra.s32 v6, $0x1  }
0x2bc: {  	v6 =	vsub.f32 v15, v19;
	v15 =	vsub.s32 $0x5F3759DF, v24;
	v19 =	vsub.f32 $1.500000000e+00, v5  }
0x2bd: {  	v10 =	vmul.f32 v10, v10;
	v5 =	vsub.f32 v20, v22;
	v20 =	vmul.f32 v15, v23  }
0x2be: {  	v1 =	vadd.f32 v1, v2;
	s29 =	simm.s32 $0x30;
	v2 =	vmul.f32 v6, v6;
	v17 =	vmul.f32 v19, v17  }
0x2bf: {  	v24 =	vld [tilespmem:s29+$0xEA70];
	v9 =	vsub.f32 v9, v16;
	v16 =	vmul.f32 v5, v5;
	v19 =	vmul.f32 v15, v20  }
0x2c0: {  	v1 =	vadd.f32 v10, v1;
	v10 =	vmul.f32 v11, v11;
	v22 =	vld [tilespmem:s29+$0xE2A0];
	v11 =	vmul.f32 v17, v13  }
0x2c1: {  	v20 =	vld [tilespmem:s29+$0xD2A0];
	v2 =	vadd.f32 v16, v2;
	v16 =	vmul.f32 v9, v9;
	v19 =	vsub.f32 $1.500000000e+00, v19  }
0x2c2: {  	v10 =	vadd.f32 v10, v1;
	v13 =	vld [tilespmem:s29+$0xDA70];
	v1 =	vadd.f32 $-1.000000000e+00, v11  }
0x2c3: {  	v14 =	vmul.f32 v14, v14;
	v11 =	vadd.f32 v16, v2;
	v16 =	vmul.f32 v15, v19;
	v2 =	vld [tilespmem:s29+$0xF2A0]  }
0x2c4: {  	v19 =	vld [tilespmem:s29+$0xFA70];
	v27 =	vmul.f32 v1, v17  }
0x2c5: {  	v25 =	vadd.f32 v14, v10;
	v14 =	vmax.f32 v11, $1.000000020e-35;
	v17 =	vmul.f32 v16, v23  }
0x2c6: {  	v10 =	vmul.f32 $5.000000000e-01, v14;
	v14 =	vshra.s32 v14, $0x1;
	v23 =	vmul.f32 v27, v8  }
0x2c7: {  	v8 =	vsub.f32 v20, v13;
	v15 =	vsub.s32 $0x5F3759DF, v14;
	v17 =	vmul.f32 v17, v16  }
0x2c8: {  	v20 =	vmul.f32 v12, v12;
	v13 =	vsub.f32 v22, v24;
	v22 =	vmul.f32 v15, v10  }
0x2c9: {  	s13 =	simm.s32 $0x40;
	v12 =	vsub.f32 v2, v19;
	v24 =	vmul.f32 v8, v8;
	v61 =	vsub.f32 $1.500000000e+00, v17  }
0x2ca: {  	v14 =	vld [tilespmem:s13+$0xF2A0];
	[tilespmem:s28+$0x15A70] =	vst v23;
	v23 =	vsub.f32 $0.0e+00, v23;
	v62 =	vmul.f32 v13, v13;
	v22 =	vmul.f32 v15, v22  }
0x2cb: {  	v63 =	vmul.f32 v27, v18;
	v2 =	vadd.f32 v20, v25;
	v17 =	vld [tilespmem:s13+$0xD2A0];
	v16 =	vmul.f32 v61, v16  }
0x2cc: {  	v19 =	vld [tilespmem:s13+$0xDA70];
	v25 =	vmul.f32 v12, v12;
	[tilespmem:s28+$0x152A0] =	vst v23;
	v24 =	vadd.f32 v62, v24;
	v23 =	vsub.f32 $1.500000000e+00, v22  }
0x2cd: {  	s14 =	simm.s32 $0x140;
	v18 =	vmul.f32 v27, v21;
	v21 =	vsub.f32 $0.0e+00, v63;
	v20 =	vld [tilespmem:s13+$0xE2A0];
	[tilespmem:s28+$0x13A70] =	vst v63;
	v22 =	vmul.f32 v16, v26  }
.LBB2_13:
0x2ce: {  	p0 =	sne.s32 s14, $0x1F00;
	v26 =	vld [tilespmem:s13+$0xEA70];
	v27 =	vadd.f32 v25, v24;
	v23 =	vmul.f32 v15, v23;
	v15 =	vmul.f32 v1, v1;
	v28 =	vmovc v4  }
0x2cf: {  	v4 =	vmovc v5;
	v5 =	vmov v13;
	v24 =	vld [tilespmem:s13+$0xFA70];
	v1 =	vadd.f32 $-1.000000000e+00, v22;
	[tilespmem:s28+$0x132A0] =	vst v21;
	v21 =	vsub.f32 $0.0e+00, v18  }
0x2d0: {  	v13 =	vmax.f32 v27, $1.000000020e-35;
	v22 =	vmul.f32 v23, v10;
	v2 =	vadd.f32 v15, v2;
	[tilespmem:s28+$0x14A70] =	vst v18  }
0x2d1: {  	v10 =	vmul.f32 $5.000000000e-01, v13;
	v13 =	vshra.s32 v13, $0x1;
	v18 =	vmul.f32 v1, v16;
	[tilespmem:s28+$0x142A0] =	vst v21;
	s28 =	smov.u32 s22;
	s22 =	smov.u32 s26;
	s26 =	smov.u32 s29  }
0x2d2: {  	v19 =	vsub.f32 v17, v19;
	s29 =	smov.u32 s13;
	v15 =	vsub.s32 $0x5F3759DF, v13;
	v16 =	vmul.f32 v22, v23  }
0x2d3: {  	v13 =	vsub.f32 v20, v26;
	v17 =	vmul.f32 v15, v10;
	v20 =	vmul.f32 v18, v7;
	v7 =	vmovc v9  }
.Ltmp5:
0x2d4: {  	s13 =	sshra.s32 s14, $0x2;
	v21 =	vmul.f32 v19, v19;
	v9 =	vmovc v12;
	v16 =	vsub.f32 $1.500000000e+00, v16;
	v12 =	vsub.f32 v14, v24;
	(pc) =	sbr.rel @p0 .LBB2_13-.Ltmp5, $4  }
0x2d5: {  	v14 =	vld [tilespmem:s13+$0xF2A0];
	v22 =	vmul.f32 v13, v13;
	v26 =	vmul.f32 v15, v17;
	[tilespmem:s28+$0x15A70] =	vst v20;
	v20 =	vsub.f32 $0.0e+00, v20  }
0x2d6: {  	v29 =	vmul.f32 v18, v3;
	v3 =	vmovc v6;
	v6 =	vmovc v8;
	v8 =	vmov v19;
	v17 =	vld [tilespmem:s13+$0xD2A0];
	v16 =	vmul.f32 v16, v23  }
0x2d7: {  	v25 =	vmul.f32 v12, v12;
	v19 =	vld [tilespmem:s13+$0xDA70];
	v24 =	vadd.f32 v22, v21;
	v23 =	vsub.f32 $1.500000000e+00, v26;
	[tilespmem:s28+$0x152A0] =	vst v20  }
0x2d8: {  	s14 =	sadd.s32 $0x40, s14;
	v18 =	vmul.f32 v18, v28;
	v21 =	vsub.f32 $0.0e+00, v29;
	v20 =	vld [tilespmem:s13+$0xE2A0];
	v22 =	vmul.f32 v16, v11;
	[tilespmem:s28+$0x13A70] =	vst v29;
	v11 =	vmovc v27  }
0x2d9: {  	v26 =	vld [tilespmem:s13+$0xEA70];
	_ =	sdelay $0x1  }
0x2da: {  	v27 =	vld [tilespmem:s13+$0xFA70];
	_ =	sdelay $0x1  }
0x2db: {  	v24 =	vadd.f32 v25, v24  }
0x2dc: {  	v17 =	vsub.f32 v17, v19;
	v19 =	vsub.f32 v20, v26  }
0x2dd: {  	v20 =	vmax.f32 v24, $1.000000020e-35  }
0x2de: {  	v25 =	vsub.f32 v14, v27;
	v14 =	vmul.f32 v17, v17;
	v26 =	vmul.f32 v19, v19  }
0x2df: {  	v15 =	vmul.f32 v15, v23;
	v23 =	vmul.f32 $5.000000000e-01, v20;
	v20 =	vshra.s32 v20, $0x1  }
0x2e0: {  	v20 =	vsub.s32 $0x5F3759DF, v20;
	v14 =	vadd.f32 v26, v14;
	v26 =	vmul.f32 v25, v25  }
0x2e1: {  	v27 =	vmul.f32 v20, v23  }
0x2e2: {  	v10 =	vmul.f32 v15, v10;
	v26 =	vadd.f32 v26, v14  }
0x2e3: {  	v14 =	vmul.f32 v20, v27  }
0x2e4: {  	v27 =	vmul.f32 v10, v15;
	v10 =	vmax.f32 v26, $1.000000020e-35  }
0x2e5: {  	v14 =	vsub.f32 $1.500000000e+00, v14;
	v28 =	vmul.f32 $5.000000000e-01, v10;
	v29 =	vshra.s32 v10, $0x1  }
0x2e6: {  	v10 =	vadd.f32 $-1.000000000e+00, v22;
	v22 =	vsub.f32 $1.500000000e+00, v27;
	v27 =	vsub.s32 $0x5F3759DF, v29  }
0x2e7: {  	v14 =	vmul.f32 v20, v14;
	v20 =	vmul.f32 v27, v28  }
0x2e8: {  	v15 =	vmul.f32 v22, v15  }
0x2e9: {  	v22 =	vmul.f32 v14, v23;
	v20 =	vmul.f32 v27, v20  }
0x2ea: {  	v16 =	vmul.f32 v10, v16;
	v11 =	vmul.f32 v15, v11  }
0x2eb: {  	[tilespmem:s28+$0x132A0] =	vst v21;
	v21 =	vsub.f32 $0.0e+00, v18;
	v22 =	vmul.f32 v22, v14;
	v20 =	vsub.f32 $1.500000000e+00, v20  }
0x2ec: {  	[tilespmem:s28+$0x14A70] =	vst v18;
	v7 =	vmul.f32 v16, v7;
	v11 =	vadd.f32 $-1.000000000e+00, v11  }
0x2ed: {  	[tilespmem:s28+$0x142A0] =	vst v21;
	v3 =	vmul.f32 v16, v3;
	v21 =	vsub.f32 $1.500000000e+00, v22;
	v20 =	vmul.f32 v27, v20  }
0x2ee: {  	v4 =	vmul.f32 v16, v4;
	v18 =	vsub.f32 $0.0e+00, v7;
	[tilespmem:s22+$0x15A70] =	vst v7;
	v7 =	vmul.f32 v11, v15  }
0x2ef: {  	[tilespmem:s22+$0x13A70] =	vst v3;
	v15 =	vsub.f32 $0.0e+00, v3;
	v16 =	vmul.f32 v21, v14;
	v14 =	vmul.f32 v20, v28  }
0x2f0: {  	[tilespmem:s22+$0x152A0] =	vst v18;
	v3 =	vmul.f32 v7, v9  }
0x2f1: {  	[tilespmem:s22+$0x132A0] =	vst v15;
	v9 =	vsub.f32 $0.0e+00, v4;
	v15 =	vmul.f32 v16, v24;
	v18 =	vmul.f32 v14, v20  }
0x2f2: {  	[tilespmem:s22+$0x14A70] =	vst v4;
	v4 =	vsub.f32 $0.0e+00, v3  }
0x2f3: {  	v6 =	vmul.f32 v7, v6;
	[tilespmem:s22+$0x142A0] =	vst v9;
	v14 =	vadd.f32 $-1.000000000e+00, v15;
	v9 =	vsub.f32 $1.500000000e+00, v18  }
0x2f4: {  	[tilespmem:s26+$0x15A70] =	vst v3;
	v3 =	vmul.f32 v7, v5  }
0x2f5: {  	[tilespmem:s26+$0x152A0] =	vst v4;
	v4 =	vsub.f32 $0.0e+00, v6;
	v5 =	vmul.f32 v14, v16;
	v7 =	vmul.f32 v9, v20  }
0x2f6: {  	[tilespmem:s26+$0x13A70] =	vst v6  }
0x2f7: {  	[tilespmem:s26+$0x132A0] =	vst v4;
	v4 =	vsub.f32 $0.0e+00, v3;
	v6 =	vmul.f32 v5, v12;
	v9 =	vmul.f32 v7, v26  }
0x2f8: {  	[tilespmem:s26+$0x14A70] =	vst v3  }
0x2f9: {  	[tilespmem:s26+$0x142A0] =	vst v4;
	v4 =	vmul.f32 v5, v8;
	v3 =	vsub.f32 $0.0e+00, v6;
	v12 =	vadd.f32 $-1.000000000e+00, v9  }
0x2fa: {  	[tilespmem:s29+$0x15A70] =	vst v6  }
0x2fb: {  	[tilespmem:s29+$0x152A0] =	vst v3;
	v3 =	vmul.f32 v5, v13;
	v5 =	vsub.f32 $0.0e+00, v4;
	v6 =	vmul.f32 v12, v7  }
0x2fc: {  	[tilespmem:s29+$0x13A70] =	vst v4  }
0x2fd: {  	[tilespmem:s29+$0x132A0] =	vst v5;
	v4 =	vsub.f32 $0.0e+00, v3;
	v5 =	vmul.f32 v6, v25  }
0x2fe: {  	[tilespmem:s29+$0x14A70] =	vst v3  }
0x2ff: {  	[tilespmem:s29+$0x142A0] =	vst v4;
	v4 =	vmul.f32 v6, v17;
	v3 =	vsub.f32 $0.0e+00, v5  }
0x300: {  	[tilespmem:s13+$0x15A70] =	vst v5  }
0x301: {  	v5 =	vsub.f32 $0.0e+00, v4;
	[tilespmem:s13+$0x152A0] =	vst v3;
	v3 =	vmul.f32 v6, v19  }
0x302: {  	[tilespmem:s13+$0x13A70] =	vst v4  }
0x303: {  	[tilespmem:s13+$0x132A0] =	vst v5;
	v4 =	vsub.f32 $0.0e+00, v3  }
0x304: {  	[tilespmem:s13+$0x14A70] =	vst v3  }
0x305: {  	[tilespmem:s13+$0x142A0] =	vst v4  }
0x306: {  	_ =	swait.ge [sflag:s31], $0xFA0  }
0x307: {  	[sflag:s31] =	ssyncset.done $0x0  }
0x308: {  	[sflag:s31] =	ssyncadd.s32 $0xFFFFF060  }
0x309: {  	_ =	swait.ge [sflag:s31], $0xFA0  }
0x30a: {  	[sflag:s31] =	ssyncset.done $0x0  }
0x30b: {  	[sflag:s31] =	ssyncadd.s32 $0xFFFFF060  }
0x30c: {  	_ =	swait.ge [sflag:s31], $0xFA0  }
0x30d: {  	[sflag:s31] =	ssyncset.done $0x0  }
0x30e: {  	[sflag:s31] =	ssyncadd.s32 $0xFFFFF060  }
0x30f: {  	[spmem:s2] =	stream.indirect.scatter.add.f32 [tilespmem:s10], [sflag:$0x3], $0x1, s18, s24, $0xb8;
	[tilespmem:$0x1ABA0] =	vst v63  }
0x310: {  	_ = 	snop  }
0x311: {  	[spmem:s3] =	stream.indirect.scatter.add.f32 [tilespmem:s11], [sflag:$0x3], $0x1, s18, s24, $0xb8;
	[tilespmem:$0x1ABA0] =	vst v63  }
0x312: {  	_ = 	snop  }
0x313: {  	[spmem:s4] =	stream.indirect.scatter.add.f32 [tilespmem:s12], [sflag:$0x3], $0x1, s18, s24, $0xb8;
	[tilespmem:$0x1ABA0] =	vst v63  }
0x314: {  	_ =	swait.ge [sflag:s1], $0xFA0  }
0x315: {  	[sflag:s1] =	ssyncset.done $0x0  }
0x316: {  	[sflag:s1] =	ssyncadd.s32 $0xFFFFF060  }
0x317: {  	_ =	swait.ge [sflag:s1], $0xFA0  }
0x318: {  	[sflag:s1] =	ssyncset.done $0x0  }
0x319: {  	[sflag:s1] =	ssyncadd.s32 $0xFFFFF060  }
0x31a: {  	_ =	swait.ge [sflag:s1], $0xFA0  }
0x31b: {  	[sflag:s1] =	ssyncset.done $0x0  }
0x31c: {  	[sflag:s1] =	ssyncadd.s32 $0xFFFFF060  }
0x31d: {  	_ =	swait.ge [sflag:s5], $0x7D0  }
0x31e: {  	[sflag:s5] =	ssyncset.done $0x0  }
0x31f: {  	[sflag:s5] =	ssyncadd.s32 $0xFFFFF830  }
0x320: {  	_ =	swait.ge [sflag:s5], $0x7D0  }
0x321: {  	[sflag:s5] =	ssyncset.done $0x0  }
0x322: {  	s29 =	simm.s32 $0xD2A0;
	s26 =	rddreg [dreg:$0x15];
	[sflag:s5] =	ssyncadd.s32 $0xFFFFF830  }
0x323: {  	[tilespmem:s29], [sflag:$0x2] =	stream.indirect.gather [spmem:s6], $0x1, s25, s24, $0xb8;
	[tilespmem:$0x1ABA0] =	vst v63  }
0x324: {  	s14 =	simm.s32 $0xE2A0;
	s13 =	sadd.s32 s21, s26  }
0x325: {  	[tilespmem:s14], [sflag:$0x2] =	stream.indirect.gather [spmem:s7], $0x1, s25, s24, $0xb8;
	[tilespmem:$0x1ABA0] =	vst v63  }
0x326: {  	s22 =	simm.s32 $0xF2A0;
	s13 =	sshrl.u32 s13, $0x3  }
0x327: {  	[tilespmem:s22], [sflag:$0x2] =	stream.indirect.gather [spmem:s8], $0x1, s25, s24, $0xb8;
	[tilespmem:$0x1ABA0] =	vst v63  }
0x328: {  	s13 =	sadd.s32 s0, s13;
	s14 =	simm.s32 $0x0  }
0x329: {  	[tilespmem:s16], [sflag:$0x1] =	stream.linear.gather [hbm4b:s13+s14], $0x7D0, $0x38;
	[tilespmem:$0x1ABA0] =	vst v63  }
0x32a: {  	s26 =	simm.s32 $0x0;
	s29 =	simm.s32 $0xCA70;
	s13 =	sadd.s32 $0xC3500, s13  }
0x32b: {  	[tilespmem:s29], [sflag:$0x1] =	stream.linear.gather [hbm4b:s13+s14], $0x7D0, $0x38;
	[tilespmem:$0x1ABA0] =	vst v63  }
0x32c: {  	v3 =	vld [tilespmem:s26+$0x102A0]  }
0x32d: {  	v4 =	vld [tilespmem:s26+$0x10A70]  }
0x32e: {  	v5 =	vld [tilespmem:s26+$0x112A0]  }
0x32f: {  	v6 =	vld [tilespmem:s26+$0x11A70]  }
0x330: {  	v7 =	vld [tilespmem:s26+$0x122A0]  }
0x331: {  	v8 =	vld [tilespmem:s26+$0x12A70];
	_ =	sdelay $0x2  }
0x332: {  	v18 =	vsub.f32 v3, v4;
	v21 =	vsub.f32 v5, v6;
	_ =	sdelay $0x1  }
0x333: {  	v8 =	vsub.f32 v7, v8;
	v3 =	vmul.f32 v18, v18;
	v4 =	vmul.f32 v21, v21  }
0x334: {  	s21 =	simm.s32 $0x10  }
0x335: {  	v9 =	vld [tilespmem:s21+$0x11A70];
	v3 =	vadd.f32 v4, v3;
	v4 =	vmul.f32 v8, v8  }
0x336: {  	v15 =	vld [tilespmem:s21+$0x12A70]  }
0x337: {  	v6 =	vld [tilespmem:s21+$0x102A0];
	v13 =	vadd.f32 v4, v3  }
0x338: {  	v7 =	vld [tilespmem:s21+$0x10A70]  }
0x339: {  	v4 =	vld [tilespmem:s21+$0x112A0];
	v3 =	vmax.f32 v13, $1.000000020e-35  }
0x33a: {  	v5 =	vld [tilespmem:s21+$0x122A0];
	v16 =	vmul.f32 $5.000000000e-01, v3;
	v3 =	vshra.s32 v3, $0x1  }
0x33b: {  	v17 =	vsub.s32 $0x5F3759DF, v3  }
0x33c: {  	v19 =	vmul.f32 v17, v16;
	_ =	sdelay $0x1  }
0x33d: {  	v3 =	vsub.f32 v6, v7;
	v4 =	vsub.f32 v4, v9;
	v6 =	vmul.f32 v17, v19  }
0x33e: {  	v7 =	vsub.f32 v5, v15  }
0x33f: {  	s22 =	simm.s32 $0x20;
	v5 =	vmul.f32 v3, v3;
	v9 =	vmul.f32 v4, v4;
	v6 =	vsub.f32 $1.500000000e+00, v6  }
0x340: {  	v1 =	vmul.f32 v1, v1;
	v20 =	vld [tilespmem:s22+$0x112A0]  }
0x341: {  	v15 =	vld [tilespmem:s22+$0x102A0];
	v5 =	vadd.f32 v9, v5;
	v9 =	vmul.f32 v7, v7;
	v17 =	vmul.f32 v17, v6  }
0x342: {  	v1 =	vadd.f32 v1, v2;
	v19 =	vld [tilespmem:s22+$0x10A70]  }
0x343: {  	v10 =	vmul.f32 v10, v10;
	v22 =	vld [tilespmem:s22+$0x11A70];
	v26 =	vadd.f32 v9, v5;
	v5 =	vmul.f32 v17, v16  }
0x344: {  	v9 =	vld [tilespmem:s22+$0x122A0]  }
0x345: {  	v1 =	vadd.f32 v10, v1;
	v16 =	vld [tilespmem:s22+$0x12A70];
	v6 =	vmax.f32 v26, $1.000000020e-35;
	v5 =	vmul.f32 v5, v17  }
0x346: {  	v10 =	vmul.f32 v11, v11;
	v23 =	vmul.f32 $5.000000000e-01, v6;
	v24 =	vshra.s32 v6, $0x1  }
0x347: {  	v6 =	vsub.f32 v15, v19;
	v15 =	vsub.s32 $0x5F3759DF, v24;
	v19 =	vsub.f32 $1.500000000e+00, v5  }
0x348: {  	v14 =	vmul.f32 v14, v14;
	v5 =	vsub.f32 v20, v22;
	v20 =	vmul.f32 v15, v23  }
0x349: {  	s28 =	simm.s32 $0x30;
	v10 =	vadd.f32 v10, v1;
	v2 =	vmul.f32 v6, v6;
	v17 =	vmul.f32 v19, v17  }
0x34a: {  	v11 =	vld [tilespmem:s28+$0x102A0];
	v9 =	vsub.f32 v9, v16;
	v16 =	vmul.f32 v5, v5;
	v19 =	vmul.f32 v15, v20  }
0x34b: {  	v61 =	vadd.f32 v14, v10;
	v10 =	vld [tilespmem:s28+$0x12A70];
	v13 =	vmul.f32 v17, v13  }
0x34c: {  	v24 =	vld [tilespmem:s28+$0x11A70];
	v2 =	vadd.f32 v16, v2;
	v16 =	vmul.f32 v9, v9;
	v19 =	vsub.f32 $1.500000000e+00, v19  }
0x34d: {  	v20 =	vld [tilespmem:s28+$0x10A70];
	v1 =	vadd.f32 $-1.000000000e+00, v13  }
0x34e: {  	v22 =	vld [tilespmem:s28+$0x112A0];
	v13 =	vadd.f32 v16, v2;
	v25 =	vmul.f32 v15, v19  }
0x34f: {  	v2 =	vld [tilespmem:s28+$0x122A0];
	v27 =	vmul.f32 v1, v17  }
0x350: {  	v15 =	vmax.f32 v13, $1.000000020e-35;
	v17 =	vmul.f32 v25, v23  }
0x351: {  	v14 =	vmul.f32 $5.000000000e-01, v15;
	v15 =	vshra.s32 v15, $0x1;
	v19 =	vmul.f32 v27, v8  }
0x352: {  	v8 =	vsub.f32 v11, v20;
	v16 =	vsub.s32 $0x5F3759DF, v15;
	v17 =	vmul.f32 v17, v25  }
0x353: {  	v12 =	vmul.f32 v12, v12;
	v11 =	vsub.f32 v22, v24;
	v20 =	vmul.f32 v16, v14  }
0x354: {  	s13 =	simm.s32 $0x40;
	v10 =	vsub.f32 v2, v10;
	v22 =	vmul.f32 v8, v8;
	v23 =	vsub.f32 $1.500000000e+00, v17  }
0x355: {  	v15 =	vld [tilespmem:s13+$0x122A0];
	[tilespmem:s26+$0x18A70] =	vst v19;
	v24 =	vsub.f32 $0.0e+00, v19;
	v62 =	vmul.f32 v11, v11;
	v20 =	vmul.f32 v16, v20  }
0x356: {  	v63 =	vmul.f32 v27, v18;
	v2 =	vadd.f32 v12, v61;
	v17 =	vld [tilespmem:s13+$0x102A0];
	v12 =	vmul.f32 v23, v25  }
0x357: {  	v19 =	vld [tilespmem:s13+$0x10A70];
	[tilespmem:s26+$0x182A0] =	vst v24;
	v24 =	vadd.f32 v62, v22;
	v25 =	vmul.f32 v10, v10;
	v23 =	vsub.f32 $1.500000000e+00, v20  }
0x358: {  	s14 =	simm.s32 $0x140;
	v18 =	vmul.f32 v27, v21;
	v21 =	vsub.f32 $0.0e+00, v63;
	v20 =	vld [tilespmem:s13+$0x112A0];
	[tilespmem:s26+$0x16A70] =	vst v63;
	v22 =	vmul.f32 v12, v26  }
.LBB2_15:
0x359: {  	p0 =	sne.s32 s14, $0x1F00;
	v26 =	vld [tilespmem:s13+$0x11A70];
	v27 =	vadd.f32 v25, v24;
	v23 =	vmul.f32 v16, v23;
	v16 =	vmul.f32 v1, v1;
	v28 =	vmovc v4  }
0x35a: {  	v4 =	vmovc v5;
	v5 =	vmov v11;
	v24 =	vld [tilespmem:s13+$0x12A70];
	v1 =	vadd.f32 $-1.000000000e+00, v22;
	[tilespmem:s26+$0x162A0] =	vst v21;
	v21 =	vsub.f32 $0.0e+00, v18  }
0x35b: {  	v11 =	vmax.f32 v27, $1.000000020e-35;
	v22 =	vmul.f32 v23, v14;
	v2 =	vadd.f32 v16, v2;
	[tilespmem:s26+$0x17A70] =	vst v18  }
0x35c: {  	v14 =	vmul.f32 $5.000000000e-01, v11;
	v11 =	vshra.s32 v11, $0x1;
	v18 =	vmul.f32 v1, v12;
	[tilespmem:s26+$0x172A0] =	vst v21;
	s26 =	smov.u32 s21;
	s21 =	smov.u32 s22;
	s22 =	smov.u32 s28  }
0x35d: {  	v19 =	vsub.f32 v17, v19;
	s28 =	smov.u32 s13;
	v16 =	vsub.s32 $0x5F3759DF, v11;
	v12 =	vmul.f32 v22, v23  }
0x35e: {  	v11 =	vsub.f32 v20, v26;
	v17 =	vmul.f32 v16, v14;
	v20 =	vmul.f32 v18, v7;
	v7 =	vmovc v9  }
.Ltmp6:
0x35f: {  	s13 =	sshra.s32 s14, $0x2;
	v21 =	vmul.f32 v19, v19;
	v9 =	vmovc v10;
	v12 =	vsub.f32 $1.500000000e+00, v12;
	v10 =	vsub.f32 v15, v24;
	(pc) =	sbr.rel @p0 .LBB2_15-.Ltmp6, $4  }
0x360: {  	v15 =	vld [tilespmem:s13+$0x122A0];
	v22 =	vmul.f32 v11, v11;
	v26 =	vmul.f32 v16, v17;
	[tilespmem:s26+$0x18A70] =	vst v20;
	v20 =	vsub.f32 $0.0e+00, v20  }
0x361: {  	v29 =	vmul.f32 v18, v3;
	v3 =	vmovc v6;
	v6 =	vmovc v8;
	v8 =	vmov v19;
	v17 =	vld [tilespmem:s13+$0x102A0];
	v12 =	vmul.f32 v12, v23  }
0x362: {  	v25 =	vmul.f32 v10, v10;
	v19 =	vld [tilespmem:s13+$0x10A70];
	v24 =	vadd.f32 v22, v21;
	v23 =	vsub.f32 $1.500000000e+00, v26;
	[tilespmem:s26+$0x182A0] =	vst v20  }
0x363: {  	s14 =	sadd.s32 $0x40, s14;
	v18 =	vmul.f32 v18, v28;
	v21 =	vsub.f32 $0.0e+00, v29;
	v20 =	vld [tilespmem:s13+$0x112A0];
	v22 =	vmul.f32 v12, v13;
	[tilespmem:s26+$0x16A70] =	vst v29;
	v13 =	vmovc v27  }
0x364: {  	v26 =	vld [tilespmem:s13+$0x11A70];
	_ =	sdelay $0x1  }
0x365: {  	v27 =	vld [tilespmem:s13+$0x12A70];
	_ =	sdelay $0x1  }
0x366: {  	v24 =	vadd.f32 v25, v24  }
0x367: {  	v17 =	vsub.f32 v17, v19;
	v19 =	vsub.f32 v20, v26  }
0x368: {  	v61 =	vmax.f32 v24, $1.000000020e-35  }
0x369: {  	v15 =	vsub.f32 v15, v27;
	v62 =	vmul.f32 v17, v17;
	v26 =	vmul.f32 v19, v19  }
0x36a: {  	v63 =	vmul.f32 $5.000000000e-01, v61;
	v20 =	vshra.s32 v61, $0x1  }
0x36b: {  	v20 =	vsub.s32 $0x5F3759DF, v20;
	v30 =	vmul.f32 v15, v15;
	v25 =	vadd.f32 v26, v62  }
0x36c: {  	v31 =	vmul.f32 v20, v63  }
0x36d: {  	v16 =	vmul.f32 v16, v23;
	v25 =	vadd.f32 v30, v25  }
0x36e: {  	v32 =	vmul.f32 v20, v31  }
0x36f: {  	v14 =	vmul.f32 v16, v14;
	v33 =	vmax.f32 v25, $1.000000020e-35  }
0x370: {  	v26 =	vsub.f32 $1.500000000e+00, v32;
	v28 =	vmul.f32 $5.000000000e-01, v33;
	v27 =	vshra.s32 v33, $0x1  }
0x371: {  	v14 =	vmul.f32 v14, v16;
	v27 =	vsub.s32 $0x5F3759DF, v27  }
0x372: {  	v20 =	vmul.f32 v20, v26;
	v34 =	vmul.f32 v27, v28  }
0x373: {  	v22 =	vadd.f32 $-1.000000000e+00, v22;
	v14 =	vsub.f32 $1.500000000e+00, v14  }
0x374: {  	v35 =	vmul.f32 v20, v63;
	v36 =	vmul.f32 v27, v34  }
0x375: {  	v12 =	vmul.f32 v22, v12;
	v14 =	vmul.f32 v14, v16  }
0x376: {  	[tilespmem:s26+$0x162A0] =	vst v21;
	v37 =	vsub.f32 $0.0e+00, v18;
	v16 =	vmul.f32 v35, v20;
	v23 =	vsub.f32 $1.500000000e+00, v36  }
0x377: {  	[tilespmem:s26+$0x17A70] =	vst v18;
	v7 =	vmul.f32 v12, v7;
	v13 =	vmul.f32 v14, v13  }
0x378: {  	[tilespmem:s26+$0x172A0] =	vst v37;
	v3 =	vmul.f32 v12, v3;
	v16 =	vsub.f32 $1.500000000e+00, v16;
	v39 =	vmul.f32 v27, v23  }
0x379: {  	v4 =	vmul.f32 v12, v4;
	[tilespmem:s21+$0x18A70] =	vst v7;
	v13 =	vadd.f32 $-1.000000000e+00, v13  }
0x37a: {  	v38 =	vsub.f32 $0.0e+00, v7;
	[tilespmem:s21+$0x16A70] =	vst v3;
	v42 =	vmul.f32 v16, v20;
	v43 =	vmul.f32 v39, v28  }
0x37b: {  	v41 =	vsub.f32 $0.0e+00, v3;
	[tilespmem:s21+$0x17A70] =	vst v4;
	v40 =	vmul.f32 v13, v14  }
0x37c: {  	v44 =	vsub.f32 $0.0e+00, v4;
	[tilespmem:s21+$0x182A0] =	vst v38;
	v45 =	vmul.f32 v42, v24;
	v16 =	vmul.f32 v43, v39  }
0x37d: {  	[tilespmem:s21+$0x162A0] =	vst v41;
	v3 =	vmul.f32 v40, v9  }
0x37e: {  	[tilespmem:s21+$0x172A0] =	vst v44;
	v6 =	vmul.f32 v40, v6;
	v47 =	vadd.f32 $-1.000000000e+00, v45;
	v48 =	vsub.f32 $1.500000000e+00, v16  }
0x37f: {  	v46 =	vsub.f32 $0.0e+00, v3;
	[tilespmem:s22+$0x18A70] =	vst v3;
	v3 =	vmul.f32 v40, v5  }
0x380: {  	v49 =	vsub.f32 $0.0e+00, v6;
	[tilespmem:s22+$0x16A70] =	vst v6;
	v50 =	vmul.f32 v47, v42;
	v51 =	vmul.f32 v48, v39  }
0x381: {  	[tilespmem:s22+$0x182A0] =	vst v46  }
0x382: {  	[tilespmem:s22+$0x162A0] =	vst v49;
	v52 =	vsub.f32 $0.0e+00, v3;
	v53 =	vmul.f32 v50, v10;
	v54 =	vmul.f32 v51, v25  }
0x383: {  	[tilespmem:s22+$0x17A70] =	vst v3  }
0x384: {  	[tilespmem:s22+$0x172A0] =	vst v52;
	v55 =	vmul.f32 v50, v8;
	v3 =	vsub.f32 $0.0e+00, v53;
	v56 =	vadd.f32 $-1.000000000e+00, v54  }
0x385: {  	[tilespmem:s28+$0x18A70] =	vst v53  }
0x386: {  	v57 =	vsub.f32 $0.0e+00, v55;
	[tilespmem:s28+$0x182A0] =	vst v3;
	v3 =	vmul.f32 v50, v11;
	v58 =	vmul.f32 v56, v51  }
0x387: {  	[tilespmem:s28+$0x16A70] =	vst v55  }
0x388: {  	[tilespmem:s28+$0x162A0] =	vst v57;
	v59 =	vsub.f32 $0.0e+00, v3;
	v60 =	vmul.f32 v58, v15  }
0x389: {  	[tilespmem:s28+$0x17A70] =	vst v3  }
0x38a: {  	[tilespmem:s28+$0x172A0] =	vst v59;
	v61 =	vmul.f32 v58, v17;
	v3 =	vsub.f32 $0.0e+00, v60  }
0x38b: {  	[tilespmem:s13+$0x18A70] =	vst v60  }
0x38c: {  	v62 =	vsub.f32 $0.0e+00, v61;
	[tilespmem:s13+$0x182A0] =	vst v3;
	v3 =	vmul.f32 v58, v19  }
0x38d: {  	[tilespmem:s13+$0x16A70] =	vst v61  }
0x38e: {  	[tilespmem:s13+$0x162A0] =	vst v62;
	v63 =	vsub.f32 $0.0e+00, v3  }
0x38f: {  	[tilespmem:s13+$0x17A70] =	vst v3  }
0x390: {  	[tilespmem:s13+$0x172A0] =	vst v63  }
0x391: {  	_ =	swait.ge [sflag:s31], $0xFA0  }
0x392: {  	[sflag:s31] =	ssyncset.done $0x0  }
0x393: {  	[sflag:s31] =	ssyncadd.s32 $0xFFFFF060  }
0x394: {  	_ =	swait.ge [sflag:s31], $0xFA0  }
0x395: {  	v1 =	vmul.f32 v1, v1;
	[sflag:s31] =	ssyncset.done $0x0  }
0x396: {  	[sflag:s31] =	ssyncadd.s32 $0xFFFFF060  }
0x397: {  	v1 =	vadd.f32 v1, v2;
	v2 =	vmul.f32 v22, v22;
	_ =	swait.ge [sflag:s31], $0xFA0  }
0x398: {  	s20 =	sadd.s32 $0x1, s20;
	[sflag:s31] =	ssyncset.done $0x0  }
0x399: {  	p0 =	sne.s32 s20, $0x18;
	v1 =	vadd.f32 v2, v1;
	v2 =	vmul.f32 v13, v13;
	[sflag:s31] =	ssyncadd.s32 $0xFFFFF060  }
0x39a: {  	[spmem:s2] =	stream.indirect.scatter.add.f32 [tilespmem:s9], [sflag:$0x3], $0x1, s30, s24, $0xb8;
	[tilespmem:$0x1ABA0] =	vst v63  }
.Ltmp7:
0x39b: {  	v1 =	vadd.f32 v2, v1;
	v2 =	vmul.f32 v47, v47;
	(pc) =	sbr.rel @p0 .LBB2_8-.Ltmp7, $4  }
0x39c: {  	_ = 	snop  }
0x39d: {  	v1 =	vadd.f32 v2, v1;
	v2 =	vmul.f32 v56, v56;
	[spmem:s3] =	stream.indirect.scatter.add.f32 [tilespmem:s23], [sflag:$0x3], $0x1, s30, s24, $0xb8;
	[tilespmem:$0x1ABA0] =	vst v63  }
0x39e: {  	_ = 	snop  }
0x39f: {  	v1 =	vadd.f32 v2, v1;
	[spmem:s4] =	stream.indirect.scatter.add.f32 [tilespmem:s17], [sflag:$0x3], $0x1, s30, s24, $0xb8;
	[tilespmem:$0x1ABA0] =	vst v63  }
0x3a0: {  	_ =	swait.ge [sflag:s1], $0xFA0  }
0x3a1: {  	[sflag:s1] =	ssyncset.done $0x0  }
0x3a2: {  	[sflag:s1] =	ssyncadd.s32 $0xFFFFF060  }
0x3a3: {  	_ =	swait.ge [sflag:s1], $0xFA0  }
0x3a4: {  	[sflag:s1] =	ssyncset.done $0x0  }
0x3a5: {  	[sflag:s1] =	ssyncadd.s32 $0xFFFFF060  }
0x3a6: {  	_ =	swait.ge [sflag:s1], $0xFA0  }
0x3a7: {  	[sflag:s1] =	ssyncset.done $0x0  }
0x3a8: {  	[sflag:s1] =	ssyncadd.s32 $0xFFFFF060  }
0x3a9: {  	_ =	swait.ge [sflag:s5], $0x7D0  }
0x3aa: {  	[sflag:s5] =	ssyncset.done $0x0  }
0x3ab: {  	[sflag:s5] =	ssyncadd.s32 $0xFFFFF830  }
0x3ac: {  	_ =	swait.ge [sflag:s5], $0x7D0  }
0x3ad: {  	[sflag:s5] =	ssyncset.done $0x0  }
0x3ae: {  	s13 =	simm.s32 $0x102A0;
	[sflag:s5] =	ssyncadd.s32 $0xFFFFF830  }
0x3af: {  	[tilespmem:s13], [sflag:$0x2] =	stream.indirect.gather [spmem:s6], $0x1, s16, s24, $0xb8;
	[tilespmem:$0x1ABA0] =	vst v63  }
0x3b0: {  	s29 =	simm.s32 $0x112A0  }
0x3b1: {  	[tilespmem:s29], [sflag:$0x2] =	stream.indirect.gather [spmem:s7], $0x1, s16, s24, $0xb8;
	[tilespmem:$0x1ABA0] =	vst v63  }
0x3b2: {  	s21 =	simm.s32 $0x0  }
0x3b3: {  	[tilespmem:s15], [sflag:$0x2] =	stream.indirect.gather [spmem:s8], $0x1, s16, s24, $0xb8;
	[tilespmem:$0x1ABA0] =	vst v63  }
0x3b4: {  	v2 =	vld [tilespmem:s21+$0xD2A0]  }
0x3b5: {  	v3 =	vld [tilespmem:s21+$0xDA70]  }
0x3b6: {  	v4 =	vld [tilespmem:s21+$0xE2A0]  }
0x3b7: {  	v5 =	vld [tilespmem:s21+$0xEA70]  }
0x3b8: {  	v6 =	vld [tilespmem:s21+$0xF2A0]  }
0x3b9: {  	v7 =	vld [tilespmem:s21+$0xFA70];
	_ =	sdelay $0x2  }
0x3ba: {  	v18 =	vsub.f32 v2, v3;
	v21 =	vsub.f32 v4, v5;
	_ =	sdelay $0x1  }
0x3bb: {  	v8 =	vsub.f32 v6, v7;
	v2 =	vmul.f32 v18, v18;
	v3 =	vmul.f32 v21, v21  }
0x3bc: {  	s19 =	simm.s32 $0x10  }
0x3bd: {  	v9 =	vld [tilespmem:s19+$0xEA70];
	v2 =	vadd.f32 v3, v2;
	v3 =	vmul.f32 v8, v8  }
0x3be: {  	v10 =	vld [tilespmem:s19+$0xFA70]  }
0x3bf: {  	v4 =	vld [tilespmem:s19+$0xD2A0];
	v2 =	vadd.f32 v3, v2  }
0x3c0: {  	v6 =	vld [tilespmem:s19+$0xDA70]  }
0x3c1: {  	v7 =	vld [tilespmem:s19+$0xE2A0];
	v3 =	vmax.f32 v2, $1.000000020e-35  }
0x3c2: {  	v5 =	vld [tilespmem:s19+$0xF2A0];
	v11 =	vmul.f32 $5.000000000e-01, v3;
	v3 =	vshra.s32 v3, $0x1  }
0x3c3: {  	v12 =	vsub.s32 $0x5F3759DF, v3  }
0x3c4: {  	v13 =	vmul.f32 v12, v11;
	_ =	sdelay $0x1  }
0x3c5: {  	v3 =	vsub.f32 v4, v6;
	v4 =	vsub.f32 v7, v9;
	v6 =	vmul.f32 v12, v13  }
0x3c6: {  	v7 =	vsub.f32 v5, v10  }
0x3c7: {  	s20 =	simm.s32 $0x20;
	v5 =	vmul.f32 v3, v3;
	v9 =	vmul.f32 v4, v4;
	v6 =	vsub.f32 $1.500000000e+00, v6  }
0x3c8: {  	v14 =	vld [tilespmem:s20+$0xE2A0]  }
0x3c9: {  	v10 =	vld [tilespmem:s20+$0xD2A0];
	v5 =	vadd.f32 v9, v5;
	v9 =	vmul.f32 v7, v7;
	v12 =	vmul.f32 v12, v6  }
0x3ca: {  	v13 =	vld [tilespmem:s20+$0xDA70]  }
0x3cb: {  	v15 =	vld [tilespmem:s20+$0xEA70];
	v22 =	vadd.f32 v9, v5;
	v5 =	vmul.f32 v12, v11  }
0x3cc: {  	v9 =	vld [tilespmem:s20+$0xF2A0]  }
0x3cd: {  	v6 =	vmax.f32 v22, $1.000000020e-35;
	v11 =	vld [tilespmem:s20+$0xFA70];
	v5 =	vmul.f32 v5, v12  }
0x3ce: {  	v16 =	vmul.f32 $5.000000000e-01, v6;
	v17 =	vshra.s32 v6, $0x1  }
0x3cf: {  	v6 =	vsub.f32 v10, v13;
	v10 =	vsub.s32 $0x5F3759DF, v17;
	v13 =	vsub.f32 $1.500000000e+00, v5  }
0x3d0: {  	v5 =	vsub.f32 v14, v15;
	v14 =	vmul.f32 v10, v16  }
0x3d1: {  	s22 =	simm.s32 $0x30;
	v15 =	vmul.f32 v6, v6;
	v12 =	vmul.f32 v13, v12  }
0x3d2: {  	v20 =	vld [tilespmem:s22+$0xE2A0];
	v9 =	vsub.f32 v9, v11;
	v11 =	vmul.f32 v5, v5;
	v13 =	vmul.f32 v10, v14  }
0x3d3: {  	v23 =	vld [tilespmem:s22+$0xEA70];
	v2 =	vmul.f32 v12, v2  }
0x3d4: {  	v17 =	vld [tilespmem:s22+$0xDA70];
	v11 =	vadd.f32 v11, v15;
	v15 =	vmul.f32 v9, v9;
	v19 =	vsub.f32 $1.500000000e+00, v13  }
0x3d5: {  	v14 =	vld [tilespmem:s22+$0xD2A0];
	v2 =	vadd.f32 $-1.000000000e+00, v2  }
0x3d6: {  	v13 =	vadd.f32 v15, v11;
	v15 =	vmul.f32 v10, v19;
	v10 =	vld [tilespmem:s22+$0xF2A0]  }
0x3d7: {  	v19 =	vld [tilespmem:s22+$0xFA70];
	v26 =	vmul.f32 v2, v12  }
0x3d8: {  	v11 =	vmax.f32 v13, $1.000000020e-35;
	v24 =	vmul.f32 v15, v16  }
0x3d9: {  	v12 =	vmul.f32 $5.000000000e-01, v11;
	v11 =	vshra.s32 v11, $0x1;
	v25 =	vmul.f32 v26, v8  }
0x3da: {  	v8 =	vsub.f32 v14, v17;
	v16 =	vsub.s32 $0x5F3759DF, v11;
	v17 =	vmul.f32 v24, v15  }
0x3db: {  	v11 =	vsub.f32 v20, v23;
	v20 =	vmul.f32 v16, v12  }
0x3dc: {  	s13 =	simm.s32 $0x40;
	v10 =	vsub.f32 v10, v19;
	v23 =	vmul.f32 v8, v8;
	v24 =	vsub.f32 $1.500000000e+00, v17  }
0x3dd: {  	v14 =	vld [tilespmem:s13+$0xF2A0];
	[tilespmem:s21+$0x15A70] =	vst v25;
	v25 =	vsub.f32 $0.0e+00, v25;
	v27 =	vmul.f32 v11, v11;
	v20 =	vmul.f32 v16, v20  }
0x3de: {  	v28 =	vmul.f32 v26, v18;
	v17 =	vld [tilespmem:s13+$0xD2A0];
	v15 =	vmul.f32 v24, v15  }
0x3df: {  	v19 =	vld [tilespmem:s13+$0xDA70];
	[tilespmem:s21+$0x152A0] =	vst v25;
	v24 =	vadd.f32 v27, v23;
	v25 =	vmul.f32 v10, v10;
	v23 =	vsub.f32 $1.500000000e+00, v20  }
0x3e0: {  	s14 =	simm.s32 $0x140;
	v18 =	vmul.f32 v26, v21;
	v21 =	vsub.f32 $0.0e+00, v28;
	v20 =	vld [tilespmem:s13+$0xE2A0];
	[tilespmem:s21+$0x13A70] =	vst v28;
	v22 =	vmul.f32 v15, v22  }
.LBB2_18:
0x3e1: {  	p0 =	sne.s32 s14, $0x1F00;
	v26 =	vld [tilespmem:s13+$0xEA70];
	v27 =	vadd.f32 v25, v24;
	v23 =	vmul.f32 v16, v23;
	v16 =	vmul.f32 v2, v2;
	v28 =	vmovc v4  }
0x3e2: {  	v4 =	vmovc v5;
	v5 =	vmov v11;
	v24 =	vld [tilespmem:s13+$0xFA70];
	v2 =	vadd.f32 $-1.000000000e+00, v22;
	[tilespmem:s21+$0x132A0] =	vst v21;
	v21 =	vsub.f32 $0.0e+00, v18  }
0x3e3: {  	v11 =	vmax.f32 v27, $1.000000020e-35;
	v22 =	vmul.f32 v23, v12;
	v1 =	vadd.f32 v16, v1;
	[tilespmem:s21+$0x14A70] =	vst v18  }
0x3e4: {  	v12 =	vmul.f32 $5.000000000e-01, v11;
	v11 =	vshra.s32 v11, $0x1;
	v18 =	vmul.f32 v2, v15;
	[tilespmem:s21+$0x142A0] =	vst v21;
	s21 =	smov.u32 s19;
	s19 =	smov.u32 s20;
	s20 =	smov.u32 s22  }
0x3e5: {  	v19 =	vsub.f32 v17, v19;
	s22 =	smov.u32 s13;
	v16 =	vsub.s32 $0x5F3759DF, v11;
	v15 =	vmul.f32 v22, v23  }
0x3e6: {  	v11 =	vsub.f32 v20, v26;
	v17 =	vmul.f32 v16, v12;
	v20 =	vmul.f32 v18, v7;
	v7 =	vmovc v9  }
.Ltmp8:
0x3e7: {  	s13 =	sshra.s32 s14, $0x2;
	v21 =	vmul.f32 v19, v19;
	v9 =	vmovc v10;
	v15 =	vsub.f32 $1.500000000e+00, v15;
	v10 =	vsub.f32 v14, v24;
	(pc) =	sbr.rel @p0 .LBB2_18-.Ltmp8, $4  }
0x3e8: {  	v14 =	vld [tilespmem:s13+$0xF2A0];
	v22 =	vmul.f32 v11, v11;
	v26 =	vmul.f32 v16, v17;
	[tilespmem:s21+$0x15A70] =	vst v20;
	v20 =	vsub.f32 $0.0e+00, v20  }
0x3e9: {  	v29 =	vmul.f32 v18, v3;
	v3 =	vmovc v6;
	v6 =	vmovc v8;
	v8 =	vmov v19;
	v17 =	vld [tilespmem:s13+$0xD2A0];
	v15 =	vmul.f32 v15, v23  }
0x3ea: {  	v25 =	vmul.f32 v10, v10;
	v19 =	vld [tilespmem:s13+$0xDA70];
	v24 =	vadd.f32 v22, v21;
	v23 =	vsub.f32 $1.500000000e+00, v26;
	[tilespmem:s21+$0x152A0] =	vst v20  }
0x3eb: {  	s14 =	sadd.s32 $0x40, s14;
	v18 =	vmul.f32 v18, v28;
	v21 =	vsub.f32 $0.0e+00, v29;
	v20 =	vld [tilespmem:s13+$0xE2A0];
	v22 =	vmul.f32 v15, v13;
	[tilespmem:s21+$0x13A70] =	vst v29;
	v13 =	vmovc v27  }
0x3ec: {  	v26 =	vld [tilespmem:s13+$0xEA70];
	_ =	sdelay $0x1  }
0x3ed: {  	v27 =	vld [tilespmem:s13+$0xFA70];
	_ =	sdelay $0x1  }
0x3ee: {  	v24 =	vadd.f32 v25, v24  }
0x3ef: {  	v17 =	vsub.f32 v17, v19;
	v19 =	vsub.f32 v20, v26  }
0x3f0: {  	v20 =	vmax.f32 v24, $1.000000020e-35  }
0x3f1: {  	v25 =	vsub.f32 v14, v27;
	v14 =	vmul.f32 v17, v17;
	v26 =	vmul.f32 v19, v19  }
0x3f2: {  	v16 =	vmul.f32 v16, v23;
	v23 =	vmul.f32 $5.000000000e-01, v20;
	v20 =	vshra.s32 v20, $0x1  }
0x3f3: {  	v20 =	vsub.s32 $0x5F3759DF, v20;
	v14 =	vadd.f32 v26, v14;
	v26 =	vmul.f32 v25, v25  }
0x3f4: {  	v27 =	vmul.f32 v20, v23  }
0x3f5: {  	v12 =	vmul.f32 v16, v12;
	v26 =	vadd.f32 v26, v14  }
0x3f6: {  	v14 =	vmul.f32 v20, v27  }
0x3f7: {  	v27 =	vmul.f32 v12, v16;
	v12 =	vmax.f32 v26, $1.000000020e-35  }
0x3f8: {  	v14 =	vsub.f32 $1.500000000e+00, v14;
	v28 =	vmul.f32 $5.000000000e-01, v12;
	v29 =	vshra.s32 v12, $0x1  }
0x3f9: {  	v12 =	vadd.f32 $-1.000000000e+00, v22;
	v22 =	vsub.f32 $1.500000000e+00, v27;
	v27 =	vsub.s32 $0x5F3759DF, v29  }
0x3fa: {  	v14 =	vmul.f32 v20, v14;
	v20 =	vmul.f32 v27, v28  }
0x3fb: {  	v16 =	vmul.f32 v22, v16  }
0x3fc: {  	v22 =	vmul.f32 v14, v23;
	v20 =	vmul.f32 v27, v20  }
0x3fd: {  	v15 =	vmul.f32 v12, v15;
	v13 =	vmul.f32 v16, v13  }
0x3fe: {  	[tilespmem:s21+$0x132A0] =	vst v21;
	v21 =	vsub.f32 $0.0e+00, v18;
	v22 =	vmul.f32 v22, v14;
	v20 =	vsub.f32 $1.500000000e+00, v20  }
0x3ff: {  	[tilespmem:s21+$0x14A70] =	vst v18;
	v7 =	vmul.f32 v15, v7;
	v13 =	vadd.f32 $-1.000000000e+00, v13  }
0x400: {  	[tilespmem:s21+$0x142A0] =	vst v21;
	v3 =	vmul.f32 v15, v3;
	v21 =	vsub.f32 $1.500000000e+00, v22;
	v20 =	vmul.f32 v27, v20  }
0x401: {  	v4 =	vmul.f32 v15, v4;
	v18 =	vsub.f32 $0.0e+00, v7;
	[tilespmem:s19+$0x15A70] =	vst v7;
	v7 =	vmul.f32 v13, v16  }
0x402: {  	v15 =	vsub.f32 $0.0e+00, v3;
	[tilespmem:s19+$0x13A70] =	vst v3;
	v16 =	vmul.f32 v21, v14;
	v14 =	vmul.f32 v20, v28  }
0x403: {  	[tilespmem:s19+$0x152A0] =	vst v18;
	v3 =	vmul.f32 v7, v9  }
0x404: {  	[tilespmem:s19+$0x132A0] =	vst v15;
	v9 =	vsub.f32 $0.0e+00, v4;
	v15 =	vmul.f32 v16, v24;
	v18 =	vmul.f32 v14, v20  }
0x405: {  	[tilespmem:s19+$0x14A70] =	vst v4;
	v4 =	vsub.f32 $0.0e+00, v3  }
0x406: {  	v6 =	vmul.f32 v7, v6;
	[tilespmem:s19+$0x142A0] =	vst v9;
	v14 =	vadd.f32 $-1.000000000e+00, v15;
	v9 =	vsub.f32 $1.500000000e+00, v18  }
0x407: {  	[tilespmem:s20+$0x15A70] =	vst v3;
	v3 =	vmul.f32 v7, v5  }
0x408: {  	[tilespmem:s20+$0x152A0] =	vst v4;
	v4 =	vsub.f32 $0.0e+00, v6;
	v5 =	vmul.f32 v14, v16;
	v7 =	vmul.f32 v9, v20  }
0x409: {  	[tilespmem:s20+$0x13A70] =	vst v6  }
0x40a: {  	[tilespmem:s20+$0x132A0] =	vst v4;
	v4 =	vsub.f32 $0.0e+00, v3;
	v9 =	vmul.f32 v5, v10;
	v6 =	vmul.f32 v7, v26  }
0x40b: {  	[tilespmem:s20+$0x14A70] =	vst v3  }
0x40c: {  	[tilespmem:s20+$0x142A0] =	vst v4;
	v4 =	vmul.f32 v5, v8;
	v3 =	vsub.f32 $0.0e+00, v9;
	v6 =	vadd.f32 $-1.000000000e+00, v6  }
0x40d: {  	[tilespmem:s22+$0x15A70] =	vst v9  }
0x40e: {  	[tilespmem:s22+$0x152A0] =	vst v3;
	v3 =	vmul.f32 v5, v11;
	v5 =	vsub.f32 $0.0e+00, v4;
	v7 =	vmul.f32 v6, v7  }
0x40f: {  	[tilespmem:s22+$0x13A70] =	vst v4  }
0x410: {  	[tilespmem:s22+$0x132A0] =	vst v5;
	v4 =	vsub.f32 $0.0e+00, v3;
	v5 =	vmul.f32 v7, v25  }
0x411: {  	[tilespmem:s22+$0x14A70] =	vst v3  }
0x412: {  	[tilespmem:s22+$0x142A0] =	vst v4;
	v4 =	vmul.f32 v7, v17;
	v3 =	vsub.f32 $0.0e+00, v5  }
0x413: {  	[tilespmem:s13+$0x15A70] =	vst v5  }
0x414: {  	v5 =	vsub.f32 $0.0e+00, v4;
	[tilespmem:s13+$0x152A0] =	vst v3;
	v3 =	vmul.f32 v7, v19  }
0x415: {  	[tilespmem:s13+$0x13A70] =	vst v4  }
0x416: {  	[tilespmem:s13+$0x132A0] =	vst v5;
	v4 =	vsub.f32 $0.0e+00, v3  }
0x417: {  	[tilespmem:s13+$0x14A70] =	vst v3  }
0x418: {  	[tilespmem:s13+$0x142A0] =	vst v4  }
0x419: {  	_ =	swait.ge [sflag:s31], $0xFA0  }
0x41a: {  	[sflag:s31] =	ssyncset.done $0x0  }
0x41b: {  	[sflag:s31] =	ssyncadd.s32 $0xFFFFF060  }
0x41c: {  	_ =	swait.ge [sflag:s31], $0xFA0  }
0x41d: {  	[sflag:s31] =	ssyncset.done $0x0  }
0x41e: {  	[sflag:s31] =	ssyncadd.s32 $0xFFFFF060  }
0x41f: {  	_ =	swait.ge [sflag:s31], $0xFA0  }
0x420: {  	[sflag:s31] =	ssyncset.done $0x0  }
0x421: {  	[sflag:s31] =	ssyncadd.s32 $0xFFFFF060  }
0x422: {  	[spmem:s2] =	stream.indirect.scatter.add.f32 [tilespmem:s10], [sflag:$0x3], $0x1, s25, s24, $0xb8;
	[tilespmem:$0x1ABA0] =	vst v63  }
0x423: {  	_ = 	snop  }
0x424: {  	[spmem:s3] =	stream.indirect.scatter.add.f32 [tilespmem:s11], [sflag:$0x3], $0x1, s25, s24, $0xb8;
	[tilespmem:$0x1ABA0] =	vst v63  }
0x425: {  	_ = 	snop  }
0x426: {  	[spmem:s4] =	stream.indirect.scatter.add.f32 [tilespmem:s12], [sflag:$0x3], $0x1, s25, s24, $0xb8;
	[tilespmem:$0x1ABA0] =	vst v63  }
0x427: {  	_ =	swait.ge [sflag:s1], $0xFA0  }
0x428: {  	[sflag:s1] =	ssyncset.done $0x0  }
0x429: {  	[sflag:s1] =	ssyncadd.s32 $0xFFFFF060  }
0x42a: {  	_ =	swait.ge [sflag:s1], $0xFA0  }
0x42b: {  	[sflag:s1] =	ssyncset.done $0x0  }
0x42c: {  	[sflag:s1] =	ssyncadd.s32 $0xFFFFF060  }
0x42d: {  	_ =	swait.ge [sflag:s1], $0xFA0  }
0x42e: {  	[sflag:s1] =	ssyncset.done $0x0  }
0x42f: {  	s21 =	simm.s32 $0x0;
	[sflag:s1] =	ssyncadd.s32 $0xFFFFF060  }
0x430: {  	v3 =	vld [tilespmem:s21+$0x102A0]  }
0x431: {  	v4 =	vld [tilespmem:s21+$0x10A70]  }
0x432: {  	v5 =	vld [tilespmem:s21+$0x112A0]  }
0x433: {  	v7 =	vld [tilespmem:s21+$0x11A70]  }
0x434: {  	v8 =	vld [tilespmem:s21+$0x122A0]  }
0x435: {  	v9 =	vld [tilespmem:s21+$0x12A70];
	_ =	sdelay $0x2  }
0x436: {  	v18 =	vsub.f32 v3, v4;
	v21 =	vsub.f32 v5, v7;
	_ =	sdelay $0x1  }
0x437: {  	v8 =	vsub.f32 v8, v9;
	v3 =	vmul.f32 v18, v18;
	v4 =	vmul.f32 v21, v21  }
0x438: {  	s19 =	simm.s32 $0x10  }
0x439: {  	v11 =	vld [tilespmem:s19+$0x11A70];
	v3 =	vadd.f32 v4, v3;
	v4 =	vmul.f32 v8, v8  }
0x43a: {  	v15 =	vld [tilespmem:s19+$0x12A70]  }
0x43b: {  	v7 =	vld [tilespmem:s19+$0x102A0];
	v10 =	vadd.f32 v4, v3  }
0x43c: {  	v9 =	vld [tilespmem:s19+$0x10A70]  }
0x43d: {  	v4 =	vld [tilespmem:s19+$0x112A0];
	v3 =	vmax.f32 v10, $1.000000020e-35  }
0x43e: {  	v5 =	vld [tilespmem:s19+$0x122A0];
	v16 =	vmul.f32 $5.000000000e-01, v3;
	v3 =	vshra.s32 v3, $0x1  }
0x43f: {  	v17 =	vsub.s32 $0x5F3759DF, v3  }
0x440: {  	v19 =	vmul.f32 v17, v16;
	_ =	sdelay $0x1  }
0x441: {  	v3 =	vsub.f32 v7, v9;
	v4 =	vsub.f32 v4, v11;
	v9 =	vmul.f32 v17, v19  }
0x442: {  	v7 =	vsub.f32 v5, v15  }
0x443: {  	s20 =	simm.s32 $0x20;
	v5 =	vmul.f32 v3, v3;
	v11 =	vmul.f32 v4, v4;
	v9 =	vsub.f32 $1.500000000e+00, v9  }
0x444: {  	v20 =	vld [tilespmem:s20+$0x11A70]  }
0x445: {  	v15 =	vld [tilespmem:s20+$0x102A0];
	v5 =	vadd.f32 v11, v5;
	v11 =	vmul.f32 v7, v7;
	v9 =	vmul.f32 v17, v9  }
0x446: {  	v19 =	vld [tilespmem:s20+$0x10A70]  }
0x447: {  	v17 =	vld [tilespmem:s20+$0x112A0];
	v22 =	vadd.f32 v11, v5;
	v5 =	vmul.f32 v9, v16  }
0x448: {  	v11 =	vld [tilespmem:s20+$0x122A0]  }
0x449: {  	v16 =	vld [tilespmem:s20+$0x12A70];
	v23 =	vmax.f32 v22, $1.000000020e-35;
	v24 =	vmul.f32 v5, v9  }
0x44a: {  	v25 =	vmul.f32 v2, v2;
	v26 =	vmul.f32 $5.000000000e-01, v23;
	v2 =	vshra.s32 v23, $0x1  }
0x44b: {  	v5 =	vsub.f32 v15, v19;
	v15 =	vsub.s32 $0x5F3759DF, v2;
	v19 =	vsub.f32 $1.500000000e+00, v24  }
0x44c: {  	v12 =	vmul.f32 v12, v12;
	v2 =	vsub.f32 v17, v20;
	v17 =	vmul.f32 v15, v26  }
0x44d: {  	v1 =	vadd.f32 v25, v1;
	v20 =	vmul.f32 v5, v5;
	v19 =	vmul.f32 v19, v9  }
0x44e: {  	s22 =	simm.s32 $0x30;
	v9 =	vsub.f32 v11, v16;
	v11 =	vmul.f32 v2, v2;
	v16 =	vmul.f32 v15, v17  }
0x44f: {  	v1 =	vadd.f32 v12, v1;
	v12 =	vmul.f32 v13, v13;
	v25 =	vld [tilespmem:s22+$0x11A70];
	v10 =	vmul.f32 v19, v10  }
0x450: {  	v23 =	vld [tilespmem:s22+$0x10A70];
	v11 =	vadd.f32 v11, v20;
	v13 =	vmul.f32 v9, v9;
	v16 =	vsub.f32 $1.500000000e+00, v16  }
0x451: {  	v17 =	vld [tilespmem:s22+$0x102A0];
	v20 =	vadd.f32 v12, v1;
	v1 =	vadd.f32 $-1.000000000e+00, v10  }
0x452: {  	v24 =	vld [tilespmem:s22+$0x112A0];
	v10 =	vmul.f32 v14, v14;
	v12 =	vadd.f32 v13, v11;
	v15 =	vmul.f32 v15, v16  }
0x453: {  	v27 =	vld [tilespmem:s22+$0x122A0];
	v62 =	vmul.f32 v1, v19  }
0x454: {  	v20 =	vadd.f32 v10, v20;
	v10 =	vld [tilespmem:s22+$0x12A70];
	v11 =	vmax.f32 v12, $1.000000020e-35;
	v14 =	vmul.f32 v15, v26  }
0x455: {  	v13 =	vmul.f32 $5.000000000e-01, v11;
	v11 =	vshra.s32 v11, $0x1;
	v19 =	vmul.f32 v62, v8  }
0x456: {  	v8 =	vsub.f32 v17, v23;
	v16 =	vsub.s32 $0x5F3759DF, v11;
	v17 =	vmul.f32 v14, v15  }
0x457: {  	v6 =	vmul.f32 v6, v6;
	v11 =	vsub.f32 v24, v25;
	v23 =	vmul.f32 v16, v13  }
0x458: {  	s13 =	simm.s32 $0x40;
	v24 =	vmul.f32 v8, v8;
	v25 =	vsub.f32 $1.500000000e+00, v17;
	v26 =	vsub.f32 $0.0e+00, v19  }
0x459: {  	v14 =	vld [tilespmem:s13+$0x122A0];
	[tilespmem:s21+$0x18A70] =	vst v19;
	v10 =	vsub.f32 v27, v10;
	v27 =	vmul.f32 v11, v11;
	v23 =	vmul.f32 v16, v23  }
0x45a: {  	v6 =	vadd.f32 v6, v20;
	v63 =	vmul.f32 v62, v18;
	v17 =	vld [tilespmem:s13+$0x102A0];
	v15 =	vmul.f32 v25, v15  }
0x45b: {  	v19 =	vld [tilespmem:s13+$0x10A70];
	[tilespmem:s21+$0x182A0] =	vst v26;
	v24 =	vadd.f32 v27, v24;
	v25 =	vmul.f32 v10, v10;
	v23 =	vsub.f32 $1.500000000e+00, v23  }
0x45c: {  	s14 =	simm.s32 $0x140;
	s26 =	simm.s32 $0x4;
	v18 =	vmul.f32 v62, v21;
	v21 =	vsub.f32 $0.0e+00, v63;
	v20 =	vld [tilespmem:s13+$0x112A0];
	[tilespmem:s21+$0x16A70] =	vst v63;
	v22 =	vmul.f32 v15, v22  }
.LBB2_20:
0x45d: {  	p0 =	sne.s32 s14, $0x1F00;
	v26 =	vld [tilespmem:s13+$0x11A70];
	v27 =	vadd.f32 v25, v24;
	v23 =	vmul.f32 v16, v23;
	v16 =	vmul.f32 v1, v1;
	v28 =	vmovc v4  }
0x45e: {  	v4 =	vmovc v2;
	v2 =	vmov v11;
	v24 =	vld [tilespmem:s13+$0x12A70];
	v1 =	vadd.f32 $-1.000000000e+00, v22;
	[tilespmem:s21+$0x162A0] =	vst v21;
	v21 =	vsub.f32 $0.0e+00, v18  }
0x45f: {  	v11 =	vmax.f32 v27, $1.000000020e-35;
	v22 =	vmul.f32 v23, v13;
	v6 =	vadd.f32 v16, v6;
	[tilespmem:s21+$0x17A70] =	vst v18  }
0x460: {  	v13 =	vmul.f32 $5.000000000e-01, v11;
	v11 =	vshra.s32 v11, $0x1;
	v18 =	vmul.f32 v1, v15;
	[tilespmem:s21+$0x172A0] =	vst v21;
	s21 =	smov.u32 s19;
	s19 =	smov.u32 s20;
	s20 =	smov.u32 s22  }
0x461: {  	v19 =	vsub.f32 v17, v19;
	s22 =	smov.u32 s13;
	v16 =	vsub.s32 $0x5F3759DF, v11;
	v15 =	vmul.f32 v22, v23  }
0x462: {  	v11 =	vsub.f32 v20, v26;
	v17 =	vmul.f32 v16, v13;
	v20 =	vmul.f32 v18, v7;
	v7 =	vmovc v9  }
.Ltmp9:
0x463: {  	s13 =	sshra.s32 s14, $0x2;
	v21 =	vmul.f32 v19, v19;
	v9 =	vmovc v10;
	v15 =	vsub.f32 $1.500000000e+00, v15;
	v10 =	vsub.f32 v14, v24;
	(pc) =	sbr.rel @p0 .LBB2_20-.Ltmp9, $4  }
0x464: {  	v14 =	vld [tilespmem:s13+$0x122A0];
	v22 =	vmul.f32 v11, v11;
	v26 =	vmul.f32 v16, v17;
	[tilespmem:s21+$0x18A70] =	vst v20;
	v20 =	vsub.f32 $0.0e+00, v20  }
0x465: {  	v29 =	vmul.f32 v18, v3;
	v3 =	vmovc v5;
	v5 =	vmovc v8;
	v8 =	vmov v19;
	v17 =	vld [tilespmem:s13+$0x102A0];
	v15 =	vmul.f32 v15, v23  }
0x466: {  	v25 =	vmul.f32 v10, v10;
	v19 =	vld [tilespmem:s13+$0x10A70];
	v24 =	vadd.f32 v22, v21;
	v23 =	vsub.f32 $1.500000000e+00, v26;
	[tilespmem:s21+$0x182A0] =	vst v20  }
0x467: {  	s14 =	sadd.s32 $0x40, s14;
	v18 =	vmul.f32 v18, v28;
	v21 =	vsub.f32 $0.0e+00, v29;
	v20 =	vld [tilespmem:s13+$0x112A0];
	v22 =	vmul.f32 v15, v12;
	[tilespmem:s21+$0x16A70] =	vst v29;
	v12 =	vmovc v27  }
0x468: {  	v26 =	vld [tilespmem:s13+$0x11A70];
	_ =	sdelay $0x1  }
0x469: {  	v27 =	vld [tilespmem:s13+$0x12A70];
	_ =	sdelay $0x1  }
0x46a: {  	v24 =	vadd.f32 v25, v24  }
0x46b: {  	v17 =	vsub.f32 v17, v19;
	v32 =	vsub.f32 v20, v26  }
0x46c: {  	v33 =	vmax.f32 v24, $1.000000020e-35  }
0x46d: {  	v14 =	vsub.f32 v14, v27;
	v34 =	vmul.f32 v17, v17;
	v26 =	vmul.f32 v32, v32  }
0x46e: {  	v35 =	vmul.f32 $5.000000000e-01, v33;
	v20 =	vshra.s32 v33, $0x1  }
0x46f: {  	v20 =	vsub.s32 $0x5F3759DF, v20;
	v36 =	vmul.f32 v14, v14;
	v25 =	vadd.f32 v26, v34  }
0x470: {  	v37 =	vmul.f32 v20, v35  }
0x471: {  	v16 =	vmul.f32 v16, v23;
	v25 =	vadd.f32 v36, v25  }
0x472: {  	v38 =	vmul.f32 v20, v37  }
0x473: {  	v13 =	vmul.f32 v16, v13;
	v39 =	vmax.f32 v25, $1.000000020e-35  }
0x474: {  	v26 =	vsub.f32 $1.500000000e+00, v38;
	v28 =	vmul.f32 $5.000000000e-01, v39;
	v27 =	vshra.s32 v39, $0x1  }
0x475: {  	v13 =	vmul.f32 v13, v16;
	v27 =	vsub.s32 $0x5F3759DF, v27  }
0x476: {  	v20 =	vmul.f32 v20, v26;
	v40 =	vmul.f32 v27, v28  }
0x477: {  	v22 =	vadd.f32 $-1.000000000e+00, v22;
	v13 =	vsub.f32 $1.500000000e+00, v13  }
0x478: {  	v41 =	vmul.f32 v20, v35;
	v42 =	vmul.f32 v27, v40  }
0x479: {  	v15 =	vmul.f32 v22, v15;
	v13 =	vmul.f32 v13, v16  }
0x47a: {  	[tilespmem:s21+$0x162A0] =	vst v21;
	v43 =	vsub.f32 $0.0e+00, v18;
	v16 =	vmul.f32 v41, v20;
	v23 =	vsub.f32 $1.500000000e+00, v42  }
0x47b: {  	[tilespmem:s21+$0x17A70] =	vst v18;
	v7 =	vmul.f32 v15, v7;
	v12 =	vmul.f32 v13, v12  }
0x47c: {  	[tilespmem:s21+$0x172A0] =	vst v43;
	v3 =	vmul.f32 v15, v3;
	v16 =	vsub.f32 $1.500000000e+00, v16;
	v45 =	vmul.f32 v27, v23  }
0x47d: {  	v4 =	vmul.f32 v15, v4;
	[tilespmem:s19+$0x18A70] =	vst v7;
	v12 =	vadd.f32 $-1.000000000e+00, v12  }
0x47e: {  	v44 =	vsub.f32 $0.0e+00, v7;
	[tilespmem:s19+$0x16A70] =	vst v3;
	v48 =	vmul.f32 v16, v20;
	v49 =	vmul.f32 v45, v28  }
0x47f: {  	v47 =	vsub.f32 $0.0e+00, v3;
	[tilespmem:s19+$0x17A70] =	vst v4;
	v46 =	vmul.f32 v12, v13  }
0x480: {  	v50 =	vsub.f32 $0.0e+00, v4;
	[tilespmem:s19+$0x182A0] =	vst v44;
	v51 =	vmul.f32 v48, v24;
	v16 =	vmul.f32 v49, v45  }
0x481: {  	[tilespmem:s19+$0x162A0] =	vst v47;
	v3 =	vmul.f32 v46, v9  }
0x482: {  	[tilespmem:s19+$0x172A0] =	vst v50;
	v5 =	vmul.f32 v46, v5;
	v53 =	vadd.f32 $-1.000000000e+00, v51;
	v54 =	vsub.f32 $1.500000000e+00, v16  }
0x483: {  	v2 =	vmul.f32 v46, v2;
	v52 =	vsub.f32 $0.0e+00, v3;
	[tilespmem:s20+$0x18A70] =	vst v3  }
0x484: {  	v3 =	vsub.f32 $0.0e+00, v5;
	[tilespmem:s20+$0x16A70] =	vst v5;
	v55 =	vmul.f32 v53, v48;
	v56 =	vmul.f32 v54, v45  }
0x485: {  	[tilespmem:s20+$0x17A70] =	vst v2  }
0x486: {  	[tilespmem:s20+$0x162A0] =	vst v3;
	v3 =	vsub.f32 $0.0e+00, v2;
	v57 =	vmul.f32 v55, v10;
	v58 =	vmul.f32 v56, v25  }
0x487: {  	[tilespmem:s20+$0x182A0] =	vst v52  }
0x488: {  	[tilespmem:s20+$0x172A0] =	vst v3;
	v3 =	vmul.f32 v55, v8;
	v2 =	vsub.f32 $0.0e+00, v57;
	v59 =	vadd.f32 $-1.000000000e+00, v58  }
0x489: {  	[tilespmem:s22+$0x18A70] =	vst v57  }
0x48a: {  	v60 =	vsub.f32 $0.0e+00, v3;
	[tilespmem:s22+$0x182A0] =	vst v2;
	v2 =	vmul.f32 v55, v11;
	v61 =	vmul.f32 v59, v56  }
0x48b: {  	[tilespmem:s22+$0x16A70] =	vst v3  }
0x48c: {  	[tilespmem:s22+$0x162A0] =	vst v60;
	v3 =	vsub.f32 $0.0e+00, v2;
	v62 =	vmul.f32 v61, v14  }
0x48d: {  	[tilespmem:s22+$0x17A70] =	vst v2  }
0x48e: {  	[tilespmem:s22+$0x172A0] =	vst v3;
	v3 =	vmul.f32 v61, v17;
	v2 =	vsub.f32 $0.0e+00, v62  }
0x48f: {  	[tilespmem:s13+$0x18A70] =	vst v62  }
0x490: {  	v63 =	vsub.f32 $0.0e+00, v3;
	[tilespmem:s13+$0x182A0] =	vst v2;
	v2 =	vmul.f32 v61, v32  }
0x491: {  	[tilespmem:s13+$0x16A70] =	vst v3  }
0x492: {  	[tilespmem:s13+$0x162A0] =	vst v63;
	v3 =	vsub.f32 $0.0e+00, v2  }
0x493: {  	[tilespmem:s13+$0x17A70] =	vst v2  }
0x494: {  	[tilespmem:s13+$0x172A0] =	vst v3  }
0x495: {  	_ =	swait.ge [sflag:s31], $0xFA0  }
0x496: {  	[sflag:s31] =	ssyncset.done $0x0  }
0x497: {  	[sflag:s31] =	ssyncadd.s32 $0xFFFFF060  }
0x498: {  	_ =	swait.ge [sflag:s31], $0xFA0  }
0x499: {  	[sflag:s31] =	ssyncset.done $0x0  }
0x49a: {  	[sflag:s31] =	ssyncadd.s32 $0xFFFFF060  }
0x49b: {  	_ =	swait.ge [sflag:s31], $0xFA0  }
0x49c: {  	[sflag:s31] =	ssyncset.done $0x0  }
0x49d: {  	[sflag:s31] =	ssyncadd.s32 $0xFFFFF060  }
0x49e: {  	[spmem:s2] =	stream.indirect.scatter.add.f32 [tilespmem:s9], [sflag:$0x3], $0x1, s16, s24, $0xb8;
	[tilespmem:$0x1ABA0] =	vst v63  }
0x49f: {  	_ = 	snop  }
0x4a0: {  	v1 =	vmul.f32 v1, v1;
	[spmem:s3] =	stream.indirect.scatter.add.f32 [tilespmem:s23], [sflag:$0x3], $0x1, s16, s24, $0xb8;
	[tilespmem:$0x1ABA0] =	vst v63  }
0x4a1: {  	_ = 	snop  }
0x4a2: {  	v1 =	vadd.f32 v1, v6;
	v2 =	vmul.f32 v22, v22;
	[spmem:s4] =	stream.indirect.scatter.add.f32 [tilespmem:s17], [sflag:$0x3], $0x1, s16, s24, $0xb8;
	[tilespmem:$0x1ABA0] =	vst v63  }
0x4a3: {  	_ =	swait.ge [sflag:s31], $0xFA0  }
0x4a4: {  	v1 =	vadd.f32 v2, v1;
	v2 =	vmul.f32 v12, v12;
	[sflag:s31] =	ssyncset.done $0x0  }
0x4a5: {  	[sflag:s31] =	ssyncadd.s32 $0xFFFFF060  }
0x4a6: {  	v1 =	vadd.f32 v2, v1;
	v2 =	vmul.f32 v53, v53;
	_ =	swait.ge [sflag:s31], $0xFA0  }
0x4a7: {  	[sflag:s31] =	ssyncset.done $0x0  }
0x4a8: {  	v1 =	vadd.f32 v2, v1;
	v2 =	vmul.f32 v59, v59;
	[sflag:s31] =	ssyncadd.s32 $0xFFFFF060  }
0x4a9: {  	_ =	swait.ge [sflag:s31], $0xFA0  }
0x4aa: {  	v1 =	vadd.f32 v2, v1;
	[sflag:s31] =	ssyncset.done $0x0  }
0x4ab: {  	[sflag:s31] =	ssyncadd.s32 $0xFFFFF060  }
0x4ac: {  	s20 =	simm.s32 $0x1AB20;
	s13 =	simm.s32 $0x0;
	s14 =	rddreg [dreg:$0x16];
	[tilespmem:$0x1AB20] =	vst v1  }
0x4ad: {  	[hbm4b:s14+s13] =	stream.linear.scatter [tilespmem:s20], [sflag:$0x4], $0x10, $0x38;
	[tilespmem:$0x1ABA0] =	vst v63  }
0x4ae: {  	_ =	swait.ge [sflag:s26], $0x10  }
0x4af: {  	[sflag:s26] =	ssyncset.done $0x0  }
0x4b0: {  	[sflag:s26] =	ssyncadd.s32 $0xFFFFFFF0  }
0x4b1: {  	[bflag:$0x0] =	sbarrier.arrive $0xFFFF  }
0x4b2: {  	s22 =	simm.s32 $0x192A0;
	s19 =	rddreg [dreg:$0x9]  }
0x4b3: {  	[tilespmem:s22], [sflag:$0x4] =	stream.linear.gather [spmem:s19], $0x1870, $0x38;
	[tilespmem:$0x1ABA0] =	vst v63  }
0x4b4: {  	_ =	swait.ge [sflag:s26], $0x1870  }
0x4b5: {  	[sflag:s26] =	ssyncset.done $0x0  }
0x4b6: {  	s21 =	rddreg [dreg:$0x17];
	[sflag:s26] =	ssyncadd.s32 $0xFFFFE790  }
0x4b7: {  	[hbm4b:s21+s13] =	stream.linear.scatter [tilespmem:s22], [sflag:$0x4], $0x1870, $0x38;
	[tilespmem:$0x1ABA0] =	vst v63  }
0x4b8: {  	_ =	swait.ge [sflag:s26], $0x1870  }
0x4b9: {  	[sflag:s26] =	ssyncset.done $0x0  }
0x4ba: {  	s20 =	rddreg [dreg:$0xa];
	[sflag:s26] =	ssyncadd.s32 $0xFFFFE790  }
0x4bb: {  	[tilespmem:s22], [sflag:$0x4] =	stream.linear.gather [spmem:s20], $0x1870, $0x38;
	[tilespmem:$0x1ABA0] =	vst v63  }
0x4bc: {  	_ =	swait.ge [sflag:s26], $0x1870  }
0x4bd: {  	[sflag:s26] =	ssyncset.done $0x0  }
0x4be: {  	s28 =	rddreg [dreg:$0x19];
	[sflag:s26] =	ssyncadd.s32 $0xFFFFE790  }
0x4bf: {  	[hbm4b:s28+s13] =	stream.linear.scatter [tilespmem:s22], [sflag:$0x4], $0x1870, $0x38;
	[tilespmem:$0x1ABA0] =	vst v63  }
0x4c0: {  	_ =	swait.ge [sflag:s26], $0x1870  }
0x4c1: {  	[sflag:s26] =	ssyncset.done $0x0  }
0x4c2: {  	s21 =	rddreg [dreg:$0xb];
	[sflag:s26] =	ssyncadd.s32 $0xFFFFE790  }
0x4c3: {  	[tilespmem:s22], [sflag:$0x4] =	stream.linear.gather [spmem:s21], $0x1870, $0x38;
	[tilespmem:$0x1ABA0] =	vst v63  }
0x4c4: {  	_ =	swait.ge [sflag:s26], $0x1870  }
0x4c5: {  	[sflag:s26] =	ssyncset.done $0x0  }
0x4c6: {  	s29 =	rddreg [dreg:$0x1a];
	[sflag:s26] =	ssyncadd.s32 $0xFFFFE790  }
0x4c7: {  	[hbm4b:s29+s13] =	stream.linear.scatter [tilespmem:s22], [sflag:$0x4], $0x1870, $0x38;
	[tilespmem:$0x1ABA0] =	vst v63  }
0x4c8: {  	_ =	swait.ge [sflag:s26], $0x1870  }
0x4c9: {  	s28 =	sld [smem:$0x7FA];
	_ =	sdelay $0x2  }
0x4ca: {  	s29 =	rddreg [dreg:$0x1b];
	s14 =	sadd.s32 $0x1, s28  }
0x4cb: {  	p0 =	sne.s32 s14, s29  }
.Ltmp10:
0x4cc: {  	_ = 	snop;
	(pc) =	sbr.rel @p0 .LBB2_1-.Ltmp10, $3  }
0x4cd: {  	_ =	sdelay $0x1  }
0x4ce: {  	[sflag:s26] =	ssyncset.done $0x0  }
0x4cf: {  	[sflag:s26] =	ssyncadd.s32 $0xFFFFE790  }
0x4d0: {  	_ =	sfence.sel $0x180000  }
0x4d1: {  	[bflag:$0x0] =	sbarrier.arrive $0xFFFF  }
0x4d2: {  	_ =	strace $0x9000004A  }
0x4d3: {  	s0 =	stileid.u32;
	[bflag:$0x2] =	sbarrier.arrive $0xFFFF  }
0x4d4: {  	p0 =	sne.s32 s0, $0x0;
	s0 =	rddreg [dreg:$0x8]  }
0x4d5: {  	s0 =	sadd.s32 @!p0 $0x100000, s0  }
0x4d6: {  	[sflag:s0] =	ssyncadd.tile.s32 @!p0 $0x1;
	_ =	shalt  }
.Lfunc_end2:
_tile_overlayer_lowered:
.L_overlay_start_2:
0x4d7: {  	(tag) =	ssettag $0x2  }
0x4d8: {  	s0 =	rddreg [dreg:$0x0];
	s2 =	stileid.u32  }
0x4d9: {  	s1 =	rddreg [dreg:$0x1];
	p0 =	sne.s32 s2, $0x0  }
0x4da: {  	s3 =	rddreg [dreg:$0x2];
	[bflag:$0x3] =	sbarrier.arrive $0xFFFF;
	s2 =	simm.s32 @!p0 $0x1C04  }
0x4db: {  	[timem:s3], [sflag:s2] =	dma.local @!p0 [hbm:s0], s1  }
0x4dc: {  	s0 =	simm.s32 @!p0 $0x4  }
0x4dd: {  	_ =	swait.ge @!p0 [sflag:s0], s1  }
0x4de: {  	s1 =	ssub.s32 @!p0 $0x0, s1;
	[sflag:s0] =	ssyncset.done @!p0 $0x0  }
0x4df: {  	[sflag:s0] =	ssyncadd.s32 @!p0 s1  }
0x4e0: {  	[bflag:$0x3] =	sbarrier.arrive $0xFFFF  }
0x4e1: {  	_ =	shalt  }

// kernel: sparse-core-data-format-call.cloned.1.call-start
scs
called_computation_lowered:
.L_overlay_start_0:
0x0: {  	s2 =	sld [smem:$0x3FD9]  }
0x1: {  	s3 =	sld [smem:$0x3FFE];
	_ =	sdelay $0x1  }
0x2: {  	s1 =	srdreg.scid  }
0x3: {  	s0 =	sand.u32 $0x1, s1  }
0x4: {  	s18 =	sshll.u32 s0, $0xA;
	s2 =	sadd.s32 s3, s2  }
0x5: {  	s2 =	sadd.s32 s2, s18  }
0x6: {  	[smem:$0x3FC6] =	sst s2  }
0x7: {  	_ = 	snop  }
0x8: {  	s2 =	sld [smem:$0x3FC8];
	(tm) =	ssettm $0x1  }
0x9: {  	s19 =	sld [smem:$0x3FFB];
	_ =	sdelay $0x3  }
0xa: {  	_ =	strace s19  }
0xb: {  	s3 =	sld [smem:$0x3FFC];
	_ =	sdelay $0x3  }
0xc: {  	_ =	strace s3  }
0xd: {  	s3 =	sld [smem:$0x3FFD];
	_ =	sdelay $0x3  }
0xe: {  	_ =	strace s3  }
0xf: {  	_ =	strace $0x8FFFFFFF  }
0x10: {  	s20 =	sld [smem:$0x3FDB];
	_ =	sdelay $0x1  }
0x11: {  	s4 =	simm.s32 $_scs_section_size  }
0x12: {  	s5 =	simm.s32 $_size__tile_overlayer_lowered;
	s6 =	simm.s32 $_tile_overlayer_lowered  }
0x13: {  	s23 =	simm.s32 $0x1BFF;
	s22 =	sshll.u32 s6, $0x1;
	s3 =	sadd.s32 s4, s20  }
0x14: {  	s7 =	simm.s32 $0x0;
	s21 =	sshll.u32 s5, $0x1;
	s5 =	sadd.s32 s22, s3  }
0x15: {  	[timem:s7], [sflag:s23] =	dma.local [hbm:s5], s21  }
0x16: {  	_ =	swait.ge [sflag:s23], s21  }
0x17: {  	s4 =	ssub.s32 $0x0, s21;
	[sflag:s23] =	ssyncset.done $0x0  }
0x18: {  	[sflag:s23] =	ssyncadd.s32 s4;
	_ =	sdelay $0x1  }
0x19: {  	s24 =	simm.s32 $0x1B8B  }
0x1a: {  	_ =	swait.ge [sflag:s24], $0x1  }
0x1b: {  	[sflag:s24] =	ssyncset.done $0x0  }
0x1c: {  	s26 =	simm.s32 $0x1B8E;
	s25 =	sld [smem:$0x3FFE];
	[sflag:s24] =	ssyncadd.s32 $0xFFFFFFFF  }
0x1d: {  	s27 =	simm.s32 $execute0_lowered;
	[smem:$0x3FD2] =	sst s26  }
0x1e: {  	s5 =	sshll.u32 s27, $0x1;
	_ =	strace $0x80000046;
	[dreg:$0x1] =	wrdreg $0xFFFFFFFF  }
0x1f: {  	s28 =	simm.s32 $_size_execute0_lowered;
	s3 =	sadd.s32 s3, s5;
	[dreg:$0x0] =	wrdreg $0x0  }
0x20: {  	s5 =	sshll.u32 s28, $0x1;
	[dreg:$0x2] =	wrdreg s3  }
0x21: {  	[dreg:$0x3] =	wrdreg s5  }
0x22: {  	[dreg:$0x4] =	wrdreg $0xC0  }
0x23: {  	_ =	task [dreg:s7], $0x5FFFF  }
0x24: {  	[dreg:$0x1] =	wrdreg $0xFFFFFFFF  }
0x25: {  	[dreg:$0x0] =	wrdreg $0x60  }
0x26: {  	[dreg:$0x2] =	wrdreg s2  }
0x27: {  	[dreg:$0x3] =	wrdreg s25  }
0x28: {  	[dreg:$0x4] =	wrdreg $0x9  }
0x29: {  	_ =	task.clear_ibuf [dreg:s7], $0x5FFFF;
	_ =	strace $0x90000046  }
0x2a: {  	s29 =	simm.s32 $0x9;
	_ =	strace $0x80000048  }
0x2b: {  	_ =	swait.ge [sflag:s29], $0x1  }
0x2c: {  	[sflag:s29] =	ssyncadd.s32 $0xFFFFFFFF  }
0x2d: {  	_ =	strace $0x90000048  }
0x2e: {  	_ =	sfence  }
0x2f: {  	s30 =	sld [smem:$0x0];
	_ =	sdelay $0x2  }
0x30: {  	s31 =	sshll.u32 s1, $0xD;
	s1 =	sshrl.u32 s1, $0x2  }
0x31: {  	s3 =	sand.u32 $0x4000, s31;
	s1 =	sadd.s32 s1, s30  }
0x32: {  	s0 =	sor.u32 s3, s0;
	s1 =	sshll.u32 s1, $0x11  }
0x33: {  	s0 =	sor.u32 s1, s0  }
0x34: {  	s0 =	sadd.s32 $0x8F2B, s0  }
0x35: {  	[sflag:s0] =	ssyncadd.remote.s32 $0x1  }
0x36: {  	_ =	sfence.sel $0xFFFF  }
0x37: {  	[dreg:$0x0] =	wrdreg $0xFFFFFFFF;
	(pc) =	sbr.abs _section_cstart, $3  }
0x38: {  	[dreg:$0x1] =	wrdreg $0xFFFFFFFF  }
0x39: {  	_ =	task.clear_ibuf [dreg:s7], $0x2FFFF;
	_ =	strace $0x9FFFFFFF  }
0x3a: {  	(tm) =	ssettm $0x7FFFFFFF  }
0x3b: {  	_ =	shalt  }
tec
execute0_lowered:
.L_overlay_start_1:
0x0: {  	(tag) =	ssettag $0x1  }
0x1: {  	s0 =	stileid.u32  }
0x2: {  	s1 =	srdreg.scid;
	s7 =	rddreg [dreg:$0x0]  }
0x3: {  	s4 =	rddreg [dreg:$0x1];
	s31 =	simm.s32 $0x2;
	s10 =	simm.s32 $0x0  }
0x4: {  	s14 =	simm.s32 $0x0;
	s15 =	simm.s32 $0x0;
	s11 =	simm.s32 $0x0  }
0x5: {  	s13 =	simm.s32 $0x0;
	s2 =	sand.u32 $0x1, s1;
	s3 =	sshll.u32 s0, $0x7  }
0x6: {  	s1 =	rddreg [dreg:$0x2];
	s30 =	ssub.s32 $0xC300, s3;
	s5 =	ssub.s32 $0x2, s2  }
.Ltmp0:
0x7: {  	s6 =	sshrl.u32 s30, $0xB;
	s8 =	sshrl.u32 s5, $0x1;
	(pc) =	sbr.rel .LBB1_1-.Ltmp0, $4  }
0x8: {  	_ =	strace $0x80000047;
	s6 =	sadd.s32 $0x1, s6;
	s8 =	ssub.s32 s5, s8  }
0x9: {  	s9 =	sshll.u32 s2, $0x4;
	s5 =	simm.s32 $0x1;
	s6 =	smul.u32 s6, s8  }
0xa: {  	s12 =	smov.u32 s3;
	s7 =	sadd.s32 s7, s9;
	[sflag:s5] =	ssyncpa.u1 $0x0  }
0xb: {  	s9 =	simm.s32 $0x0;
	[sflag:s31] =	ssyncpa.u1 $0x0;
	s8 =	sadd.s32 $0x1, s6  }
.LBB1_4:
0xc: {  	s21 =	simm.s32 $0x0  }
.LBB1_8:
0xd: {  	_ =	sdelay $0x3  }
0xe: {  	v6 =	vld [tilespmem:s18+$0xFFFFFFC0];
	[tilespmem:v0+s20+$0x30 ss:$0x1] =	vst.idx.msk @p0 $0xffff, v2  }
0xf: {  	v58 =	vld [tilespmem:s18+$0xFFFFFFD0];
	[tilespmem:v0+s20+$0x40 ss:$0x1] =	vst.idx.msk @p0 $0xffff, v3;
	s21 =	sadd.s32 @p0 $0x80, s21  }
0x10: {  	v59 =	vld [tilespmem:s18+$0xFFFFFFE0];
	[tilespmem:v0+s20+$0x50 ss:$0x1] =	vst.idx.msk @p0 $0xffff, v5;
	s19 =	smov.u32 @p0 s21  }
0x11: {  	v60 =	vld [tilespmem:s18+$0xFFFFFFF0];
	[tilespmem:v0+s20+$0x60 ss:$0x1] =	vst.idx.msk @p0 $0xffff, v4;
	s19 =	sand.u32 $0x3F80, s19  }
0x12: {  	v61 =	vld [tilespmem:s18+$0x0];
	[tilespmem:v0+s19+$0x70 ss:$0x1] =	vst.idx.msk $0xffff, v1  }
0x13: {  	v62 =	vld [tilespmem:s18+$0x10];
	[tilespmem:v0+s19+$0x0 ss:$0x1] =	vst.idx.msk $0xffff, v6  }
0x14: {  	v63 =	vld [tilespmem:s18+$0x20];
	[tilespmem:v0+s19+$0x10 ss:$0x1] =	vst.idx.msk $0xffff, v58  }
0x15: {  	[tilespmem:v0+s19+$0x20 ss:$0x1] =	vst.idx.msk $0xffff, v59  }
0x16: {  	[tilespmem:v0+s19+$0x30 ss:$0x1] =	vst.idx.msk $0xffff, v60  }
0x17: {  	[tilespmem:v0+s19+$0x40 ss:$0x1] =	vst.idx.msk $0xffff, v61  }
0x18: {  	[tilespmem:v0+s19+$0x50 ss:$0x1] =	vst.idx.msk $0xffff, v62  }
0x19: {  	[tilespmem:v0+s19+$0x60 ss:$0x1] =	vst.idx.msk $0xffff, v63  }
.LBB1_9:
0x1a: {  	s18 =	sand.u32 $0x1FFFFFF, s11  }
0x1b: {  	s19 =	smulhi.u32 $0x14F8B59, s18;
	_ =	sdelay $0x1  }
0x1c: {  	s19 =	sshrl.u32 s19, $0x8  }
0x1d: {  	s19 =	smul.u32 $0xC350, s19  }
0x1e: {  	s15 =	smul.u32 $0xC3500, s15  }
0x1f: {  	s18 =	ssub.s32 s18, s19  }
0x20: {  	s15 =	sadd.s32 s4, s15;
	s18 =	sshll.u32 s18, $0x4  }
0x21: {  	s15 =	sadd.s32 s18, s15  }
0x22: {  	[hbm4b:s15+s9] =	stream.linear.scatter [tilespmem:s17], [sflag:$0x2], s16, $0x38;
	[tilespmem:$0x10000] =	vst v63  }
.LBB1_10:
0x23: {  	p0 =	slt.u32 s13, $0x2  }
0x24: {  	p1 =	sgt.s32 @!p0 s14, $0xC2D0  }
0x25: {  	s15 =	smov.u32 s14;
	s16 =	sshra.s32 @!p0 s14, $0x1F;
	p1 =	por !p1, p0  }
0x26: {  	s14 =	sand.u32 @!p0 s16, s14;
	s15 =	simm.s32 @p1 $0xC2D0  }
0x27: {  	s14 =	ssub.s32 @!p0 s15, s14  }
0x28: {  	s14 =	sadd.s32 @!p0 $0xFFFF3D30, s14  }
0x29: {  	s15 =	sshll.u32 @!p0 s14, $0x7  }
0x2a: {  	p1 =	sgt.s32 @!p0 s14, $0x7F;
	s14 =	ssub.s32 @!p0 $0x4000, s15  }
0x2b: {  	s16 =	sadd.s32 $0x800, s12;
	p1 =	por !p1, p0;
	s14 =	sand.u32 @!p0 $0x3FFFFF80, s14  }
0x2c: {  	s14 =	simm.s32 @!p1 $0x0;
	p1 =	sgt.s32 s16, $0xC34F  }
0x2d: {  	s16 =	smov.u32 @p1 s3;
	p1 =	sne.s32 s13, s8  }
.Ltmp1:
0x2e: {  	_ = 	snop;
	(pc) =	sbr.rel @!p1 .LBB1_11-.Ltmp1, $4  }
0x2f: {  	s10 =	sadd.s32 $0x4000, s10;
	s15 =	simm.s32 @!p0 $0x2  }
0x30: {  	_ =	swait.ge @!p0 [sflag:s15], s14;
	s17 =	ssub.s32 @!p0 $0x0, s14;
	s14 =	smov.u32 s11  }
0x31: {  	s13 =	sadd.s32 $0x1, s13;
	s11 =	smov.u32 s12;
	[sflag:s15] =	ssyncset.done @!p0 $0x0  }
0x32: {  	s12 =	smov.u32 s16;
	[sflag:s15] =	ssyncadd.s32 @!p0 s17;
	s15 =	smov.u32 s2  }
.LBB1_1:
0x33: {  	p0 =	sge.u32 s13, s6  }
0x34: {  	p1 =	sgt.s32 @!p0 s12, $0xC2D0  }
0x35: {  	s16 =	smov.u32 s12;
	s17 =	sshra.s32 @!p0 s12, $0x1F;
	p1 =	por !p1, p0  }
0x36: {  	s17 =	sand.u32 @!p0 s17, s12;
	s16 =	simm.s32 @p1 $0xC2D0  }
0x37: {  	s16 =	ssub.s32 @!p0 s16, s17  }
0x38: {  	s31 =	sadd.s32 $0xFFFFFFFF, s13;
	s18 =	sxor.u32 @!p0 $0xFFFFFFFF, s13;
	s16 =	sadd.s32 @!p0 $0xFFFF3D30, s16  }
0x39: {  	s19 =	simm.s32 @!p0 $0x80;
	s20 =	simm.s32 @!p0 $0x100;
	s17 =	sshll.u32 @!p0 s16, $0x7  }
0x3a: {  	p1 =	sgt.s32 @!p0 s16, $0x7F;
	s16 =	ssub.s32 @!p0 $0x4000, s17;
	s17 =	sshll.u32 @!p0 s18, $0xE  }
0x3b: {  	p1 =	por !p1, p0;
	s18 =	sshll.u32 @!p0 s12, $0x5;
	s16 =	sand.u32 @!p0 $0x3FFFFF80, s16  }
0x3c: {  	s17 =	sand.u32 @!p0 $0x4000, s17;
	s18 =	sadd.s32 @!p0 s18, s7;
	s16 =	simm.s32 @!p1 $0x0  }
0x3d: {  	[tilespmem:s17], [sflag:$0x1] =	stream.strided.gather @!p0 [hbm4b:s18+s19], s16, s20, s19, $0x38;
	[tilespmem:$0x10000] =	vst v63  }
0x3e: {  	p0 =	sge.u32 s31, s6  }
.Ltmp2:
0x3f: {  	_ = 	snop;
	(pc) =	sbr.rel @p0 .LBB1_10-.Ltmp2, $1  }
0x40: {  	_ =	sdelay $0x3  }
0x41: {  	p0 =	sgt.s32 s11, $0xC2D0;
	s16 =	smov.u32 s11;
	s17 =	sshra.s32 s11, $0x1F  }
0x42: {  	s16 =	simm.s32 @!p0 $0xC2D0;
	s17 =	sand.u32 s17, s11  }
0x43: {  	s16 =	ssub.s32 s16, s17  }
0x44: {  	s16 =	sadd.s32 $0xFFFF3D30, s16  }
0x45: {  	s30 =	sshll.u32 s16, $0x7  }
0x46: {  	s17 =	ssub.s32 $0x4000, s30  }
0x47: {  	p0 =	sgt.s32 s16, $0x7F;
	s16 =	sand.u32 $0x3FFFFF80, s17;
	s17 =	sadd.s32 $0x80, s11  }
0x48: {  	s16 =	simm.s32 @p0 $0x0;
	p0 =	slt.s32 s17, $0xC350  }
0x49: {  	s17 =	simm.s32 @!p0 $0xC350  }
0x4a: {  	s20 =	ssub.s32 s17, s11  }
0x4b: {  	p0 =	slt.s32 s20, $0x1  }
.Ltmp3:
0x4c: {  	_ = 	snop;
	(pc) =	sbr.rel @p0 .LBB1_9-.Ltmp3, $4  }
0x4d: {  	_ = 	snop  }
0x4e: {  	s19 =	sshll.u32 s13, $0xE;
	_ =	swait.ge [sflag:s5], s16  }
0x4f: {  	s31 =	sand.u32 $0x4000, s19;
	s18 =	ssub.s32 $0x0, s16;
	[sflag:s5] =	ssyncset.done $0x0  }
0x50: {  	s17 =	sor.u32 $0x8000, s31;
	[sflag:s5] =	ssyncadd.s32 s18  }
0x51: {  	p1 =	sne.s32 s20, $0x1  }
.Ltmp4:
0x52: {  	v0 =	vmov s17;
	(pc) =	sbr.rel @!p1 .LBB1_4-.Ltmp4, $4  }
0x53: {  	_ = 	snop  }
0x54: {  	s18 =	sand.u32 $0x4000, s10  }
0x55: {  	s18 =	sor.u32 $0x40, s18  }
0x56: {  	s19 =	simm.s32 $0x0;
	s21 =	sadd.s32 $0xFFFFFFFF, s20;
	p0 =	por $0x0, $0x0;
	v1 =	vld [tilespmem:s18+$0x30]  }
0x57: {  	v4 =	vld [tilespmem:s18+$0xFFFFFFC0]  }
0x58: {  	v6 =	vld [tilespmem:s18+$0xFFFFFFD0]  }
0x59: {  	v7 =	vld [tilespmem:s18+$0xFFFFFFE0];
	p1 =	sne.s32 s21, $0x1  }
.Ltmp5:
0x5a: {  	v2 =	vld [tilespmem:s18+$0xFFFFFFF0];
	s20 =	sand.u32 $0x3F80, s19;
	(pc) =	sbr.rel @!p1 .LBB1_6-.Ltmp5, $4  }
0x5b: {  	v3 =	vld [tilespmem:s18+$0x0];
	[tilespmem:v0+s20+$0x70 ss:$0x1] =	vst.idx.msk $0xffff, v1  }
0x5c: {  	v5 =	vld [tilespmem:s18+$0x10];
	[tilespmem:v0+s20+$0x0 ss:$0x1] =	vst.idx.msk $0xffff, v4  }
0x5d: {  	v4 =	vld [tilespmem:s18+$0x20];
	[tilespmem:v0+s20+$0x10 ss:$0x1] =	vst.idx.msk $0xffff, v6;
	s18 =	sadd.s32 $0x80, s18  }
0x5e: {  	s22 =	sadd.s32 $0xFFFFFFFF, s21;
	p0 =	por $0x1, $0x1;
	s21 =	simm.s32 $0x0;
	[tilespmem:v0+s20+$0x20 ss:$0x1] =	vst.idx.msk $0xffff, v7;
	v1 =	vld [tilespmem:s18+$0x30]  }
.LBB1_7:
0x5f: {  	p1 =	sne.s32 s22, $0x1;
	v6 =	vld [tilespmem:s18+$0xFFFFFFC0];
	[tilespmem:v0+s20+$0x30 ss:$0x1] =	vst.idx.msk $0xffff, v2  }
0x60: {  	v7 =	vld [tilespmem:s18+$0xFFFFFFD0];
	[tilespmem:v0+s20+$0x40 ss:$0x1] =	vst.idx.msk $0xffff, v3  }
0x61: {  	s21 =	sadd.s32 $0x80, s21;
	v8 =	vld [tilespmem:s18+$0xFFFFFFE0];
	[tilespmem:v0+s20+$0x50 ss:$0x1] =	vst.idx.msk $0xffff, v5  }
.Ltmp6:
0x62: {  	v2 =	vld [tilespmem:s18+$0xFFFFFFF0];
	[tilespmem:v0+s20+$0x60 ss:$0x1] =	vst.idx.msk $0xffff, v4;
	s20 =	sand.u32 $0x3F80, s21;
	(pc) =	sbr.rel @p1 .LBB1_7-.Ltmp6, $4  }
0x63: {  	v3 =	vld [tilespmem:s18+$0x0];
	[tilespmem:v0+s20+$0x70 ss:$0x1] =	vst.idx.msk $0xffff, v1  }
0x64: {  	[tilespmem:v0+s20+$0x0 ss:$0x1] =	vst.idx.msk $0xffff, v6;
	v5 =	vld [tilespmem:s18+$0x10]  }
0x65: {  	[tilespmem:v0+s20+$0x10 ss:$0x1] =	vst.idx.msk $0xffff, v7;
	v4 =	vld [tilespmem:s18+$0x20];
	s18 =	sadd.s32 $0x80, s18  }
0x66: {  	s22 =	sadd.s32 $0xFFFFFFFF, s22;
	v1 =	vld [tilespmem:s18+$0x30];
	[tilespmem:v0+s20+$0x20 ss:$0x1] =	vst.idx.msk $0xffff, v8  }
.Ltmp7:
0x67: {  	_ = 	snop;
	(pc) =	sbr.rel .LBB1_8-.Ltmp7, $1  }
0x68: {  	_ =	sdelay $0x3  }
.LBB1_6:
.Ltmp8:
0x69: {  	(pc) =	sbr.rel .LBB1_8-.Ltmp8, $2  }
0x6a: {  	_ =	sdelay $0x2  }
0x6b: {  	s21 =	simm.s32 $0x0  }
.LBB1_11:
0x6c: {  	_ =	sfence.sel $0x180000  }
0x6d: {  	s2 =	simm.s32 $0x1;
	[bflag:$0x0] =	sbarrier.arrive $0xFFFF  }
0x6e: {  	s31 =	simm.s32 $0x2;
	[sflag:s2] =	ssyncpa.u1 $0x1  }
0x6f: {  	[sflag:s31] =	ssyncpa.u1 $0x1  }
0x70: {  	p0 =	sne.s32 s0, $0x0;
	_ =	strace $0x90000047  }
0x71: {  	s0 =	sadd.s32 @!p0 $0x100000, s1;
	[bflag:$0x2] =	sbarrier.arrive $0xFFFF  }
0x72: {  	[sflag:s0] =	ssyncadd.tile.s32 @!p0 $0x1;
	_ =	shalt  }
.Lfunc_end1:
_tile_overlayer_lowered:
.L_overlay_start_2:
0x73: {  	(tag) =	ssettag $0x2  }
0x74: {  	s0 =	rddreg [dreg:$0x0];
	s2 =	stileid.u32  }
0x75: {  	s1 =	rddreg [dreg:$0x1];
	p0 =	sne.s32 s2, $0x0  }
0x76: {  	s3 =	rddreg [dreg:$0x2];
	[bflag:$0x3] =	sbarrier.arrive $0xFFFF;
	s2 =	simm.s32 @!p0 $0x1C01  }
0x77: {  	[timem:s3], [sflag:s2] =	dma.local @!p0 [hbm:s0], s1  }
0x78: {  	s0 =	simm.s32 @!p0 $0x1  }
0x79: {  	_ =	swait.ge @!p0 [sflag:s0], s1  }
0x7a: {  	s1 =	ssub.s32 @!p0 $0x0, s1;
	[sflag:s0] =	ssyncset.done @!p0 $0x0  }
0x7b: {  	[sflag:s0] =	ssyncadd.s32 @!p0 s1  }
0x7c: {  	[bflag:$0x3] =	sbarrier.arrive $0xFFFF  }
0x7d: {  	_ =	shalt  }

</sc_bundles>
